<compile_context>
chip_gen: v7x
topology: tpu7x:2x2x1
jax: 0.10.2.dev20260603
libtpu: 0.0.44.dev20260713+nightly
codegen_flags: <defaults>
</compile_context>

<pallas_src>
import functools

import jax
import jax.numpy as jnp
from jax import lax
from jax.experimental import pallas as pl
from jax.experimental.pallas import tpu as pltpu
from jax.experimental.pallas import tpu_sc as plsc

_E = 9
_EP = 16
_K = 2
_D = 1024
_DFF = 2048
_NTOK = 4096
_NPAIR = _NTOK * _K
_TM = 512
_NT = 25
_MPAD = _TM * _NT
_NW = 32
_RCHUNK = 512


def _router_body(x_ref, w_ref, e1_ref, e2_ref, w1_ref, w2_ref, r1_ref, r2_ref,
                 cts_ref, loss_ref, nu_ref, te_ref):
    step = pl.program_id(0)
    x = x_ref[...]
    logits = lax.dot_general(x, w_ref[...], (((1,), (1,)), ((), ())),
                             preferred_element_type=jnp.float32)
    col = lax.broadcasted_iota(jnp.int32, logits.shape, 1)
    valid = col < _E
    logits = jnp.where(valid, logits, jnp.float32(-1e30))
    m = jnp.max(logits, axis=1, keepdims=True)
    ex = jnp.where(valid, jnp.exp(logits - m), 0.0)
    probs = ex / jnp.sum(ex, axis=1, keepdims=True)
    p1 = jnp.max(probs, axis=1, keepdims=True)
    e1 = jnp.min(jnp.where(probs == p1, col, _EP), axis=1, keepdims=True)
    probs2 = jnp.where(col == e1, jnp.float32(-1.0), probs)
    p2 = jnp.max(probs2, axis=1, keepdims=True)
    e2 = jnp.min(jnp.where(probs2 == p2, col, _EP), axis=1, keepdims=True)
    d = jnp.exp(p2 - p1)
    w1_ref[...] = 1.0 / (1.0 + d)
    w2_ref[...] = d / (1.0 + d)
    e1_ref[...] = e1
    e2_ref[...] = e2

    oh = (col == e1).astype(jnp.float32) + (col == e2).astype(jnp.float32)
    rr = lax.broadcasted_iota(jnp.int32, (_RCHUNK, _RCHUNK), 0)
    cc = lax.broadcasted_iota(jnp.int32, (_RCHUNK, _RCHUNK), 1)
    tri = (cc < rr).astype(jnp.float32)
    pref = lax.dot_general(tri, oh, (((1,), (0,)), ((), ())),
                           preferred_element_type=jnp.float32)
    base = jnp.where(step == 0, jnp.zeros_like(cts_ref[...]), cts_ref[...])
    run = base + pref
    rank1 = jnp.sum(jnp.where(col == e1, run, 0.0), axis=1, keepdims=True)
    rank2 = jnp.sum(jnp.where(col == e2, run, 0.0), axis=1, keepdims=True)
    r1_ref[...] = rank1.astype(jnp.int32)
    r2_ref[...] = rank2.astype(jnp.int32)
    cts = base + jnp.sum(oh, axis=0, keepdims=True)
    cts_ref[...] = cts

    @pl.when(step == pl.num_programs(0) - 1)
    def _():
        target = jnp.float32(_NTOK * _K / _E)
        ccol = lax.broadcasted_iota(jnp.int32, cts.shape, 1)
        sq = jnp.where(ccol < _E, (cts - target) ** 2, 0.0)
        loss_ref[...] = jnp.sum(sq, axis=1, keepdims=True) / (_E * target * target)
        tiles = jnp.floor((cts + (_TM - 1)) * (1.0 / _TM))
        icol = lax.broadcasted_iota(jnp.int32, (_EP, _EP), 0)
        jcol = lax.broadcasted_iota(jnp.int32, (_EP, _EP), 1)
        inc_tri = (icol <= jcol).astype(jnp.float32)
        cum = lax.dot_general(tiles, inc_tri, (((1,), (0,)), ((), ())),
                              preferred_element_type=jnp.float32)
        nu_ref[...] = jnp.sum(jnp.where(ccol == _E - 1, cum, 0.0), axis=1,
                              keepdims=True).astype(jnp.int32)
        ti = lax.broadcasted_iota(jnp.int32, (1, 64), 1).astype(jnp.float32)
        acc = jnp.zeros((1, 64), jnp.int32)
        for e in range(_E):
            cum_e = jnp.sum(jnp.where(ccol == e, cum, 0.0), axis=1, keepdims=True)
            acc = acc + (cum_e <= ti).astype(jnp.int32)
        te_ref[...] = jnp.minimum(acc, _E - 1)


def _router_call(x2d, rwp):
    nsteps = _NTOK // _RCHUNK
    colspec = pl.BlockSpec((_RCHUNK, 1), lambda i: (i, 0))
    return pl.pallas_call(
        _router_body,
        grid=(nsteps,),
        in_specs=[
            pl.BlockSpec((_RCHUNK, _D), lambda i: (i, 0)),
            pl.BlockSpec((_EP, _D), lambda i: (0, 0)),
        ],
        out_specs=[
            colspec, colspec, colspec, colspec, colspec, colspec,
            pl.BlockSpec((1, _EP), lambda i: (0, 0)),
            pl.BlockSpec((1, 1), lambda i: (0, 0)),
            pl.BlockSpec((1, 1), lambda i: (0, 0)),
            pl.BlockSpec((1, 64), lambda i: (0, 0)),
        ],
        out_shape=[
            jax.ShapeDtypeStruct((_NTOK, 1), jnp.int32),
            jax.ShapeDtypeStruct((_NTOK, 1), jnp.int32),
            jax.ShapeDtypeStruct((_NTOK, 1), jnp.float32),
            jax.ShapeDtypeStruct((_NTOK, 1), jnp.float32),
            jax.ShapeDtypeStruct((_NTOK, 1), jnp.int32),
            jax.ShapeDtypeStruct((_NTOK, 1), jnp.int32),
            jax.ShapeDtypeStruct((1, _EP), jnp.float32),
            jax.ShapeDtypeStruct((1, 1), jnp.float32),
            jax.ShapeDtypeStruct((1, 1), jnp.int32),
            jax.ShapeDtypeStruct((1, 64), jnp.int32),
        ],
    )(x2d, rwp)


def _mlp_body(te_ref, nu_ref, xs_ref, gw_ref, uw_ref, dw_ref, out_ref):
    m = pl.program_id(0)

    @pl.when(m < nu_ref[0, 0])
    def _():
        xs = xs_ref[...]
        g = lax.dot_general(xs, gw_ref[0], (((1,), (1,)), ((), ())),
                            preferred_element_type=jnp.float32)
        u = lax.dot_general(xs, uw_ref[0], (((1,), (1,)), ((), ())),
                            preferred_element_type=jnp.float32)
        h = (g / (1.0 + jnp.exp(-g))) * u
        o = lax.dot_general(h, dw_ref[0], (((1,), (1,)), ((), ())),
                            preferred_element_type=jnp.float32)
        out_ref[...] = o


def _mlp_call(tile_e, nu, xs, gate_W, up_W, down_W):
    grid_spec = pltpu.PrefetchScalarGridSpec(
        num_scalar_prefetch=2,
        grid=(_NT,),
        in_specs=[
            pl.BlockSpec((_TM, _D), lambda m, te, nu: (m, 0)),
            pl.BlockSpec((1, _DFF, _D), lambda m, te, nu: (te[0, m], 0, 0)),
            pl.BlockSpec((1, _DFF, _D), lambda m, te, nu: (te[0, m], 0, 0)),
            pl.BlockSpec((1, _D, _DFF), lambda m, te, nu: (te[0, m], 0, 0)),
        ],
        out_specs=pl.BlockSpec((_TM, _D), lambda m, te, nu: (m, 0)),
    )
    return pl.pallas_call(
        _mlp_body,
        grid_spec=grid_spec,
        out_shape=jax.ShapeDtypeStruct((_MPAD, _D), jnp.float32),
        compiler_params=pltpu.CompilerParams(vmem_limit_bytes=110 * 1024 * 1024),
    )(tile_e, nu, xs, gate_W, up_W, down_W)


def _sc_scatter_call(x2d, e3d, r3d, cnt16):
    tpw = _NTOK // _NW
    ch = 32
    nch = tpw // ch
    mesh = plsc.VectorSubcoreMesh(core_axis_name="c", subcore_axis_name="s")

    @functools.partial(
        pl.kernel,
        out_type=[
            jax.ShapeDtypeStruct((_MPAD, _D), jnp.float32),
            jax.ShapeDtypeStruct((_K * _NW, nch, ch), jnp.int32),
        ],
        mesh=mesh,
        compiler_params=pltpu.CompilerParams(needs_layout_passes=False),
        scratch_types=[
            pltpu.VMEM((_K, tpw), jnp.int32),
            pltpu.VMEM((_K, tpw), jnp.int32),
            pltpu.VMEM((16,), jnp.int32),
            pltpu.VMEM((nch, ch), jnp.int32),
            pltpu.VMEM((nch, ch), jnp.int32),
            pltpu.VMEM((2, ch, _D), jnp.float32),
            pltpu.SemaphoreType.DMA,
            pltpu.SemaphoreType.DMA,
        ],
    )
    def k(x_hbm, e_hbm, r_hbm, c_hbm, out_hbm, pos_hbm, e_v, r_v, off_v,
          p1_v, p2_v, buf_v, sem0, sem1):
        wid = lax.axis_index("s") * 2 + lax.axis_index("c")
        tbase = wid * tpw
        pltpu.sync_copy(e_hbm.at[wid], e_v)
        pltpu.sync_copy(r_hbm.at[wid], r_v)
        pltpu.sync_copy(c_hbm, off_v)
        cnt = off_v[...]
        tiles = jnp.right_shift(cnt + (_TM - 1), _TM.bit_length() - 1)
        off_v[...] = (plsc.cumsum(tiles) - tiles) * _TM
        nvch = ch // 16
        for j in range(tpw // 16):
            for kk, p_v in ((0, p1_v), (1, p2_v)):
                ev = e_v[kk, pl.ds(j * 16, 16)]
                rv = r_v[kk, pl.ds(j * 16, 16)]
                pv = plsc.load_gather(off_v, [ev]) + rv
                p_v[j // nvch, pl.ds((j % nvch) * 16, 16)] = pv
        pltpu.sync_copy(p1_v, pos_hbm.at[wid])
        pltpu.sync_copy(p2_v, pos_hbm.at[_NW + wid])
        sems = (sem0, sem1)
        pltpu.sync_copy(x_hbm.at[pl.ds(tbase, ch)], buf_v.at[0])
        cps = [None, None]
        for c in range(nch):
            s = c % 2
            cpa = pltpu.async_copy(buf_v.at[s], out_hbm.at[p1_v.at[c]], sems[s])
            cpb = pltpu.async_copy(buf_v.at[s], out_hbm.at[p2_v.at[c]], sems[s])
            cps[s] = (cpa, cpb)
            if c + 1 < nch:
                if cps[1 - s] is not None:
                    cps[1 - s][0].wait()
                    cps[1 - s][1].wait()
                pltpu.sync_copy(x_hbm.at[pl.ds(tbase + (c + 1) * ch, ch)],
                                buf_v.at[1 - s])
        cps[(nch - 1) % 2][0].wait()
        cps[(nch - 1) % 2][1].wait()

    return k(x2d, e3d, r3d, cnt16)


def _sc_combine_call(outs, pos3, wcat):
    tpw = _NTOK // _NW
    ch = 16
    nch = tpw // ch
    nvr = _D // 16
    mesh = plsc.VectorSubcoreMesh(core_axis_name="c", subcore_axis_name="s")

    @functools.partial(
        pl.kernel,
        out_type=jax.ShapeDtypeStruct((_NTOK, _D), jnp.float32),
        mesh=mesh,
        compiler_params=pltpu.CompilerParams(needs_layout_passes=False),
        scratch_types=[
            pltpu.VMEM((nch // 2, 2 * ch), jnp.int32),
            pltpu.VMEM((nch // 2, 2 * ch), jnp.int32),
            pltpu.VMEM((_K, tpw), jnp.float32),
            pltpu.VMEM((2, ch, _D), jnp.float32),
            pltpu.VMEM((2, ch, _D), jnp.float32),
            pltpu.VMEM((2, ch, _D), jnp.float32),
            [pltpu.SemaphoreType.DMA] * 2,
            [pltpu.SemaphoreType.DMA] * 2,
            [pltpu.SemaphoreType.DMA] * 2,
        ],
    )
    def k(src_hbm, pos_hbm, w_hbm, out_hbm, p1_v, p2_v, w_v, bufa_v, bufb_v,
          bufo_v, asems, bsems, wsems):
        wid = lax.axis_index("s") * 2 + lax.axis_index("c")
        base = wid * tpw
        pltpu.sync_copy(pos_hbm.at[wid], p1_v)
        pltpu.sync_copy(pos_hbm.at[_NW + wid], p2_v)
        pltpu.sync_copy(w_hbm.at[wid], w_v)

        def chunk_idx(p_v, c):
            return p_v[c // 2, pl.ds((c % 2) * ch, ch)]

        def start_gathers(c, s):
            ga = pltpu.async_copy(src_hbm.at[chunk_idx(p1_v, c)],
                                  bufa_v.at[s], asems[s])
            gb = pltpu.async_copy(src_hbm.at[chunk_idx(p2_v, c)],
                                  bufb_v.at[s], bsems[s])
            return ga, gb

        gcps = [start_gathers(0, 0), start_gathers(1, 1)]
        wcps = [None, None]
        for c in range(nch):
            s = c % 2
            gcps[s][0].wait()
            gcps[s][1].wait()
            if wcps[s] is not None:
                wcps[s].wait()

            def row_body(r, carry, c=c, s=s):
                lane0 = jnp.zeros((16,), jnp.int32)
                ridx = lane0 + (c * ch + r)
                wa = plsc.load_gather(w_v, [lane0, ridx])
                wb = plsc.load_gather(w_v, [lane0 + 1, ridx])

                def vec_body(j, carry2):
                    a = bufa_v[s, r, pl.ds(j * 16, 16)]
                    b = bufb_v[s, r, pl.ds(j * 16, 16)]
                    bufo_v[s, r, pl.ds(j * 16, 16)] = wa * a + wb * b
                    return carry2

                lax.fori_loop(0, nvr, vec_body, 0, unroll=4)
                return carry

            lax.fori_loop(0, ch, row_body, 0)
            wcps[s] = pltpu.async_copy(
                bufo_v.at[s], out_hbm.at[pl.ds(base + c * ch, ch)], wsems[s])
            if c + 2 < nch:
                gcps[s] = start_gathers(c + 2, s)
        wcps[0].wait()
        wcps[1].wait()

    return k(outs, pos3, wcat)


def kernel(x, router_W, gate_W, up_W, down_W):
    x2d = x.reshape(_NTOK, _D)
    rwp = jnp.zeros((_EP, _D), jnp.float32).at[:_E].set(router_W)

    e1, e2, w1, w2, r1, r2, cts, loss, nu, tile_e = _router_call(x2d, rwp)

    cnt16 = cts[0].astype(jnp.int32)
    tpw = _NTOK // _NW
    e3d = jnp.concatenate(
        [e1.reshape(_NW, 1, tpw), e2.reshape(_NW, 1, tpw)], axis=1)
    r3d = jnp.concatenate(
        [r1.reshape(_NW, 1, tpw), r2.reshape(_NW, 1, tpw)], axis=1)

    wcat = jnp.concatenate(
        [w1.reshape(_NW, 1, tpw), w2.reshape(_NW, 1, tpw)], axis=1)

    xs, pos3 = _sc_scatter_call(x2d, e3d, r3d, cnt16)
    outs = _mlp_call(tile_e, nu, xs, gate_W, up_W, down_W)
    final = _sc_combine_call(outs, pos3, wcat)
    return final.reshape(x.shape), loss[0, 0]

# --- scband reference (transcript-rebuilt; emitter-appended) ---
"""Pipeline reference for scband-mo-elayer-730144440684 (READ-ONLY COPY).

The authoritative reference and input builder live on the scoring server;
editing this copy changes nothing except your own understanding.
"""

import jax, jax.numpy as jnp
import numpy as np

NUM_EXPERTS = 8
NUM_SHARED = 1
TOP_K = 2
D = 1024
D_FF = 2048
CAP_FACTOR = 1.25
TOTAL = NUM_EXPERTS + NUM_SHARED
B, S = 2, 2048


def setup_inputs(seed: int = 0) -> dict:
    key = jax.random.key(seed)
    k0, k1, k2, k3, k4 = jax.random.split(key, 5)
    scale = 0.02
    x = jax.random.normal(k0, (B, S, D), dtype=jnp.float32)
    router_W = jax.random.normal(k1, (TOTAL, D), dtype=jnp.float32) * scale
    gate_W = jax.random.normal(k2, (TOTAL, D_FF, D), dtype=jnp.float32) * scale
    up_W = jax.random.normal(k3, (TOTAL, D_FF, D), dtype=jnp.float32) * scale
    down_W = jax.random.normal(k4, (TOTAL, D, D_FF), dtype=jnp.float32) * scale
    return {"x": x, "router_W": router_W, "gate_W": gate_W, "up_W": up_W, "down_W": down_W}


def _llama_mlp(x, gW, uW, dW):
    g = x @ gW.T
    u = x @ uW.T
    h = jax.nn.silu(g) * u
    return h @ dW.T


def reference(x, router_W, gate_W, up_W, down_W):
    batch_size, seq_len, hidden = x.shape
    router_logits = x @ router_W.T  # [B, S, TOTAL]
    router_probs = jax.nn.softmax(router_logits, axis=-1)
    top_k_probs, top_k_indices = jax.lax.top_k(router_probs, TOP_K)
    top_k_probs = jax.nn.softmax(top_k_probs, axis=-1)
    tokens_per_expert = batch_size * seq_len * TOP_K // TOTAL
    capacity = int(CAP_FACTOR * tokens_per_expert)  # computed but unused, as in original
    final_output = jnp.zeros_like(x)
    expert_counts = jnp.zeros((TOTAL,), dtype=jnp.float32)
    # precompute each expert applied to all tokens (same math as masked gather)
    expert_outs = [_llama_mlp(x, gate_W[e], up_W[e], down_W[e]) for e in range(TOTAL)]
    for k in range(TOP_K):
        expert_indices = top_k_indices[..., k]  # [B, S]
        expert_probs = top_k_probs[..., k][..., None]  # [B, S, 1]
        for e in range(TOTAL):
            mask = (expert_indices == e)
            expert_counts = expert_counts.at[e].add(jnp.sum(mask.astype(jnp.float32)))
            final_output = final_output + jnp.where(mask[..., None], expert_outs[e] * expert_probs, 0.0)
    target_count = batch_size * seq_len * TOP_K / TOTAL
    load_balancing_loss = jnp.sum((expert_counts - target_count) ** 2) / (TOTAL * target_count ** 2)
    return (final_output, load_balancing_loss)

if __name__ == "__main__":
    import jax
    _d = setup_inputs()
    print(jax.jit(kernel)(*tuple(_d.values())))

</pallas_src>

<mosaic_0001>
#map = affine_map<(d0, d1) -> (0, 0)>
#map1 = affine_map<(d0, d1) -> (0, 0, 0)>
module attributes {stable_mosaic.version = 14 : i64} {
  func.func @k(%arg0: i32, %arg1: i32, %arg2: memref<12800x1024xf32, #tpu.memory_space<hbm>>, %arg3: memref<64x4x32xi32, #tpu.memory_space<hbm>>, %arg4: memref<32x2x128xf32, #tpu.memory_space<hbm>>, %arg5: memref<4096x1024xf32, #tpu.memory_space<hbm>>, %arg6: memref<4x32xi32, #tpu.memory_space<vmem>>, %arg7: memref<4x32xi32, #tpu.memory_space<vmem>>, %arg8: memref<2x128xf32, #tpu.memory_space<vmem>>, %arg9: memref<2x16x1024xf32, #tpu.memory_space<vmem>>, %arg10: memref<2x16x1024xf32, #tpu.memory_space<vmem>>, %arg11: memref<2x16x1024xf32, #tpu.memory_space<vmem>>, %arg12: memref<!tpu.dma_semaphore, #tpu.memory_space<semaphore_mem>>, %arg13: memref<!tpu.dma_semaphore, #tpu.memory_space<semaphore_mem>>, %arg14: memref<!tpu.dma_semaphore, #tpu.memory_space<semaphore_mem>>, %arg15: memref<!tpu.dma_semaphore, #tpu.memory_space<semaphore_mem>>, %arg16: memref<!tpu.dma_semaphore, #tpu.memory_space<semaphore_mem>>, %arg17: memref<!tpu.dma_semaphore, #tpu.memory_space<semaphore_mem>>) attributes {dimension_semantics = [#tpu.dimension_semantics<core_parallel>, #tpu.dimension_semantics<subcore_parallel>], iteration_bounds = array<i64: 2, 16>, scalar_prefetch = 0 : i64, scratch_operands = 12 : i64, tpu.core_type = #tpu.core_type<sc_vector_subcore>, window_params = [{transform_indices = #map}, {transform_indices = #map1}, {transform_indices = #map1}, {transform_indices = #map}]} {
    %mul3A = arith.constant 2 : i32
    %mul3A_0 = arith.muli %arg1, %mul3A : i32
    %add3A = arith.addi %mul3A_0, %arg0 : i32
    %mul3A_1 = arith.constant 128 : i32
    %mul3A_2 = arith.muli %add3A, %mul3A_1 : i32
    "tpu.region"() ({
      %run_scoped3A = tpu.sem_alloc : memref<!tpu.dma_semaphore, #tpu.memory_space<semaphore_mem>>
      %dma_start3A_593 = arith.constant 0 : i32
      %dma_start3A_594 = arith.constant 0 : i32
      %dma_start3A_595 = tpu.memref_slice %arg3[%add3A, %dma_start3A_593, %dma_start3A_594] : memref<64x4x32xi32, #tpu.memory_space<hbm>> -> memref<1x4x32xi32, #tpu.memory_space<hbm>>
      %dma_start3A_596 = tpu.memref_squeeze %dma_start3A_595 : memref<1x4x32xi32, #tpu.memory_space<hbm>> -> memref<4x32xi32, #tpu.memory_space<hbm>>
      %dma_start3A_597 = arith.constant 0 : i32
      %dma_start3A_598 = arith.constant 0 : i32
      %dma_start3A_599 = tpu.memref_slice %arg3[%add3A, %dma_start3A_597, %dma_start3A_598] : memref<64x4x32xi32, #tpu.memory_space<hbm>> -> memref<1x4x32xi32, #tpu.memory_space<hbm>>
      %dma_start3A_600 = tpu.memref_squeeze %dma_start3A_599 : memref<1x4x32xi32, #tpu.memory_space<hbm>> -> memref<4x32xi32, #tpu.memory_space<hbm>>
      tpu.enqueue_dma source(%dma_start3A_600 : memref<4x32xi32, #tpu.memory_space<hbm>>) target(%arg6 : memref<4x32xi32, #tpu.memory_space<vmem>>) target_semaphore(%run_scoped3A : memref<!tpu.dma_semaphore, #tpu.memory_space<semaphore_mem>>)
      %dma_wait3A_601 = arith.constant 0 : i32
      %dma_wait3A_602 = arith.constant 0 : i32
      %dma_wait3A_603 = tpu.memref_slice %arg3[%add3A, %dma_wait3A_601, %dma_wait3A_602] : memref<64x4x32xi32, #tpu.memory_space<hbm>> -> memref<1x4x32xi32, #tpu.memory_space<hbm>>
      %dma_wait3A_604 = tpu.memref_squeeze %dma_wait3A_603 : memref<1x4x32xi32, #tpu.memory_space<hbm>> -> memref<4x32xi32, #tpu.memory_space<hbm>>
      %dma_wait3A_605 = arith.constant 0 : i32
      %dma_wait3A_606 = arith.constant 0 : i32
      %dma_wait3A_607 = tpu.memref_slice %arg3[%add3A, %dma_wait3A_605, %dma_wait3A_606] : memref<64x4x32xi32, #tpu.memory_space<hbm>> -> memref<1x4x32xi32, #tpu.memory_space<hbm>>
      %dma_wait3A_608 = tpu.memref_squeeze %dma_wait3A_607 : memref<1x4x32xi32, #tpu.memory_space<hbm>> -> memref<4x32xi32, #tpu.memory_space<hbm>>
      tpu.wait_dma2 semaphore(%run_scoped3A : memref<!tpu.dma_semaphore, #tpu.memory_space<semaphore_mem>>) src(%dma_wait3A_608 : memref<4x32xi32, #tpu.memory_space<hbm>>) dst(%arg6 : memref<4x32xi32, #tpu.memory_space<vmem>>)
      tpu.yield
    }) : () -> ()
    %add3A_3 = arith.constant 32 : i32
    %add3A_4 = arith.addi %add3A_3, %add3A : i32
    "tpu.region"() ({
      %run_scoped3A = tpu.sem_alloc : memref<!tpu.dma_semaphore, #tpu.memory_space<semaphore_mem>>
      %dma_start3A_593 = arith.constant 0 : i32
      %dma_start3A_594 = arith.constant 0 : i32
      %dma_start3A_595 = tpu.memref_slice %arg3[%add3A_4, %dma_start3A_593, %dma_start3A_594] : memref<64x4x32xi32, #tpu.memory_space<hbm>> -> memref<1x4x32xi32, #tpu.memory_space<hbm>>
      %dma_start3A_596 = tpu.memref_squeeze %dma_start3A_595 : memref<1x4x32xi32, #tpu.memory_space<hbm>> -> memref<4x32xi32, #tpu.memory_space<hbm>>
      %dma_start3A_597 = arith.constant 0 : i32
      %dma_start3A_598 = arith.constant 0 : i32
      %dma_start3A_599 = tpu.memref_slice %arg3[%add3A_4, %dma_start3A_597, %dma_start3A_598] : memref<64x4x32xi32, #tpu.memory_space<hbm>> -> memref<1x4x32xi32, #tpu.memory_space<hbm>>
      %dma_start3A_600 = tpu.memref_squeeze %dma_start3A_599 : memref<1x4x32xi32, #tpu.memory_space<hbm>> -> memref<4x32xi32, #tpu.memory_space<hbm>>
      tpu.enqueue_dma source(%dma_start3A_600 : memref<4x32xi32, #tpu.memory_space<hbm>>) target(%arg7 : memref<4x32xi32, #tpu.memory_space<vmem>>) target_semaphore(%run_scoped3A : memref<!tpu.dma_semaphore, #tpu.memory_space<semaphore_mem>>)
      %dma_wait3A_601 = arith.constant 0 : i32
      %dma_wait3A_602 = arith.constant 0 : i32
      %dma_wait3A_603 = tpu.memref_slice %arg3[%add3A_4, %dma_wait3A_601, %dma_wait3A_602] : memref<64x4x32xi32, #tpu.memory_space<hbm>> -> memref<1x4x32xi32, #tpu.memory_space<hbm>>
      %dma_wait3A_604 = tpu.memref_squeeze %dma_wait3A_603 : memref<1x4x32xi32, #tpu.memory_space<hbm>> -> memref<4x32xi32, #tpu.memory_space<hbm>>
      %dma_wait3A_605 = arith.constant 0 : i32
      %dma_wait3A_606 = arith.constant 0 : i32
      %dma_wait3A_607 = tpu.memref_slice %arg3[%add3A_4, %dma_wait3A_605, %dma_wait3A_606] : memref<64x4x32xi32, #tpu.memory_space<hbm>> -> memref<1x4x32xi32, #tpu.memory_space<hbm>>
      %dma_wait3A_608 = tpu.memref_squeeze %dma_wait3A_607 : memref<1x4x32xi32, #tpu.memory_space<hbm>> -> memref<4x32xi32, #tpu.memory_space<hbm>>
      tpu.wait_dma2 semaphore(%run_scoped3A : memref<!tpu.dma_semaphore, #tpu.memory_space<semaphore_mem>>) src(%dma_wait3A_608 : memref<4x32xi32, #tpu.memory_space<hbm>>) dst(%arg7 : memref<4x32xi32, #tpu.memory_space<vmem>>)
      tpu.yield
    }) : () -> ()
    "tpu.region"() ({
      %run_scoped3A = tpu.sem_alloc : memref<!tpu.dma_semaphore, #tpu.memory_space<semaphore_mem>>
      %dma_start3A_593 = arith.constant 0 : i32
      %dma_start3A_594 = arith.constant 0 : i32
      %dma_start3A_595 = tpu.memref_slice %arg4[%add3A, %dma_start3A_593, %dma_start3A_594] : memref<32x2x128xf32, #tpu.memory_space<hbm>> -> memref<1x2x128xf32, #tpu.memory_space<hbm>>
      %dma_start3A_596 = tpu.memref_squeeze %dma_start3A_595 : memref<1x2x128xf32, #tpu.memory_space<hbm>> -> memref<2x128xf32, #tpu.memory_space<hbm>>
      %dma_start3A_597 = arith.constant 0 : i32
      %dma_start3A_598 = arith.constant 0 : i32
      %dma_start3A_599 = tpu.memref_slice %arg4[%add3A, %dma_start3A_597, %dma_start3A_598] : memref<32x2x128xf32, #tpu.memory_space<hbm>> -> memref<1x2x128xf32, #tpu.memory_space<hbm>>
      %dma_start3A_600 = tpu.memref_squeeze %dma_start3A_599 : memref<1x2x128xf32, #tpu.memory_space<hbm>> -> memref<2x128xf32, #tpu.memory_space<hbm>>
      tpu.enqueue_dma source(%dma_start3A_600 : memref<2x128xf32, #tpu.memory_space<hbm>>) target(%arg8 : memref<2x128xf32, #tpu.memory_space<vmem>>) target_semaphore(%run_scoped3A : memref<!tpu.dma_semaphore, #tpu.memory_space<semaphore_mem>>)
      %dma_wait3A_601 = arith.constant 0 : i32
      %dma_wait3A_602 = arith.constant 0 : i32
      %dma_wait3A_603 = tpu.memref_slice %arg4[%add3A, %dma_wait3A_601, %dma_wait3A_602] : memref<32x2x128xf32, #tpu.memory_space<hbm>> -> memref<1x2x128xf32, #tpu.memory_space<hbm>>
      %dma_wait3A_604 = tpu.memref_squeeze %dma_wait3A_603 : memref<1x2x128xf32, #tpu.memory_space<hbm>> -> memref<2x128xf32, #tpu.memory_space<hbm>>
      %dma_wait3A_605 = arith.constant 0 : i32
      %dma_wait3A_606 = arith.constant 0 : i32
      %dma_wait3A_607 = tpu.memref_slice %arg4[%add3A, %dma_wait3A_605, %dma_wait3A_606] : memref<32x2x128xf32, #tpu.memory_space<hbm>> -> memref<1x2x128xf32, #tpu.memory_space<hbm>>
      %dma_wait3A_608 = tpu.memref_squeeze %dma_wait3A_607 : memref<1x2x128xf32, #tpu.memory_space<hbm>> -> memref<2x128xf32, #tpu.memory_space<hbm>>
      tpu.wait_dma2 semaphore(%run_scoped3A : memref<!tpu.dma_semaphore, #tpu.memory_space<semaphore_mem>>) src(%dma_wait3A_608 : memref<2x128xf32, #tpu.memory_space<hbm>>) dst(%arg8 : memref<2x128xf32, #tpu.memory_space<vmem>>)
      tpu.yield
    }) : () -> ()
    %get3A = arith.constant 0 : i32
    %get3A_5 = arith.index_cast %get3A : i32 to index
    %get3A_6 = arith.constant 0 : index
    %get3A_7 = tpu.vector_load %arg6[%get3A_5, %get3A_6] {strides = array<i32>} : memref<4x32xi32, #tpu.memory_space<vmem>>, vector<16xi32>,
    %dma_start3A = arith.constant 0 : i32
    %dma_start3A_8 = arith.constant 0 : i32
    %dma_start3A_9 = arith.constant 0 : i32
    %dma_start3A_10 = tpu.memref_slice %arg9[%dma_start3A, %dma_start3A_8, %dma_start3A_9] : memref<2x16x1024xf32, #tpu.memory_space<vmem>> -> memref<1x16x1024xf32, #tpu.memory_space<vmem>>
    %dma_start3A_11 = tpu.memref_squeeze %dma_start3A_10 : memref<1x16x1024xf32, #tpu.memory_space<vmem>> -> memref<16x1024xf32, #tpu.memory_space<vmem>>
    %dma_start3A_12 = arith.constant 0 : i32
    %dma_start3A_13 = arith.constant 0 : i32
    %dma_start3A_14 = tpu.memref_slice %arg2[%dma_start3A_12, %dma_start3A_13] : memref<12800x1024xf32, #tpu.memory_space<hbm>> -> memref<12800x1024xf32, #tpu.memory_space<hbm>>
    tpu.enqueue_indirect_dma source(%dma_start3A_14 : memref<12800x1024xf32, #tpu.memory_space<hbm>>) target(%dma_start3A_11 : memref<16x1024xf32, #tpu.memory_space<vmem>>) offsets(%get3A_7 : vector<16xi32>) semaphore(%arg12 : memref<!tpu.dma_semaphore, #tpu.memory_space<semaphore_mem>>)
    %get3A_15 = arith.constant 0 : i32
    %get3A_16 = arith.index_cast %get3A_15 : i32 to index
    %get3A_17 = arith.constant 0 : index
    %get3A_18 = tpu.vector_load %arg7[%get3A_16, %get3A_17] {strides = array<i32>} : memref<4x32xi32, #tpu.memory_space<vmem>>, vector<16xi32>,
    %dma_start3A_19 = arith.constant 0 : i32
    %dma_start3A_20 = arith.constant 0 : i32
    %dma_start3A_21 = arith.constant 0 : i32
    %dma_start3A_22 = tpu.memref_slice %arg10[%dma_start3A_19, %dma_start3A_20, %dma_start3A_21] : memref<2x16x1024xf32, #tpu.memory_space<vmem>> -> memref<1x16x1024xf32, #tpu.memory_space<vmem>>
    %dma_start3A_23 = tpu.memref_squeeze %dma_start3A_22 : memref<1x16x1024xf32, #tpu.memory_space<vmem>> -> memref<16x1024xf32, #tpu.memory_space<vmem>>
    %dma_start3A_24 = arith.constant 0 : i32
    %dma_start3A_25 = arith.constant 0 : i32
    %dma_start3A_26 = tpu.memref_slice %arg2[%dma_start3A_24, %dma_start3A_25] : memref<12800x1024xf32, #tpu.memory_space<hbm>> -> memref<12800x1024xf32, #tpu.memory_space<hbm>>
    tpu.enqueue_indirect_dma source(%dma_start3A_26 : memref<12800x1024xf32, #tpu.memory_space<hbm>>) target(%dma_start3A_23 : memref<16x1024xf32, #tpu.memory_space<vmem>>) offsets(%get3A_18 : vector<16xi32>) semaphore(%arg14 : memref<!tpu.dma_semaphore, #tpu.memory_space<semaphore_mem>>)
    %get3A_27 = arith.constant 0 : i32
    %get3A_28 = arith.index_cast %get3A_27 : i32 to index
    %get3A_29 = arith.constant 16 : index
    %get3A_30 = tpu.vector_load %arg6[%get3A_28, %get3A_29] {strides = array<i32>} : memref<4x32xi32, #tpu.memory_space<vmem>>, vector<16xi32>,
    %dma_start3A_31 = arith.constant 1 : i32
    %dma_start3A_32 = arith.constant 0 : i32
    %dma_start3A_33 = arith.constant 0 : i32
    %dma_start3A_34 = tpu.memref_slice %arg9[%dma_start3A_31, %dma_start3A_32, %dma_start3A_33] : memref<2x16x1024xf32, #tpu.memory_space<vmem>> -> memref<1x16x1024xf32, #tpu.memory_space<vmem>>
    %dma_start3A_35 = tpu.memref_squeeze %dma_start3A_34 : memref<1x16x1024xf32, #tpu.memory_space<vmem>> -> memref<16x1024xf32, #tpu.memory_space<vmem>>
    %dma_start3A_36 = arith.constant 0 : i32
    %dma_start3A_37 = arith.constant 0 : i32
    %dma_start3A_38 = tpu.memref_slice %arg2[%dma_start3A_36, %dma_start3A_37] : memref<12800x1024xf32, #tpu.memory_space<hbm>> -> memref<12800x1024xf32, #tpu.memory_space<hbm>>
    tpu.enqueue_indirect_dma source(%dma_start3A_38 : memref<12800x1024xf32, #tpu.memory_space<hbm>>) target(%dma_start3A_35 : memref<16x1024xf32, #tpu.memory_space<vmem>>) offsets(%get3A_30 : vector<16xi32>) semaphore(%arg13 : memref<!tpu.dma_semaphore, #tpu.memory_space<semaphore_mem>>)
    %get3A_39 = arith.constant 0 : i32
    %get3A_40 = arith.index_cast %get3A_39 : i32 to index
    %get3A_41 = arith.constant 16 : index
    %get3A_42 = tpu.vector_load %arg7[%get3A_40, %get3A_41] {strides = array<i32>} : memref<4x32xi32, #tpu.memory_space<vmem>>, vector<16xi32>,
    %dma_start3A_43 = arith.constant 1 : i32
    %dma_start3A_44 = arith.constant 0 : i32
    %dma_start3A_45 = arith.constant 0 : i32
    %dma_start3A_46 = tpu.memref_slice %arg10[%dma_start3A_43, %dma_start3A_44, %dma_start3A_45] : memref<2x16x1024xf32, #tpu.memory_space<vmem>> -> memref<1x16x1024xf32, #tpu.memory_space<vmem>>
    %dma_start3A_47 = tpu.memref_squeeze %dma_start3A_46 : memref<1x16x1024xf32, #tpu.memory_space<vmem>> -> memref<16x1024xf32, #tpu.memory_space<vmem>>
    %dma_start3A_48 = arith.constant 0 : i32
    %dma_start3A_49 = arith.constant 0 : i32
    %dma_start3A_50 = tpu.memref_slice %arg2[%dma_start3A_48, %dma_start3A_49] : memref<12800x1024xf32, #tpu.memory_space<hbm>> -> memref<12800x1024xf32, #tpu.memory_space<hbm>>
    tpu.enqueue_indirect_dma source(%dma_start3A_50 : memref<12800x1024xf32, #tpu.memory_space<hbm>>) target(%dma_start3A_47 : memref<16x1024xf32, #tpu.memory_space<vmem>>) offsets(%get3A_42 : vector<16xi32>) semaphore(%arg15 : memref<!tpu.dma_semaphore, #tpu.memory_space<semaphore_mem>>)
    %dma_wait3A = arith.constant 0 : i32
    %dma_wait3A_51 = arith.constant 0 : i32
    %dma_wait3A_52 = arith.constant 0 : i32
    %dma_wait3A_53 = tpu.memref_slice %arg9[%dma_wait3A, %dma_wait3A_51, %dma_wait3A_52] : memref<2x16x1024xf32, #tpu.memory_space<vmem>> -> memref<1x16x1024xf32, #tpu.memory_space<vmem>>
    %dma_wait3A_54 = tpu.memref_squeeze %dma_wait3A_53 : memref<1x16x1024xf32, #tpu.memory_space<vmem>> -> memref<16x1024xf32, #tpu.memory_space<vmem>>
    %dma_wait3A_55 = arith.constant 0 : i32
    %dma_wait3A_56 = arith.constant 0 : i32
    %dma_wait3A_57 = tpu.memref_slice %arg2[%dma_wait3A_55, %dma_wait3A_56] : memref<12800x1024xf32, #tpu.memory_space<hbm>> -> memref<12800x1024xf32, #tpu.memory_space<hbm>>
    tpu.wait_indirect_dma semaphore(%arg12 : memref<!tpu.dma_semaphore, #tpu.memory_space<semaphore_mem>>) src(%dma_wait3A_57 : memref<12800x1024xf32, #tpu.memory_space<hbm>>) dst(%dma_wait3A_54 : memref<16x1024xf32, #tpu.memory_space<vmem>>)
    %dma_wait3A_58 = arith.constant 0 : i32
    %dma_wait3A_59 = arith.constant 0 : i32
    %dma_wait3A_60 = arith.constant 0 : i32
    %dma_wait3A_61 = tpu.memref_slice %arg10[%dma_wait3A_58, %dma_wait3A_59, %dma_wait3A_60] : memref<2x16x1024xf32, #tpu.memory_space<vmem>> -> memref<1x16x1024xf32, #tpu.memory_space<vmem>>
    %dma_wait3A_62 = tpu.memref_squeeze %dma_wait3A_61 : memref<1x16x1024xf32, #tpu.memory_space<vmem>> -> memref<16x1024xf32, #tpu.memory_space<vmem>>
    %dma_wait3A_63 = arith.constant 0 : i32
    %dma_wait3A_64 = arith.constant 0 : i32
    %dma_wait3A_65 = tpu.memref_slice %arg2[%dma_wait3A_63, %dma_wait3A_64] : memref<12800x1024xf32, #tpu.memory_space<hbm>> -> memref<12800x1024xf32, #tpu.memory_space<hbm>>
    tpu.wait_indirect_dma semaphore(%arg14 : memref<!tpu.dma_semaphore, #tpu.memory_space<semaphore_mem>>) src(%dma_wait3A_65 : memref<12800x1024xf32, #tpu.memory_space<hbm>>) dst(%dma_wait3A_62 : memref<16x1024xf32, #tpu.memory_space<vmem>>)
    %scan3A = arith.constant 0 : i32
    %scan3A_66 = arith.constant 0 : i32
    %scan3A_67 = arith.constant 16 : i32
    %scan3A_68 = arith.addi %scan3A_66, %scan3A_67 : i32
    %scan3A_69 = arith.constant 1 : i32
    scf.for %scan3A_593 = %scan3A_66 to %scan3A_68 step %scan3A_69  : i32 {
      %broadcast_in_dim3A = arith.constant 0 : i32
      %broadcast_in_dim3A_594 = vector.broadcast %broadcast_in_dim3A : i32 to vector<16xi32>
      %add3A_595 = arith.constant 0 : i32
      %add3A_596 = arith.addi %add3A_595, %scan3A_593 : i32
      %add3A_597 = vector.broadcast %add3A_596 : i32 to vector<16xi32>
      %add3A_598 = arith.addi %broadcast_in_dim3A_594, %add3A_597 : vector<16xi32>
      %gather3A = tpu.vector_load_idx %arg8[%broadcast_in_dim3A_594, %add3A_598] : memref<2x128xf32, #tpu.memory_space<vmem>>[vector<16xi32>, vector<16xi32>], vector<16xf32>,
      %add3A_599 = arith.constant 1 : i32
      %add3A_600 = vector.broadcast %add3A_599 : i32 to vector<16xi32>
      %add3A_601 = arith.addi %broadcast_in_dim3A_594, %add3A_600 : vector<16xi32>
      %gather3A_602 = tpu.vector_load_idx %arg8[%add3A_601, %add3A_598] : memref<2x128xf32, #tpu.memory_space<vmem>>[vector<16xi32>, vector<16xi32>], vector<16xf32>,
      %scan3A_603 = arith.constant 0 : i32
      %scan3A_604 = arith.constant 0 : i32
      %scan3A_605 = arith.constant 64 : i32
      %scan3A_606 = arith.addi %scan3A_604, %scan3A_605 : i32
      %scan3A_607 = arith.constant 4 : i32
      scf.for %scan3A_609 = %scan3A_604 to %scan3A_606 step %scan3A_607  : i32 {
        %mul3A_610 = arith.constant 16 : i32
        %mul3A_611 = arith.muli %scan3A_609, %mul3A_610 : i32
        %get3A_612 = arith.constant 0 : i32
        %get3A_613 = arith.index_cast %get3A_612 : i32 to index
        %get3A_614 = arith.index_cast %scan3A_593 : i32 to index
        %get3A_615 = arith.index_cast %mul3A_611 : i32 to index
        %get3A_616 = tpu.vector_load %arg9[%get3A_613, %get3A_614, %get3A_615] {strides = array<i32>} : memref<2x16x1024xf32, #tpu.memory_space<vmem>>, vector<16xf32>,
        %mul3A_617 = arith.constant 16 : i32
        %mul3A_618 = arith.muli %scan3A_609, %mul3A_617 : i32
        %get3A_619 = arith.constant 0 : i32
        %get3A_620 = arith.index_cast %get3A_619 : i32 to index
        %get3A_621 = arith.index_cast %scan3A_593 : i32 to index
        %get3A_622 = arith.index_cast %mul3A_618 : i32 to index
        %get3A_623 = tpu.vector_load %arg10[%get3A_620, %get3A_621, %get3A_622] {strides = array<i32>} : memref<2x16x1024xf32, #tpu.memory_space<vmem>>, vector<16xf32>,
        %mul3A_624 = arith.mulf %gather3A, %get3A_616 : vector<16xf32>
        %mul3A_625 = arith.mulf %gather3A_602, %get3A_623 : vector<16xf32>
        %add3A_626 = arith.addf %mul3A_624, %mul3A_625 : vector<16xf32>
        %mul3A_627 = arith.constant 16 : i32
        %mul3A_628 = arith.muli %scan3A_609, %mul3A_627 : i32
        %swap3A = arith.constant 0 : i32
        %swap3A_629 = arith.index_cast %swap3A : i32 to index
        %swap3A_630 = arith.index_cast %scan3A_593 : i32 to index
        %swap3A_631 = arith.index_cast %mul3A_628 : i32 to index
        %swap3A_632 = tpu.vector_load %arg11[%swap3A_629, %swap3A_630, %swap3A_631] {strides = array<i32>} : memref<2x16x1024xf32, #tpu.memory_space<vmem>>, vector<16xf32>,
        tpu.vector_store %arg11[%swap3A_629, %swap3A_630, %swap3A_631], %add3A_626 {strides = array<i32>} : memref<2x16x1024xf32, #tpu.memory_space<vmem>>, vector<16xf32>,
        %scan3A_633 = arith.constant 1 : i32
        %scan3A_634 = arith.addi %scan3A_609, %scan3A_633 : i32
        %mul3A_635 = arith.constant 16 : i32
        %mul3A_636 = arith.muli %scan3A_634, %mul3A_635 : i32
        %get3A_637 = arith.constant 0 : i32
        %get3A_638 = arith.index_cast %get3A_637 : i32 to index
        %get3A_639 = arith.index_cast %scan3A_593 : i32 to index
        %get3A_640 = arith.index_cast %mul3A_636 : i32 to index
        %get3A_641 = tpu.vector_load %arg9[%get3A_638, %get3A_639, %get3A_640] {strides = array<i32>} : memref<2x16x1024xf32, #tpu.memory_space<vmem>>, vector<16xf32>,
        %mul3A_642 = arith.constant 16 : i32
        %mul3A_643 = arith.muli %scan3A_634, %mul3A_642 : i32
        %get3A_644 = arith.constant 0 : i32
        %get3A_645 = arith.index_cast %get3A_644 : i32 to index
        %get3A_646 = arith.index_cast %scan3A_593 : i32 to index
        %get3A_647 = arith.index_cast %mul3A_643 : i32 to index
        %get3A_648 = tpu.vector_load %arg10[%get3A_645, %get3A_646, %get3A_647] {strides = array<i32>} : memref<2x16x1024xf32, #tpu.memory_space<vmem>>, vector<16xf32>,
        %mul3A_649 = arith.mulf %gather3A, %get3A_641 : vector<16xf32>
        %mul3A_650 = arith.mulf %gather3A_602, %get3A_648 : vector<16xf32>
        %add3A_651 = arith.addf %mul3A_649, %mul3A_650 : vector<16xf32>
        %mul3A_652 = arith.constant 16 : i32
        %mul3A_653 = arith.muli %scan3A_634, %mul3A_652 : i32
        %swap3A_654 = arith.constant 0 : i32
        %swap3A_655 = arith.index_cast %swap3A_654 : i32 to index
        %swap3A_656 = arith.index_cast %scan3A_593 : i32 to index
        %swap3A_657 = arith.index_cast %mul3A_653 : i32 to index
        %swap3A_658 = tpu.vector_load %arg11[%swap3A_655, %swap3A_656, %swap3A_657] {strides = array<i32>} : memref<2x16x1024xf32, #tpu.memory_space<vmem>>, vector<16xf32>,
        tpu.vector_store %arg11[%swap3A_655, %swap3A_656, %swap3A_657], %add3A_651 {strides = array<i32>} : memref<2x16x1024xf32, #tpu.memory_space<vmem>>, vector<16xf32>,
        %scan3A_659 = arith.constant 2 : i32
        %scan3A_660 = arith.addi %scan3A_609, %scan3A_659 : i32
        %mul3A_661 = arith.constant 16 : i32
        %mul3A_662 = arith.muli %scan3A_660, %mul3A_661 : i32
        %get3A_663 = arith.constant 0 : i32
        %get3A_664 = arith.index_cast %get3A_663 : i32 to index
        %get3A_665 = arith.index_cast %scan3A_593 : i32 to index
        %get3A_666 = arith.index_cast %mul3A_662 : i32 to index
        %get3A_667 = tpu.vector_load %arg9[%get3A_664, %get3A_665, %get3A_666] {strides = array<i32>} : memref<2x16x1024xf32, #tpu.memory_space<vmem>>, vector<16xf32>,
        %mul3A_668 = arith.constant 16 : i32
        %mul3A_669 = arith.muli %scan3A_660, %mul3A_668 : i32
        %get3A_670 = arith.constant 0 : i32
        %get3A_671 = arith.index_cast %get3A_670 : i32 to index
        %get3A_672 = arith.index_cast %scan3A_593 : i32 to index
        %get3A_673 = arith.index_cast %mul3A_669 : i32 to index
        %get3A_674 = tpu.vector_load %arg10[%get3A_671, %get3A_672, %get3A_673] {strides = array<i32>} : memref<2x16x1024xf32, #tpu.memory_space<vmem>>, vector<16xf32>,
        %mul3A_675 = arith.mulf %gather3A, %get3A_667 : vector<16xf32>
        %mul3A_676 = arith.mulf %gather3A_602, %get3A_674 : vector<16xf32>
        %add3A_677 = arith.addf %mul3A_675, %mul3A_676 : vector<16xf32>
        %mul3A_678 = arith.constant 16 : i32
        %mul3A_679 = arith.muli %scan3A_660, %mul3A_678 : i32
        %swap3A_680 = arith.constant 0 : i32
        %swap3A_681 = arith.index_cast %swap3A_680 : i32 to index
        %swap3A_682 = arith.index_cast %scan3A_593 : i32 to index
        %swap3A_683 = arith.index_cast %mul3A_679 : i32 to index
        %swap3A_684 = tpu.vector_load %arg11[%swap3A_681, %swap3A_682, %swap3A_683] {strides = array<i32>} : memref<2x16x1024xf32, #tpu.memory_space<vmem>>, vector<16xf32>,
        tpu.vector_store %arg11[%swap3A_681, %swap3A_682, %swap3A_683], %add3A_677 {strides = array<i32>} : memref<2x16x1024xf32, #tpu.memory_space<vmem>>, vector<16xf32>,
        %scan3A_685 = arith.constant 3 : i32
        %scan3A_686 = arith.addi %scan3A_609, %scan3A_685 : i32
        %mul3A_687 = arith.constant 16 : i32
        %mul3A_688 = arith.muli %scan3A_686, %mul3A_687 : i32
        %get3A_689 = arith.constant 0 : i32
        %get3A_690 = arith.index_cast %get3A_689 : i32 to index
        %get3A_691 = arith.index_cast %scan3A_593 : i32 to index
        %get3A_692 = arith.index_cast %mul3A_688 : i32 to index
        %get3A_693 = tpu.vector_load %arg9[%get3A_690, %get3A_691, %get3A_692] {strides = array<i32>} : memref<2x16x1024xf32, #tpu.memory_space<vmem>>, vector<16xf32>,
        %mul3A_694 = arith.constant 16 : i32
        %mul3A_695 = arith.muli %scan3A_686, %mul3A_694 : i32
        %get3A_696 = arith.constant 0 : i32
        %get3A_697 = arith.index_cast %get3A_696 : i32 to index
        %get3A_698 = arith.index_cast %scan3A_593 : i32 to index
        %get3A_699 = arith.index_cast %mul3A_695 : i32 to index
        %get3A_700 = tpu.vector_load %arg10[%get3A_697, %get3A_698, %get3A_699] {strides = array<i32>} : memref<2x16x1024xf32, #tpu.memory_space<vmem>>, vector<16xf32>,
        %mul3A_701 = arith.mulf %gather3A, %get3A_693 : vector<16xf32>
        %mul3A_702 = arith.mulf %gather3A_602, %get3A_700 : vector<16xf32>
        %add3A_703 = arith.addf %mul3A_701, %mul3A_702 : vector<16xf32>
        %mul3A_704 = arith.constant 16 : i32
        %mul3A_705 = arith.muli %scan3A_686, %mul3A_704 : i32
        %swap3A_706 = arith.constant 0 : i32
        %swap3A_707 = arith.index_cast %swap3A_706 : i32 to index
        %swap3A_708 = arith.index_cast %scan3A_593 : i32 to index
        %swap3A_709 = arith.index_cast %mul3A_705 : i32 to index
        %swap3A_710 = tpu.vector_load %arg11[%swap3A_707, %swap3A_708, %swap3A_709] {strides = array<i32>} : memref<2x16x1024xf32, #tpu.memory_space<vmem>>, vector<16xf32>,
        tpu.vector_store %arg11[%swap3A_707, %swap3A_708, %swap3A_709], %add3A_703 {strides = array<i32>} : memref<2x16x1024xf32, #tpu.memory_space<vmem>>, vector<16xf32>,
      }
      %scan3A_608 = arith.constant 64 : i32
    }
    %scan3A_70 = arith.constant 16 : i32
    %add3A_71 = arith.constant 0 : i32
    %add3A_72 = arith.addi %mul3A_2, %add3A_71 : i32
    %dma_start3A_73 = arith.constant 0 : i32
    %dma_start3A_74 = arith.constant 0 : i32
    %dma_start3A_75 = arith.constant 0 : i32
    %dma_start3A_76 = tpu.memref_slice %arg11[%dma_start3A_73, %dma_start3A_74, %dma_start3A_75] : memref<2x16x1024xf32, #tpu.memory_space<vmem>> -> memref<1x16x1024xf32, #tpu.memory_space<vmem>>
    %dma_start3A_77 = tpu.memref_squeeze %dma_start3A_76 : memref<1x16x1024xf32, #tpu.memory_space<vmem>> -> memref<16x1024xf32, #tpu.memory_space<vmem>>
    %dma_start3A_78 = arith.constant 0 : i32
    %dma_start3A_79 = tpu.memref_slice %arg5[%add3A_72, %dma_start3A_78] : memref<4096x1024xf32, #tpu.memory_space<hbm>> -> memref<16x1024xf32, #tpu.memory_space<hbm>>
    %dma_start3A_80 = arith.constant 0 : i32
    %dma_start3A_81 = tpu.memref_slice %arg5[%add3A_72, %dma_start3A_80] : memref<4096x1024xf32, #tpu.memory_space<hbm>> -> memref<16x1024xf32, #tpu.memory_space<hbm>>
    %dma_start3A_82 = arith.constant 0 : i32
    %dma_start3A_83 = arith.constant 0 : i32
    %dma_start3A_84 = tpu.memref_slice %arg11[%dma_start3A_73, %dma_start3A_82, %dma_start3A_83] : memref<2x16x1024xf32, #tpu.memory_space<vmem>> -> memref<1x16x1024xf32, #tpu.memory_space<vmem>>
    %dma_start3A_85 = tpu.memref_squeeze %dma_start3A_84 : memref<1x16x1024xf32, #tpu.memory_space<vmem>> -> memref<16x1024xf32, #tpu.memory_space<vmem>>
    tpu.enqueue_dma source(%dma_start3A_85 : memref<16x1024xf32, #tpu.memory_space<vmem>>) target(%dma_start3A_81 : memref<16x1024xf32, #tpu.memory_space<hbm>>) target_semaphore(%arg16 : memref<!tpu.dma_semaphore, #tpu.memory_space<semaphore_mem>>)
    %get3A_86 = arith.constant 1 : i32
    %get3A_87 = arith.index_cast %get3A_86 : i32 to index
    %get3A_88 = arith.constant 0 : index
    %get3A_89 = tpu.vector_load %arg6[%get3A_87, %get3A_88] {strides = array<i32>} : memref<4x32xi32, #tpu.memory_space<vmem>>, vector<16xi32>,
    %dma_start3A_90 = arith.constant 0 : i32
    %dma_start3A_91 = arith.constant 0 : i32
    %dma_start3A_92 = arith.constant 0 : i32
    %dma_start3A_93 = tpu.memref_slice %arg9[%dma_start3A_90, %dma_start3A_91, %dma_start3A_92] : memref<2x16x1024xf32, #tpu.memory_space<vmem>> -> memref<1x16x1024xf32, #tpu.memory_space<vmem>>
    %dma_start3A_94 = tpu.memref_squeeze %dma_start3A_93 : memref<1x16x1024xf32, #tpu.memory_space<vmem>> -> memref<16x1024xf32, #tpu.memory_space<vmem>>
    %dma_start3A_95 = arith.constant 0 : i32
    %dma_start3A_96 = arith.constant 0 : i32
    %dma_start3A_97 = tpu.memref_slice %arg2[%dma_start3A_95, %dma_start3A_96] : memref<12800x1024xf32, #tpu.memory_space<hbm>> -> memref<12800x1024xf32, #tpu.memory_space<hbm>>
    tpu.enqueue_indirect_dma source(%dma_start3A_97 : memref<12800x1024xf32, #tpu.memory_space<hbm>>) target(%dma_start3A_94 : memref<16x1024xf32, #tpu.memory_space<vmem>>) offsets(%get3A_89 : vector<16xi32>) semaphore(%arg12 : memref<!tpu.dma_semaphore, #tpu.memory_space<semaphore_mem>>)
    %get3A_98 = arith.constant 1 : i32
    %get3A_99 = arith.index_cast %get3A_98 : i32 to index
    %get3A_100 = arith.constant 0 : index
    %get3A_101 = tpu.vector_load %arg7[%get3A_99, %get3A_100] {strides = array<i32>} : memref<4x32xi32, #tpu.memory_space<vmem>>, vector<16xi32>,
    %dma_start3A_102 = arith.constant 0 : i32
    %dma_start3A_103 = arith.constant 0 : i32
    %dma_start3A_104 = arith.constant 0 : i32
    %dma_start3A_105 = tpu.memref_slice %arg10[%dma_start3A_102, %dma_start3A_103, %dma_start3A_104] : memref<2x16x1024xf32, #tpu.memory_space<vmem>> -> memref<1x16x1024xf32, #tpu.memory_space<vmem>>
    %dma_start3A_106 = tpu.memref_squeeze %dma_start3A_105 : memref<1x16x1024xf32, #tpu.memory_space<vmem>> -> memref<16x1024xf32, #tpu.memory_space<vmem>>
    %dma_start3A_107 = arith.constant 0 : i32
    %dma_start3A_108 = arith.constant 0 : i32
    %dma_start3A_109 = tpu.memref_slice %arg2[%dma_start3A_107, %dma_start3A_108] : memref<12800x1024xf32, #tpu.memory_space<hbm>> -> memref<12800x1024xf32, #tpu.memory_space<hbm>>
    tpu.enqueue_indirect_dma source(%dma_start3A_109 : memref<12800x1024xf32, #tpu.memory_space<hbm>>) target(%dma_start3A_106 : memref<16x1024xf32, #tpu.memory_space<vmem>>) offsets(%get3A_101 : vector<16xi32>) semaphore(%arg14 : memref<!tpu.dma_semaphore, #tpu.memory_space<semaphore_mem>>)
    %dma_wait3A_110 = arith.constant 1 : i32
    %dma_wait3A_111 = arith.constant 0 : i32
    %dma_wait3A_112 = arith.constant 0 : i32
    %dma_wait3A_113 = tpu.memref_slice %arg9[%dma_wait3A_110, %dma_wait3A_111, %dma_wait3A_112] : memref<2x16x1024xf32, #tpu.memory_space<vmem>> -> memref<1x16x1024xf32, #tpu.memory_space<vmem>>
    %dma_wait3A_114 = tpu.memref_squeeze %dma_wait3A_113 : memref<1x16x1024xf32, #tpu.memory_space<vmem>> -> memref<16x1024xf32, #tpu.memory_space<vmem>>
    %dma_wait3A_115 = arith.constant 0 : i32
    %dma_wait3A_116 = arith.constant 0 : i32
    %dma_wait3A_117 = tpu.memref_slice %arg2[%dma_wait3A_115, %dma_wait3A_116] : memref<12800x1024xf32, #tpu.memory_space<hbm>> -> memref<12800x1024xf32, #tpu.memory_space<hbm>>
    tpu.wait_indirect_dma semaphore(%arg13 : memref<!tpu.dma_semaphore, #tpu.memory_space<semaphore_mem>>) src(%dma_wait3A_117 : memref<12800x1024xf32, #tpu.memory_space<hbm>>) dst(%dma_wait3A_114 : memref<16x1024xf32, #tpu.memory_space<vmem>>)
    %dma_wait3A_118 = arith.constant 1 : i32
    %dma_wait3A_119 = arith.constant 0 : i32
    %dma_wait3A_120 = arith.constant 0 : i32
    %dma_wait3A_121 = tpu.memref_slice %arg10[%dma_wait3A_118, %dma_wait3A_119, %dma_wait3A_120] : memref<2x16x1024xf32, #tpu.memory_space<vmem>> -> memref<1x16x1024xf32, #tpu.memory_space<vmem>>
    %dma_wait3A_122 = tpu.memref_squeeze %dma_wait3A_121 : memref<1x16x1024xf32, #tpu.memory_space<vmem>> -> memref<16x1024xf32, #tpu.memory_space<vmem>>
    %dma_wait3A_123 = arith.constant 0 : i32
    %dma_wait3A_124 = arith.constant 0 : i32
    %dma_wait3A_125 = tpu.memref_slice %arg2[%dma_wait3A_123, %dma_wait3A_124] : memref<12800x1024xf32, #tpu.memory_space<hbm>> -> memref<12800x1024xf32, #tpu.memory_space<hbm>>
    tpu.wait_indirect_dma semaphore(%arg15 : memref<!tpu.dma_semaphore, #tpu.memory_space<semaphore_mem>>) src(%dma_wait3A_125 : memref<12800x1024xf32, #tpu.memory_space<hbm>>) dst(%dma_wait3A_122 : memref<16x1024xf32, #tpu.memory_space<vmem>>)
    %scan3A_126 = arith.constant 0 : i32
    %scan3A_127 = arith.constant 0 : i32
    %scan3A_128 = arith.constant 16 : i32
    %scan3A_129 = arith.addi %scan3A_127, %scan3A_128 : i32
    %scan3A_130 = arith.constant 1 : i32
    scf.for %scan3A_593 = %scan3A_127 to %scan3A_129 step %scan3A_130  : i32 {
      %broadcast_in_dim3A = arith.constant 0 : i32
      %broadcast_in_dim3A_594 = vector.broadcast %broadcast_in_dim3A : i32 to vector<16xi32>
      %add3A_595 = arith.constant 16 : i32
      %add3A_596 = arith.addi %add3A_595, %scan3A_593 : i32
      %add3A_597 = vector.broadcast %add3A_596 : i32 to vector<16xi32>
      %add3A_598 = arith.addi %broadcast_in_dim3A_594, %add3A_597 : vector<16xi32>
      %gather3A = tpu.vector_load_idx %arg8[%broadcast_in_dim3A_594, %add3A_598] : memref<2x128xf32, #tpu.memory_space<vmem>>[vector<16xi32>, vector<16xi32>], vector<16xf32>,
      %add3A_599 = arith.constant 1 : i32
      %add3A_600 = vector.broadcast %add3A_599 : i32 to vector<16xi32>
      %add3A_601 = arith.addi %broadcast_in_dim3A_594, %add3A_600 : vector<16xi32>
      %gather3A_602 = tpu.vector_load_idx %arg8[%add3A_601, %add3A_598] : memref<2x128xf32, #tpu.memory_space<vmem>>[vector<16xi32>, vector<16xi32>], vector<16xf32>,
      %scan3A_603 = arith.constant 0 : i32
      %scan3A_604 = arith.constant 0 : i32
      %scan3A_605 = arith.constant 64 : i32
      %scan3A_606 = arith.addi %scan3A_604, %scan3A_605 : i32
      %scan3A_607 = arith.constant 4 : i32
      scf.for %scan3A_609 = %scan3A_604 to %scan3A_606 step %scan3A_607  : i32 {
        %mul3A_610 = arith.constant 16 : i32
        %mul3A_611 = arith.muli %scan3A_609, %mul3A_610 : i32
        %get3A_612 = arith.constant 1 : i32
        %get3A_613 = arith.index_cast %get3A_612 : i32 to index
        %get3A_614 = arith.index_cast %scan3A_593 : i32 to index
        %get3A_615 = arith.index_cast %mul3A_611 : i32 to index
        %get3A_616 = tpu.vector_load %arg9[%get3A_613, %get3A_614, %get3A_615] {strides = array<i32>} : memref<2x16x1024xf32, #tpu.memory_space<vmem>>, vector<16xf32>,
        %mul3A_617 = arith.constant 16 : i32
        %mul3A_618 = arith.muli %scan3A_609, %mul3A_617 : i32
        %get3A_619 = arith.constant 1 : i32
        %get3A_620 = arith.index_cast %get3A_619 : i32 to index
        %get3A_621 = arith.index_cast %scan3A_593 : i32 to index
        %get3A_622 = arith.index_cast %mul3A_618 : i32 to index
        %get3A_623 = tpu.vector_load %arg10[%get3A_620, %get3A_621, %get3A_622] {strides = array<i32>} : memref<2x16x1024xf32, #tpu.memory_space<vmem>>, vector<16xf32>,
        %mul3A_624 = arith.mulf %gather3A, %get3A_616 : vector<16xf32>
        %mul3A_625 = arith.mulf %gather3A_602, %get3A_623 : vector<16xf32>
        %add3A_626 = arith.addf %mul3A_624, %mul3A_625 : vector<16xf32>
        %mul3A_627 = arith.constant 16 : i32
        %mul3A_628 = arith.muli %scan3A_609, %mul3A_627 : i32
        %swap3A = arith.constant 1 : i32
        %swap3A_629 = arith.index_cast %swap3A : i32 to index
        %swap3A_630 = arith.index_cast %scan3A_593 : i32 to index
        %swap3A_631 = arith.index_cast %mul3A_628 : i32 to index
        %swap3A_632 = tpu.vector_load %arg11[%swap3A_629, %swap3A_630, %swap3A_631] {strides = array<i32>} : memref<2x16x1024xf32, #tpu.memory_space<vmem>>, vector<16xf32>,
        tpu.vector_store %arg11[%swap3A_629, %swap3A_630, %swap3A_631], %add3A_626 {strides = array<i32>} : memref<2x16x1024xf32, #tpu.memory_space<vmem>>, vector<16xf32>,
        %scan3A_633 = arith.constant 1 : i32
        %scan3A_634 = arith.addi %scan3A_609, %scan3A_633 : i32
        %mul3A_635 = arith.constant 16 : i32
        %mul3A_636 = arith.muli %scan3A_634, %mul3A_635 : i32
        %get3A_637 = arith.constant 1 : i32
        %get3A_638 = arith.index_cast %get3A_637 : i32 to index
        %get3A_639 = arith.index_cast %scan3A_593 : i32 to index
        %get3A_640 = arith.index_cast %mul3A_636 : i32 to index
        %get3A_641 = tpu.vector_load %arg9[%get3A_638, %get3A_639, %get3A_640] {strides = array<i32>} : memref<2x16x1024xf32, #tpu.memory_space<vmem>>, vector<16xf32>,
        %mul3A_642 = arith.constant 16 : i32
        %mul3A_643 = arith.muli %scan3A_634, %mul3A_642 : i32
        %get3A_644 = arith.constant 1 : i32
        %get3A_645 = arith.index_cast %get3A_644 : i32 to index
        %get3A_646 = arith.index_cast %scan3A_593 : i32 to index
        %get3A_647 = arith.index_cast %mul3A_643 : i32 to index
        %get3A_648 = tpu.vector_load %arg10[%get3A_645, %get3A_646, %get3A_647] {strides = array<i32>} : memref<2x16x1024xf32, #tpu.memory_space<vmem>>, vector<16xf32>,
        %mul3A_649 = arith.mulf %gather3A, %get3A_641 : vector<16xf32>
        %mul3A_650 = arith.mulf %gather3A_602, %get3A_648 : vector<16xf32>
        %add3A_651 = arith.addf %mul3A_649, %mul3A_650 : vector<16xf32>
        %mul3A_652 = arith.constant 16 : i32
        %mul3A_653 = arith.muli %scan3A_634, %mul3A_652 : i32
        %swap3A_654 = arith.constant 1 : i32
        %swap3A_655 = arith.index_cast %swap3A_654 : i32 to index
        %swap3A_656 = arith.index_cast %scan3A_593 : i32 to index
        %swap3A_657 = arith.index_cast %mul3A_653 : i32 to index
        %swap3A_658 = tpu.vector_load %arg11[%swap3A_655, %swap3A_656, %swap3A_657] {strides = array<i32>} : memref<2x16x1024xf32, #tpu.memory_space<vmem>>, vector<16xf32>,
        tpu.vector_store %arg11[%swap3A_655, %swap3A_656, %swap3A_657], %add3A_651 {strides = array<i32>} : memref<2x16x1024xf32, #tpu.memory_space<vmem>>, vector<16xf32>,
        %scan3A_659 = arith.constant 2 : i32
        %scan3A_660 = arith.addi %scan3A_609, %scan3A_659 : i32
        %mul3A_661 = arith.constant 16 : i32
        %mul3A_662 = arith.muli %scan3A_660, %mul3A_661 : i32
        %get3A_663 = arith.constant 1 : i32
        %get3A_664 = arith.index_cast %get3A_663 : i32 to index
        %get3A_665 = arith.index_cast %scan3A_593 : i32 to index
        %get3A_666 = arith.index_cast %mul3A_662 : i32 to index
        %get3A_667 = tpu.vector_load %arg9[%get3A_664, %get3A_665, %get3A_666] {strides = array<i32>} : memref<2x16x1024xf32, #tpu.memory_space<vmem>>, vector<16xf32>,
        %mul3A_668 = arith.constant 16 : i32
        %mul3A_669 = arith.muli %scan3A_660, %mul3A_668 : i32
        %get3A_670 = arith.constant 1 : i32
        %get3A_671 = arith.index_cast %get3A_670 : i32 to index
        %get3A_672 = arith.index_cast %scan3A_593 : i32 to index
        %get3A_673 = arith.index_cast %mul3A_669 : i32 to index
        %get3A_674 = tpu.vector_load %arg10[%get3A_671, %get3A_672, %get3A_673] {strides = array<i32>} : memref<2x16x1024xf32, #tpu.memory_space<vmem>>, vector<16xf32>,
        %mul3A_675 = arith.mulf %gather3A, %get3A_667 : vector<16xf32>
        %mul3A_676 = arith.mulf %gather3A_602, %get3A_674 : vector<16xf32>
        %add3A_677 = arith.addf %mul3A_675, %mul3A_676 : vector<16xf32>
        %mul3A_678 = arith.constant 16 : i32
        %mul3A_679 = arith.muli %scan3A_660, %mul3A_678 : i32
        %swap3A_680 = arith.constant 1 : i32
        %swap3A_681 = arith.index_cast %swap3A_680 : i32 to index
        %swap3A_682 = arith.index_cast %scan3A_593 : i32 to index
        %swap3A_683 = arith.index_cast %mul3A_679 : i32 to index
        %swap3A_684 = tpu.vector_load %arg11[%swap3A_681, %swap3A_682, %swap3A_683] {strides = array<i32>} : memref<2x16x1024xf32, #tpu.memory_space<vmem>>, vector<16xf32>,
        tpu.vector_store %arg11[%swap3A_681, %swap3A_682, %swap3A_683], %add3A_677 {strides = array<i32>} : memref<2x16x1024xf32, #tpu.memory_space<vmem>>, vector<16xf32>,
        %scan3A_685 = arith.constant 3 : i32
        %scan3A_686 = arith.addi %scan3A_609, %scan3A_685 : i32
        %mul3A_687 = arith.constant 16 : i32
        %mul3A_688 = arith.muli %scan3A_686, %mul3A_687 : i32
        %get3A_689 = arith.constant 1 : i32
        %get3A_690 = arith.index_cast %get3A_689 : i32 to index
        %get3A_691 = arith.index_cast %scan3A_593 : i32 to index
        %get3A_692 = arith.index_cast %mul3A_688 : i32 to index
        %get3A_693 = tpu.vector_load %arg9[%get3A_690, %get3A_691, %get3A_692] {strides = array<i32>} : memref<2x16x1024xf32, #tpu.memory_space<vmem>>, vector<16xf32>,
        %mul3A_694 = arith.constant 16 : i32
        %mul3A_695 = arith.muli %scan3A_686, %mul3A_694 : i32
        %get3A_696 = arith.constant 1 : i32
        %get3A_697 = arith.index_cast %get3A_696 : i32 to index
        %get3A_698 = arith.index_cast %scan3A_593 : i32 to index
        %get3A_699 = arith.index_cast %mul3A_695 : i32 to index
        %get3A_700 = tpu.vector_load %arg10[%get3A_697, %get3A_698, %get3A_699] {strides = array<i32>} : memref<2x16x1024xf32, #tpu.memory_space<vmem>>, vector<16xf32>,
        %mul3A_701 = arith.mulf %gather3A, %get3A_693 : vector<16xf32>
        %mul3A_702 = arith.mulf %gather3A_602, %get3A_700 : vector<16xf32>
        %add3A_703 = arith.addf %mul3A_701, %mul3A_702 : vector<16xf32>
        %mul3A_704 = arith.constant 16 : i32
        %mul3A_705 = arith.muli %scan3A_686, %mul3A_704 : i32
        %swap3A_706 = arith.constant 1 : i32
        %swap3A_707 = arith.index_cast %swap3A_706 : i32 to index
        %swap3A_708 = arith.index_cast %scan3A_593 : i32 to index
        %swap3A_709 = arith.index_cast %mul3A_705 : i32 to index
        %swap3A_710 = tpu.vector_load %arg11[%swap3A_707, %swap3A_708, %swap3A_709] {strides = array<i32>} : memref<2x16x1024xf32, #tpu.memory_space<vmem>>, vector<16xf32>,
        tpu.vector_store %arg11[%swap3A_707, %swap3A_708, %swap3A_709], %add3A_703 {strides = array<i32>} : memref<2x16x1024xf32, #tpu.memory_space<vmem>>, vector<16xf32>,
      }
      %scan3A_608 = arith.constant 64 : i32
    }
    %scan3A_131 = arith.constant 16 : i32
    %add3A_132 = arith.constant 16 : i32
    %add3A_133 = arith.addi %mul3A_2, %add3A_132 : i32
    %dma_start3A_134 = arith.constant 1 : i32
    %dma_start3A_135 = arith.constant 0 : i32
    %dma_start3A_136 = arith.constant 0 : i32
    %dma_start3A_137 = tpu.memref_slice %arg11[%dma_start3A_134, %dma_start3A_135, %dma_start3A_136] : memref<2x16x1024xf32, #tpu.memory_space<vmem>> -> memref<1x16x1024xf32, #tpu.memory_space<vmem>>
    %dma_start3A_138 = tpu.memref_squeeze %dma_start3A_137 : memref<1x16x1024xf32, #tpu.memory_space<vmem>> -> memref<16x1024xf32, #tpu.memory_space<vmem>>
    %dma_start3A_139 = arith.constant 0 : i32
    %dma_start3A_140 = tpu.memref_slice %arg5[%add3A_133, %dma_start3A_139] : memref<4096x1024xf32, #tpu.memory_space<hbm>> -> memref<16x1024xf32, #tpu.memory_space<hbm>>
    %dma_start3A_141 = arith.constant 0 : i32
    %dma_start3A_142 = tpu.memref_slice %arg5[%add3A_133, %dma_start3A_141] : memref<4096x1024xf32, #tpu.memory_space<hbm>> -> memref<16x1024xf32, #tpu.memory_space<hbm>>
    %dma_start3A_143 = arith.constant 0 : i32
    %dma_start3A_144 = arith.constant 0 : i32
    %dma_start3A_145 = tpu.memref_slice %arg11[%dma_start3A_134, %dma_start3A_143, %dma_start3A_144] : memref<2x16x1024xf32, #tpu.memory_space<vmem>> -> memref<1x16x1024xf32, #tpu.memory_space<vmem>>
    %dma_start3A_146 = tpu.memref_squeeze %dma_start3A_145 : memref<1x16x1024xf32, #tpu.memory_space<vmem>> -> memref<16x1024xf32, #tpu.memory_space<vmem>>
    tpu.enqueue_dma source(%dma_start3A_146 : memref<16x1024xf32, #tpu.memory_space<vmem>>) target(%dma_start3A_142 : memref<16x1024xf32, #tpu.memory_space<hbm>>) target_semaphore(%arg17 : memref<!tpu.dma_semaphore, #tpu.memory_space<semaphore_mem>>)
    %get3A_147 = arith.constant 1 : i32
    %get3A_148 = arith.index_cast %get3A_147 : i32 to index
    %get3A_149 = arith.constant 16 : index
    %get3A_150 = tpu.vector_load %arg6[%get3A_148, %get3A_149] {strides = array<i32>} : memref<4x32xi32, #tpu.memory_space<vmem>>, vector<16xi32>,
    %dma_start3A_151 = arith.constant 1 : i32
    %dma_start3A_152 = arith.constant 0 : i32
    %dma_start3A_153 = arith.constant 0 : i32
    %dma_start3A_154 = tpu.memref_slice %arg9[%dma_start3A_151, %dma_start3A_152, %dma_start3A_153] : memref<2x16x1024xf32, #tpu.memory_space<vmem>> -> memref<1x16x1024xf32, #tpu.memory_space<vmem>>
    %dma_start3A_155 = tpu.memref_squeeze %dma_start3A_154 : memref<1x16x1024xf32, #tpu.memory_space<vmem>> -> memref<16x1024xf32, #tpu.memory_space<vmem>>
    %dma_start3A_156 = arith.constant 0 : i32
    %dma_start3A_157 = arith.constant 0 : i32
    %dma_start3A_158 = tpu.memref_slice %arg2[%dma_start3A_156, %dma_start3A_157] : memref<12800x1024xf32, #tpu.memory_space<hbm>> -> memref<12800x1024xf32, #tpu.memory_space<hbm>>
    tpu.enqueue_indirect_dma source(%dma_start3A_158 : memref<12800x1024xf32, #tpu.memory_space<hbm>>) target(%dma_start3A_155 : memref<16x1024xf32, #tpu.memory_space<vmem>>) offsets(%get3A_150 : vector<16xi32>) semaphore(%arg13 : memref<!tpu.dma_semaphore, #tpu.memory_space<semaphore_mem>>)
    %get3A_159 = arith.constant 1 : i32
    %get3A_160 = arith.index_cast %get3A_159 : i32 to index
    %get3A_161 = arith.constant 16 : index
    %get3A_162 = tpu.vector_load %arg7[%get3A_160, %get3A_161] {strides = array<i32>} : memref<4x32xi32, #tpu.memory_space<vmem>>, vector<16xi32>,
    %dma_start3A_163 = arith.constant 1 : i32
    %dma_start3A_164 = arith.constant 0 : i32
    %dma_start3A_165 = arith.constant 0 : i32
    %dma_start3A_166 = tpu.memref_slice %arg10[%dma_start3A_163, %dma_start3A_164, %dma_start3A_165] : memref<2x16x1024xf32, #tpu.memory_space<vmem>> -> memref<1x16x1024xf32, #tpu.memory_space<vmem>>
    %dma_start3A_167 = tpu.memref_squeeze %dma_start3A_166 : memref<1x16x1024xf32, #tpu.memory_space<vmem>> -> memref<16x1024xf32, #tpu.memory_space<vmem>>
    %dma_start3A_168 = arith.constant 0 : i32
    %dma_start3A_169 = arith.constant 0 : i32
    %dma_start3A_170 = tpu.memref_slice %arg2[%dma_start3A_168, %dma_start3A_169] : memref<12800x1024xf32, #tpu.memory_space<hbm>> -> memref<12800x1024xf32, #tpu.memory_space<hbm>>
    tpu.enqueue_indirect_dma source(%dma_start3A_170 : memref<12800x1024xf32, #tpu.memory_space<hbm>>) target(%dma_start3A_167 : memref<16x1024xf32, #tpu.memory_space<vmem>>) offsets(%get3A_162 : vector<16xi32>) semaphore(%arg15 : memref<!tpu.dma_semaphore, #tpu.memory_space<semaphore_mem>>)
    %dma_wait3A_171 = arith.constant 0 : i32
    %dma_wait3A_172 = arith.constant 0 : i32
    %dma_wait3A_173 = arith.constant 0 : i32
    %dma_wait3A_174 = tpu.memref_slice %arg9[%dma_wait3A_171, %dma_wait3A_172, %dma_wait3A_173] : memref<2x16x1024xf32, #tpu.memory_space<vmem>> -> memref<1x16x1024xf32, #tpu.memory_space<vmem>>
    %dma_wait3A_175 = tpu.memref_squeeze %dma_wait3A_174 : memref<1x16x1024xf32, #tpu.memory_space<vmem>> -> memref<16x1024xf32, #tpu.memory_space<vmem>>
    %dma_wait3A_176 = arith.constant 0 : i32
    %dma_wait3A_177 = arith.constant 0 : i32
    %dma_wait3A_178 = tpu.memref_slice %arg2[%dma_wait3A_176, %dma_wait3A_177] : memref<12800x1024xf32, #tpu.memory_space<hbm>> -> memref<12800x1024xf32, #tpu.memory_space<hbm>>
    tpu.wait_indirect_dma semaphore(%arg12 : memref<!tpu.dma_semaphore, #tpu.memory_space<semaphore_mem>>) src(%dma_wait3A_178 : memref<12800x1024xf32, #tpu.memory_space<hbm>>) dst(%dma_wait3A_175 : memref<16x1024xf32, #tpu.memory_space<vmem>>)
    %dma_wait3A_179 = arith.constant 0 : i32
    %dma_wait3A_180 = arith.constant 0 : i32
    %dma_wait3A_181 = arith.constant 0 : i32
    %dma_wait3A_182 = tpu.memref_slice %arg10[%dma_wait3A_179, %dma_wait3A_180, %dma_wait3A_181] : memref<2x16x1024xf32, #tpu.memory_space<vmem>> -> memref<1x16x1024xf32, #tpu.memory_space<vmem>>
    %dma_wait3A_183 = tpu.memref_squeeze %dma_wait3A_182 : memref<1x16x1024xf32, #tpu.memory_space<vmem>> -> memref<16x1024xf32, #tpu.memory_space<vmem>>
    %dma_wait3A_184 = arith.constant 0 : i32
    %dma_wait3A_185 = arith.constant 0 : i32
    %dma_wait3A_186 = tpu.memref_slice %arg2[%dma_wait3A_184, %dma_wait3A_185] : memref<12800x1024xf32, #tpu.memory_space<hbm>> -> memref<12800x1024xf32, #tpu.memory_space<hbm>>
    tpu.wait_indirect_dma semaphore(%arg14 : memref<!tpu.dma_semaphore, #tpu.memory_space<semaphore_mem>>) src(%dma_wait3A_186 : memref<12800x1024xf32, #tpu.memory_space<hbm>>) dst(%dma_wait3A_183 : memref<16x1024xf32, #tpu.memory_space<vmem>>)
    %dma_wait3A_187 = arith.constant 0 : i32
    %dma_wait3A_188 = arith.constant 0 : i32
    %dma_wait3A_189 = arith.constant 0 : i32
    %dma_wait3A_190 = tpu.memref_slice %arg11[%dma_wait3A_187, %dma_wait3A_188, %dma_wait3A_189] : memref<2x16x1024xf32, #tpu.memory_space<vmem>> -> memref<1x16x1024xf32, #tpu.memory_space<vmem>>
    %dma_wait3A_191 = tpu.memref_squeeze %dma_wait3A_190 : memref<1x16x1024xf32, #tpu.memory_space<vmem>> -> memref<16x1024xf32, #tpu.memory_space<vmem>>
    %dma_wait3A_192 = arith.constant 0 : i32
    %dma_wait3A_193 = tpu.memref_slice %arg5[%add3A_72, %dma_wait3A_192] : memref<4096x1024xf32, #tpu.memory_space<hbm>> -> memref<16x1024xf32, #tpu.memory_space<hbm>>
    %dma_wait3A_194 = arith.constant 0 : i32
    %dma_wait3A_195 = tpu.memref_slice %arg5[%add3A_72, %dma_wait3A_194] : memref<4096x1024xf32, #tpu.memory_space<hbm>> -> memref<16x1024xf32, #tpu.memory_space<hbm>>
    %dma_wait3A_196 = arith.constant 0 : i32
    %dma_wait3A_197 = arith.constant 0 : i32
    %dma_wait3A_198 = tpu.memref_slice %arg11[%dma_wait3A_187, %dma_wait3A_196, %dma_wait3A_197] : memref<2x16x1024xf32, #tpu.memory_space<vmem>> -> memref<1x16x1024xf32, #tpu.memory_space<vmem>>
    %dma_wait3A_199 = tpu.memref_squeeze %dma_wait3A_198 : memref<1x16x1024xf32, #tpu.memory_space<vmem>> -> memref<16x1024xf32, #tpu.memory_space<vmem>>
    tpu.wait_dma2 semaphore(%arg16 : memref<!tpu.dma_semaphore, #tpu.memory_space<semaphore_mem>>) src(%dma_wait3A_199 : memref<16x1024xf32, #tpu.memory_space<vmem>>) dst(%dma_wait3A_195 : memref<16x1024xf32, #tpu.memory_space<hbm>>)
    %scan3A_200 = arith.constant 0 : i32
    %scan3A_201 = arith.constant 0 : i32
    %scan3A_202 = arith.constant 16 : i32
    %scan3A_203 = arith.addi %scan3A_201, %scan3A_202 : i32
    %scan3A_204 = arith.constant 1 : i32
    scf.for %scan3A_593 = %scan3A_201 to %scan3A_203 step %scan3A_204  : i32 {
      %broadcast_in_dim3A = arith.constant 0 : i32
      %broadcast_in_dim3A_594 = vector.broadcast %broadcast_in_dim3A : i32 to vector<16xi32>
      %add3A_595 = arith.constant 32 : i32
      %add3A_596 = arith.addi %add3A_595, %scan3A_593 : i32
      %add3A_597 = vector.broadcast %add3A_596 : i32 to vector<16xi32>
      %add3A_598 = arith.addi %broadcast_in_dim3A_594, %add3A_597 : vector<16xi32>
      %gather3A = tpu.vector_load_idx %arg8[%broadcast_in_dim3A_594, %add3A_598] : memref<2x128xf32, #tpu.memory_space<vmem>>[vector<16xi32>, vector<16xi32>], vector<16xf32>,
      %add3A_599 = arith.constant 1 : i32
      %add3A_600 = vector.broadcast %add3A_599 : i32 to vector<16xi32>
      %add3A_601 = arith.addi %broadcast_in_dim3A_594, %add3A_600 : vector<16xi32>
      %gather3A_602 = tpu.vector_load_idx %arg8[%add3A_601, %add3A_598] : memref<2x128xf32, #tpu.memory_space<vmem>>[vector<16xi32>, vector<16xi32>], vector<16xf32>,
      %scan3A_603 = arith.constant 0 : i32
      %scan3A_604 = arith.constant 0 : i32
      %scan3A_605 = arith.constant 64 : i32
      %scan3A_606 = arith.addi %scan3A_604, %scan3A_605 : i32
      %scan3A_607 = arith.constant 4 : i32
      scf.for %scan3A_609 = %scan3A_604 to %scan3A_606 step %scan3A_607  : i32 {
        %mul3A_610 = arith.constant 16 : i32
        %mul3A_611 = arith.muli %scan3A_609, %mul3A_610 : i32
        %get3A_612 = arith.constant 0 : i32
        %get3A_613 = arith.index_cast %get3A_612 : i32 to index
        %get3A_614 = arith.index_cast %scan3A_593 : i32 to index
        %get3A_615 = arith.index_cast %mul3A_611 : i32 to index
        %get3A_616 = tpu.vector_load %arg9[%get3A_613, %get3A_614, %get3A_615] {strides = array<i32>} : memref<2x16x1024xf32, #tpu.memory_space<vmem>>, vector<16xf32>,
        %mul3A_617 = arith.constant 16 : i32
        %mul3A_618 = arith.muli %scan3A_609, %mul3A_617 : i32
        %get3A_619 = arith.constant 0 : i32
        %get3A_620 = arith.index_cast %get3A_619 : i32 to index
        %get3A_621 = arith.index_cast %scan3A_593 : i32 to index
        %get3A_622 = arith.index_cast %mul3A_618 : i32 to index
        %get3A_623 = tpu.vector_load %arg10[%get3A_620, %get3A_621, %get3A_622] {strides = array<i32>} : memref<2x16x1024xf32, #tpu.memory_space<vmem>>, vector<16xf32>,
        %mul3A_624 = arith.mulf %gather3A, %get3A_616 : vector<16xf32>
        %mul3A_625 = arith.mulf %gather3A_602, %get3A_623 : vector<16xf32>
        %add3A_626 = arith.addf %mul3A_624, %mul3A_625 : vector<16xf32>
        %mul3A_627 = arith.constant 16 : i32
        %mul3A_628 = arith.muli %scan3A_609, %mul3A_627 : i32
        %swap3A = arith.constant 0 : i32
        %swap3A_629 = arith.index_cast %swap3A : i32 to index
        %swap3A_630 = arith.index_cast %scan3A_593 : i32 to index
        %swap3A_631 = arith.index_cast %mul3A_628 : i32 to index
        %swap3A_632 = tpu.vector_load %arg11[%swap3A_629, %swap3A_630, %swap3A_631] {strides = array<i32>} : memref<2x16x1024xf32, #tpu.memory_space<vmem>>, vector<16xf32>,
        tpu.vector_store %arg11[%swap3A_629, %swap3A_630, %swap3A_631], %add3A_626 {strides = array<i32>} : memref<2x16x1024xf32, #tpu.memory_space<vmem>>, vector<16xf32>,
        %scan3A_633 = arith.constant 1 : i32
        %scan3A_634 = arith.addi %scan3A_609, %scan3A_633 : i32
        %mul3A_635 = arith.constant 16 : i32
        %mul3A_636 = arith.muli %scan3A_634, %mul3A_635 : i32
        %get3A_637 = arith.constant 0 : i32
        %get3A_638 = arith.index_cast %get3A_637 : i32 to index
        %get3A_639 = arith.index_cast %scan3A_593 : i32 to index
        %get3A_640 = arith.index_cast %mul3A_636 : i32 to index
        %get3A_641 = tpu.vector_load %arg9[%get3A_638, %get3A_639, %get3A_640] {strides = array<i32>} : memref<2x16x1024xf32, #tpu.memory_space<vmem>>, vector<16xf32>,
        %mul3A_642 = arith.constant 16 : i32
        %mul3A_643 = arith.muli %scan3A_634, %mul3A_642 : i32
        %get3A_644 = arith.constant 0 : i32
        %get3A_645 = arith.index_cast %get3A_644 : i32 to index
        %get3A_646 = arith.index_cast %scan3A_593 : i32 to index
        %get3A_647 = arith.index_cast %mul3A_643 : i32 to index
        %get3A_648 = tpu.vector_load %arg10[%get3A_645, %get3A_646, %get3A_647] {strides = array<i32>} : memref<2x16x1024xf32, #tpu.memory_space<vmem>>, vector<16xf32>,
        %mul3A_649 = arith.mulf %gather3A, %get3A_641 : vector<16xf32>
        %mul3A_650 = arith.mulf %gather3A_602, %get3A_648 : vector<16xf32>
        %add3A_651 = arith.addf %mul3A_649, %mul3A_650 : vector<16xf32>
        %mul3A_652 = arith.constant 16 : i32
        %mul3A_653 = arith.muli %scan3A_634, %mul3A_652 : i32
        %swap3A_654 = arith.constant 0 : i32
        %swap3A_655 = arith.index_cast %swap3A_654 : i32 to index
        %swap3A_656 = arith.index_cast %scan3A_593 : i32 to index
        %swap3A_657 = arith.index_cast %mul3A_653 : i32 to index
        %swap3A_658 = tpu.vector_load %arg11[%swap3A_655, %swap3A_656, %swap3A_657] {strides = array<i32>} : memref<2x16x1024xf32, #tpu.memory_space<vmem>>, vector<16xf32>,
        tpu.vector_store %arg11[%swap3A_655, %swap3A_656, %swap3A_657], %add3A_651 {strides = array<i32>} : memref<2x16x1024xf32, #tpu.memory_space<vmem>>, vector<16xf32>,
        %scan3A_659 = arith.constant 2 : i32
        %scan3A_660 = arith.addi %scan3A_609, %scan3A_659 : i32
        %mul3A_661 = arith.constant 16 : i32
        %mul3A_662 = arith.muli %scan3A_660, %mul3A_661 : i32
        %get3A_663 = arith.constant 0 : i32
        %get3A_664 = arith.index_cast %get3A_663 : i32 to index
        %get3A_665 = arith.index_cast %scan3A_593 : i32 to index
        %get3A_666 = arith.index_cast %mul3A_662 : i32 to index
        %get3A_667 = tpu.vector_load %arg9[%get3A_664, %get3A_665, %get3A_666] {strides = array<i32>} : memref<2x16x1024xf32, #tpu.memory_space<vmem>>, vector<16xf32>,
        %mul3A_668 = arith.constant 16 : i32
        %mul3A_669 = arith.muli %scan3A_660, %mul3A_668 : i32
        %get3A_670 = arith.constant 0 : i32
        %get3A_671 = arith.index_cast %get3A_670 : i32 to index
        %get3A_672 = arith.index_cast %scan3A_593 : i32 to index
        %get3A_673 = arith.index_cast %mul3A_669 : i32 to index
        %get3A_674 = tpu.vector_load %arg10[%get3A_671, %get3A_672, %get3A_673] {strides = array<i32>} : memref<2x16x1024xf32, #tpu.memory_space<vmem>>, vector<16xf32>,
        %mul3A_675 = arith.mulf %gather3A, %get3A_667 : vector<16xf32>
        %mul3A_676 = arith.mulf %gather3A_602, %get3A_674 : vector<16xf32>
        %add3A_677 = arith.addf %mul3A_675, %mul3A_676 : vector<16xf32>
        %mul3A_678 = arith.constant 16 : i32
        %mul3A_679 = arith.muli %scan3A_660, %mul3A_678 : i32
        %swap3A_680 = arith.constant 0 : i32
        %swap3A_681 = arith.index_cast %swap3A_680 : i32 to index
        %swap3A_682 = arith.index_cast %scan3A_593 : i32 to index
        %swap3A_683 = arith.index_cast %mul3A_679 : i32 to index
        %swap3A_684 = tpu.vector_load %arg11[%swap3A_681, %swap3A_682, %swap3A_683] {strides = array<i32>} : memref<2x16x1024xf32, #tpu.memory_space<vmem>>, vector<16xf32>,
        tpu.vector_store %arg11[%swap3A_681, %swap3A_682, %swap3A_683], %add3A_677 {strides = array<i32>} : memref<2x16x1024xf32, #tpu.memory_space<vmem>>, vector<16xf32>,
        %scan3A_685 = arith.constant 3 : i32
        %scan3A_686 = arith.addi %scan3A_609, %scan3A_685 : i32
        %mul3A_687 = arith.constant 16 : i32
        %mul3A_688 = arith.muli %scan3A_686, %mul3A_687 : i32
        %get3A_689 = arith.constant 0 : i32
        %get3A_690 = arith.index_cast %get3A_689 : i32 to index
        %get3A_691 = arith.index_cast %scan3A_593 : i32 to index
        %get3A_692 = arith.index_cast %mul3A_688 : i32 to index
        %get3A_693 = tpu.vector_load %arg9[%get3A_690, %get3A_691, %get3A_692] {strides = array<i32>} : memref<2x16x1024xf32, #tpu.memory_space<vmem>>, vector<16xf32>,
        %mul3A_694 = arith.constant 16 : i32
        %mul3A_695 = arith.muli %scan3A_686, %mul3A_694 : i32
        %get3A_696 = arith.constant 0 : i32
        %get3A_697 = arith.index_cast %get3A_696 : i32 to index
        %get3A_698 = arith.index_cast %scan3A_593 : i32 to index
        %get3A_699 = arith.index_cast %mul3A_695 : i32 to index
        %get3A_700 = tpu.vector_load %arg10[%get3A_697, %get3A_698, %get3A_699] {strides = array<i32>} : memref<2x16x1024xf32, #tpu.memory_space<vmem>>, vector<16xf32>,
        %mul3A_701 = arith.mulf %gather3A, %get3A_693 : vector<16xf32>
        %mul3A_702 = arith.mulf %gather3A_602, %get3A_700 : vector<16xf32>
        %add3A_703 = arith.addf %mul3A_701, %mul3A_702 : vector<16xf32>
        %mul3A_704 = arith.constant 16 : i32
        %mul3A_705 = arith.muli %scan3A_686, %mul3A_704 : i32
        %swap3A_706 = arith.constant 0 : i32
        %swap3A_707 = arith.index_cast %swap3A_706 : i32 to index
        %swap3A_708 = arith.index_cast %scan3A_593 : i32 to index
        %swap3A_709 = arith.index_cast %mul3A_705 : i32 to index
        %swap3A_710 = tpu.vector_load %arg11[%swap3A_707, %swap3A_708, %swap3A_709] {strides = array<i32>} : memref<2x16x1024xf32, #tpu.memory_space<vmem>>, vector<16xf32>,
        tpu.vector_store %arg11[%swap3A_707, %swap3A_708, %swap3A_709], %add3A_703 {strides = array<i32>} : memref<2x16x1024xf32, #tpu.memory_space<vmem>>, vector<16xf32>,
      }
      %scan3A_608 = arith.constant 64 : i32
    }
    %scan3A_205 = arith.constant 16 : i32
    %add3A_206 = arith.constant 32 : i32
    %add3A_207 = arith.addi %mul3A_2, %add3A_206 : i32
    %dma_start3A_208 = arith.constant 0 : i32
    %dma_start3A_209 = arith.constant 0 : i32
    %dma_start3A_210 = arith.constant 0 : i32
    %dma_start3A_211 = tpu.memref_slice %arg11[%dma_start3A_208, %dma_start3A_209, %dma_start3A_210] : memref<2x16x1024xf32, #tpu.memory_space<vmem>> -> memref<1x16x1024xf32, #tpu.memory_space<vmem>>
    %dma_start3A_212 = tpu.memref_squeeze %dma_start3A_211 : memref<1x16x1024xf32, #tpu.memory_space<vmem>> -> memref<16x1024xf32, #tpu.memory_space<vmem>>
    %dma_start3A_213 = arith.constant 0 : i32
    %dma_start3A_214 = tpu.memref_slice %arg5[%add3A_207, %dma_start3A_213] : memref<4096x1024xf32, #tpu.memory_space<hbm>> -> memref<16x1024xf32, #tpu.memory_space<hbm>>
    %dma_start3A_215 = arith.constant 0 : i32
    %dma_start3A_216 = tpu.memref_slice %arg5[%add3A_207, %dma_start3A_215] : memref<4096x1024xf32, #tpu.memory_space<hbm>> -> memref<16x1024xf32, #tpu.memory_space<hbm>>
    %dma_start3A_217 = arith.constant 0 : i32
    %dma_start3A_218 = arith.constant 0 : i32
    %dma_start3A_219 = tpu.memref_slice %arg11[%dma_start3A_208, %dma_start3A_217, %dma_start3A_218] : memref<2x16x1024xf32, #tpu.memory_space<vmem>> -> memref<1x16x1024xf32, #tpu.memory_space<vmem>>
    %dma_start3A_220 = tpu.memref_squeeze %dma_start3A_219 : memref<1x16x1024xf32, #tpu.memory_space<vmem>> -> memref<16x1024xf32, #tpu.memory_space<vmem>>
    tpu.enqueue_dma source(%dma_start3A_220 : memref<16x1024xf32, #tpu.memory_space<vmem>>) target(%dma_start3A_216 : memref<16x1024xf32, #tpu.memory_space<hbm>>) target_semaphore(%arg16 : memref<!tpu.dma_semaphore, #tpu.memory_space<semaphore_mem>>)
    %get3A_221 = arith.constant 2 : i32
    %get3A_222 = arith.index_cast %get3A_221 : i32 to index
    %get3A_223 = arith.constant 0 : index
    %get3A_224 = tpu.vector_load %arg6[%get3A_222, %get3A_223] {strides = array<i32>} : memref<4x32xi32, #tpu.memory_space<vmem>>, vector<16xi32>,
    %dma_start3A_225 = arith.constant 0 : i32
    %dma_start3A_226 = arith.constant 0 : i32
    %dma_start3A_227 = arith.constant 0 : i32
    %dma_start3A_228 = tpu.memref_slice %arg9[%dma_start3A_225, %dma_start3A_226, %dma_start3A_227] : memref<2x16x1024xf32, #tpu.memory_space<vmem>> -> memref<1x16x1024xf32, #tpu.memory_space<vmem>>
    %dma_start3A_229 = tpu.memref_squeeze %dma_start3A_228 : memref<1x16x1024xf32, #tpu.memory_space<vmem>> -> memref<16x1024xf32, #tpu.memory_space<vmem>>
    %dma_start3A_230 = arith.constant 0 : i32
    %dma_start3A_231 = arith.constant 0 : i32
    %dma_start3A_232 = tpu.memref_slice %arg2[%dma_start3A_230, %dma_start3A_231] : memref<12800x1024xf32, #tpu.memory_space<hbm>> -> memref<12800x1024xf32, #tpu.memory_space<hbm>>
    tpu.enqueue_indirect_dma source(%dma_start3A_232 : memref<12800x1024xf32, #tpu.memory_space<hbm>>) target(%dma_start3A_229 : memref<16x1024xf32, #tpu.memory_space<vmem>>) offsets(%get3A_224 : vector<16xi32>) semaphore(%arg12 : memref<!tpu.dma_semaphore, #tpu.memory_space<semaphore_mem>>)
    %get3A_233 = arith.constant 2 : i32
    %get3A_234 = arith.index_cast %get3A_233 : i32 to index
    %get3A_235 = arith.constant 0 : index
    %get3A_236 = tpu.vector_load %arg7[%get3A_234, %get3A_235] {strides = array<i32>} : memref<4x32xi32, #tpu.memory_space<vmem>>, vector<16xi32>,
    %dma_start3A_237 = arith.constant 0 : i32
    %dma_start3A_238 = arith.constant 0 : i32
    %dma_start3A_239 = arith.constant 0 : i32
    %dma_start3A_240 = tpu.memref_slice %arg10[%dma_start3A_237, %dma_start3A_238, %dma_start3A_239] : memref<2x16x1024xf32, #tpu.memory_space<vmem>> -> memref<1x16x1024xf32, #tpu.memory_space<vmem>>
    %dma_start3A_241 = tpu.memref_squeeze %dma_start3A_240 : memref<1x16x1024xf32, #tpu.memory_space<vmem>> -> memref<16x1024xf32, #tpu.memory_space<vmem>>
    %dma_start3A_242 = arith.constant 0 : i32
    %dma_start3A_243 = arith.constant 0 : i32
    %dma_start3A_244 = tpu.memref_slice %arg2[%dma_start3A_242, %dma_start3A_243] : memref<12800x1024xf32, #tpu.memory_space<hbm>> -> memref<12800x1024xf32, #tpu.memory_space<hbm>>
    tpu.enqueue_indirect_dma source(%dma_start3A_244 : memref<12800x1024xf32, #tpu.memory_space<hbm>>) target(%dma_start3A_241 : memref<16x1024xf32, #tpu.memory_space<vmem>>) offsets(%get3A_236 : vector<16xi32>) semaphore(%arg14 : memref<!tpu.dma_semaphore, #tpu.memory_space<semaphore_mem>>)
    %dma_wait3A_245 = arith.constant 1 : i32
    %dma_wait3A_246 = arith.constant 0 : i32
    %dma_wait3A_247 = arith.constant 0 : i32
    %dma_wait3A_248 = tpu.memref_slice %arg9[%dma_wait3A_245, %dma_wait3A_246, %dma_wait3A_247] : memref<2x16x1024xf32, #tpu.memory_space<vmem>> -> memref<1x16x1024xf32, #tpu.memory_space<vmem>>
    %dma_wait3A_249 = tpu.memref_squeeze %dma_wait3A_248 : memref<1x16x1024xf32, #tpu.memory_space<vmem>> -> memref<16x1024xf32, #tpu.memory_space<vmem>>
    %dma_wait3A_250 = arith.constant 0 : i32
    %dma_wait3A_251 = arith.constant 0 : i32
    %dma_wait3A_252 = tpu.memref_slice %arg2[%dma_wait3A_250, %dma_wait3A_251] : memref<12800x1024xf32, #tpu.memory_space<hbm>> -> memref<12800x1024xf32, #tpu.memory_space<hbm>>
    tpu.wait_indirect_dma semaphore(%arg13 : memref<!tpu.dma_semaphore, #tpu.memory_space<semaphore_mem>>) src(%dma_wait3A_252 : memref<12800x1024xf32, #tpu.memory_space<hbm>>) dst(%dma_wait3A_249 : memref<16x1024xf32, #tpu.memory_space<vmem>>)
    %dma_wait3A_253 = arith.constant 1 : i32
    %dma_wait3A_254 = arith.constant 0 : i32
    %dma_wait3A_255 = arith.constant 0 : i32
    %dma_wait3A_256 = tpu.memref_slice %arg10[%dma_wait3A_253, %dma_wait3A_254, %dma_wait3A_255] : memref<2x16x1024xf32, #tpu.memory_space<vmem>> -> memref<1x16x1024xf32, #tpu.memory_space<vmem>>
    %dma_wait3A_257 = tpu.memref_squeeze %dma_wait3A_256 : memref<1x16x1024xf32, #tpu.memory_space<vmem>> -> memref<16x1024xf32, #tpu.memory_space<vmem>>
    %dma_wait3A_258 = arith.constant 0 : i32
    %dma_wait3A_259 = arith.constant 0 : i32
    %dma_wait3A_260 = tpu.memref_slice %arg2[%dma_wait3A_258, %dma_wait3A_259] : memref<12800x1024xf32, #tpu.memory_space<hbm>> -> memref<12800x1024xf32, #tpu.memory_space<hbm>>
    tpu.wait_indirect_dma semaphore(%arg15 : memref<!tpu.dma_semaphore, #tpu.memory_space<semaphore_mem>>) src(%dma_wait3A_260 : memref<12800x1024xf32, #tpu.memory_space<hbm>>) dst(%dma_wait3A_257 : memref<16x1024xf32, #tpu.memory_space<vmem>>)
    %dma_wait3A_261 = arith.constant 1 : i32
    %dma_wait3A_262 = arith.constant 0 : i32
    %dma_wait3A_263 = arith.constant 0 : i32
    %dma_wait3A_264 = tpu.memref_slice %arg11[%dma_wait3A_261, %dma_wait3A_262, %dma_wait3A_263] : memref<2x16x1024xf32, #tpu.memory_space<vmem>> -> memref<1x16x1024xf32, #tpu.memory_space<vmem>>
    %dma_wait3A_265 = tpu.memref_squeeze %dma_wait3A_264 : memref<1x16x1024xf32, #tpu.memory_space<vmem>> -> memref<16x1024xf32, #tpu.memory_space<vmem>>
    %dma_wait3A_266 = arith.constant 0 : i32
    %dma_wait3A_267 = tpu.memref_slice %arg5[%add3A_133, %dma_wait3A_266] : memref<4096x1024xf32, #tpu.memory_space<hbm>> -> memref<16x1024xf32, #tpu.memory_space<hbm>>
    %dma_wait3A_268 = arith.constant 0 : i32
    %dma_wait3A_269 = tpu.memref_slice %arg5[%add3A_133, %dma_wait3A_268] : memref<4096x1024xf32, #tpu.memory_space<hbm>> -> memref<16x1024xf32, #tpu.memory_space<hbm>>
    %dma_wait3A_270 = arith.constant 0 : i32
    %dma_wait3A_271 = arith.constant 0 : i32
    %dma_wait3A_272 = tpu.memref_slice %arg11[%dma_wait3A_261, %dma_wait3A_270, %dma_wait3A_271] : memref<2x16x1024xf32, #tpu.memory_space<vmem>> -> memref<1x16x1024xf32, #tpu.memory_space<vmem>>
    %dma_wait3A_273 = tpu.memref_squeeze %dma_wait3A_272 : memref<1x16x1024xf32, #tpu.memory_space<vmem>> -> memref<16x1024xf32, #tpu.memory_space<vmem>>
    tpu.wait_dma2 semaphore(%arg17 : memref<!tpu.dma_semaphore, #tpu.memory_space<semaphore_mem>>) src(%dma_wait3A_273 : memref<16x1024xf32, #tpu.memory_space<vmem>>) dst(%dma_wait3A_269 : memref<16x1024xf32, #tpu.memory_space<hbm>>)
    %scan3A_274 = arith.constant 0 : i32
    %scan3A_275 = arith.constant 0 : i32
    %scan3A_276 = arith.constant 16 : i32
    %scan3A_277 = arith.addi %scan3A_275, %scan3A_276 : i32
    %scan3A_278 = arith.constant 1 : i32
    scf.for %scan3A_593 = %scan3A_275 to %scan3A_277 step %scan3A_278  : i32 {
      %broadcast_in_dim3A = arith.constant 0 : i32
      %broadcast_in_dim3A_594 = vector.broadcast %broadcast_in_dim3A : i32 to vector<16xi32>
      %add3A_595 = arith.constant 48 : i32
      %add3A_596 = arith.addi %add3A_595, %scan3A_593 : i32
      %add3A_597 = vector.broadcast %add3A_596 : i32 to vector<16xi32>
      %add3A_598 = arith.addi %broadcast_in_dim3A_594, %add3A_597 : vector<16xi32>
      %gather3A = tpu.vector_load_idx %arg8[%broadcast_in_dim3A_594, %add3A_598] : memref<2x128xf32, #tpu.memory_space<vmem>>[vector<16xi32>, vector<16xi32>], vector<16xf32>,
      %add3A_599 = arith.constant 1 : i32
      %add3A_600 = vector.broadcast %add3A_599 : i32 to vector<16xi32>
      %add3A_601 = arith.addi %broadcast_in_dim3A_594, %add3A_600 : vector<16xi32>
      %gather3A_602 = tpu.vector_load_idx %arg8[%add3A_601, %add3A_598] : memref<2x128xf32, #tpu.memory_space<vmem>>[vector<16xi32>, vector<16xi32>], vector<16xf32>,
      %scan3A_603 = arith.constant 0 : i32
      %scan3A_604 = arith.constant 0 : i32
      %scan3A_605 = arith.constant 64 : i32
      %scan3A_606 = arith.addi %scan3A_604, %scan3A_605 : i32
      %scan3A_607 = arith.constant 4 : i32
      scf.for %scan3A_609 = %scan3A_604 to %scan3A_606 step %scan3A_607  : i32 {
        %mul3A_610 = arith.constant 16 : i32
        %mul3A_611 = arith.muli %scan3A_609, %mul3A_610 : i32
        %get3A_612 = arith.constant 1 : i32
        %get3A_613 = arith.index_cast %get3A_612 : i32 to index
        %get3A_614 = arith.index_cast %scan3A_593 : i32 to index
        %get3A_615 = arith.index_cast %mul3A_611 : i32 to index
        %get3A_616 = tpu.vector_load %arg9[%get3A_613, %get3A_614, %get3A_615] {strides = array<i32>} : memref<2x16x1024xf32, #tpu.memory_space<vmem>>, vector<16xf32>,
        %mul3A_617 = arith.constant 16 : i32
        %mul3A_618 = arith.muli %scan3A_609, %mul3A_617 : i32
        %get3A_619 = arith.constant 1 : i32
        %get3A_620 = arith.index_cast %get3A_619 : i32 to index
        %get3A_621 = arith.index_cast %scan3A_593 : i32 to index
        %get3A_622 = arith.index_cast %mul3A_618 : i32 to index
        %get3A_623 = tpu.vector_load %arg10[%get3A_620, %get3A_621, %get3A_622] {strides = array<i32>} : memref<2x16x1024xf32, #tpu.memory_space<vmem>>, vector<16xf32>,
        %mul3A_624 = arith.mulf %gather3A, %get3A_616 : vector<16xf32>
        %mul3A_625 = arith.mulf %gather3A_602, %get3A_623 : vector<16xf32>
        %add3A_626 = arith.addf %mul3A_624, %mul3A_625 : vector<16xf32>
        %mul3A_627 = arith.constant 16 : i32
        %mul3A_628 = arith.muli %scan3A_609, %mul3A_627 : i32
        %swap3A = arith.constant 1 : i32
        %swap3A_629 = arith.index_cast %swap3A : i32 to index
        %swap3A_630 = arith.index_cast %scan3A_593 : i32 to index
        %swap3A_631 = arith.index_cast %mul3A_628 : i32 to index
        %swap3A_632 = tpu.vector_load %arg11[%swap3A_629, %swap3A_630, %swap3A_631] {strides = array<i32>} : memref<2x16x1024xf32, #tpu.memory_space<vmem>>, vector<16xf32>,
        tpu.vector_store %arg11[%swap3A_629, %swap3A_630, %swap3A_631], %add3A_626 {strides = array<i32>} : memref<2x16x1024xf32, #tpu.memory_space<vmem>>, vector<16xf32>,
        %scan3A_633 = arith.constant 1 : i32
        %scan3A_634 = arith.addi %scan3A_609, %scan3A_633 : i32
        %mul3A_635 = arith.constant 16 : i32
        %mul3A_636 = arith.muli %scan3A_634, %mul3A_635 : i32
        %get3A_637 = arith.constant 1 : i32
        %get3A_638 = arith.index_cast %get3A_637 : i32 to index
        %get3A_639 = arith.index_cast %scan3A_593 : i32 to index
        %get3A_640 = arith.index_cast %mul3A_636 : i32 to index
        %get3A_641 = tpu.vector_load %arg9[%get3A_638, %get3A_639, %get3A_640] {strides = array<i32>} : memref<2x16x1024xf32, #tpu.memory_space<vmem>>, vector<16xf32>,
        %mul3A_642 = arith.constant 16 : i32
        %mul3A_643 = arith.muli %scan3A_634, %mul3A_642 : i32
        %get3A_644 = arith.constant 1 : i32
        %get3A_645 = arith.index_cast %get3A_644 : i32 to index
        %get3A_646 = arith.index_cast %scan3A_593 : i32 to index
        %get3A_647 = arith.index_cast %mul3A_643 : i32 to index
        %get3A_648 = tpu.vector_load %arg10[%get3A_645, %get3A_646, %get3A_647] {strides = array<i32>} : memref<2x16x1024xf32, #tpu.memory_space<vmem>>, vector<16xf32>,
        %mul3A_649 = arith.mulf %gather3A, %get3A_641 : vector<16xf32>
        %mul3A_650 = arith.mulf %gather3A_602, %get3A_648 : vector<16xf32>
        %add3A_651 = arith.addf %mul3A_649, %mul3A_650 : vector<16xf32>
        %mul3A_652 = arith.constant 16 : i32
        %mul3A_653 = arith.muli %scan3A_634, %mul3A_652 : i32
        %swap3A_654 = arith.constant 1 : i32
        %swap3A_655 = arith.index_cast %swap3A_654 : i32 to index
        %swap3A_656 = arith.index_cast %scan3A_593 : i32 to index
        %swap3A_657 = arith.index_cast %mul3A_653 : i32 to index
        %swap3A_658 = tpu.vector_load %arg11[%swap3A_655, %swap3A_656, %swap3A_657] {strides = array<i32>} : memref<2x16x1024xf32, #tpu.memory_space<vmem>>, vector<16xf32>,
        tpu.vector_store %arg11[%swap3A_655, %swap3A_656, %swap3A_657], %add3A_651 {strides = array<i32>} : memref<2x16x1024xf32, #tpu.memory_space<vmem>>, vector<16xf32>,
        %scan3A_659 = arith.constant 2 : i32
        %scan3A_660 = arith.addi %scan3A_609, %scan3A_659 : i32
        %mul3A_661 = arith.constant 16 : i32
        %mul3A_662 = arith.muli %scan3A_660, %mul3A_661 : i32
        %get3A_663 = arith.constant 1 : i32
        %get3A_664 = arith.index_cast %get3A_663 : i32 to index
        %get3A_665 = arith.index_cast %scan3A_593 : i32 to index
        %get3A_666 = arith.index_cast %mul3A_662 : i32 to index
        %get3A_667 = tpu.vector_load %arg9[%get3A_664, %get3A_665, %get3A_666] {strides = array<i32>} : memref<2x16x1024xf32, #tpu.memory_space<vmem>>, vector<16xf32>,
        %mul3A_668 = arith.constant 16 : i32
        %mul3A_669 = arith.muli %scan3A_660, %mul3A_668 : i32
        %get3A_670 = arith.constant 1 : i32
        %get3A_671 = arith.index_cast %get3A_670 : i32 to index
        %get3A_672 = arith.index_cast %scan3A_593 : i32 to index
        %get3A_673 = arith.index_cast %mul3A_669 : i32 to index
        %get3A_674 = tpu.vector_load %arg10[%get3A_671, %get3A_672, %get3A_673] {strides = array<i32>} : memref<2x16x1024xf32, #tpu.memory_space<vmem>>, vector<16xf32>,
        %mul3A_675 = arith.mulf %gather3A, %get3A_667 : vector<16xf32>
        %mul3A_676 = arith.mulf %gather3A_602, %get3A_674 : vector<16xf32>
        %add3A_677 = arith.addf %mul3A_675, %mul3A_676 : vector<16xf32>
        %mul3A_678 = arith.constant 16 : i32
        %mul3A_679 = arith.muli %scan3A_660, %mul3A_678 : i32
        %swap3A_680 = arith.constant 1 : i32
        %swap3A_681 = arith.index_cast %swap3A_680 : i32 to index
        %swap3A_682 = arith.index_cast %scan3A_593 : i32 to index
        %swap3A_683 = arith.index_cast %mul3A_679 : i32 to index
        %swap3A_684 = tpu.vector_load %arg11[%swap3A_681, %swap3A_682, %swap3A_683] {strides = array<i32>} : memref<2x16x1024xf32, #tpu.memory_space<vmem>>, vector<16xf32>,
        tpu.vector_store %arg11[%swap3A_681, %swap3A_682, %swap3A_683], %add3A_677 {strides = array<i32>} : memref<2x16x1024xf32, #tpu.memory_space<vmem>>, vector<16xf32>,
        %scan3A_685 = arith.constant 3 : i32
        %scan3A_686 = arith.addi %scan3A_609, %scan3A_685 : i32
        %mul3A_687 = arith.constant 16 : i32
        %mul3A_688 = arith.muli %scan3A_686, %mul3A_687 : i32
        %get3A_689 = arith.constant 1 : i32
        %get3A_690 = arith.index_cast %get3A_689 : i32 to index
        %get3A_691 = arith.index_cast %scan3A_593 : i32 to index
        %get3A_692 = arith.index_cast %mul3A_688 : i32 to index
        %get3A_693 = tpu.vector_load %arg9[%get3A_690, %get3A_691, %get3A_692] {strides = array<i32>} : memref<2x16x1024xf32, #tpu.memory_space<vmem>>, vector<16xf32>,
        %mul3A_694 = arith.constant 16 : i32
        %mul3A_695 = arith.muli %scan3A_686, %mul3A_694 : i32
        %get3A_696 = arith.constant 1 : i32
        %get3A_697 = arith.index_cast %get3A_696 : i32 to index
        %get3A_698 = arith.index_cast %scan3A_593 : i32 to index
        %get3A_699 = arith.index_cast %mul3A_695 : i32 to index
        %get3A_700 = tpu.vector_load %arg10[%get3A_697, %get3A_698, %get3A_699] {strides = array<i32>} : memref<2x16x1024xf32, #tpu.memory_space<vmem>>, vector<16xf32>,
        %mul3A_701 = arith.mulf %gather3A, %get3A_693 : vector<16xf32>
        %mul3A_702 = arith.mulf %gather3A_602, %get3A_700 : vector<16xf32>
        %add3A_703 = arith.addf %mul3A_701, %mul3A_702 : vector<16xf32>
        %mul3A_704 = arith.constant 16 : i32
        %mul3A_705 = arith.muli %scan3A_686, %mul3A_704 : i32
        %swap3A_706 = arith.constant 1 : i32
        %swap3A_707 = arith.index_cast %swap3A_706 : i32 to index
        %swap3A_708 = arith.index_cast %scan3A_593 : i32 to index
        %swap3A_709 = arith.index_cast %mul3A_705 : i32 to index
        %swap3A_710 = tpu.vector_load %arg11[%swap3A_707, %swap3A_708, %swap3A_709] {strides = array<i32>} : memref<2x16x1024xf32, #tpu.memory_space<vmem>>, vector<16xf32>,
        tpu.vector_store %arg11[%swap3A_707, %swap3A_708, %swap3A_709], %add3A_703 {strides = array<i32>} : memref<2x16x1024xf32, #tpu.memory_space<vmem>>, vector<16xf32>,
      }
      %scan3A_608 = arith.constant 64 : i32
    }
    %scan3A_279 = arith.constant 16 : i32
    %add3A_280 = arith.constant 48 : i32
    %add3A_281 = arith.addi %mul3A_2, %add3A_280 : i32
    %dma_start3A_282 = arith.constant 1 : i32
    %dma_start3A_283 = arith.constant 0 : i32
    %dma_start3A_284 = arith.constant 0 : i32
    %dma_start3A_285 = tpu.memref_slice %arg11[%dma_start3A_282, %dma_start3A_283, %dma_start3A_284] : memref<2x16x1024xf32, #tpu.memory_space<vmem>> -> memref<1x16x1024xf32, #tpu.memory_space<vmem>>
    %dma_start3A_286 = tpu.memref_squeeze %dma_start3A_285 : memref<1x16x1024xf32, #tpu.memory_space<vmem>> -> memref<16x1024xf32, #tpu.memory_space<vmem>>
    %dma_start3A_287 = arith.constant 0 : i32
    %dma_start3A_288 = tpu.memref_slice %arg5[%add3A_281, %dma_start3A_287] : memref<4096x1024xf32, #tpu.memory_space<hbm>> -> memref<16x1024xf32, #tpu.memory_space<hbm>>
    %dma_start3A_289 = arith.constant 0 : i32
    %dma_start3A_290 = tpu.memref_slice %arg5[%add3A_281, %dma_start3A_289] : memref<4096x1024xf32, #tpu.memory_space<hbm>> -> memref<16x1024xf32, #tpu.memory_space<hbm>>
    %dma_start3A_291 = arith.constant 0 : i32
    %dma_start3A_292 = arith.constant 0 : i32
    %dma_start3A_293 = tpu.memref_slice %arg11[%dma_start3A_282, %dma_start3A_291, %dma_start3A_292] : memref<2x16x1024xf32, #tpu.memory_space<vmem>> -> memref<1x16x1024xf32, #tpu.memory_space<vmem>>
    %dma_start3A_294 = tpu.memref_squeeze %dma_start3A_293 : memref<1x16x1024xf32, #tpu.memory_space<vmem>> -> memref<16x1024xf32, #tpu.memory_space<vmem>>
    tpu.enqueue_dma source(%dma_start3A_294 : memref<16x1024xf32, #tpu.memory_space<vmem>>) target(%dma_start3A_290 : memref<16x1024xf32, #tpu.memory_space<hbm>>) target_semaphore(%arg17 : memref<!tpu.dma_semaphore, #tpu.memory_space<semaphore_mem>>)
    %get3A_295 = arith.constant 2 : i32
    %get3A_296 = arith.index_cast %get3A_295 : i32 to index
    %get3A_297 = arith.constant 16 : index
    %get3A_298 = tpu.vector_load %arg6[%get3A_296, %get3A_297] {strides = array<i32>} : memref<4x32xi32, #tpu.memory_space<vmem>>, vector<16xi32>,
    %dma_start3A_299 = arith.constant 1 : i32
    %dma_start3A_300 = arith.constant 0 : i32
    %dma_start3A_301 = arith.constant 0 : i32
    %dma_start3A_302 = tpu.memref_slice %arg9[%dma_start3A_299, %dma_start3A_300, %dma_start3A_301] : memref<2x16x1024xf32, #tpu.memory_space<vmem>> -> memref<1x16x1024xf32, #tpu.memory_space<vmem>>
    %dma_start3A_303 = tpu.memref_squeeze %dma_start3A_302 : memref<1x16x1024xf32, #tpu.memory_space<vmem>> -> memref<16x1024xf32, #tpu.memory_space<vmem>>
    %dma_start3A_304 = arith.constant 0 : i32
    %dma_start3A_305 = arith.constant 0 : i32
    %dma_start3A_306 = tpu.memref_slice %arg2[%dma_start3A_304, %dma_start3A_305] : memref<12800x1024xf32, #tpu.memory_space<hbm>> -> memref<12800x1024xf32, #tpu.memory_space<hbm>>
    tpu.enqueue_indirect_dma source(%dma_start3A_306 : memref<12800x1024xf32, #tpu.memory_space<hbm>>) target(%dma_start3A_303 : memref<16x1024xf32, #tpu.memory_space<vmem>>) offsets(%get3A_298 : vector<16xi32>) semaphore(%arg13 : memref<!tpu.dma_semaphore, #tpu.memory_space<semaphore_mem>>)
    %get3A_307 = arith.constant 2 : i32
    %get3A_308 = arith.index_cast %get3A_307 : i32 to index
    %get3A_309 = arith.constant 16 : index
    %get3A_310 = tpu.vector_load %arg7[%get3A_308, %get3A_309] {strides = array<i32>} : memref<4x32xi32, #tpu.memory_space<vmem>>, vector<16xi32>,
    %dma_start3A_311 = arith.constant 1 : i32
    %dma_start3A_312 = arith.constant 0 : i32
    %dma_start3A_313 = arith.constant 0 : i32
    %dma_start3A_314 = tpu.memref_slice %arg10[%dma_start3A_311, %dma_start3A_312, %dma_start3A_313] : memref<2x16x1024xf32, #tpu.memory_space<vmem>> -> memref<1x16x1024xf32, #tpu.memory_space<vmem>>
    %dma_start3A_315 = tpu.memref_squeeze %dma_start3A_314 : memref<1x16x1024xf32, #tpu.memory_space<vmem>> -> memref<16x1024xf32, #tpu.memory_space<vmem>>
    %dma_start3A_316 = arith.constant 0 : i32
    %dma_start3A_317 = arith.constant 0 : i32
    %dma_start3A_318 = tpu.memref_slice %arg2[%dma_start3A_316, %dma_start3A_317] : memref<12800x1024xf32, #tpu.memory_space<hbm>> -> memref<12800x1024xf32, #tpu.memory_space<hbm>>
    tpu.enqueue_indirect_dma source(%dma_start3A_318 : memref<12800x1024xf32, #tpu.memory_space<hbm>>) target(%dma_start3A_315 : memref<16x1024xf32, #tpu.memory_space<vmem>>) offsets(%get3A_310 : vector<16xi32>) semaphore(%arg15 : memref<!tpu.dma_semaphore, #tpu.memory_space<semaphore_mem>>)
    %dma_wait3A_319 = arith.constant 0 : i32
    %dma_wait3A_320 = arith.constant 0 : i32
    %dma_wait3A_321 = arith.constant 0 : i32
    %dma_wait3A_322 = tpu.memref_slice %arg9[%dma_wait3A_319, %dma_wait3A_320, %dma_wait3A_321] : memref<2x16x1024xf32, #tpu.memory_space<vmem>> -> memref<1x16x1024xf32, #tpu.memory_space<vmem>>
    %dma_wait3A_323 = tpu.memref_squeeze %dma_wait3A_322 : memref<1x16x1024xf32, #tpu.memory_space<vmem>> -> memref<16x1024xf32, #tpu.memory_space<vmem>>
    %dma_wait3A_324 = arith.constant 0 : i32
    %dma_wait3A_325 = arith.constant 0 : i32
    %dma_wait3A_326 = tpu.memref_slice %arg2[%dma_wait3A_324, %dma_wait3A_325] : memref<12800x1024xf32, #tpu.memory_space<hbm>> -> memref<12800x1024xf32, #tpu.memory_space<hbm>>
    tpu.wait_indirect_dma semaphore(%arg12 : memref<!tpu.dma_semaphore, #tpu.memory_space<semaphore_mem>>) src(%dma_wait3A_326 : memref<12800x1024xf32, #tpu.memory_space<hbm>>) dst(%dma_wait3A_323 : memref<16x1024xf32, #tpu.memory_space<vmem>>)
    %dma_wait3A_327 = arith.constant 0 : i32
    %dma_wait3A_328 = arith.constant 0 : i32
    %dma_wait3A_329 = arith.constant 0 : i32
    %dma_wait3A_330 = tpu.memref_slice %arg10[%dma_wait3A_327, %dma_wait3A_328, %dma_wait3A_329] : memref<2x16x1024xf32, #tpu.memory_space<vmem>> -> memref<1x16x1024xf32, #tpu.memory_space<vmem>>
    %dma_wait3A_331 = tpu.memref_squeeze %dma_wait3A_330 : memref<1x16x1024xf32, #tpu.memory_space<vmem>> -> memref<16x1024xf32, #tpu.memory_space<vmem>>
    %dma_wait3A_332 = arith.constant 0 : i32
    %dma_wait3A_333 = arith.constant 0 : i32
    %dma_wait3A_334 = tpu.memref_slice %arg2[%dma_wait3A_332, %dma_wait3A_333] : memref<12800x1024xf32, #tpu.memory_space<hbm>> -> memref<12800x1024xf32, #tpu.memory_space<hbm>>
    tpu.wait_indirect_dma semaphore(%arg14 : memref<!tpu.dma_semaphore, #tpu.memory_space<semaphore_mem>>) src(%dma_wait3A_334 : memref<12800x1024xf32, #tpu.memory_space<hbm>>) dst(%dma_wait3A_331 : memref<16x1024xf32, #tpu.memory_space<vmem>>)
    %dma_wait3A_335 = arith.constant 0 : i32
    %dma_wait3A_336 = arith.constant 0 : i32
    %dma_wait3A_337 = arith.constant 0 : i32
    %dma_wait3A_338 = tpu.memref_slice %arg11[%dma_wait3A_335, %dma_wait3A_336, %dma_wait3A_337] : memref<2x16x1024xf32, #tpu.memory_space<vmem>> -> memref<1x16x1024xf32, #tpu.memory_space<vmem>>
    %dma_wait3A_339 = tpu.memref_squeeze %dma_wait3A_338 : memref<1x16x1024xf32, #tpu.memory_space<vmem>> -> memref<16x1024xf32, #tpu.memory_space<vmem>>
    %dma_wait3A_340 = arith.constant 0 : i32
    %dma_wait3A_341 = tpu.memref_slice %arg5[%add3A_207, %dma_wait3A_340] : memref<4096x1024xf32, #tpu.memory_space<hbm>> -> memref<16x1024xf32, #tpu.memory_space<hbm>>
    %dma_wait3A_342 = arith.constant 0 : i32
    %dma_wait3A_343 = tpu.memref_slice %arg5[%add3A_207, %dma_wait3A_342] : memref<4096x1024xf32, #tpu.memory_space<hbm>> -> memref<16x1024xf32, #tpu.memory_space<hbm>>
    %dma_wait3A_344 = arith.constant 0 : i32
    %dma_wait3A_345 = arith.constant 0 : i32
    %dma_wait3A_346 = tpu.memref_slice %arg11[%dma_wait3A_335, %dma_wait3A_344, %dma_wait3A_345] : memref<2x16x1024xf32, #tpu.memory_space<vmem>> -> memref<1x16x1024xf32, #tpu.memory_space<vmem>>
    %dma_wait3A_347 = tpu.memref_squeeze %dma_wait3A_346 : memref<1x16x1024xf32, #tpu.memory_space<vmem>> -> memref<16x1024xf32, #tpu.memory_space<vmem>>
    tpu.wait_dma2 semaphore(%arg16 : memref<!tpu.dma_semaphore, #tpu.memory_space<semaphore_mem>>) src(%dma_wait3A_347 : memref<16x1024xf32, #tpu.memory_space<vmem>>) dst(%dma_wait3A_343 : memref<16x1024xf32, #tpu.memory_space<hbm>>)
    %scan3A_348 = arith.constant 0 : i32
    %scan3A_349 = arith.constant 0 : i32
    %scan3A_350 = arith.constant 16 : i32
    %scan3A_351 = arith.addi %scan3A_349, %scan3A_350 : i32
    %scan3A_352 = arith.constant 1 : i32
    scf.for %scan3A_593 = %scan3A_349 to %scan3A_351 step %scan3A_352  : i32 {
      %broadcast_in_dim3A = arith.constant 0 : i32
      %broadcast_in_dim3A_594 = vector.broadcast %broadcast_in_dim3A : i32 to vector<16xi32>
      %add3A_595 = arith.constant 64 : i32
      %add3A_596 = arith.addi %add3A_595, %scan3A_593 : i32
      %add3A_597 = vector.broadcast %add3A_596 : i32 to vector<16xi32>
      %add3A_598 = arith.addi %broadcast_in_dim3A_594, %add3A_597 : vector<16xi32>
      %gather3A = tpu.vector_load_idx %arg8[%broadcast_in_dim3A_594, %add3A_598] : memref<2x128xf32, #tpu.memory_space<vmem>>[vector<16xi32>, vector<16xi32>], vector<16xf32>,
      %add3A_599 = arith.constant 1 : i32
      %add3A_600 = vector.broadcast %add3A_599 : i32 to vector<16xi32>
      %add3A_601 = arith.addi %broadcast_in_dim3A_594, %add3A_600 : vector<16xi32>
      %gather3A_602 = tpu.vector_load_idx %arg8[%add3A_601, %add3A_598] : memref<2x128xf32, #tpu.memory_space<vmem>>[vector<16xi32>, vector<16xi32>], vector<16xf32>,
      %scan3A_603 = arith.constant 0 : i32
      %scan3A_604 = arith.constant 0 : i32
      %scan3A_605 = arith.constant 64 : i32
      %scan3A_606 = arith.addi %scan3A_604, %scan3A_605 : i32
      %scan3A_607 = arith.constant 4 : i32
      scf.for %scan3A_609 = %scan3A_604 to %scan3A_606 step %scan3A_607  : i32 {
        %mul3A_610 = arith.constant 16 : i32
        %mul3A_611 = arith.muli %scan3A_609, %mul3A_610 : i32
        %get3A_612 = arith.constant 0 : i32
        %get3A_613 = arith.index_cast %get3A_612 : i32 to index
        %get3A_614 = arith.index_cast %scan3A_593 : i32 to index
        %get3A_615 = arith.index_cast %mul3A_611 : i32 to index
        %get3A_616 = tpu.vector_load %arg9[%get3A_613, %get3A_614, %get3A_615] {strides = array<i32>} : memref<2x16x1024xf32, #tpu.memory_space<vmem>>, vector<16xf32>,
        %mul3A_617 = arith.constant 16 : i32
        %mul3A_618 = arith.muli %scan3A_609, %mul3A_617 : i32
        %get3A_619 = arith.constant 0 : i32
        %get3A_620 = arith.index_cast %get3A_619 : i32 to index
        %get3A_621 = arith.index_cast %scan3A_593 : i32 to index
        %get3A_622 = arith.index_cast %mul3A_618 : i32 to index
        %get3A_623 = tpu.vector_load %arg10[%get3A_620, %get3A_621, %get3A_622] {strides = array<i32>} : memref<2x16x1024xf32, #tpu.memory_space<vmem>>, vector<16xf32>,
        %mul3A_624 = arith.mulf %gather3A, %get3A_616 : vector<16xf32>
        %mul3A_625 = arith.mulf %gather3A_602, %get3A_623 : vector<16xf32>
        %add3A_626 = arith.addf %mul3A_624, %mul3A_625 : vector<16xf32>
        %mul3A_627 = arith.constant 16 : i32
        %mul3A_628 = arith.muli %scan3A_609, %mul3A_627 : i32
        %swap3A = arith.constant 0 : i32
        %swap3A_629 = arith.index_cast %swap3A : i32 to index
        %swap3A_630 = arith.index_cast %scan3A_593 : i32 to index
        %swap3A_631 = arith.index_cast %mul3A_628 : i32 to index
        %swap3A_632 = tpu.vector_load %arg11[%swap3A_629, %swap3A_630, %swap3A_631] {strides = array<i32>} : memref<2x16x1024xf32, #tpu.memory_space<vmem>>, vector<16xf32>,
        tpu.vector_store %arg11[%swap3A_629, %swap3A_630, %swap3A_631], %add3A_626 {strides = array<i32>} : memref<2x16x1024xf32, #tpu.memory_space<vmem>>, vector<16xf32>,
        %scan3A_633 = arith.constant 1 : i32
        %scan3A_634 = arith.addi %scan3A_609, %scan3A_633 : i32
        %mul3A_635 = arith.constant 16 : i32
        %mul3A_636 = arith.muli %scan3A_634, %mul3A_635 : i32
        %get3A_637 = arith.constant 0 : i32
        %get3A_638 = arith.index_cast %get3A_637 : i32 to index
        %get3A_639 = arith.index_cast %scan3A_593 : i32 to index
        %get3A_640 = arith.index_cast %mul3A_636 : i32 to index
        %get3A_641 = tpu.vector_load %arg9[%get3A_638, %get3A_639, %get3A_640] {strides = array<i32>} : memref<2x16x1024xf32, #tpu.memory_space<vmem>>, vector<16xf32>,
        %mul3A_642 = arith.constant 16 : i32
        %mul3A_643 = arith.muli %scan3A_634, %mul3A_642 : i32
        %get3A_644 = arith.constant 0 : i32
        %get3A_645 = arith.index_cast %get3A_644 : i32 to index
        %get3A_646 = arith.index_cast %scan3A_593 : i32 to index
        %get3A_647 = arith.index_cast %mul3A_643 : i32 to index
        %get3A_648 = tpu.vector_load %arg10[%get3A_645, %get3A_646, %get3A_647] {strides = array<i32>} : memref<2x16x1024xf32, #tpu.memory_space<vmem>>, vector<16xf32>,
        %mul3A_649 = arith.mulf %gather3A, %get3A_641 : vector<16xf32>
        %mul3A_650 = arith.mulf %gather3A_602, %get3A_648 : vector<16xf32>
        %add3A_651 = arith.addf %mul3A_649, %mul3A_650 : vector<16xf32>
        %mul3A_652 = arith.constant 16 : i32
        %mul3A_653 = arith.muli %scan3A_634, %mul3A_652 : i32
        %swap3A_654 = arith.constant 0 : i32
        %swap3A_655 = arith.index_cast %swap3A_654 : i32 to index
        %swap3A_656 = arith.index_cast %scan3A_593 : i32 to index
        %swap3A_657 = arith.index_cast %mul3A_653 : i32 to index
        %swap3A_658 = tpu.vector_load %arg11[%swap3A_655, %swap3A_656, %swap3A_657] {strides = array<i32>} : memref<2x16x1024xf32, #tpu.memory_space<vmem>>, vector<16xf32>,
        tpu.vector_store %arg11[%swap3A_655, %swap3A_656, %swap3A_657], %add3A_651 {strides = array<i32>} : memref<2x16x1024xf32, #tpu.memory_space<vmem>>, vector<16xf32>,
        %scan3A_659 = arith.constant 2 : i32
        %scan3A_660 = arith.addi %scan3A_609, %scan3A_659 : i32
        %mul3A_661 = arith.constant 16 : i32
        %mul3A_662 = arith.muli %scan3A_660, %mul3A_661 : i32
        %get3A_663 = arith.constant 0 : i32
        %get3A_664 = arith.index_cast %get3A_663 : i32 to index
        %get3A_665 = arith.index_cast %scan3A_593 : i32 to index
        %get3A_666 = arith.index_cast %mul3A_662 : i32 to index
        %get3A_667 = tpu.vector_load %arg9[%get3A_664, %get3A_665, %get3A_666] {strides = array<i32>} : memref<2x16x1024xf32, #tpu.memory_space<vmem>>, vector<16xf32>,
        %mul3A_668 = arith.constant 16 : i32
        %mul3A_669 = arith.muli %scan3A_660, %mul3A_668 : i32
        %get3A_670 = arith.constant 0 : i32
        %get3A_671 = arith.index_cast %get3A_670 : i32 to index
        %get3A_672 = arith.index_cast %scan3A_593 : i32 to index
        %get3A_673 = arith.index_cast %mul3A_669 : i32 to index
        %get3A_674 = tpu.vector_load %arg10[%get3A_671, %get3A_672, %get3A_673] {strides = array<i32>} : memref<2x16x1024xf32, #tpu.memory_space<vmem>>, vector<16xf32>,
        %mul3A_675 = arith.mulf %gather3A, %get3A_667 : vector<16xf32>
        %mul3A_676 = arith.mulf %gather3A_602, %get3A_674 : vector<16xf32>
        %add3A_677 = arith.addf %mul3A_675, %mul3A_676 : vector<16xf32>
        %mul3A_678 = arith.constant 16 : i32
        %mul3A_679 = arith.muli %scan3A_660, %mul3A_678 : i32
        %swap3A_680 = arith.constant 0 : i32
        %swap3A_681 = arith.index_cast %swap3A_680 : i32 to index
        %swap3A_682 = arith.index_cast %scan3A_593 : i32 to index
        %swap3A_683 = arith.index_cast %mul3A_679 : i32 to index
        %swap3A_684 = tpu.vector_load %arg11[%swap3A_681, %swap3A_682, %swap3A_683] {strides = array<i32>} : memref<2x16x1024xf32, #tpu.memory_space<vmem>>, vector<16xf32>,
        tpu.vector_store %arg11[%swap3A_681, %swap3A_682, %swap3A_683], %add3A_677 {strides = array<i32>} : memref<2x16x1024xf32, #tpu.memory_space<vmem>>, vector<16xf32>,
        %scan3A_685 = arith.constant 3 : i32
        %scan3A_686 = arith.addi %scan3A_609, %scan3A_685 : i32
        %mul3A_687 = arith.constant 16 : i32
        %mul3A_688 = arith.muli %scan3A_686, %mul3A_687 : i32
        %get3A_689 = arith.constant 0 : i32
        %get3A_690 = arith.index_cast %get3A_689 : i32 to index
        %get3A_691 = arith.index_cast %scan3A_593 : i32 to index
        %get3A_692 = arith.index_cast %mul3A_688 : i32 to index
        %get3A_693 = tpu.vector_load %arg9[%get3A_690, %get3A_691, %get3A_692] {strides = array<i32>} : memref<2x16x1024xf32, #tpu.memory_space<vmem>>, vector<16xf32>,
        %mul3A_694 = arith.constant 16 : i32
        %mul3A_695 = arith.muli %scan3A_686, %mul3A_694 : i32
        %get3A_696 = arith.constant 0 : i32
        %get3A_697 = arith.index_cast %get3A_696 : i32 to index
        %get3A_698 = arith.index_cast %scan3A_593 : i32 to index
        %get3A_699 = arith.index_cast %mul3A_695 : i32 to index
        %get3A_700 = tpu.vector_load %arg10[%get3A_697, %get3A_698, %get3A_699] {strides = array<i32>} : memref<2x16x1024xf32, #tpu.memory_space<vmem>>, vector<16xf32>,
        %mul3A_701 = arith.mulf %gather3A, %get3A_693 : vector<16xf32>
        %mul3A_702 = arith.mulf %gather3A_602, %get3A_700 : vector<16xf32>
        %add3A_703 = arith.addf %mul3A_701, %mul3A_702 : vector<16xf32>
        %mul3A_704 = arith.constant 16 : i32
        %mul3A_705 = arith.muli %scan3A_686, %mul3A_704 : i32
        %swap3A_706 = arith.constant 0 : i32
        %swap3A_707 = arith.index_cast %swap3A_706 : i32 to index
        %swap3A_708 = arith.index_cast %scan3A_593 : i32 to index
        %swap3A_709 = arith.index_cast %mul3A_705 : i32 to index
        %swap3A_710 = tpu.vector_load %arg11[%swap3A_707, %swap3A_708, %swap3A_709] {strides = array<i32>} : memref<2x16x1024xf32, #tpu.memory_space<vmem>>, vector<16xf32>,
        tpu.vector_store %arg11[%swap3A_707, %swap3A_708, %swap3A_709], %add3A_703 {strides = array<i32>} : memref<2x16x1024xf32, #tpu.memory_space<vmem>>, vector<16xf32>,
      }
      %scan3A_608 = arith.constant 64 : i32
    }
    %scan3A_353 = arith.constant 16 : i32
    %add3A_354 = arith.constant 64 : i32
    %add3A_355 = arith.addi %mul3A_2, %add3A_354 : i32
    %dma_start3A_356 = arith.constant 0 : i32
    %dma_start3A_357 = arith.constant 0 : i32
    %dma_start3A_358 = arith.constant 0 : i32
    %dma_start3A_359 = tpu.memref_slice %arg11[%dma_start3A_356, %dma_start3A_357, %dma_start3A_358] : memref<2x16x1024xf32, #tpu.memory_space<vmem>> -> memref<1x16x1024xf32, #tpu.memory_space<vmem>>
    %dma_start3A_360 = tpu.memref_squeeze %dma_start3A_359 : memref<1x16x1024xf32, #tpu.memory_space<vmem>> -> memref<16x1024xf32, #tpu.memory_space<vmem>>
    %dma_start3A_361 = arith.constant 0 : i32
    %dma_start3A_362 = tpu.memref_slice %arg5[%add3A_355, %dma_start3A_361] : memref<4096x1024xf32, #tpu.memory_space<hbm>> -> memref<16x1024xf32, #tpu.memory_space<hbm>>
    %dma_start3A_363 = arith.constant 0 : i32
    %dma_start3A_364 = tpu.memref_slice %arg5[%add3A_355, %dma_start3A_363] : memref<4096x1024xf32, #tpu.memory_space<hbm>> -> memref<16x1024xf32, #tpu.memory_space<hbm>>
    %dma_start3A_365 = arith.constant 0 : i32
    %dma_start3A_366 = arith.constant 0 : i32
    %dma_start3A_367 = tpu.memref_slice %arg11[%dma_start3A_356, %dma_start3A_365, %dma_start3A_366] : memref<2x16x1024xf32, #tpu.memory_space<vmem>> -> memref<1x16x1024xf32, #tpu.memory_space<vmem>>
    %dma_start3A_368 = tpu.memref_squeeze %dma_start3A_367 : memref<1x16x1024xf32, #tpu.memory_space<vmem>> -> memref<16x1024xf32, #tpu.memory_space<vmem>>
    tpu.enqueue_dma source(%dma_start3A_368 : memref<16x1024xf32, #tpu.memory_space<vmem>>) target(%dma_start3A_364 : memref<16x1024xf32, #tpu.memory_space<hbm>>) target_semaphore(%arg16 : memref<!tpu.dma_semaphore, #tpu.memory_space<semaphore_mem>>)
    %get3A_369 = arith.constant 3 : i32
    %get3A_370 = arith.index_cast %get3A_369 : i32 to index
    %get3A_371 = arith.constant 0 : index
    %get3A_372 = tpu.vector_load %arg6[%get3A_370, %get3A_371] {strides = array<i32>} : memref<4x32xi32, #tpu.memory_space<vmem>>, vector<16xi32>,
    %dma_start3A_373 = arith.constant 0 : i32
    %dma_start3A_374 = arith.constant 0 : i32
    %dma_start3A_375 = arith.constant 0 : i32
    %dma_start3A_376 = tpu.memref_slice %arg9[%dma_start3A_373, %dma_start3A_374, %dma_start3A_375] : memref<2x16x1024xf32, #tpu.memory_space<vmem>> -> memref<1x16x1024xf32, #tpu.memory_space<vmem>>
    %dma_start3A_377 = tpu.memref_squeeze %dma_start3A_376 : memref<1x16x1024xf32, #tpu.memory_space<vmem>> -> memref<16x1024xf32, #tpu.memory_space<vmem>>
    %dma_start3A_378 = arith.constant 0 : i32
    %dma_start3A_379 = arith.constant 0 : i32
    %dma_start3A_380 = tpu.memref_slice %arg2[%dma_start3A_378, %dma_start3A_379] : memref<12800x1024xf32, #tpu.memory_space<hbm>> -> memref<12800x1024xf32, #tpu.memory_space<hbm>>
    tpu.enqueue_indirect_dma source(%dma_start3A_380 : memref<12800x1024xf32, #tpu.memory_space<hbm>>) target(%dma_start3A_377 : memref<16x1024xf32, #tpu.memory_space<vmem>>) offsets(%get3A_372 : vector<16xi32>) semaphore(%arg12 : memref<!tpu.dma_semaphore, #tpu.memory_space<semaphore_mem>>)
    %get3A_381 = arith.constant 3 : i32
    %get3A_382 = arith.index_cast %get3A_381 : i32 to index
    %get3A_383 = arith.constant 0 : index
    %get3A_384 = tpu.vector_load %arg7[%get3A_382, %get3A_383] {strides = array<i32>} : memref<4x32xi32, #tpu.memory_space<vmem>>, vector<16xi32>,
    %dma_start3A_385 = arith.constant 0 : i32
    %dma_start3A_386 = arith.constant 0 : i32
    %dma_start3A_387 = arith.constant 0 : i32
    %dma_start3A_388 = tpu.memref_slice %arg10[%dma_start3A_385, %dma_start3A_386, %dma_start3A_387] : memref<2x16x1024xf32, #tpu.memory_space<vmem>> -> memref<1x16x1024xf32, #tpu.memory_space<vmem>>
    %dma_start3A_389 = tpu.memref_squeeze %dma_start3A_388 : memref<1x16x1024xf32, #tpu.memory_space<vmem>> -> memref<16x1024xf32, #tpu.memory_space<vmem>>
    %dma_start3A_390 = arith.constant 0 : i32
    %dma_start3A_391 = arith.constant 0 : i32
    %dma_start3A_392 = tpu.memref_slice %arg2[%dma_start3A_390, %dma_start3A_391] : memref<12800x1024xf32, #tpu.memory_space<hbm>> -> memref<12800x1024xf32, #tpu.memory_space<hbm>>
    tpu.enqueue_indirect_dma source(%dma_start3A_392 : memref<12800x1024xf32, #tpu.memory_space<hbm>>) target(%dma_start3A_389 : memref<16x1024xf32, #tpu.memory_space<vmem>>) offsets(%get3A_384 : vector<16xi32>) semaphore(%arg14 : memref<!tpu.dma_semaphore, #tpu.memory_space<semaphore_mem>>)
    %dma_wait3A_393 = arith.constant 1 : i32
    %dma_wait3A_394 = arith.constant 0 : i32
    %dma_wait3A_395 = arith.constant 0 : i32
    %dma_wait3A_396 = tpu.memref_slice %arg9[%dma_wait3A_393, %dma_wait3A_394, %dma_wait3A_395] : memref<2x16x1024xf32, #tpu.memory_space<vmem>> -> memref<1x16x1024xf32, #tpu.memory_space<vmem>>
    %dma_wait3A_397 = tpu.memref_squeeze %dma_wait3A_396 : memref<1x16x1024xf32, #tpu.memory_space<vmem>> -> memref<16x1024xf32, #tpu.memory_space<vmem>>
    %dma_wait3A_398 = arith.constant 0 : i32
    %dma_wait3A_399 = arith.constant 0 : i32
    %dma_wait3A_400 = tpu.memref_slice %arg2[%dma_wait3A_398, %dma_wait3A_399] : memref<12800x1024xf32, #tpu.memory_space<hbm>> -> memref<12800x1024xf32, #tpu.memory_space<hbm>>
    tpu.wait_indirect_dma semaphore(%arg13 : memref<!tpu.dma_semaphore, #tpu.memory_space<semaphore_mem>>) src(%dma_wait3A_400 : memref<12800x1024xf32, #tpu.memory_space<hbm>>) dst(%dma_wait3A_397 : memref<16x1024xf32, #tpu.memory_space<vmem>>)
    %dma_wait3A_401 = arith.constant 1 : i32
    %dma_wait3A_402 = arith.constant 0 : i32
    %dma_wait3A_403 = arith.constant 0 : i32
    %dma_wait3A_404 = tpu.memref_slice %arg10[%dma_wait3A_401, %dma_wait3A_402, %dma_wait3A_403] : memref<2x16x1024xf32, #tpu.memory_space<vmem>> -> memref<1x16x1024xf32, #tpu.memory_space<vmem>>
    %dma_wait3A_405 = tpu.memref_squeeze %dma_wait3A_404 : memref<1x16x1024xf32, #tpu.memory_space<vmem>> -> memref<16x1024xf32, #tpu.memory_space<vmem>>
    %dma_wait3A_406 = arith.constant 0 : i32
    %dma_wait3A_407 = arith.constant 0 : i32
    %dma_wait3A_408 = tpu.memref_slice %arg2[%dma_wait3A_406, %dma_wait3A_407] : memref<12800x1024xf32, #tpu.memory_space<hbm>> -> memref<12800x1024xf32, #tpu.memory_space<hbm>>
    tpu.wait_indirect_dma semaphore(%arg15 : memref<!tpu.dma_semaphore, #tpu.memory_space<semaphore_mem>>) src(%dma_wait3A_408 : memref<12800x1024xf32, #tpu.memory_space<hbm>>) dst(%dma_wait3A_405 : memref<16x1024xf32, #tpu.memory_space<vmem>>)
    %dma_wait3A_409 = arith.constant 1 : i32
    %dma_wait3A_410 = arith.constant 0 : i32
    %dma_wait3A_411 = arith.constant 0 : i32
    %dma_wait3A_412 = tpu.memref_slice %arg11[%dma_wait3A_409, %dma_wait3A_410, %dma_wait3A_411] : memref<2x16x1024xf32, #tpu.memory_space<vmem>> -> memref<1x16x1024xf32, #tpu.memory_space<vmem>>
    %dma_wait3A_413 = tpu.memref_squeeze %dma_wait3A_412 : memref<1x16x1024xf32, #tpu.memory_space<vmem>> -> memref<16x1024xf32, #tpu.memory_space<vmem>>
    %dma_wait3A_414 = arith.constant 0 : i32
    %dma_wait3A_415 = tpu.memref_slice %arg5[%add3A_281, %dma_wait3A_414] : memref<4096x1024xf32, #tpu.memory_space<hbm>> -> memref<16x1024xf32, #tpu.memory_space<hbm>>
    %dma_wait3A_416 = arith.constant 0 : i32
    %dma_wait3A_417 = tpu.memref_slice %arg5[%add3A_281, %dma_wait3A_416] : memref<4096x1024xf32, #tpu.memory_space<hbm>> -> memref<16x1024xf32, #tpu.memory_space<hbm>>
    %dma_wait3A_418 = arith.constant 0 : i32
    %dma_wait3A_419 = arith.constant 0 : i32
    %dma_wait3A_420 = tpu.memref_slice %arg11[%dma_wait3A_409, %dma_wait3A_418, %dma_wait3A_419] : memref<2x16x1024xf32, #tpu.memory_space<vmem>> -> memref<1x16x1024xf32, #tpu.memory_space<vmem>>
    %dma_wait3A_421 = tpu.memref_squeeze %dma_wait3A_420 : memref<1x16x1024xf32, #tpu.memory_space<vmem>> -> memref<16x1024xf32, #tpu.memory_space<vmem>>
    tpu.wait_dma2 semaphore(%arg17 : memref<!tpu.dma_semaphore, #tpu.memory_space<semaphore_mem>>) src(%dma_wait3A_421 : memref<16x1024xf32, #tpu.memory_space<vmem>>) dst(%dma_wait3A_417 : memref<16x1024xf32, #tpu.memory_space<hbm>>)
    %scan3A_422 = arith.constant 0 : i32
    %scan3A_423 = arith.constant 0 : i32
    %scan3A_424 = arith.constant 16 : i32
    %scan3A_425 = arith.addi %scan3A_423, %scan3A_424 : i32
    %scan3A_426 = arith.constant 1 : i32
    scf.for %scan3A_593 = %scan3A_423 to %scan3A_425 step %scan3A_426  : i32 {
      %broadcast_in_dim3A = arith.constant 0 : i32
      %broadcast_in_dim3A_594 = vector.broadcast %broadcast_in_dim3A : i32 to vector<16xi32>
      %add3A_595 = arith.constant 80 : i32
      %add3A_596 = arith.addi %add3A_595, %scan3A_593 : i32
      %add3A_597 = vector.broadcast %add3A_596 : i32 to vector<16xi32>
      %add3A_598 = arith.addi %broadcast_in_dim3A_594, %add3A_597 : vector<16xi32>
      %gather3A = tpu.vector_load_idx %arg8[%broadcast_in_dim3A_594, %add3A_598] : memref<2x128xf32, #tpu.memory_space<vmem>>[vector<16xi32>, vector<16xi32>], vector<16xf32>,
      %add3A_599 = arith.constant 1 : i32
      %add3A_600 = vector.broadcast %add3A_599 : i32 to vector<16xi32>
      %add3A_601 = arith.addi %broadcast_in_dim3A_594, %add3A_600 : vector<16xi32>
      %gather3A_602 = tpu.vector_load_idx %arg8[%add3A_601, %add3A_598] : memref<2x128xf32, #tpu.memory_space<vmem>>[vector<16xi32>, vector<16xi32>], vector<16xf32>,
      %scan3A_603 = arith.constant 0 : i32
      %scan3A_604 = arith.constant 0 : i32
      %scan3A_605 = arith.constant 64 : i32
      %scan3A_606 = arith.addi %scan3A_604, %scan3A_605 : i32
      %scan3A_607 = arith.constant 4 : i32
      scf.for %scan3A_609 = %scan3A_604 to %scan3A_606 step %scan3A_607  : i32 {
        %mul3A_610 = arith.constant 16 : i32
        %mul3A_611 = arith.muli %scan3A_609, %mul3A_610 : i32
        %get3A_612 = arith.constant 1 : i32
        %get3A_613 = arith.index_cast %get3A_612 : i32 to index
        %get3A_614 = arith.index_cast %scan3A_593 : i32 to index
        %get3A_615 = arith.index_cast %mul3A_611 : i32 to index
        %get3A_616 = tpu.vector_load %arg9[%get3A_613, %get3A_614, %get3A_615] {strides = array<i32>} : memref<2x16x1024xf32, #tpu.memory_space<vmem>>, vector<16xf32>,
        %mul3A_617 = arith.constant 16 : i32
        %mul3A_618 = arith.muli %scan3A_609, %mul3A_617 : i32
        %get3A_619 = arith.constant 1 : i32
        %get3A_620 = arith.index_cast %get3A_619 : i32 to index
        %get3A_621 = arith.index_cast %scan3A_593 : i32 to index
        %get3A_622 = arith.index_cast %mul3A_618 : i32 to index
        %get3A_623 = tpu.vector_load %arg10[%get3A_620, %get3A_621, %get3A_622] {strides = array<i32>} : memref<2x16x1024xf32, #tpu.memory_space<vmem>>, vector<16xf32>,
        %mul3A_624 = arith.mulf %gather3A, %get3A_616 : vector<16xf32>
        %mul3A_625 = arith.mulf %gather3A_602, %get3A_623 : vector<16xf32>
        %add3A_626 = arith.addf %mul3A_624, %mul3A_625 : vector<16xf32>
        %mul3A_627 = arith.constant 16 : i32
        %mul3A_628 = arith.muli %scan3A_609, %mul3A_627 : i32
        %swap3A = arith.constant 1 : i32
        %swap3A_629 = arith.index_cast %swap3A : i32 to index
        %swap3A_630 = arith.index_cast %scan3A_593 : i32 to index
        %swap3A_631 = arith.index_cast %mul3A_628 : i32 to index
        %swap3A_632 = tpu.vector_load %arg11[%swap3A_629, %swap3A_630, %swap3A_631] {strides = array<i32>} : memref<2x16x1024xf32, #tpu.memory_space<vmem>>, vector<16xf32>,
        tpu.vector_store %arg11[%swap3A_629, %swap3A_630, %swap3A_631], %add3A_626 {strides = array<i32>} : memref<2x16x1024xf32, #tpu.memory_space<vmem>>, vector<16xf32>,
        %scan3A_633 = arith.constant 1 : i32
        %scan3A_634 = arith.addi %scan3A_609, %scan3A_633 : i32
        %mul3A_635 = arith.constant 16 : i32
        %mul3A_636 = arith.muli %scan3A_634, %mul3A_635 : i32
        %get3A_637 = arith.constant 1 : i32
        %get3A_638 = arith.index_cast %get3A_637 : i32 to index
        %get3A_639 = arith.index_cast %scan3A_593 : i32 to index
        %get3A_640 = arith.index_cast %mul3A_636 : i32 to index
        %get3A_641 = tpu.vector_load %arg9[%get3A_638, %get3A_639, %get3A_640] {strides = array<i32>} : memref<2x16x1024xf32, #tpu.memory_space<vmem>>, vector<16xf32>,
        %mul3A_642 = arith.constant 16 : i32
        %mul3A_643 = arith.muli %scan3A_634, %mul3A_642 : i32
        %get3A_644 = arith.constant 1 : i32
        %get3A_645 = arith.index_cast %get3A_644 : i32 to index
        %get3A_646 = arith.index_cast %scan3A_593 : i32 to index
        %get3A_647 = arith.index_cast %mul3A_643 : i32 to index
        %get3A_648 = tpu.vector_load %arg10[%get3A_645, %get3A_646, %get3A_647] {strides = array<i32>} : memref<2x16x1024xf32, #tpu.memory_space<vmem>>, vector<16xf32>,
        %mul3A_649 = arith.mulf %gather3A, %get3A_641 : vector<16xf32>
        %mul3A_650 = arith.mulf %gather3A_602, %get3A_648 : vector<16xf32>
        %add3A_651 = arith.addf %mul3A_649, %mul3A_650 : vector<16xf32>
        %mul3A_652 = arith.constant 16 : i32
        %mul3A_653 = arith.muli %scan3A_634, %mul3A_652 : i32
        %swap3A_654 = arith.constant 1 : i32
        %swap3A_655 = arith.index_cast %swap3A_654 : i32 to index
        %swap3A_656 = arith.index_cast %scan3A_593 : i32 to index
        %swap3A_657 = arith.index_cast %mul3A_653 : i32 to index
        %swap3A_658 = tpu.vector_load %arg11[%swap3A_655, %swap3A_656, %swap3A_657] {strides = array<i32>} : memref<2x16x1024xf32, #tpu.memory_space<vmem>>, vector<16xf32>,
        tpu.vector_store %arg11[%swap3A_655, %swap3A_656, %swap3A_657], %add3A_651 {strides = array<i32>} : memref<2x16x1024xf32, #tpu.memory_space<vmem>>, vector<16xf32>,
        %scan3A_659 = arith.constant 2 : i32
        %scan3A_660 = arith.addi %scan3A_609, %scan3A_659 : i32
        %mul3A_661 = arith.constant 16 : i32
        %mul3A_662 = arith.muli %scan3A_660, %mul3A_661 : i32
        %get3A_663 = arith.constant 1 : i32
        %get3A_664 = arith.index_cast %get3A_663 : i32 to index
        %get3A_665 = arith.index_cast %scan3A_593 : i32 to index
        %get3A_666 = arith.index_cast %mul3A_662 : i32 to index
        %get3A_667 = tpu.vector_load %arg9[%get3A_664, %get3A_665, %get3A_666] {strides = array<i32>} : memref<2x16x1024xf32, #tpu.memory_space<vmem>>, vector<16xf32>,
        %mul3A_668 = arith.constant 16 : i32
        %mul3A_669 = arith.muli %scan3A_660, %mul3A_668 : i32
        %get3A_670 = arith.constant 1 : i32
        %get3A_671 = arith.index_cast %get3A_670 : i32 to index
        %get3A_672 = arith.index_cast %scan3A_593 : i32 to index
        %get3A_673 = arith.index_cast %mul3A_669 : i32 to index
        %get3A_674 = tpu.vector_load %arg10[%get3A_671, %get3A_672, %get3A_673] {strides = array<i32>} : memref<2x16x1024xf32, #tpu.memory_space<vmem>>, vector<16xf32>,
        %mul3A_675 = arith.mulf %gather3A, %get3A_667 : vector<16xf32>
        %mul3A_676 = arith.mulf %gather3A_602, %get3A_674 : vector<16xf32>
        %add3A_677 = arith.addf %mul3A_675, %mul3A_676 : vector<16xf32>
        %mul3A_678 = arith.constant 16 : i32
        %mul3A_679 = arith.muli %scan3A_660, %mul3A_678 : i32
        %swap3A_680 = arith.constant 1 : i32
        %swap3A_681 = arith.index_cast %swap3A_680 : i32 to index
        %swap3A_682 = arith.index_cast %scan3A_593 : i32 to index
        %swap3A_683 = arith.index_cast %mul3A_679 : i32 to index
        %swap3A_684 = tpu.vector_load %arg11[%swap3A_681, %swap3A_682, %swap3A_683] {strides = array<i32>} : memref<2x16x1024xf32, #tpu.memory_space<vmem>>, vector<16xf32>,
        tpu.vector_store %arg11[%swap3A_681, %swap3A_682, %swap3A_683], %add3A_677 {strides = array<i32>} : memref<2x16x1024xf32, #tpu.memory_space<vmem>>, vector<16xf32>,
        %scan3A_685 = arith.constant 3 : i32
        %scan3A_686 = arith.addi %scan3A_609, %scan3A_685 : i32
        %mul3A_687 = arith.constant 16 : i32
        %mul3A_688 = arith.muli %scan3A_686, %mul3A_687 : i32
        %get3A_689 = arith.constant 1 : i32
        %get3A_690 = arith.index_cast %get3A_689 : i32 to index
        %get3A_691 = arith.index_cast %scan3A_593 : i32 to index
        %get3A_692 = arith.index_cast %mul3A_688 : i32 to index
        %get3A_693 = tpu.vector_load %arg9[%get3A_690, %get3A_691, %get3A_692] {strides = array<i32>} : memref<2x16x1024xf32, #tpu.memory_space<vmem>>, vector<16xf32>,
        %mul3A_694 = arith.constant 16 : i32
        %mul3A_695 = arith.muli %scan3A_686, %mul3A_694 : i32
        %get3A_696 = arith.constant 1 : i32
        %get3A_697 = arith.index_cast %get3A_696 : i32 to index
        %get3A_698 = arith.index_cast %scan3A_593 : i32 to index
        %get3A_699 = arith.index_cast %mul3A_695 : i32 to index
        %get3A_700 = tpu.vector_load %arg10[%get3A_697, %get3A_698, %get3A_699] {strides = array<i32>} : memref<2x16x1024xf32, #tpu.memory_space<vmem>>, vector<16xf32>,
        %mul3A_701 = arith.mulf %gather3A, %get3A_693 : vector<16xf32>
        %mul3A_702 = arith.mulf %gather3A_602, %get3A_700 : vector<16xf32>
        %add3A_703 = arith.addf %mul3A_701, %mul3A_702 : vector<16xf32>
        %mul3A_704 = arith.constant 16 : i32
        %mul3A_705 = arith.muli %scan3A_686, %mul3A_704 : i32
        %swap3A_706 = arith.constant 1 : i32
        %swap3A_707 = arith.index_cast %swap3A_706 : i32 to index
        %swap3A_708 = arith.index_cast %scan3A_593 : i32 to index
        %swap3A_709 = arith.index_cast %mul3A_705 : i32 to index
        %swap3A_710 = tpu.vector_load %arg11[%swap3A_707, %swap3A_708, %swap3A_709] {strides = array<i32>} : memref<2x16x1024xf32, #tpu.memory_space<vmem>>, vector<16xf32>,
        tpu.vector_store %arg11[%swap3A_707, %swap3A_708, %swap3A_709], %add3A_703 {strides = array<i32>} : memref<2x16x1024xf32, #tpu.memory_space<vmem>>, vector<16xf32>,
      }
      %scan3A_608 = arith.constant 64 : i32
    }
    %scan3A_427 = arith.constant 16 : i32
    %add3A_428 = arith.constant 80 : i32
    %add3A_429 = arith.addi %mul3A_2, %add3A_428 : i32
    %dma_start3A_430 = arith.constant 1 : i32
    %dma_start3A_431 = arith.constant 0 : i32
    %dma_start3A_432 = arith.constant 0 : i32
    %dma_start3A_433 = tpu.memref_slice %arg11[%dma_start3A_430, %dma_start3A_431, %dma_start3A_432] : memref<2x16x1024xf32, #tpu.memory_space<vmem>> -> memref<1x16x1024xf32, #tpu.memory_space<vmem>>
    %dma_start3A_434 = tpu.memref_squeeze %dma_start3A_433 : memref<1x16x1024xf32, #tpu.memory_space<vmem>> -> memref<16x1024xf32, #tpu.memory_space<vmem>>
    %dma_start3A_435 = arith.constant 0 : i32
    %dma_start3A_436 = tpu.memref_slice %arg5[%add3A_429, %dma_start3A_435] : memref<4096x1024xf32, #tpu.memory_space<hbm>> -> memref<16x1024xf32, #tpu.memory_space<hbm>>
    %dma_start3A_437 = arith.constant 0 : i32
    %dma_start3A_438 = tpu.memref_slice %arg5[%add3A_429, %dma_start3A_437] : memref<4096x1024xf32, #tpu.memory_space<hbm>> -> memref<16x1024xf32, #tpu.memory_space<hbm>>
    %dma_start3A_439 = arith.constant 0 : i32
    %dma_start3A_440 = arith.constant 0 : i32
    %dma_start3A_441 = tpu.memref_slice %arg11[%dma_start3A_430, %dma_start3A_439, %dma_start3A_440] : memref<2x16x1024xf32, #tpu.memory_space<vmem>> -> memref<1x16x1024xf32, #tpu.memory_space<vmem>>
    %dma_start3A_442 = tpu.memref_squeeze %dma_start3A_441 : memref<1x16x1024xf32, #tpu.memory_space<vmem>> -> memref<16x1024xf32, #tpu.memory_space<vmem>>
    tpu.enqueue_dma source(%dma_start3A_442 : memref<16x1024xf32, #tpu.memory_space<vmem>>) target(%dma_start3A_438 : memref<16x1024xf32, #tpu.memory_space<hbm>>) target_semaphore(%arg17 : memref<!tpu.dma_semaphore, #tpu.memory_space<semaphore_mem>>)
    %get3A_443 = arith.constant 3 : i32
    %get3A_444 = arith.index_cast %get3A_443 : i32 to index
    %get3A_445 = arith.constant 16 : index
    %get3A_446 = tpu.vector_load %arg6[%get3A_444, %get3A_445] {strides = array<i32>} : memref<4x32xi32, #tpu.memory_space<vmem>>, vector<16xi32>,
    %dma_start3A_447 = arith.constant 1 : i32
    %dma_start3A_448 = arith.constant 0 : i32
    %dma_start3A_449 = arith.constant 0 : i32
    %dma_start3A_450 = tpu.memref_slice %arg9[%dma_start3A_447, %dma_start3A_448, %dma_start3A_449] : memref<2x16x1024xf32, #tpu.memory_space<vmem>> -> memref<1x16x1024xf32, #tpu.memory_space<vmem>>
    %dma_start3A_451 = tpu.memref_squeeze %dma_start3A_450 : memref<1x16x1024xf32, #tpu.memory_space<vmem>> -> memref<16x1024xf32, #tpu.memory_space<vmem>>
    %dma_start3A_452 = arith.constant 0 : i32
    %dma_start3A_453 = arith.constant 0 : i32
    %dma_start3A_454 = tpu.memref_slice %arg2[%dma_start3A_452, %dma_start3A_453] : memref<12800x1024xf32, #tpu.memory_space<hbm>> -> memref<12800x1024xf32, #tpu.memory_space<hbm>>
    tpu.enqueue_indirect_dma source(%dma_start3A_454 : memref<12800x1024xf32, #tpu.memory_space<hbm>>) target(%dma_start3A_451 : memref<16x1024xf32, #tpu.memory_space<vmem>>) offsets(%get3A_446 : vector<16xi32>) semaphore(%arg13 : memref<!tpu.dma_semaphore, #tpu.memory_space<semaphore_mem>>)
    %get3A_455 = arith.constant 3 : i32
    %get3A_456 = arith.index_cast %get3A_455 : i32 to index
    %get3A_457 = arith.constant 16 : index
    %get3A_458 = tpu.vector_load %arg7[%get3A_456, %get3A_457] {strides = array<i32>} : memref<4x32xi32, #tpu.memory_space<vmem>>, vector<16xi32>,
    %dma_start3A_459 = arith.constant 1 : i32
    %dma_start3A_460 = arith.constant 0 : i32
    %dma_start3A_461 = arith.constant 0 : i32
    %dma_start3A_462 = tpu.memref_slice %arg10[%dma_start3A_459, %dma_start3A_460, %dma_start3A_461] : memref<2x16x1024xf32, #tpu.memory_space<vmem>> -> memref<1x16x1024xf32, #tpu.memory_space<vmem>>
    %dma_start3A_463 = tpu.memref_squeeze %dma_start3A_462 : memref<1x16x1024xf32, #tpu.memory_space<vmem>> -> memref<16x1024xf32, #tpu.memory_space<vmem>>
    %dma_start3A_464 = arith.constant 0 : i32
    %dma_start3A_465 = arith.constant 0 : i32
    %dma_start3A_466 = tpu.memref_slice %arg2[%dma_start3A_464, %dma_start3A_465] : memref<12800x1024xf32, #tpu.memory_space<hbm>> -> memref<12800x1024xf32, #tpu.memory_space<hbm>>
    tpu.enqueue_indirect_dma source(%dma_start3A_466 : memref<12800x1024xf32, #tpu.memory_space<hbm>>) target(%dma_start3A_463 : memref<16x1024xf32, #tpu.memory_space<vmem>>) offsets(%get3A_458 : vector<16xi32>) semaphore(%arg15 : memref<!tpu.dma_semaphore, #tpu.memory_space<semaphore_mem>>)
    %dma_wait3A_467 = arith.constant 0 : i32
    %dma_wait3A_468 = arith.constant 0 : i32
    %dma_wait3A_469 = arith.constant 0 : i32
    %dma_wait3A_470 = tpu.memref_slice %arg9[%dma_wait3A_467, %dma_wait3A_468, %dma_wait3A_469] : memref<2x16x1024xf32, #tpu.memory_space<vmem>> -> memref<1x16x1024xf32, #tpu.memory_space<vmem>>
    %dma_wait3A_471 = tpu.memref_squeeze %dma_wait3A_470 : memref<1x16x1024xf32, #tpu.memory_space<vmem>> -> memref<16x1024xf32, #tpu.memory_space<vmem>>
    %dma_wait3A_472 = arith.constant 0 : i32
    %dma_wait3A_473 = arith.constant 0 : i32
    %dma_wait3A_474 = tpu.memref_slice %arg2[%dma_wait3A_472, %dma_wait3A_473] : memref<12800x1024xf32, #tpu.memory_space<hbm>> -> memref<12800x1024xf32, #tpu.memory_space<hbm>>
    tpu.wait_indirect_dma semaphore(%arg12 : memref<!tpu.dma_semaphore, #tpu.memory_space<semaphore_mem>>) src(%dma_wait3A_474 : memref<12800x1024xf32, #tpu.memory_space<hbm>>) dst(%dma_wait3A_471 : memref<16x1024xf32, #tpu.memory_space<vmem>>)
    %dma_wait3A_475 = arith.constant 0 : i32
    %dma_wait3A_476 = arith.constant 0 : i32
    %dma_wait3A_477 = arith.constant 0 : i32
    %dma_wait3A_478 = tpu.memref_slice %arg10[%dma_wait3A_475, %dma_wait3A_476, %dma_wait3A_477] : memref<2x16x1024xf32, #tpu.memory_space<vmem>> -> memref<1x16x1024xf32, #tpu.memory_space<vmem>>
    %dma_wait3A_479 = tpu.memref_squeeze %dma_wait3A_478 : memref<1x16x1024xf32, #tpu.memory_space<vmem>> -> memref<16x1024xf32, #tpu.memory_space<vmem>>
    %dma_wait3A_480 = arith.constant 0 : i32
    %dma_wait3A_481 = arith.constant 0 : i32
    %dma_wait3A_482 = tpu.memref_slice %arg2[%dma_wait3A_480, %dma_wait3A_481] : memref<12800x1024xf32, #tpu.memory_space<hbm>> -> memref<12800x1024xf32, #tpu.memory_space<hbm>>
    tpu.wait_indirect_dma semaphore(%arg14 : memref<!tpu.dma_semaphore, #tpu.memory_space<semaphore_mem>>) src(%dma_wait3A_482 : memref<12800x1024xf32, #tpu.memory_space<hbm>>) dst(%dma_wait3A_479 : memref<16x1024xf32, #tpu.memory_space<vmem>>)
    %dma_wait3A_483 = arith.constant 0 : i32
    %dma_wait3A_484 = arith.constant 0 : i32
    %dma_wait3A_485 = arith.constant 0 : i32
    %dma_wait3A_486 = tpu.memref_slice %arg11[%dma_wait3A_483, %dma_wait3A_484, %dma_wait3A_485] : memref<2x16x1024xf32, #tpu.memory_space<vmem>> -> memref<1x16x1024xf32, #tpu.memory_space<vmem>>
    %dma_wait3A_487 = tpu.memref_squeeze %dma_wait3A_486 : memref<1x16x1024xf32, #tpu.memory_space<vmem>> -> memref<16x1024xf32, #tpu.memory_space<vmem>>
    %dma_wait3A_488 = arith.constant 0 : i32
    %dma_wait3A_489 = tpu.memref_slice %arg5[%add3A_355, %dma_wait3A_488] : memref<4096x1024xf32, #tpu.memory_space<hbm>> -> memref<16x1024xf32, #tpu.memory_space<hbm>>
    %dma_wait3A_490 = arith.constant 0 : i32
    %dma_wait3A_491 = tpu.memref_slice %arg5[%add3A_355, %dma_wait3A_490] : memref<4096x1024xf32, #tpu.memory_space<hbm>> -> memref<16x1024xf32, #tpu.memory_space<hbm>>
    %dma_wait3A_492 = arith.constant 0 : i32
    %dma_wait3A_493 = arith.constant 0 : i32
    %dma_wait3A_494 = tpu.memref_slice %arg11[%dma_wait3A_483, %dma_wait3A_492, %dma_wait3A_493] : memref<2x16x1024xf32, #tpu.memory_space<vmem>> -> memref<1x16x1024xf32, #tpu.memory_space<vmem>>
    %dma_wait3A_495 = tpu.memref_squeeze %dma_wait3A_494 : memref<1x16x1024xf32, #tpu.memory_space<vmem>> -> memref<16x1024xf32, #tpu.memory_space<vmem>>
    tpu.wait_dma2 semaphore(%arg16 : memref<!tpu.dma_semaphore, #tpu.memory_space<semaphore_mem>>) src(%dma_wait3A_495 : memref<16x1024xf32, #tpu.memory_space<vmem>>) dst(%dma_wait3A_491 : memref<16x1024xf32, #tpu.memory_space<hbm>>)
    %scan3A_496 = arith.constant 0 : i32
    %scan3A_497 = arith.constant 0 : i32
    %scan3A_498 = arith.constant 16 : i32
    %scan3A_499 = arith.addi %scan3A_497, %scan3A_498 : i32
    %scan3A_500 = arith.constant 1 : i32
    scf.for %scan3A_593 = %scan3A_497 to %scan3A_499 step %scan3A_500  : i32 {
      %broadcast_in_dim3A = arith.constant 0 : i32
      %broadcast_in_dim3A_594 = vector.broadcast %broadcast_in_dim3A : i32 to vector<16xi32>
      %add3A_595 = arith.constant 96 : i32
      %add3A_596 = arith.addi %add3A_595, %scan3A_593 : i32
      %add3A_597 = vector.broadcast %add3A_596 : i32 to vector<16xi32>
      %add3A_598 = arith.addi %broadcast_in_dim3A_594, %add3A_597 : vector<16xi32>
      %gather3A = tpu.vector_load_idx %arg8[%broadcast_in_dim3A_594, %add3A_598] : memref<2x128xf32, #tpu.memory_space<vmem>>[vector<16xi32>, vector<16xi32>], vector<16xf32>,
      %add3A_599 = arith.constant 1 : i32
      %add3A_600 = vector.broadcast %add3A_599 : i32 to vector<16xi32>
      %add3A_601 = arith.addi %broadcast_in_dim3A_594, %add3A_600 : vector<16xi32>
      %gather3A_602 = tpu.vector_load_idx %arg8[%add3A_601, %add3A_598] : memref<2x128xf32, #tpu.memory_space<vmem>>[vector<16xi32>, vector<16xi32>], vector<16xf32>,
      %scan3A_603 = arith.constant 0 : i32
      %scan3A_604 = arith.constant 0 : i32
      %scan3A_605 = arith.constant 64 : i32
      %scan3A_606 = arith.addi %scan3A_604, %scan3A_605 : i32
      %scan3A_607 = arith.constant 4 : i32
      scf.for %scan3A_609 = %scan3A_604 to %scan3A_606 step %scan3A_607  : i32 {
        %mul3A_610 = arith.constant 16 : i32
        %mul3A_611 = arith.muli %scan3A_609, %mul3A_610 : i32
        %get3A_612 = arith.constant 0 : i32
        %get3A_613 = arith.index_cast %get3A_612 : i32 to index
        %get3A_614 = arith.index_cast %scan3A_593 : i32 to index
        %get3A_615 = arith.index_cast %mul3A_611 : i32 to index
        %get3A_616 = tpu.vector_load %arg9[%get3A_613, %get3A_614, %get3A_615] {strides = array<i32>} : memref<2x16x1024xf32, #tpu.memory_space<vmem>>, vector<16xf32>,
        %mul3A_617 = arith.constant 16 : i32
        %mul3A_618 = arith.muli %scan3A_609, %mul3A_617 : i32
        %get3A_619 = arith.constant 0 : i32
        %get3A_620 = arith.index_cast %get3A_619 : i32 to index
        %get3A_621 = arith.index_cast %scan3A_593 : i32 to index
        %get3A_622 = arith.index_cast %mul3A_618 : i32 to index
        %get3A_623 = tpu.vector_load %arg10[%get3A_620, %get3A_621, %get3A_622] {strides = array<i32>} : memref<2x16x1024xf32, #tpu.memory_space<vmem>>, vector<16xf32>,
        %mul3A_624 = arith.mulf %gather3A, %get3A_616 : vector<16xf32>
        %mul3A_625 = arith.mulf %gather3A_602, %get3A_623 : vector<16xf32>
        %add3A_626 = arith.addf %mul3A_624, %mul3A_625 : vector<16xf32>
        %mul3A_627 = arith.constant 16 : i32
        %mul3A_628 = arith.muli %scan3A_609, %mul3A_627 : i32
        %swap3A = arith.constant 0 : i32
        %swap3A_629 = arith.index_cast %swap3A : i32 to index
        %swap3A_630 = arith.index_cast %scan3A_593 : i32 to index
        %swap3A_631 = arith.index_cast %mul3A_628 : i32 to index
        %swap3A_632 = tpu.vector_load %arg11[%swap3A_629, %swap3A_630, %swap3A_631] {strides = array<i32>} : memref<2x16x1024xf32, #tpu.memory_space<vmem>>, vector<16xf32>,
        tpu.vector_store %arg11[%swap3A_629, %swap3A_630, %swap3A_631], %add3A_626 {strides = array<i32>} : memref<2x16x1024xf32, #tpu.memory_space<vmem>>, vector<16xf32>,
        %scan3A_633 = arith.constant 1 : i32
        %scan3A_634 = arith.addi %scan3A_609, %scan3A_633 : i32
        %mul3A_635 = arith.constant 16 : i32
        %mul3A_636 = arith.muli %scan3A_634, %mul3A_635 : i32
        %get3A_637 = arith.constant 0 : i32
        %get3A_638 = arith.index_cast %get3A_637 : i32 to index
        %get3A_639 = arith.index_cast %scan3A_593 : i32 to index
        %get3A_640 = arith.index_cast %mul3A_636 : i32 to index
        %get3A_641 = tpu.vector_load %arg9[%get3A_638, %get3A_639, %get3A_640] {strides = array<i32>} : memref<2x16x1024xf32, #tpu.memory_space<vmem>>, vector<16xf32>,
        %mul3A_642 = arith.constant 16 : i32
        %mul3A_643 = arith.muli %scan3A_634, %mul3A_642 : i32
        %get3A_644 = arith.constant 0 : i32
        %get3A_645 = arith.index_cast %get3A_644 : i32 to index
        %get3A_646 = arith.index_cast %scan3A_593 : i32 to index
        %get3A_647 = arith.index_cast %mul3A_643 : i32 to index
        %get3A_648 = tpu.vector_load %arg10[%get3A_645, %get3A_646, %get3A_647] {strides = array<i32>} : memref<2x16x1024xf32, #tpu.memory_space<vmem>>, vector<16xf32>,
        %mul3A_649 = arith.mulf %gather3A, %get3A_641 : vector<16xf32>
        %mul3A_650 = arith.mulf %gather3A_602, %get3A_648 : vector<16xf32>
        %add3A_651 = arith.addf %mul3A_649, %mul3A_650 : vector<16xf32>
        %mul3A_652 = arith.constant 16 : i32
        %mul3A_653 = arith.muli %scan3A_634, %mul3A_652 : i32
        %swap3A_654 = arith.constant 0 : i32
        %swap3A_655 = arith.index_cast %swap3A_654 : i32 to index
        %swap3A_656 = arith.index_cast %scan3A_593 : i32 to index
        %swap3A_657 = arith.index_cast %mul3A_653 : i32 to index
        %swap3A_658 = tpu.vector_load %arg11[%swap3A_655, %swap3A_656, %swap3A_657] {strides = array<i32>} : memref<2x16x1024xf32, #tpu.memory_space<vmem>>, vector<16xf32>,
        tpu.vector_store %arg11[%swap3A_655, %swap3A_656, %swap3A_657], %add3A_651 {strides = array<i32>} : memref<2x16x1024xf32, #tpu.memory_space<vmem>>, vector<16xf32>,
        %scan3A_659 = arith.constant 2 : i32
        %scan3A_660 = arith.addi %scan3A_609, %scan3A_659 : i32
        %mul3A_661 = arith.constant 16 : i32
        %mul3A_662 = arith.muli %scan3A_660, %mul3A_661 : i32
        %get3A_663 = arith.constant 0 : i32
        %get3A_664 = arith.index_cast %get3A_663 : i32 to index
        %get3A_665 = arith.index_cast %scan3A_593 : i32 to index
        %get3A_666 = arith.index_cast %mul3A_662 : i32 to index
        %get3A_667 = tpu.vector_load %arg9[%get3A_664, %get3A_665, %get3A_666] {strides = array<i32>} : memref<2x16x1024xf32, #tpu.memory_space<vmem>>, vector<16xf32>,
        %mul3A_668 = arith.constant 16 : i32
        %mul3A_669 = arith.muli %scan3A_660, %mul3A_668 : i32
        %get3A_670 = arith.constant 0 : i32
        %get3A_671 = arith.index_cast %get3A_670 : i32 to index
        %get3A_672 = arith.index_cast %scan3A_593 : i32 to index
        %get3A_673 = arith.index_cast %mul3A_669 : i32 to index
        %get3A_674 = tpu.vector_load %arg10[%get3A_671, %get3A_672, %get3A_673] {strides = array<i32>} : memref<2x16x1024xf32, #tpu.memory_space<vmem>>, vector<16xf32>,
        %mul3A_675 = arith.mulf %gather3A, %get3A_667 : vector<16xf32>
        %mul3A_676 = arith.mulf %gather3A_602, %get3A_674 : vector<16xf32>
        %add3A_677 = arith.addf %mul3A_675, %mul3A_676 : vector<16xf32>
        %mul3A_678 = arith.constant 16 : i32
        %mul3A_679 = arith.muli %scan3A_660, %mul3A_678 : i32
        %swap3A_680 = arith.constant 0 : i32
        %swap3A_681 = arith.index_cast %swap3A_680 : i32 to index
        %swap3A_682 = arith.index_cast %scan3A_593 : i32 to index
        %swap3A_683 = arith.index_cast %mul3A_679 : i32 to index
        %swap3A_684 = tpu.vector_load %arg11[%swap3A_681, %swap3A_682, %swap3A_683] {strides = array<i32>} : memref<2x16x1024xf32, #tpu.memory_space<vmem>>, vector<16xf32>,
        tpu.vector_store %arg11[%swap3A_681, %swap3A_682, %swap3A_683], %add3A_677 {strides = array<i32>} : memref<2x16x1024xf32, #tpu.memory_space<vmem>>, vector<16xf32>,
        %scan3A_685 = arith.constant 3 : i32
        %scan3A_686 = arith.addi %scan3A_609, %scan3A_685 : i32
        %mul3A_687 = arith.constant 16 : i32
        %mul3A_688 = arith.muli %scan3A_686, %mul3A_687 : i32
        %get3A_689 = arith.constant 0 : i32
        %get3A_690 = arith.index_cast %get3A_689 : i32 to index
        %get3A_691 = arith.index_cast %scan3A_593 : i32 to index
        %get3A_692 = arith.index_cast %mul3A_688 : i32 to index
        %get3A_693 = tpu.vector_load %arg9[%get3A_690, %get3A_691, %get3A_692] {strides = array<i32>} : memref<2x16x1024xf32, #tpu.memory_space<vmem>>, vector<16xf32>,
        %mul3A_694 = arith.constant 16 : i32
        %mul3A_695 = arith.muli %scan3A_686, %mul3A_694 : i32
        %get3A_696 = arith.constant 0 : i32
        %get3A_697 = arith.index_cast %get3A_696 : i32 to index
        %get3A_698 = arith.index_cast %scan3A_593 : i32 to index
        %get3A_699 = arith.index_cast %mul3A_695 : i32 to index
        %get3A_700 = tpu.vector_load %arg10[%get3A_697, %get3A_698, %get3A_699] {strides = array<i32>} : memref<2x16x1024xf32, #tpu.memory_space<vmem>>, vector<16xf32>,
        %mul3A_701 = arith.mulf %gather3A, %get3A_693 : vector<16xf32>
        %mul3A_702 = arith.mulf %gather3A_602, %get3A_700 : vector<16xf32>
        %add3A_703 = arith.addf %mul3A_701, %mul3A_702 : vector<16xf32>
        %mul3A_704 = arith.constant 16 : i32
        %mul3A_705 = arith.muli %scan3A_686, %mul3A_704 : i32
        %swap3A_706 = arith.constant 0 : i32
        %swap3A_707 = arith.index_cast %swap3A_706 : i32 to index
        %swap3A_708 = arith.index_cast %scan3A_593 : i32 to index
        %swap3A_709 = arith.index_cast %mul3A_705 : i32 to index
        %swap3A_710 = tpu.vector_load %arg11[%swap3A_707, %swap3A_708, %swap3A_709] {strides = array<i32>} : memref<2x16x1024xf32, #tpu.memory_space<vmem>>, vector<16xf32>,
        tpu.vector_store %arg11[%swap3A_707, %swap3A_708, %swap3A_709], %add3A_703 {strides = array<i32>} : memref<2x16x1024xf32, #tpu.memory_space<vmem>>, vector<16xf32>,
      }
      %scan3A_608 = arith.constant 64 : i32
    }
    %scan3A_501 = arith.constant 16 : i32
    %add3A_502 = arith.constant 96 : i32
    %add3A_503 = arith.addi %mul3A_2, %add3A_502 : i32
    %dma_start3A_504 = arith.constant 0 : i32
    %dma_start3A_505 = arith.constant 0 : i32
    %dma_start3A_506 = arith.constant 0 : i32
    %dma_start3A_507 = tpu.memref_slice %arg11[%dma_start3A_504, %dma_start3A_505, %dma_start3A_506] : memref<2x16x1024xf32, #tpu.memory_space<vmem>> -> memref<1x16x1024xf32, #tpu.memory_space<vmem>>
    %dma_start3A_508 = tpu.memref_squeeze %dma_start3A_507 : memref<1x16x1024xf32, #tpu.memory_space<vmem>> -> memref<16x1024xf32, #tpu.memory_space<vmem>>
    %dma_start3A_509 = arith.constant 0 : i32
    %dma_start3A_510 = tpu.memref_slice %arg5[%add3A_503, %dma_start3A_509] : memref<4096x1024xf32, #tpu.memory_space<hbm>> -> memref<16x1024xf32, #tpu.memory_space<hbm>>
    %dma_start3A_511 = arith.constant 0 : i32
    %dma_start3A_512 = tpu.memref_slice %arg5[%add3A_503, %dma_start3A_511] : memref<4096x1024xf32, #tpu.memory_space<hbm>> -> memref<16x1024xf32, #tpu.memory_space<hbm>>
    %dma_start3A_513 = arith.constant 0 : i32
    %dma_start3A_514 = arith.constant 0 : i32
    %dma_start3A_515 = tpu.memref_slice %arg11[%dma_start3A_504, %dma_start3A_513, %dma_start3A_514] : memref<2x16x1024xf32, #tpu.memory_space<vmem>> -> memref<1x16x1024xf32, #tpu.memory_space<vmem>>
    %dma_start3A_516 = tpu.memref_squeeze %dma_start3A_515 : memref<1x16x1024xf32, #tpu.memory_space<vmem>> -> memref<16x1024xf32, #tpu.memory_space<vmem>>
    tpu.enqueue_dma source(%dma_start3A_516 : memref<16x1024xf32, #tpu.memory_space<vmem>>) target(%dma_start3A_512 : memref<16x1024xf32, #tpu.memory_space<hbm>>) target_semaphore(%arg16 : memref<!tpu.dma_semaphore, #tpu.memory_space<semaphore_mem>>)
    %dma_wait3A_517 = arith.constant 1 : i32
    %dma_wait3A_518 = arith.constant 0 : i32
    %dma_wait3A_519 = arith.constant 0 : i32
    %dma_wait3A_520 = tpu.memref_slice %arg9[%dma_wait3A_517, %dma_wait3A_518, %dma_wait3A_519] : memref<2x16x1024xf32, #tpu.memory_space<vmem>> -> memref<1x16x1024xf32, #tpu.memory_space<vmem>>
    %dma_wait3A_521 = tpu.memref_squeeze %dma_wait3A_520 : memref<1x16x1024xf32, #tpu.memory_space<vmem>> -> memref<16x1024xf32, #tpu.memory_space<vmem>>
    %dma_wait3A_522 = arith.constant 0 : i32
    %dma_wait3A_523 = arith.constant 0 : i32
    %dma_wait3A_524 = tpu.memref_slice %arg2[%dma_wait3A_522, %dma_wait3A_523] : memref<12800x1024xf32, #tpu.memory_space<hbm>> -> memref<12800x1024xf32, #tpu.memory_space<hbm>>
    tpu.wait_indirect_dma semaphore(%arg13 : memref<!tpu.dma_semaphore, #tpu.memory_space<semaphore_mem>>) src(%dma_wait3A_524 : memref<12800x1024xf32, #tpu.memory_space<hbm>>) dst(%dma_wait3A_521 : memref<16x1024xf32, #tpu.memory_space<vmem>>)
    %dma_wait3A_525 = arith.constant 1 : i32
    %dma_wait3A_526 = arith.constant 0 : i32
    %dma_wait3A_527 = arith.constant 0 : i32
    %dma_wait3A_528 = tpu.memref_slice %arg10[%dma_wait3A_525, %dma_wait3A_526, %dma_wait3A_527] : memref<2x16x1024xf32, #tpu.memory_space<vmem>> -> memref<1x16x1024xf32, #tpu.memory_space<vmem>>
    %dma_wait3A_529 = tpu.memref_squeeze %dma_wait3A_528 : memref<1x16x1024xf32, #tpu.memory_space<vmem>> -> memref<16x1024xf32, #tpu.memory_space<vmem>>
    %dma_wait3A_530 = arith.constant 0 : i32
    %dma_wait3A_531 = arith.constant 0 : i32
    %dma_wait3A_532 = tpu.memref_slice %arg2[%dma_wait3A_530, %dma_wait3A_531] : memref<12800x1024xf32, #tpu.memory_space<hbm>> -> memref<12800x1024xf32, #tpu.memory_space<hbm>>
    tpu.wait_indirect_dma semaphore(%arg15 : memref<!tpu.dma_semaphore, #tpu.memory_space<semaphore_mem>>) src(%dma_wait3A_532 : memref<12800x1024xf32, #tpu.memory_space<hbm>>) dst(%dma_wait3A_529 : memref<16x1024xf32, #tpu.memory_space<vmem>>)
    %dma_wait3A_533 = arith.constant 1 : i32
    %dma_wait3A_534 = arith.constant 0 : i32
    %dma_wait3A_535 = arith.constant 0 : i32
    %dma_wait3A_536 = tpu.memref_slice %arg11[%dma_wait3A_533, %dma_wait3A_534, %dma_wait3A_535] : memref<2x16x1024xf32, #tpu.memory_space<vmem>> -> memref<1x16x1024xf32, #tpu.memory_space<vmem>>
    %dma_wait3A_537 = tpu.memref_squeeze %dma_wait3A_536 : memref<1x16x1024xf32, #tpu.memory_space<vmem>> -> memref<16x1024xf32, #tpu.memory_space<vmem>>
    %dma_wait3A_538 = arith.constant 0 : i32
    %dma_wait3A_539 = tpu.memref_slice %arg5[%add3A_429, %dma_wait3A_538] : memref<4096x1024xf32, #tpu.memory_space<hbm>> -> memref<16x1024xf32, #tpu.memory_space<hbm>>
    %dma_wait3A_540 = arith.constant 0 : i32
    %dma_wait3A_541 = tpu.memref_slice %arg5[%add3A_429, %dma_wait3A_540] : memref<4096x1024xf32, #tpu.memory_space<hbm>> -> memref<16x1024xf32, #tpu.memory_space<hbm>>
    %dma_wait3A_542 = arith.constant 0 : i32
    %dma_wait3A_543 = arith.constant 0 : i32
    %dma_wait3A_544 = tpu.memref_slice %arg11[%dma_wait3A_533, %dma_wait3A_542, %dma_wait3A_543] : memref<2x16x1024xf32, #tpu.memory_space<vmem>> -> memref<1x16x1024xf32, #tpu.memory_space<vmem>>
    %dma_wait3A_545 = tpu.memref_squeeze %dma_wait3A_544 : memref<1x16x1024xf32, #tpu.memory_space<vmem>> -> memref<16x1024xf32, #tpu.memory_space<vmem>>
    tpu.wait_dma2 semaphore(%arg17 : memref<!tpu.dma_semaphore, #tpu.memory_space<semaphore_mem>>) src(%dma_wait3A_545 : memref<16x1024xf32, #tpu.memory_space<vmem>>) dst(%dma_wait3A_541 : memref<16x1024xf32, #tpu.memory_space<hbm>>)
    %scan3A_546 = arith.constant 0 : i32
    %scan3A_547 = arith.constant 0 : i32
    %scan3A_548 = arith.constant 16 : i32
    %scan3A_549 = arith.addi %scan3A_547, %scan3A_548 : i32
    %scan3A_550 = arith.constant 1 : i32
    scf.for %scan3A_593 = %scan3A_547 to %scan3A_549 step %scan3A_550  : i32 {
      %broadcast_in_dim3A = arith.constant 0 : i32
      %broadcast_in_dim3A_594 = vector.broadcast %broadcast_in_dim3A : i32 to vector<16xi32>
      %add3A_595 = arith.constant 112 : i32
      %add3A_596 = arith.addi %add3A_595, %scan3A_593 : i32
      %add3A_597 = vector.broadcast %add3A_596 : i32 to vector<16xi32>
      %add3A_598 = arith.addi %broadcast_in_dim3A_594, %add3A_597 : vector<16xi32>
      %gather3A = tpu.vector_load_idx %arg8[%broadcast_in_dim3A_594, %add3A_598] : memref<2x128xf32, #tpu.memory_space<vmem>>[vector<16xi32>, vector<16xi32>], vector<16xf32>,
      %add3A_599 = arith.constant 1 : i32
      %add3A_600 = vector.broadcast %add3A_599 : i32 to vector<16xi32>
      %add3A_601 = arith.addi %broadcast_in_dim3A_594, %add3A_600 : vector<16xi32>
      %gather3A_602 = tpu.vector_load_idx %arg8[%add3A_601, %add3A_598] : memref<2x128xf32, #tpu.memory_space<vmem>>[vector<16xi32>, vector<16xi32>], vector<16xf32>,
      %scan3A_603 = arith.constant 0 : i32
      %scan3A_604 = arith.constant 0 : i32
      %scan3A_605 = arith.constant 64 : i32
      %scan3A_606 = arith.addi %scan3A_604, %scan3A_605 : i32
      %scan3A_607 = arith.constant 4 : i32
      scf.for %scan3A_609 = %scan3A_604 to %scan3A_606 step %scan3A_607  : i32 {
        %mul3A_610 = arith.constant 16 : i32
        %mul3A_611 = arith.muli %scan3A_609, %mul3A_610 : i32
        %get3A_612 = arith.constant 1 : i32
        %get3A_613 = arith.index_cast %get3A_612 : i32 to index
        %get3A_614 = arith.index_cast %scan3A_593 : i32 to index
        %get3A_615 = arith.index_cast %mul3A_611 : i32 to index
        %get3A_616 = tpu.vector_load %arg9[%get3A_613, %get3A_614, %get3A_615] {strides = array<i32>} : memref<2x16x1024xf32, #tpu.memory_space<vmem>>, vector<16xf32>,
        %mul3A_617 = arith.constant 16 : i32
        %mul3A_618 = arith.muli %scan3A_609, %mul3A_617 : i32
        %get3A_619 = arith.constant 1 : i32
        %get3A_620 = arith.index_cast %get3A_619 : i32 to index
        %get3A_621 = arith.index_cast %scan3A_593 : i32 to index
        %get3A_622 = arith.index_cast %mul3A_618 : i32 to index
        %get3A_623 = tpu.vector_load %arg10[%get3A_620, %get3A_621, %get3A_622] {strides = array<i32>} : memref<2x16x1024xf32, #tpu.memory_space<vmem>>, vector<16xf32>,
        %mul3A_624 = arith.mulf %gather3A, %get3A_616 : vector<16xf32>
        %mul3A_625 = arith.mulf %gather3A_602, %get3A_623 : vector<16xf32>
        %add3A_626 = arith.addf %mul3A_624, %mul3A_625 : vector<16xf32>
        %mul3A_627 = arith.constant 16 : i32
        %mul3A_628 = arith.muli %scan3A_609, %mul3A_627 : i32
        %swap3A = arith.constant 1 : i32
        %swap3A_629 = arith.index_cast %swap3A : i32 to index
        %swap3A_630 = arith.index_cast %scan3A_593 : i32 to index
        %swap3A_631 = arith.index_cast %mul3A_628 : i32 to index
        %swap3A_632 = tpu.vector_load %arg11[%swap3A_629, %swap3A_630, %swap3A_631] {strides = array<i32>} : memref<2x16x1024xf32, #tpu.memory_space<vmem>>, vector<16xf32>,
        tpu.vector_store %arg11[%swap3A_629, %swap3A_630, %swap3A_631], %add3A_626 {strides = array<i32>} : memref<2x16x1024xf32, #tpu.memory_space<vmem>>, vector<16xf32>,
        %scan3A_633 = arith.constant 1 : i32
        %scan3A_634 = arith.addi %scan3A_609, %scan3A_633 : i32
        %mul3A_635 = arith.constant 16 : i32
        %mul3A_636 = arith.muli %scan3A_634, %mul3A_635 : i32
        %get3A_637 = arith.constant 1 : i32
        %get3A_638 = arith.index_cast %get3A_637 : i32 to index
        %get3A_639 = arith.index_cast %scan3A_593 : i32 to index
        %get3A_640 = arith.index_cast %mul3A_636 : i32 to index
        %get3A_641 = tpu.vector_load %arg9[%get3A_638, %get3A_639, %get3A_640] {strides = array<i32>} : memref<2x16x1024xf32, #tpu.memory_space<vmem>>, vector<16xf32>,
        %mul3A_642 = arith.constant 16 : i32
        %mul3A_643 = arith.muli %scan3A_634, %mul3A_642 : i32
        %get3A_644 = arith.constant 1 : i32
        %get3A_645 = arith.index_cast %get3A_644 : i32 to index
        %get3A_646 = arith.index_cast %scan3A_593 : i32 to index
        %get3A_647 = arith.index_cast %mul3A_643 : i32 to index
        %get3A_648 = tpu.vector_load %arg10[%get3A_645, %get3A_646, %get3A_647] {strides = array<i32>} : memref<2x16x1024xf32, #tpu.memory_space<vmem>>, vector<16xf32>,
        %mul3A_649 = arith.mulf %gather3A, %get3A_641 : vector<16xf32>
        %mul3A_650 = arith.mulf %gather3A_602, %get3A_648 : vector<16xf32>
        %add3A_651 = arith.addf %mul3A_649, %mul3A_650 : vector<16xf32>
        %mul3A_652 = arith.constant 16 : i32
        %mul3A_653 = arith.muli %scan3A_634, %mul3A_652 : i32
        %swap3A_654 = arith.constant 1 : i32
        %swap3A_655 = arith.index_cast %swap3A_654 : i32 to index
        %swap3A_656 = arith.index_cast %scan3A_593 : i32 to index
        %swap3A_657 = arith.index_cast %mul3A_653 : i32 to index
        %swap3A_658 = tpu.vector_load %arg11[%swap3A_655, %swap3A_656, %swap3A_657] {strides = array<i32>} : memref<2x16x1024xf32, #tpu.memory_space<vmem>>, vector<16xf32>,
        tpu.vector_store %arg11[%swap3A_655, %swap3A_656, %swap3A_657], %add3A_651 {strides = array<i32>} : memref<2x16x1024xf32, #tpu.memory_space<vmem>>, vector<16xf32>,
        %scan3A_659 = arith.constant 2 : i32
        %scan3A_660 = arith.addi %scan3A_609, %scan3A_659 : i32
        %mul3A_661 = arith.constant 16 : i32
        %mul3A_662 = arith.muli %scan3A_660, %mul3A_661 : i32
        %get3A_663 = arith.constant 1 : i32
        %get3A_664 = arith.index_cast %get3A_663 : i32 to index
        %get3A_665 = arith.index_cast %scan3A_593 : i32 to index
        %get3A_666 = arith.index_cast %mul3A_662 : i32 to index
        %get3A_667 = tpu.vector_load %arg9[%get3A_664, %get3A_665, %get3A_666] {strides = array<i32>} : memref<2x16x1024xf32, #tpu.memory_space<vmem>>, vector<16xf32>,
        %mul3A_668 = arith.constant 16 : i32
        %mul3A_669 = arith.muli %scan3A_660, %mul3A_668 : i32
        %get3A_670 = arith.constant 1 : i32
        %get3A_671 = arith.index_cast %get3A_670 : i32 to index
        %get3A_672 = arith.index_cast %scan3A_593 : i32 to index
        %get3A_673 = arith.index_cast %mul3A_669 : i32 to index
        %get3A_674 = tpu.vector_load %arg10[%get3A_671, %get3A_672, %get3A_673] {strides = array<i32>} : memref<2x16x1024xf32, #tpu.memory_space<vmem>>, vector<16xf32>,
        %mul3A_675 = arith.mulf %gather3A, %get3A_667 : vector<16xf32>
        %mul3A_676 = arith.mulf %gather3A_602, %get3A_674 : vector<16xf32>
        %add3A_677 = arith.addf %mul3A_675, %mul3A_676 : vector<16xf32>
        %mul3A_678 = arith.constant 16 : i32
        %mul3A_679 = arith.muli %scan3A_660, %mul3A_678 : i32
        %swap3A_680 = arith.constant 1 : i32
        %swap3A_681 = arith.index_cast %swap3A_680 : i32 to index
        %swap3A_682 = arith.index_cast %scan3A_593 : i32 to index
        %swap3A_683 = arith.index_cast %mul3A_679 : i32 to index
        %swap3A_684 = tpu.vector_load %arg11[%swap3A_681, %swap3A_682, %swap3A_683] {strides = array<i32>} : memref<2x16x1024xf32, #tpu.memory_space<vmem>>, vector<16xf32>,
        tpu.vector_store %arg11[%swap3A_681, %swap3A_682, %swap3A_683], %add3A_677 {strides = array<i32>} : memref<2x16x1024xf32, #tpu.memory_space<vmem>>, vector<16xf32>,
        %scan3A_685 = arith.constant 3 : i32
        %scan3A_686 = arith.addi %scan3A_609, %scan3A_685 : i32
        %mul3A_687 = arith.constant 16 : i32
        %mul3A_688 = arith.muli %scan3A_686, %mul3A_687 : i32
        %get3A_689 = arith.constant 1 : i32
        %get3A_690 = arith.index_cast %get3A_689 : i32 to index
        %get3A_691 = arith.index_cast %scan3A_593 : i32 to index
        %get3A_692 = arith.index_cast %mul3A_688 : i32 to index
        %get3A_693 = tpu.vector_load %arg9[%get3A_690, %get3A_691, %get3A_692] {strides = array<i32>} : memref<2x16x1024xf32, #tpu.memory_space<vmem>>, vector<16xf32>,
        %mul3A_694 = arith.constant 16 : i32
        %mul3A_695 = arith.muli %scan3A_686, %mul3A_694 : i32
        %get3A_696 = arith.constant 1 : i32
        %get3A_697 = arith.index_cast %get3A_696 : i32 to index
        %get3A_698 = arith.index_cast %scan3A_593 : i32 to index
        %get3A_699 = arith.index_cast %mul3A_695 : i32 to index
        %get3A_700 = tpu.vector_load %arg10[%get3A_697, %get3A_698, %get3A_699] {strides = array<i32>} : memref<2x16x1024xf32, #tpu.memory_space<vmem>>, vector<16xf32>,
        %mul3A_701 = arith.mulf %gather3A, %get3A_693 : vector<16xf32>
        %mul3A_702 = arith.mulf %gather3A_602, %get3A_700 : vector<16xf32>
        %add3A_703 = arith.addf %mul3A_701, %mul3A_702 : vector<16xf32>
        %mul3A_704 = arith.constant 16 : i32
        %mul3A_705 = arith.muli %scan3A_686, %mul3A_704 : i32
        %swap3A_706 = arith.constant 1 : i32
        %swap3A_707 = arith.index_cast %swap3A_706 : i32 to index
        %swap3A_708 = arith.index_cast %scan3A_593 : i32 to index
        %swap3A_709 = arith.index_cast %mul3A_705 : i32 to index
        %swap3A_710 = tpu.vector_load %arg11[%swap3A_707, %swap3A_708, %swap3A_709] {strides = array<i32>} : memref<2x16x1024xf32, #tpu.memory_space<vmem>>, vector<16xf32>,
        tpu.vector_store %arg11[%swap3A_707, %swap3A_708, %swap3A_709], %add3A_703 {strides = array<i32>} : memref<2x16x1024xf32, #tpu.memory_space<vmem>>, vector<16xf32>,
      }
      %scan3A_608 = arith.constant 64 : i32
    }
    %scan3A_551 = arith.constant 16 : i32
    %add3A_552 = arith.constant 112 : i32
    %add3A_553 = arith.addi %mul3A_2, %add3A_552 : i32
    %dma_start3A_554 = arith.constant 1 : i32
    %dma_start3A_555 = arith.constant 0 : i32
    %dma_start3A_556 = arith.constant 0 : i32
    %dma_start3A_557 = tpu.memref_slice %arg11[%dma_start3A_554, %dma_start3A_555, %dma_start3A_556] : memref<2x16x1024xf32, #tpu.memory_space<vmem>> -> memref<1x16x1024xf32, #tpu.memory_space<vmem>>
    %dma_start3A_558 = tpu.memref_squeeze %dma_start3A_557 : memref<1x16x1024xf32, #tpu.memory_space<vmem>> -> memref<16x1024xf32, #tpu.memory_space<vmem>>
    %dma_start3A_559 = arith.constant 0 : i32
    %dma_start3A_560 = tpu.memref_slice %arg5[%add3A_553, %dma_start3A_559] : memref<4096x1024xf32, #tpu.memory_space<hbm>> -> memref<16x1024xf32, #tpu.memory_space<hbm>>
    %dma_start3A_561 = arith.constant 0 : i32
    %dma_start3A_562 = tpu.memref_slice %arg5[%add3A_553, %dma_start3A_561] : memref<4096x1024xf32, #tpu.memory_space<hbm>> -> memref<16x1024xf32, #tpu.memory_space<hbm>>
    %dma_start3A_563 = arith.constant 0 : i32
    %dma_start3A_564 = arith.constant 0 : i32
    %dma_start3A_565 = tpu.memref_slice %arg11[%dma_start3A_554, %dma_start3A_563, %dma_start3A_564] : memref<2x16x1024xf32, #tpu.memory_space<vmem>> -> memref<1x16x1024xf32, #tpu.memory_space<vmem>>
    %dma_start3A_566 = tpu.memref_squeeze %dma_start3A_565 : memref<1x16x1024xf32, #tpu.memory_space<vmem>> -> memref<16x1024xf32, #tpu.memory_space<vmem>>
    tpu.enqueue_dma source(%dma_start3A_566 : memref<16x1024xf32, #tpu.memory_space<vmem>>) target(%dma_start3A_562 : memref<16x1024xf32, #tpu.memory_space<hbm>>) target_semaphore(%arg17 : memref<!tpu.dma_semaphore, #tpu.memory_space<semaphore_mem>>)
    %dma_wait3A_567 = arith.constant 0 : i32
    %dma_wait3A_568 = arith.constant 0 : i32
    %dma_wait3A_569 = arith.constant 0 : i32
    %dma_wait3A_570 = tpu.memref_slice %arg11[%dma_wait3A_567, %dma_wait3A_568, %dma_wait3A_569] : memref<2x16x1024xf32, #tpu.memory_space<vmem>> -> memref<1x16x1024xf32, #tpu.memory_space<vmem>>
    %dma_wait3A_571 = tpu.memref_squeeze %dma_wait3A_570 : memref<1x16x1024xf32, #tpu.memory_space<vmem>> -> memref<16x1024xf32, #tpu.memory_space<vmem>>
    %dma_wait3A_572 = arith.constant 0 : i32
    %dma_wait3A_573 = tpu.memref_slice %arg5[%add3A_503, %dma_wait3A_572] : memref<4096x1024xf32, #tpu.memory_space<hbm>> -> memref<16x1024xf32, #tpu.memory_space<hbm>>
    %dma_wait3A_574 = arith.constant 0 : i32
    %dma_wait3A_575 = tpu.memref_slice %arg5[%add3A_503, %dma_wait3A_574] : memref<4096x1024xf32, #tpu.memory_space<hbm>> -> memref<16x1024xf32, #tpu.memory_space<hbm>>
    %dma_wait3A_576 = arith.constant 0 : i32
    %dma_wait3A_577 = arith.constant 0 : i32
    %dma_wait3A_578 = tpu.memref_slice %arg11[%dma_wait3A_567, %dma_wait3A_576, %dma_wait3A_577] : memref<2x16x1024xf32, #tpu.memory_space<vmem>> -> memref<1x16x1024xf32, #tpu.memory_space<vmem>>
    %dma_wait3A_579 = tpu.memref_squeeze %dma_wait3A_578 : memref<1x16x1024xf32, #tpu.memory_space<vmem>> -> memref<16x1024xf32, #tpu.memory_space<vmem>>
    tpu.wait_dma2 semaphore(%arg16 : memref<!tpu.dma_semaphore, #tpu.memory_space<semaphore_mem>>) src(%dma_wait3A_579 : memref<16x1024xf32, #tpu.memory_space<vmem>>) dst(%dma_wait3A_575 : memref<16x1024xf32, #tpu.memory_space<hbm>>)
    %dma_wait3A_580 = arith.constant 1 : i32
    %dma_wait3A_581 = arith.constant 0 : i32
    %dma_wait3A_582 = arith.constant 0 : i32
    %dma_wait3A_583 = tpu.memref_slice %arg11[%dma_wait3A_580, %dma_wait3A_581, %dma_wait3A_582] : memref<2x16x1024xf32, #tpu.memory_space<vmem>> -> memref<1x16x1024xf32, #tpu.memory_space<vmem>>
    %dma_wait3A_584 = tpu.memref_squeeze %dma_wait3A_583 : memref<1x16x1024xf32, #tpu.memory_space<vmem>> -> memref<16x1024xf32, #tpu.memory_space<vmem>>
    %dma_wait3A_585 = arith.constant 0 : i32
    %dma_wait3A_586 = tpu.memref_slice %arg5[%add3A_553, %dma_wait3A_585] : memref<4096x1024xf32, #tpu.memory_space<hbm>> -> memref<16x1024xf32, #tpu.memory_space<hbm>>
    %dma_wait3A_587 = arith.constant 0 : i32
    %dma_wait3A_588 = tpu.memref_slice %arg5[%add3A_553, %dma_wait3A_587] : memref<4096x1024xf32, #tpu.memory_space<hbm>> -> memref<16x1024xf32, #tpu.memory_space<hbm>>
    %dma_wait3A_589 = arith.constant 0 : i32
    %dma_wait3A_590 = arith.constant 0 : i32
    %dma_wait3A_591 = tpu.memref_slice %arg11[%dma_wait3A_580, %dma_wait3A_589, %dma_wait3A_590] : memref<2x16x1024xf32, #tpu.memory_space<vmem>> -> memref<1x16x1024xf32, #tpu.memory_space<vmem>>
    %dma_wait3A_592 = tpu.memref_squeeze %dma_wait3A_591 : memref<1x16x1024xf32, #tpu.memory_space<vmem>> -> memref<16x1024xf32, #tpu.memory_space<vmem>>
    tpu.wait_dma2 semaphore(%arg17 : memref<!tpu.dma_semaphore, #tpu.memory_space<semaphore_mem>>) src(%dma_wait3A_592 : memref<16x1024xf32, #tpu.memory_space<vmem>>) dst(%dma_wait3A_588 : memref<16x1024xf32, #tpu.memory_space<hbm>>)
    return
  }
}

#map = affine_map<(d0, d1) -> (0, 0)>
#map1 = affine_map<(d0, d1) -> (0, 0, 0)>
#map2 = affine_map<(d0, d1) -> (0)>
module attributes {stable_mosaic.version = 14 : i64} {
  func.func @k(%arg0: i32, %arg1: i32, %arg2: memref<4096x1024xf32, #tpu.memory_space<hbm>>, %arg3: memref<32x2x128xi32, #tpu.memory_space<hbm>>, %arg4: memref<32x2x128xi32, #tpu.memory_space<hbm>>, %arg5: memref<16xi32, #tpu.memory_space<hbm>>, %arg6: memref<12800x1024xf32, #tpu.memory_space<hbm>>, %arg7: memref<64x4x32xi32, #tpu.memory_space<hbm>>, %arg8: memref<2x128xi32, #tpu.memory_space<vmem>>, %arg9: memref<2x128xi32, #tpu.memory_space<vmem>>, %arg10: memref<16xi32, #tpu.memory_space<vmem>>, %arg11: memref<4x32xi32, #tpu.memory_space<vmem>>, %arg12: memref<4x32xi32, #tpu.memory_space<vmem>>, %arg13: memref<2x32x1024xf32, #tpu.memory_space<vmem>>, %arg14: memref<!tpu.dma_semaphore, #tpu.memory_space<semaphore_mem>>, %arg15: memref<!tpu.dma_semaphore, #tpu.memory_space<semaphore_mem>>) attributes {dimension_semantics = [#tpu.dimension_semantics<core_parallel>, #tpu.dimension_semantics<subcore_parallel>], iteration_bounds = array<i64: 2, 16>, scalar_prefetch = 0 : i64, scratch_operands = 8 : i64, tpu.core_type = #tpu.core_type<sc_vector_subcore>, window_params = [{transform_indices = #map}, {transform_indices = #map1}, {transform_indices = #map1}, {transform_indices = #map2}, {transform_indices = #map}, {transform_indices = #map1}]} {
    %mul3A = arith.constant 2 : i32
    %mul3A_0 = arith.muli %arg1, %mul3A : i32
    %add3A = arith.addi %mul3A_0, %arg0 : i32
    %mul3A_1 = arith.constant 128 : i32
    %mul3A_2 = arith.muli %add3A, %mul3A_1 : i32
    "tpu.region"() ({
      %run_scoped3A_414 = tpu.sem_alloc : memref<!tpu.dma_semaphore, #tpu.memory_space<semaphore_mem>>
      %dma_start3A_415 = arith.constant 0 : i32
      %dma_start3A_416 = arith.constant 0 : i32
      %dma_start3A_417 = tpu.memref_slice %arg3[%add3A, %dma_start3A_415, %dma_start3A_416] : memref<32x2x128xi32, #tpu.memory_space<hbm>> -> memref<1x2x128xi32, #tpu.memory_space<hbm>>
      %dma_start3A_418 = tpu.memref_squeeze %dma_start3A_417 : memref<1x2x128xi32, #tpu.memory_space<hbm>> -> memref<2x128xi32, #tpu.memory_space<hbm>>
      %dma_start3A_419 = arith.constant 0 : i32
      %dma_start3A_420 = arith.constant 0 : i32
      %dma_start3A_421 = tpu.memref_slice %arg3[%add3A, %dma_start3A_419, %dma_start3A_420] : memref<32x2x128xi32, #tpu.memory_space<hbm>> -> memref<1x2x128xi32, #tpu.memory_space<hbm>>
      %dma_start3A_422 = tpu.memref_squeeze %dma_start3A_421 : memref<1x2x128xi32, #tpu.memory_space<hbm>> -> memref<2x128xi32, #tpu.memory_space<hbm>>
      tpu.enqueue_dma source(%dma_start3A_422 : memref<2x128xi32, #tpu.memory_space<hbm>>) target(%arg8 : memref<2x128xi32, #tpu.memory_space<vmem>>) target_semaphore(%run_scoped3A_414 : memref<!tpu.dma_semaphore, #tpu.memory_space<semaphore_mem>>)
      %dma_wait3A_423 = arith.constant 0 : i32
      %dma_wait3A_424 = arith.constant 0 : i32
      %dma_wait3A_425 = tpu.memref_slice %arg3[%add3A, %dma_wait3A_423, %dma_wait3A_424] : memref<32x2x128xi32, #tpu.memory_space<hbm>> -> memref<1x2x128xi32, #tpu.memory_space<hbm>>
      %dma_wait3A_426 = tpu.memref_squeeze %dma_wait3A_425 : memref<1x2x128xi32, #tpu.memory_space<hbm>> -> memref<2x128xi32, #tpu.memory_space<hbm>>
      %dma_wait3A_427 = arith.constant 0 : i32
      %dma_wait3A_428 = arith.constant 0 : i32
      %dma_wait3A_429 = tpu.memref_slice %arg3[%add3A, %dma_wait3A_427, %dma_wait3A_428] : memref<32x2x128xi32, #tpu.memory_space<hbm>> -> memref<1x2x128xi32, #tpu.memory_space<hbm>>
      %dma_wait3A_430 = tpu.memref_squeeze %dma_wait3A_429 : memref<1x2x128xi32, #tpu.memory_space<hbm>> -> memref<2x128xi32, #tpu.memory_space<hbm>>
      tpu.wait_dma2 semaphore(%run_scoped3A_414 : memref<!tpu.dma_semaphore, #tpu.memory_space<semaphore_mem>>) src(%dma_wait3A_430 : memref<2x128xi32, #tpu.memory_space<hbm>>) dst(%arg8 : memref<2x128xi32, #tpu.memory_space<vmem>>)
      tpu.yield
    }) : () -> ()
    "tpu.region"() ({
      %run_scoped3A_414 = tpu.sem_alloc : memref<!tpu.dma_semaphore, #tpu.memory_space<semaphore_mem>>
      %dma_start3A_415 = arith.constant 0 : i32
      %dma_start3A_416 = arith.constant 0 : i32
      %dma_start3A_417 = tpu.memref_slice %arg4[%add3A, %dma_start3A_415, %dma_start3A_416] : memref<32x2x128xi32, #tpu.memory_space<hbm>> -> memref<1x2x128xi32, #tpu.memory_space<hbm>>
      %dma_start3A_418 = tpu.memref_squeeze %dma_start3A_417 : memref<1x2x128xi32, #tpu.memory_space<hbm>> -> memref<2x128xi32, #tpu.memory_space<hbm>>
      %dma_start3A_419 = arith.constant 0 : i32
      %dma_start3A_420 = arith.constant 0 : i32
      %dma_start3A_421 = tpu.memref_slice %arg4[%add3A, %dma_start3A_419, %dma_start3A_420] : memref<32x2x128xi32, #tpu.memory_space<hbm>> -> memref<1x2x128xi32, #tpu.memory_space<hbm>>
      %dma_start3A_422 = tpu.memref_squeeze %dma_start3A_421 : memref<1x2x128xi32, #tpu.memory_space<hbm>> -> memref<2x128xi32, #tpu.memory_space<hbm>>
      tpu.enqueue_dma source(%dma_start3A_422 : memref<2x128xi32, #tpu.memory_space<hbm>>) target(%arg9 : memref<2x128xi32, #tpu.memory_space<vmem>>) target_semaphore(%run_scoped3A_414 : memref<!tpu.dma_semaphore, #tpu.memory_space<semaphore_mem>>)
      %dma_wait3A_423 = arith.constant 0 : i32
      %dma_wait3A_424 = arith.constant 0 : i32
      %dma_wait3A_425 = tpu.memref_slice %arg4[%add3A, %dma_wait3A_423, %dma_wait3A_424] : memref<32x2x128xi32, #tpu.memory_space<hbm>> -> memref<1x2x128xi32, #tpu.memory_space<hbm>>
      %dma_wait3A_426 = tpu.memref_squeeze %dma_wait3A_425 : memref<1x2x128xi32, #tpu.memory_space<hbm>> -> memref<2x128xi32, #tpu.memory_space<hbm>>
      %dma_wait3A_427 = arith.constant 0 : i32
      %dma_wait3A_428 = arith.constant 0 : i32
      %dma_wait3A_429 = tpu.memref_slice %arg4[%add3A, %dma_wait3A_427, %dma_wait3A_428] : memref<32x2x128xi32, #tpu.memory_space<hbm>> -> memref<1x2x128xi32, #tpu.memory_space<hbm>>
      %dma_wait3A_430 = tpu.memref_squeeze %dma_wait3A_429 : memref<1x2x128xi32, #tpu.memory_space<hbm>> -> memref<2x128xi32, #tpu.memory_space<hbm>>
      tpu.wait_dma2 semaphore(%run_scoped3A_414 : memref<!tpu.dma_semaphore, #tpu.memory_space<semaphore_mem>>) src(%dma_wait3A_430 : memref<2x128xi32, #tpu.memory_space<hbm>>) dst(%arg9 : memref<2x128xi32, #tpu.memory_space<vmem>>)
      tpu.yield
    }) : () -> ()
    "tpu.region"() ({
      %run_scoped3A_414 = tpu.sem_alloc : memref<!tpu.dma_semaphore, #tpu.memory_space<semaphore_mem>>
      tpu.enqueue_dma source(%arg5 : memref<16xi32, #tpu.memory_space<hbm>>) target(%arg10 : memref<16xi32, #tpu.memory_space<vmem>>) target_semaphore(%run_scoped3A_414 : memref<!tpu.dma_semaphore, #tpu.memory_space<semaphore_mem>>)
      tpu.wait_dma2 semaphore(%run_scoped3A_414 : memref<!tpu.dma_semaphore, #tpu.memory_space<semaphore_mem>>) src(%arg5 : memref<16xi32, #tpu.memory_space<hbm>>) dst(%arg10 : memref<16xi32, #tpu.memory_space<vmem>>)
      tpu.yield
    }) : () -> ()
    %get3A = arith.constant 0 : index
    %get3A_3 = tpu.vector_load %arg10[%get3A] {strides = array<i32>} : memref<16xi32, #tpu.memory_space<vmem>>, vector<16xi32>,
    %add3A_4 = arith.constant 511 : i32
    %add3A_5 = vector.broadcast %add3A_4 : i32 to vector<16xi32>
    %add3A_6 = arith.addi %get3A_3, %add3A_5 : vector<16xi32>
    %shift_right_arithmetic3A = arith.constant 9 : i32
    %shift_right_arithmetic3A_7 = vector.broadcast %shift_right_arithmetic3A : i32 to vector<16xi32>
    %shift_right_arithmetic3A_8 = arith.shrsi %add3A_6, %shift_right_arithmetic3A_7 : vector<16xi32>
    %broadcast_in_dim3A = arith.constant true
    %broadcast_in_dim3A_9 = vector.broadcast %broadcast_in_dim3A : i1 to vector<16xi1>
    %masked_cumsum3A = tpu.scan <sum>, %shift_right_arithmetic3A_8 masked %broadcast_in_dim3A_9 : vector<16xi32>, vector<16xi1> -> vector<16xi32>
    %sub3A = arith.subi %masked_cumsum3A, %shift_right_arithmetic3A_8 : vector<16xi32>
    %mul3A_10 = arith.constant 512 : i32
    %mul3A_11 = vector.broadcast %mul3A_10 : i32 to vector<16xi32>
    %mul3A_12 = arith.muli %sub3A, %mul3A_11 : vector<16xi32>
    %swap3A = arith.constant 0 : index
    %swap3A_13 = tpu.vector_load %arg10[%swap3A] {strides = array<i32>} : memref<16xi32, #tpu.memory_space<vmem>>, vector<16xi32>,
    tpu.vector_store %arg10[%swap3A], %mul3A_12 {strides = array<i32>} : memref<16xi32, #tpu.memory_space<vmem>>, vector<16xi32>,
    %get3A_14 = arith.constant 0 : i32
    %get3A_15 = arith.index_cast %get3A_14 : i32 to index
    %get3A_16 = arith.constant 0 : index
    %get3A_17 = tpu.vector_load %arg8[%get3A_15, %get3A_16] {strides = array<i32>} : memref<2x128xi32, #tpu.memory_space<vmem>>, vector<16xi32>,
    %get3A_18 = arith.constant 0 : i32
    %get3A_19 = arith.index_cast %get3A_18 : i32 to index
    %get3A_20 = arith.constant 0 : index
    %get3A_21 = tpu.vector_load %arg9[%get3A_19, %get3A_20] {strides = array<i32>} : memref<2x128xi32, #tpu.memory_space<vmem>>, vector<16xi32>,
    %gather3A = tpu.vector_load_idx %arg10[%get3A_17] : memref<16xi32, #tpu.memory_space<vmem>>[vector<16xi32>], vector<16xi32>,
    %add3A_22 = arith.addi %gather3A, %get3A_21 : vector<16xi32>
    %swap3A_23 = arith.constant 0 : i32
    %swap3A_24 = arith.index_cast %swap3A_23 : i32 to index
    %swap3A_25 = arith.constant 0 : index
    %swap3A_26 = tpu.vector_load %arg11[%swap3A_24, %swap3A_25] {strides = array<i32>} : memref<4x32xi32, #tpu.memory_space<vmem>>, vector<16xi32>,
    tpu.vector_store %arg11[%swap3A_24, %swap3A_25], %add3A_22 {strides = array<i32>} : memref<4x32xi32, #tpu.memory_space<vmem>>, vector<16xi32>,
    %get3A_27 = arith.constant 1 : i32
    %get3A_28 = arith.index_cast %get3A_27 : i32 to index
    %get3A_29 = arith.constant 0 : index
    %get3A_30 = tpu.vector_load %arg8[%get3A_28, %get3A_29] {strides = array<i32>} : memref<2x128xi32, #tpu.memory_space<vmem>>, vector<16xi32>,
    %get3A_31 = arith.constant 1 : i32
    %get3A_32 = arith.index_cast %get3A_31 : i32 to index
    %get3A_33 = arith.constant 0 : index
    %get3A_34 = tpu.vector_load %arg9[%get3A_32, %get3A_33] {strides = array<i32>} : memref<2x128xi32, #tpu.memory_space<vmem>>, vector<16xi32>,
    %gather3A_35 = tpu.vector_load_idx %arg10[%get3A_30] : memref<16xi32, #tpu.memory_space<vmem>>[vector<16xi32>], vector<16xi32>,
    %add3A_36 = arith.addi %gather3A_35, %get3A_34 : vector<16xi32>
    %swap3A_37 = arith.constant 0 : i32
    %swap3A_38 = arith.index_cast %swap3A_37 : i32 to index
    %swap3A_39 = arith.constant 0 : index
    %swap3A_40 = tpu.vector_load %arg12[%swap3A_38, %swap3A_39] {strides = array<i32>} : memref<4x32xi32, #tpu.memory_space<vmem>>, vector<16xi32>,
    tpu.vector_store %arg12[%swap3A_38, %swap3A_39], %add3A_36 {strides = array<i32>} : memref<4x32xi32, #tpu.memory_space<vmem>>, vector<16xi32>,
    %get3A_41 = arith.constant 0 : i32
    %get3A_42 = arith.index_cast %get3A_41 : i32 to index
    %get3A_43 = arith.constant 16 : index
    %get3A_44 = tpu.vector_load %arg8[%get3A_42, %get3A_43] {strides = array<i32>} : memref<2x128xi32, #tpu.memory_space<vmem>>, vector<16xi32>,
    %get3A_45 = arith.constant 0 : i32
    %get3A_46 = arith.index_cast %get3A_45 : i32 to index
    %get3A_47 = arith.constant 16 : index
    %get3A_48 = tpu.vector_load %arg9[%get3A_46, %get3A_47] {strides = array<i32>} : memref<2x128xi32, #tpu.memory_space<vmem>>, vector<16xi32>,
    %gather3A_49 = tpu.vector_load_idx %arg10[%get3A_44] : memref<16xi32, #tpu.memory_space<vmem>>[vector<16xi32>], vector<16xi32>,
    %add3A_50 = arith.addi %gather3A_49, %get3A_48 : vector<16xi32>
    %swap3A_51 = arith.constant 0 : i32
    %swap3A_52 = arith.index_cast %swap3A_51 : i32 to index
    %swap3A_53 = arith.constant 16 : index
    %swap3A_54 = tpu.vector_load %arg11[%swap3A_52, %swap3A_53] {strides = array<i32>} : memref<4x32xi32, #tpu.memory_space<vmem>>, vector<16xi32>,
    tpu.vector_store %arg11[%swap3A_52, %swap3A_53], %add3A_50 {strides = array<i32>} : memref<4x32xi32, #tpu.memory_space<vmem>>, vector<16xi32>,
    %get3A_55 = arith.constant 1 : i32
    %get3A_56 = arith.index_cast %get3A_55 : i32 to index
    %get3A_57 = arith.constant 16 : index
    %get3A_58 = tpu.vector_load %arg8[%get3A_56, %get3A_57] {strides = array<i32>} : memref<2x128xi32, #tpu.memory_space<vmem>>, vector<16xi32>,
    %get3A_59 = arith.constant 1 : i32
    %get3A_60 = arith.index_cast %get3A_59 : i32 to index
    %get3A_61 = arith.constant 16 : index
    %get3A_62 = tpu.vector_load %arg9[%get3A_60, %get3A_61] {strides = array<i32>} : memref<2x128xi32, #tpu.memory_space<vmem>>, vector<16xi32>,
    %gather3A_63 = tpu.vector_load_idx %arg10[%get3A_58] : memref<16xi32, #tpu.memory_space<vmem>>[vector<16xi32>], vector<16xi32>,
    %add3A_64 = arith.addi %gather3A_63, %get3A_62 : vector<16xi32>
    %swap3A_65 = arith.constant 0 : i32
    %swap3A_66 = arith.index_cast %swap3A_65 : i32 to index
    %swap3A_67 = arith.constant 16 : index
    %swap3A_68 = tpu.vector_load %arg12[%swap3A_66, %swap3A_67] {strides = array<i32>} : memref<4x32xi32, #tpu.memory_space<vmem>>, vector<16xi32>,
    tpu.vector_store %arg12[%swap3A_66, %swap3A_67], %add3A_64 {strides = array<i32>} : memref<4x32xi32, #tpu.memory_space<vmem>>, vector<16xi32>,
    %get3A_69 = arith.constant 0 : i32
    %get3A_70 = arith.index_cast %get3A_69 : i32 to index
    %get3A_71 = arith.constant 32 : index
    %get3A_72 = tpu.vector_load %arg8[%get3A_70, %get3A_71] {strides = array<i32>} : memref<2x128xi32, #tpu.memory_space<vmem>>, vector<16xi32>,
    %get3A_73 = arith.constant 0 : i32
    %get3A_74 = arith.index_cast %get3A_73 : i32 to index
    %get3A_75 = arith.constant 32 : index
    %get3A_76 = tpu.vector_load %arg9[%get3A_74, %get3A_75] {strides = array<i32>} : memref<2x128xi32, #tpu.memory_space<vmem>>, vector<16xi32>,
    %gather3A_77 = tpu.vector_load_idx %arg10[%get3A_72] : memref<16xi32, #tpu.memory_space<vmem>>[vector<16xi32>], vector<16xi32>,
    %add3A_78 = arith.addi %gather3A_77, %get3A_76 : vector<16xi32>
    %swap3A_79 = arith.constant 1 : i32
    %swap3A_80 = arith.index_cast %swap3A_79 : i32 to index
    %swap3A_81 = arith.constant 0 : index
    %swap3A_82 = tpu.vector_load %arg11[%swap3A_80, %swap3A_81] {strides = array<i32>} : memref<4x32xi32, #tpu.memory_space<vmem>>, vector<16xi32>,
    tpu.vector_store %arg11[%swap3A_80, %swap3A_81], %add3A_78 {strides = array<i32>} : memref<4x32xi32, #tpu.memory_space<vmem>>, vector<16xi32>,
    %get3A_83 = arith.constant 1 : i32
    %get3A_84 = arith.index_cast %get3A_83 : i32 to index
    %get3A_85 = arith.constant 32 : index
    %get3A_86 = tpu.vector_load %arg8[%get3A_84, %get3A_85] {strides = array<i32>} : memref<2x128xi32, #tpu.memory_space<vmem>>, vector<16xi32>,
    %get3A_87 = arith.constant 1 : i32
    %get3A_88 = arith.index_cast %get3A_87 : i32 to index
    %get3A_89 = arith.constant 32 : index
    %get3A_90 = tpu.vector_load %arg9[%get3A_88, %get3A_89] {strides = array<i32>} : memref<2x128xi32, #tpu.memory_space<vmem>>, vector<16xi32>,
    %gather3A_91 = tpu.vector_load_idx %arg10[%get3A_86] : memref<16xi32, #tpu.memory_space<vmem>>[vector<16xi32>], vector<16xi32>,
    %add3A_92 = arith.addi %gather3A_91, %get3A_90 : vector<16xi32>
    %swap3A_93 = arith.constant 1 : i32
    %swap3A_94 = arith.index_cast %swap3A_93 : i32 to index
    %swap3A_95 = arith.constant 0 : index
    %swap3A_96 = tpu.vector_load %arg12[%swap3A_94, %swap3A_95] {strides = array<i32>} : memref<4x32xi32, #tpu.memory_space<vmem>>, vector<16xi32>,
    tpu.vector_store %arg12[%swap3A_94, %swap3A_95], %add3A_92 {strides = array<i32>} : memref<4x32xi32, #tpu.memory_space<vmem>>, vector<16xi32>,
    %get3A_97 = arith.constant 0 : i32
    %get3A_98 = arith.index_cast %get3A_97 : i32 to index
    %get3A_99 = arith.constant 48 : index
    %get3A_100 = tpu.vector_load %arg8[%get3A_98, %get3A_99] {strides = array<i32>} : memref<2x128xi32, #tpu.memory_space<vmem>>, vector<16xi32>,
    %get3A_101 = arith.constant 0 : i32
    %get3A_102 = arith.index_cast %get3A_101 : i32 to index
    %get3A_103 = arith.constant 48 : index
    %get3A_104 = tpu.vector_load %arg9[%get3A_102, %get3A_103] {strides = array<i32>} : memref<2x128xi32, #tpu.memory_space<vmem>>, vector<16xi32>,
    %gather3A_105 = tpu.vector_load_idx %arg10[%get3A_100] : memref<16xi32, #tpu.memory_space<vmem>>[vector<16xi32>], vector<16xi32>,
    %add3A_106 = arith.addi %gather3A_105, %get3A_104 : vector<16xi32>
    %swap3A_107 = arith.constant 1 : i32
    %swap3A_108 = arith.index_cast %swap3A_107 : i32 to index
    %swap3A_109 = arith.constant 16 : index
    %swap3A_110 = tpu.vector_load %arg11[%swap3A_108, %swap3A_109] {strides = array<i32>} : memref<4x32xi32, #tpu.memory_space<vmem>>, vector<16xi32>,
    tpu.vector_store %arg11[%swap3A_108, %swap3A_109], %add3A_106 {strides = array<i32>} : memref<4x32xi32, #tpu.memory_space<vmem>>, vector<16xi32>,
    %get3A_111 = arith.constant 1 : i32
    %get3A_112 = arith.index_cast %get3A_111 : i32 to index
    %get3A_113 = arith.constant 48 : index
    %get3A_114 = tpu.vector_load %arg8[%get3A_112, %get3A_113] {strides = array<i32>} : memref<2x128xi32, #tpu.memory_space<vmem>>, vector<16xi32>,
    %get3A_115 = arith.constant 1 : i32
    %get3A_116 = arith.index_cast %get3A_115 : i32 to index
    %get3A_117 = arith.constant 48 : index
    %get3A_118 = tpu.vector_load %arg9[%get3A_116, %get3A_117] {strides = array<i32>} : memref<2x128xi32, #tpu.memory_space<vmem>>, vector<16xi32>,
    %gather3A_119 = tpu.vector_load_idx %arg10[%get3A_114] : memref<16xi32, #tpu.memory_space<vmem>>[vector<16xi32>], vector<16xi32>,
    %add3A_120 = arith.addi %gather3A_119, %get3A_118 : vector<16xi32>
    %swap3A_121 = arith.constant 1 : i32
    %swap3A_122 = arith.index_cast %swap3A_121 : i32 to index
    %swap3A_123 = arith.constant 16 : index
    %swap3A_124 = tpu.vector_load %arg12[%swap3A_122, %swap3A_123] {strides = array<i32>} : memref<4x32xi32, #tpu.memory_space<vmem>>, vector<16xi32>,
    tpu.vector_store %arg12[%swap3A_122, %swap3A_123], %add3A_120 {strides = array<i32>} : memref<4x32xi32, #tpu.memory_space<vmem>>, vector<16xi32>,
    %get3A_125 = arith.constant 0 : i32
    %get3A_126 = arith.index_cast %get3A_125 : i32 to index
    %get3A_127 = arith.constant 64 : index
    %get3A_128 = tpu.vector_load %arg8[%get3A_126, %get3A_127] {strides = array<i32>} : memref<2x128xi32, #tpu.memory_space<vmem>>, vector<16xi32>,
    %get3A_129 = arith.constant 0 : i32
    %get3A_130 = arith.index_cast %get3A_129 : i32 to index
    %get3A_131 = arith.constant 64 : index
    %get3A_132 = tpu.vector_load %arg9[%get3A_130, %get3A_131] {strides = array<i32>} : memref<2x128xi32, #tpu.memory_space<vmem>>, vector<16xi32>,
    %gather3A_133 = tpu.vector_load_idx %arg10[%get3A_128] : memref<16xi32, #tpu.memory_space<vmem>>[vector<16xi32>], vector<16xi32>,
    %add3A_134 = arith.addi %gather3A_133, %get3A_132 : vector<16xi32>
    %swap3A_135 = arith.constant 2 : i32
    %swap3A_136 = arith.index_cast %swap3A_135 : i32 to index
    %swap3A_137 = arith.constant 0 : index
    %swap3A_138 = tpu.vector_load %arg11[%swap3A_136, %swap3A_137] {strides = array<i32>} : memref<4x32xi32, #tpu.memory_space<vmem>>, vector<16xi32>,
    tpu.vector_store %arg11[%swap3A_136, %swap3A_137], %add3A_134 {strides = array<i32>} : memref<4x32xi32, #tpu.memory_space<vmem>>, vector<16xi32>,
    %get3A_139 = arith.constant 1 : i32
    %get3A_140 = arith.index_cast %get3A_139 : i32 to index
    %get3A_141 = arith.constant 64 : index
    %get3A_142 = tpu.vector_load %arg8[%get3A_140, %get3A_141] {strides = array<i32>} : memref<2x128xi32, #tpu.memory_space<vmem>>, vector<16xi32>,
    %get3A_143 = arith.constant 1 : i32
    %get3A_144 = arith.index_cast %get3A_143 : i32 to index
    %get3A_145 = arith.constant 64 : index
    %get3A_146 = tpu.vector_load %arg9[%get3A_144, %get3A_145] {strides = array<i32>} : memref<2x128xi32, #tpu.memory_space<vmem>>, vector<16xi32>,
    %gather3A_147 = tpu.vector_load_idx %arg10[%get3A_142] : memref<16xi32, #tpu.memory_space<vmem>>[vector<16xi32>], vector<16xi32>,
    %add3A_148 = arith.addi %gather3A_147, %get3A_146 : vector<16xi32>
    %swap3A_149 = arith.constant 2 : i32
    %swap3A_150 = arith.index_cast %swap3A_149 : i32 to index
    %swap3A_151 = arith.constant 0 : index
    %swap3A_152 = tpu.vector_load %arg12[%swap3A_150, %swap3A_151] {strides = array<i32>} : memref<4x32xi32, #tpu.memory_space<vmem>>, vector<16xi32>,
    tpu.vector_store %arg12[%swap3A_150, %swap3A_151], %add3A_148 {strides = array<i32>} : memref<4x32xi32, #tpu.memory_space<vmem>>, vector<16xi32>,
    %get3A_153 = arith.constant 0 : i32
    %get3A_154 = arith.index_cast %get3A_153 : i32 to index
    %get3A_155 = arith.constant 80 : index
    %get3A_156 = tpu.vector_load %arg8[%get3A_154, %get3A_155] {strides = array<i32>} : memref<2x128xi32, #tpu.memory_space<vmem>>, vector<16xi32>,
    %get3A_157 = arith.constant 0 : i32
    %get3A_158 = arith.index_cast %get3A_157 : i32 to index
    %get3A_159 = arith.constant 80 : index
    %get3A_160 = tpu.vector_load %arg9[%get3A_158, %get3A_159] {strides = array<i32>} : memref<2x128xi32, #tpu.memory_space<vmem>>, vector<16xi32>,
    %gather3A_161 = tpu.vector_load_idx %arg10[%get3A_156] : memref<16xi32, #tpu.memory_space<vmem>>[vector<16xi32>], vector<16xi32>,
    %add3A_162 = arith.addi %gather3A_161, %get3A_160 : vector<16xi32>
    %swap3A_163 = arith.constant 2 : i32
    %swap3A_164 = arith.index_cast %swap3A_163 : i32 to index
    %swap3A_165 = arith.constant 16 : index
    %swap3A_166 = tpu.vector_load %arg11[%swap3A_164, %swap3A_165] {strides = array<i32>} : memref<4x32xi32, #tpu.memory_space<vmem>>, vector<16xi32>,
    tpu.vector_store %arg11[%swap3A_164, %swap3A_165], %add3A_162 {strides = array<i32>} : memref<4x32xi32, #tpu.memory_space<vmem>>, vector<16xi32>,
    %get3A_167 = arith.constant 1 : i32
    %get3A_168 = arith.index_cast %get3A_167 : i32 to index
    %get3A_169 = arith.constant 80 : index
    %get3A_170 = tpu.vector_load %arg8[%get3A_168, %get3A_169] {strides = array<i32>} : memref<2x128xi32, #tpu.memory_space<vmem>>, vector<16xi32>,
    %get3A_171 = arith.constant 1 : i32
    %get3A_172 = arith.index_cast %get3A_171 : i32 to index
    %get3A_173 = arith.constant 80 : index
    %get3A_174 = tpu.vector_load %arg9[%get3A_172, %get3A_173] {strides = array<i32>} : memref<2x128xi32, #tpu.memory_space<vmem>>, vector<16xi32>,
    %gather3A_175 = tpu.vector_load_idx %arg10[%get3A_170] : memref<16xi32, #tpu.memory_space<vmem>>[vector<16xi32>], vector<16xi32>,
    %add3A_176 = arith.addi %gather3A_175, %get3A_174 : vector<16xi32>
    %swap3A_177 = arith.constant 2 : i32
    %swap3A_178 = arith.index_cast %swap3A_177 : i32 to index
    %swap3A_179 = arith.constant 16 : index
    %swap3A_180 = tpu.vector_load %arg12[%swap3A_178, %swap3A_179] {strides = array<i32>} : memref<4x32xi32, #tpu.memory_space<vmem>>, vector<16xi32>,
    tpu.vector_store %arg12[%swap3A_178, %swap3A_179], %add3A_176 {strides = array<i32>} : memref<4x32xi32, #tpu.memory_space<vmem>>, vector<16xi32>,
    %get3A_181 = arith.constant 0 : i32
    %get3A_182 = arith.index_cast %get3A_181 : i32 to index
    %get3A_183 = arith.constant 96 : index
    %get3A_184 = tpu.vector_load %arg8[%get3A_182, %get3A_183] {strides = array<i32>} : memref<2x128xi32, #tpu.memory_space<vmem>>, vector<16xi32>,
    %get3A_185 = arith.constant 0 : i32
    %get3A_186 = arith.index_cast %get3A_185 : i32 to index
    %get3A_187 = arith.constant 96 : index
    %get3A_188 = tpu.vector_load %arg9[%get3A_186, %get3A_187] {strides = array<i32>} : memref<2x128xi32, #tpu.memory_space<vmem>>, vector<16xi32>,
    %gather3A_189 = tpu.vector_load_idx %arg10[%get3A_184] : memref<16xi32, #tpu.memory_space<vmem>>[vector<16xi32>], vector<16xi32>,
    %add3A_190 = arith.addi %gather3A_189, %get3A_188 : vector<16xi32>
    %swap3A_191 = arith.constant 3 : i32
    %swap3A_192 = arith.index_cast %swap3A_191 : i32 to index
    %swap3A_193 = arith.constant 0 : index
    %swap3A_194 = tpu.vector_load %arg11[%swap3A_192, %swap3A_193] {strides = array<i32>} : memref<4x32xi32, #tpu.memory_space<vmem>>, vector<16xi32>,
    tpu.vector_store %arg11[%swap3A_192, %swap3A_193], %add3A_190 {strides = array<i32>} : memref<4x32xi32, #tpu.memory_space<vmem>>, vector<16xi32>,
    %get3A_195 = arith.constant 1 : i32
    %get3A_196 = arith.index_cast %get3A_195 : i32 to index
    %get3A_197 = arith.constant 96 : index
    %get3A_198 = tpu.vector_load %arg8[%get3A_196, %get3A_197] {strides = array<i32>} : memref<2x128xi32, #tpu.memory_space<vmem>>, vector<16xi32>,
    %get3A_199 = arith.constant 1 : i32
    %get3A_200 = arith.index_cast %get3A_199 : i32 to index
    %get3A_201 = arith.constant 96 : index
    %get3A_202 = tpu.vector_load %arg9[%get3A_200, %get3A_201] {strides = array<i32>} : memref<2x128xi32, #tpu.memory_space<vmem>>, vector<16xi32>,
    %gather3A_203 = tpu.vector_load_idx %arg10[%get3A_198] : memref<16xi32, #tpu.memory_space<vmem>>[vector<16xi32>], vector<16xi32>,
    %add3A_204 = arith.addi %gather3A_203, %get3A_202 : vector<16xi32>
    %swap3A_205 = arith.constant 3 : i32
    %swap3A_206 = arith.index_cast %swap3A_205 : i32 to index
    %swap3A_207 = arith.constant 0 : index
    %swap3A_208 = tpu.vector_load %arg12[%swap3A_206, %swap3A_207] {strides = array<i32>} : memref<4x32xi32, #tpu.memory_space<vmem>>, vector<16xi32>,
    tpu.vector_store %arg12[%swap3A_206, %swap3A_207], %add3A_204 {strides = array<i32>} : memref<4x32xi32, #tpu.memory_space<vmem>>, vector<16xi32>,
    %get3A_209 = arith.constant 0 : i32
    %get3A_210 = arith.index_cast %get3A_209 : i32 to index
    %get3A_211 = arith.constant 112 : index
    %get3A_212 = tpu.vector_load %arg8[%get3A_210, %get3A_211] {strides = array<i32>} : memref<2x128xi32, #tpu.memory_space<vmem>>, vector<16xi32>,
    %get3A_213 = arith.constant 0 : i32
    %get3A_214 = arith.index_cast %get3A_213 : i32 to index
    %get3A_215 = arith.constant 112 : index
    %get3A_216 = tpu.vector_load %arg9[%get3A_214, %get3A_215] {strides = array<i32>} : memref<2x128xi32, #tpu.memory_space<vmem>>, vector<16xi32>,
    %gather3A_217 = tpu.vector_load_idx %arg10[%get3A_212] : memref<16xi32, #tpu.memory_space<vmem>>[vector<16xi32>], vector<16xi32>,
    %add3A_218 = arith.addi %gather3A_217, %get3A_216 : vector<16xi32>
    %swap3A_219 = arith.constant 3 : i32
    %swap3A_220 = arith.index_cast %swap3A_219 : i32 to index
    %swap3A_221 = arith.constant 16 : index
    %swap3A_222 = tpu.vector_load %arg11[%swap3A_220, %swap3A_221] {strides = array<i32>} : memref<4x32xi32, #tpu.memory_space<vmem>>, vector<16xi32>,
    tpu.vector_store %arg11[%swap3A_220, %swap3A_221], %add3A_218 {strides = array<i32>} : memref<4x32xi32, #tpu.memory_space<vmem>>, vector<16xi32>,
    %get3A_223 = arith.constant 1 : i32
    %get3A_224 = arith.index_cast %get3A_223 : i32 to index
    %get3A_225 = arith.constant 112 : index
    %get3A_226 = tpu.vector_load %arg8[%get3A_224, %get3A_225] {strides = array<i32>} : memref<2x128xi32, #tpu.memory_space<vmem>>, vector<16xi32>,
    %get3A_227 = arith.constant 1 : i32
    %get3A_228 = arith.index_cast %get3A_227 : i32 to index
    %get3A_229 = arith.constant 112 : index
    %get3A_230 = tpu.vector_load %arg9[%get3A_228, %get3A_229] {strides = array<i32>} : memref<2x128xi32, #tpu.memory_space<vmem>>, vector<16xi32>,
    %gather3A_231 = tpu.vector_load_idx %arg10[%get3A_226] : memref<16xi32, #tpu.memory_space<vmem>>[vector<16xi32>], vector<16xi32>,
    %add3A_232 = arith.addi %gather3A_231, %get3A_230 : vector<16xi32>
    %swap3A_233 = arith.constant 3 : i32
    %swap3A_234 = arith.index_cast %swap3A_233 : i32 to index
    %swap3A_235 = arith.constant 16 : index
    %swap3A_236 = tpu.vector_load %arg12[%swap3A_234, %swap3A_235] {strides = array<i32>} : memref<4x32xi32, #tpu.memory_space<vmem>>, vector<16xi32>,
    tpu.vector_store %arg12[%swap3A_234, %swap3A_235], %add3A_232 {strides = array<i32>} : memref<4x32xi32, #tpu.memory_space<vmem>>, vector<16xi32>,
    "tpu.region"() ({
      %run_scoped3A_414 = tpu.sem_alloc : memref<!tpu.dma_semaphore, #tpu.memory_space<semaphore_mem>>
      %dma_start3A_415 = arith.constant 0 : i32
      %dma_start3A_416 = arith.constant 0 : i32
      %dma_start3A_417 = tpu.memref_slice %arg7[%add3A, %dma_start3A_415, %dma_start3A_416] : memref<64x4x32xi32, #tpu.memory_space<hbm>> -> memref<1x4x32xi32, #tpu.memory_space<hbm>>
      %dma_start3A_418 = tpu.memref_squeeze %dma_start3A_417 : memref<1x4x32xi32, #tpu.memory_space<hbm>> -> memref<4x32xi32, #tpu.memory_space<hbm>>
      %dma_start3A_419 = arith.constant 0 : i32
      %dma_start3A_420 = arith.constant 0 : i32
      %dma_start3A_421 = tpu.memref_slice %arg7[%add3A, %dma_start3A_419, %dma_start3A_420] : memref<64x4x32xi32, #tpu.memory_space<hbm>> -> memref<1x4x32xi32, #tpu.memory_space<hbm>>
      %dma_start3A_422 = tpu.memref_squeeze %dma_start3A_421 : memref<1x4x32xi32, #tpu.memory_space<hbm>> -> memref<4x32xi32, #tpu.memory_space<hbm>>
      tpu.enqueue_dma source(%arg11 : memref<4x32xi32, #tpu.memory_space<vmem>>) target(%dma_start3A_422 : memref<4x32xi32, #tpu.memory_space<hbm>>) target_semaphore(%run_scoped3A_414 : memref<!tpu.dma_semaphore, #tpu.memory_space<semaphore_mem>>)
      %dma_wait3A_423 = arith.constant 0 : i32
      %dma_wait3A_424 = arith.constant 0 : i32
      %dma_wait3A_425 = tpu.memref_slice %arg7[%add3A, %dma_wait3A_423, %dma_wait3A_424] : memref<64x4x32xi32, #tpu.memory_space<hbm>> -> memref<1x4x32xi32, #tpu.memory_space<hbm>>
      %dma_wait3A_426 = tpu.memref_squeeze %dma_wait3A_425 : memref<1x4x32xi32, #tpu.memory_space<hbm>> -> memref<4x32xi32, #tpu.memory_space<hbm>>
      %dma_wait3A_427 = arith.constant 0 : i32
      %dma_wait3A_428 = arith.constant 0 : i32
      %dma_wait3A_429 = tpu.memref_slice %arg7[%add3A, %dma_wait3A_427, %dma_wait3A_428] : memref<64x4x32xi32, #tpu.memory_space<hbm>> -> memref<1x4x32xi32, #tpu.memory_space<hbm>>
      %dma_wait3A_430 = tpu.memref_squeeze %dma_wait3A_429 : memref<1x4x32xi32, #tpu.memory_space<hbm>> -> memref<4x32xi32, #tpu.memory_space<hbm>>
      tpu.wait_dma2 semaphore(%run_scoped3A_414 : memref<!tpu.dma_semaphore, #tpu.memory_space<semaphore_mem>>) src(%arg11 : memref<4x32xi32, #tpu.memory_space<vmem>>) dst(%dma_wait3A_430 : memref<4x32xi32, #tpu.memory_space<hbm>>)
      tpu.yield
    }) : () -> ()
    %add3A_237 = arith.constant 32 : i32
    %add3A_238 = arith.addi %add3A_237, %add3A : i32
    "tpu.region"() ({
      %run_scoped3A_414 = tpu.sem_alloc : memref<!tpu.dma_semaphore, #tpu.memory_space<semaphore_mem>>
      %dma_start3A_415 = arith.constant 0 : i32
      %dma_start3A_416 = arith.constant 0 : i32
      %dma_start3A_417 = tpu.memref_slice %arg7[%add3A_238, %dma_start3A_415, %dma_start3A_416] : memref<64x4x32xi32, #tpu.memory_space<hbm>> -> memref<1x4x32xi32, #tpu.memory_space<hbm>>
      %dma_start3A_418 = tpu.memref_squeeze %dma_start3A_417 : memref<1x4x32xi32, #tpu.memory_space<hbm>> -> memref<4x32xi32, #tpu.memory_space<hbm>>
      %dma_start3A_419 = arith.constant 0 : i32
      %dma_start3A_420 = arith.constant 0 : i32
      %dma_start3A_421 = tpu.memref_slice %arg7[%add3A_238, %dma_start3A_419, %dma_start3A_420] : memref<64x4x32xi32, #tpu.memory_space<hbm>> -> memref<1x4x32xi32, #tpu.memory_space<hbm>>
      %dma_start3A_422 = tpu.memref_squeeze %dma_start3A_421 : memref<1x4x32xi32, #tpu.memory_space<hbm>> -> memref<4x32xi32, #tpu.memory_space<hbm>>
      tpu.enqueue_dma source(%arg12 : memref<4x32xi32, #tpu.memory_space<vmem>>) target(%dma_start3A_422 : memref<4x32xi32, #tpu.memory_space<hbm>>) target_semaphore(%run_scoped3A_414 : memref<!tpu.dma_semaphore, #tpu.memory_space<semaphore_mem>>)
      %dma_wait3A_423 = arith.constant 0 : i32
      %dma_wait3A_424 = arith.constant 0 : i32
      %dma_wait3A_425 = tpu.memref_slice %arg7[%add3A_238, %dma_wait3A_423, %dma_wait3A_424] : memref<64x4x32xi32, #tpu.memory_space<hbm>> -> memref<1x4x32xi32, #tpu.memory_space<hbm>>
      %dma_wait3A_426 = tpu.memref_squeeze %dma_wait3A_425 : memref<1x4x32xi32, #tpu.memory_space<hbm>> -> memref<4x32xi32, #tpu.memory_space<hbm>>
      %dma_wait3A_427 = arith.constant 0 : i32
      %dma_wait3A_428 = arith.constant 0 : i32
      %dma_wait3A_429 = tpu.memref_slice %arg7[%add3A_238, %dma_wait3A_427, %dma_wait3A_428] : memref<64x4x32xi32, #tpu.memory_space<hbm>> -> memref<1x4x32xi32, #tpu.memory_space<hbm>>
      %dma_wait3A_430 = tpu.memref_squeeze %dma_wait3A_429 : memref<1x4x32xi32, #tpu.memory_space<hbm>> -> memref<4x32xi32, #tpu.memory_space<hbm>>
      tpu.wait_dma2 semaphore(%run_scoped3A_414 : memref<!tpu.dma_semaphore, #tpu.memory_space<semaphore_mem>>) src(%arg12 : memref<4x32xi32, #tpu.memory_space<vmem>>) dst(%dma_wait3A_430 : memref<4x32xi32, #tpu.memory_space<hbm>>)
      tpu.yield
    }) : () -> ()
    %run_scoped3A = arith.constant 0 : i32
    "tpu.region"() ({
      %run_scoped3A_414 = tpu.sem_alloc : memref<!tpu.dma_semaphore, #tpu.memory_space<semaphore_mem>>
      %dma_start3A_415 = arith.constant 0 : i32
      %dma_start3A_416 = arith.constant 0 : i32
      %dma_start3A_417 = tpu.memref_slice %arg13[%run_scoped3A, %dma_start3A_415, %dma_start3A_416] : memref<2x32x1024xf32, #tpu.memory_space<vmem>> -> memref<1x32x1024xf32, #tpu.memory_space<vmem>>
      %dma_start3A_418 = tpu.memref_squeeze %dma_start3A_417 : memref<1x32x1024xf32, #tpu.memory_space<vmem>> -> memref<32x1024xf32, #tpu.memory_space<vmem>>
      %dma_start3A_419 = arith.constant 0 : i32
      %dma_start3A_420 = tpu.memref_slice %arg2[%mul3A_2, %dma_start3A_419] : memref<4096x1024xf32, #tpu.memory_space<hbm>> -> memref<32x1024xf32, #tpu.memory_space<hbm>>
      %dma_start3A_421 = arith.constant 0 : i32
      %dma_start3A_422 = arith.constant 0 : i32
      %dma_start3A_423 = tpu.memref_slice %arg13[%run_scoped3A, %dma_start3A_421, %dma_start3A_422] : memref<2x32x1024xf32, #tpu.memory_space<vmem>> -> memref<1x32x1024xf32, #tpu.memory_space<vmem>>
      %dma_start3A_424 = tpu.memref_squeeze %dma_start3A_423 : memref<1x32x1024xf32, #tpu.memory_space<vmem>> -> memref<32x1024xf32, #tpu.memory_space<vmem>>
      %dma_start3A_425 = arith.constant 0 : i32
      %dma_start3A_426 = tpu.memref_slice %arg2[%mul3A_2, %dma_start3A_425] : memref<4096x1024xf32, #tpu.memory_space<hbm>> -> memref<32x1024xf32, #tpu.memory_space<hbm>>
      tpu.enqueue_dma source(%dma_start3A_426 : memref<32x1024xf32, #tpu.memory_space<hbm>>) target(%dma_start3A_424 : memref<32x1024xf32, #tpu.memory_space<vmem>>) target_semaphore(%run_scoped3A_414 : memref<!tpu.dma_semaphore, #tpu.memory_space<semaphore_mem>>)
      %dma_wait3A_427 = arith.constant 0 : i32
      %dma_wait3A_428 = arith.constant 0 : i32
      %dma_wait3A_429 = tpu.memref_slice %arg13[%run_scoped3A, %dma_wait3A_427, %dma_wait3A_428] : memref<2x32x1024xf32, #tpu.memory_space<vmem>> -> memref<1x32x1024xf32, #tpu.memory_space<vmem>>
      %dma_wait3A_430 = tpu.memref_squeeze %dma_wait3A_429 : memref<1x32x1024xf32, #tpu.memory_space<vmem>> -> memref<32x1024xf32, #tpu.memory_space<vmem>>
      %dma_wait3A_431 = arith.constant 0 : i32
      %dma_wait3A_432 = tpu.memref_slice %arg2[%mul3A_2, %dma_wait3A_431] : memref<4096x1024xf32, #tpu.memory_space<hbm>> -> memref<32x1024xf32, #tpu.memory_space<hbm>>
      %dma_wait3A_433 = arith.constant 0 : i32
      %dma_wait3A_434 = arith.constant 0 : i32
      %dma_wait3A_435 = tpu.memref_slice %arg13[%run_scoped3A, %dma_wait3A_433, %dma_wait3A_434] : memref<2x32x1024xf32, #tpu.memory_space<vmem>> -> memref<1x32x1024xf32, #tpu.memory_space<vmem>>
      %dma_wait3A_436 = tpu.memref_squeeze %dma_wait3A_435 : memref<1x32x1024xf32, #tpu.memory_space<vmem>> -> memref<32x1024xf32, #tpu.memory_space<vmem>>
      %dma_wait3A_437 = arith.constant 0 : i32
      %dma_wait3A_438 = tpu.memref_slice %arg2[%mul3A_2, %dma_wait3A_437] : memref<4096x1024xf32, #tpu.memory_space<hbm>> -> memref<32x1024xf32, #tpu.memory_space<hbm>>
      tpu.wait_dma2 semaphore(%run_scoped3A_414 : memref<!tpu.dma_semaphore, #tpu.memory_space<semaphore_mem>>) src(%dma_wait3A_438 : memref<32x1024xf32, #tpu.memory_space<hbm>>) dst(%dma_wait3A_436 : memref<32x1024xf32, #tpu.memory_space<vmem>>)
      tpu.yield
    }) : () -> ()
    %dma_start3A = arith.constant 0 : i32
    %dma_start3A_239 = arith.constant 0 : i32
    %dma_start3A_240 = arith.constant 0 : i32
    %dma_start3A_241 = arith.constant 0 : i32
    %dma_start3A_242 = tpu.memref_slice %arg13[%dma_start3A, %dma_start3A_240, %dma_start3A_241] : memref<2x32x1024xf32, #tpu.memory_space<vmem>> -> memref<1x32x1024xf32, #tpu.memory_space<vmem>>
    %dma_start3A_243 = tpu.memref_squeeze %dma_start3A_242 : memref<1x32x1024xf32, #tpu.memory_space<vmem>> -> memref<32x1024xf32, #tpu.memory_space<vmem>>
    %dma_start3A_244 = arith.constant 0 : i32
    %dma_start3A_245 = tpu.memref_slice %arg11[%dma_start3A_239, %dma_start3A_244] : memref<4x32xi32, #tpu.memory_space<vmem>> -> memref<1x32xi32, #tpu.memory_space<vmem>>
    %dma_start3A_246 = tpu.memref_squeeze %dma_start3A_245 : memref<1x32xi32, #tpu.memory_space<vmem>> -> memref<32xi32, #tpu.memory_space<vmem>>
    %dma_start3A_247 = arith.constant 0 : i32
    %dma_start3A_248 = arith.constant 0 : i32
    %dma_start3A_249 = tpu.memref_slice %arg6[%dma_start3A_247, %dma_start3A_248] : memref<12800x1024xf32, #tpu.memory_space<hbm>> -> memref<12800x1024xf32, #tpu.memory_space<hbm>>
    tpu.enqueue_indirect_dma source(%dma_start3A_243 : memref<32x1024xf32, #tpu.memory_space<vmem>>) target(%dma_start3A_249 : memref<12800x1024xf32, #tpu.memory_space<hbm>>) offsets(%dma_start3A_246 : memref<32xi32, #tpu.memory_space<vmem>>) semaphore(%arg14 : memref<!tpu.dma_semaphore, #tpu.memory_space<semaphore_mem>>)
    %dma_start3A_250 = arith.constant 0 : i32
    %dma_start3A_251 = arith.constant 0 : i32
    %dma_start3A_252 = arith.constant 0 : i32
    %dma_start3A_253 = arith.constant 0 : i32
    %dma_start3A_254 = tpu.memref_slice %arg13[%dma_start3A_250, %dma_start3A_252, %dma_start3A_253] : memref<2x32x1024xf32, #tpu.memory_space<vmem>> -> memref<1x32x1024xf32, #tpu.memory_space<vmem>>
    %dma_start3A_255 = tpu.memref_squeeze %dma_start3A_254 : memref<1x32x1024xf32, #tpu.memory_space<vmem>> -> memref<32x1024xf32, #tpu.memory_space<vmem>>
    %dma_start3A_256 = arith.constant 0 : i32
    %dma_start3A_257 = tpu.memref_slice %arg12[%dma_start3A_251, %dma_start3A_256] : memref<4x32xi32, #tpu.memory_space<vmem>> -> memref<1x32xi32, #tpu.memory_space<vmem>>
    %dma_start3A_258 = tpu.memref_squeeze %dma_start3A_257 : memref<1x32xi32, #tpu.memory_space<vmem>> -> memref<32xi32, #tpu.memory_space<vmem>>
    %dma_start3A_259 = arith.constant 0 : i32
    %dma_start3A_260 = arith.constant 0 : i32
    %dma_start3A_261 = tpu.memref_slice %arg6[%dma_start3A_259, %dma_start3A_260] : memref<12800x1024xf32, #tpu.memory_space<hbm>> -> memref<12800x1024xf32, #tpu.memory_space<hbm>>
    tpu.enqueue_indirect_dma source(%dma_start3A_255 : memref<32x1024xf32, #tpu.memory_space<vmem>>) target(%dma_start3A_261 : memref<12800x1024xf32, #tpu.memory_space<hbm>>) offsets(%dma_start3A_258 : memref<32xi32, #tpu.memory_space<vmem>>) semaphore(%arg14 : memref<!tpu.dma_semaphore, #tpu.memory_space<semaphore_mem>>)
    %add3A_262 = arith.constant 32 : i32
    %add3A_263 = arith.addi %mul3A_2, %add3A_262 : i32
    %run_scoped3A_264 = arith.constant 1 : i32
    "tpu.region"() ({
      %run_scoped3A_414 = tpu.sem_alloc : memref<!tpu.dma_semaphore, #tpu.memory_space<semaphore_mem>>
      %dma_start3A_415 = arith.constant 0 : i32
      %dma_start3A_416 = arith.constant 0 : i32
      %dma_start3A_417 = tpu.memref_slice %arg13[%run_scoped3A_264, %dma_start3A_415, %dma_start3A_416] : memref<2x32x1024xf32, #tpu.memory_space<vmem>> -> memref<1x32x1024xf32, #tpu.memory_space<vmem>>
      %dma_start3A_418 = tpu.memref_squeeze %dma_start3A_417 : memref<1x32x1024xf32, #tpu.memory_space<vmem>> -> memref<32x1024xf32, #tpu.memory_space<vmem>>
      %dma_start3A_419 = arith.constant 0 : i32
      %dma_start3A_420 = tpu.memref_slice %arg2[%add3A_263, %dma_start3A_419] : memref<4096x1024xf32, #tpu.memory_space<hbm>> -> memref<32x1024xf32, #tpu.memory_space<hbm>>
      %dma_start3A_421 = arith.constant 0 : i32
      %dma_start3A_422 = arith.constant 0 : i32
      %dma_start3A_423 = tpu.memref_slice %arg13[%run_scoped3A_264, %dma_start3A_421, %dma_start3A_422] : memref<2x32x1024xf32, #tpu.memory_space<vmem>> -> memref<1x32x1024xf32, #tpu.memory_space<vmem>>
      %dma_start3A_424 = tpu.memref_squeeze %dma_start3A_423 : memref<1x32x1024xf32, #tpu.memory_space<vmem>> -> memref<32x1024xf32, #tpu.memory_space<vmem>>
      %dma_start3A_425 = arith.constant 0 : i32
      %dma_start3A_426 = tpu.memref_slice %arg2[%add3A_263, %dma_start3A_425] : memref<4096x1024xf32, #tpu.memory_space<hbm>> -> memref<32x1024xf32, #tpu.memory_space<hbm>>
      tpu.enqueue_dma source(%dma_start3A_426 : memref<32x1024xf32, #tpu.memory_space<hbm>>) target(%dma_start3A_424 : memref<32x1024xf32, #tpu.memory_space<vmem>>) target_semaphore(%run_scoped3A_414 : memref<!tpu.dma_semaphore, #tpu.memory_space<semaphore_mem>>)
      %dma_wait3A_427 = arith.constant 0 : i32
      %dma_wait3A_428 = arith.constant 0 : i32
      %dma_wait3A_429 = tpu.memref_slice %arg13[%run_scoped3A_264, %dma_wait3A_427, %dma_wait3A_428] : memref<2x32x1024xf32, #tpu.memory_space<vmem>> -> memref<1x32x1024xf32, #tpu.memory_space<vmem>>
      %dma_wait3A_430 = tpu.memref_squeeze %dma_wait3A_429 : memref<1x32x1024xf32, #tpu.memory_space<vmem>> -> memref<32x1024xf32, #tpu.memory_space<vmem>>
      %dma_wait3A_431 = arith.constant 0 : i32
      %dma_wait3A_432 = tpu.memref_slice %arg2[%add3A_263, %dma_wait3A_431] : memref<4096x1024xf32, #tpu.memory_space<hbm>> -> memref<32x1024xf32, #tpu.memory_space<hbm>>
      %dma_wait3A_433 = arith.constant 0 : i32
      %dma_wait3A_434 = arith.constant 0 : i32
      %dma_wait3A_435 = tpu.memref_slice %arg13[%run_scoped3A_264, %dma_wait3A_433, %dma_wait3A_434] : memref<2x32x1024xf32, #tpu.memory_space<vmem>> -> memref<1x32x1024xf32, #tpu.memory_space<vmem>>
      %dma_wait3A_436 = tpu.memref_squeeze %dma_wait3A_435 : memref<1x32x1024xf32, #tpu.memory_space<vmem>> -> memref<32x1024xf32, #tpu.memory_space<vmem>>
      %dma_wait3A_437 = arith.constant 0 : i32
      %dma_wait3A_438 = tpu.memref_slice %arg2[%add3A_263, %dma_wait3A_437] : memref<4096x1024xf32, #tpu.memory_space<hbm>> -> memref<32x1024xf32, #tpu.memory_space<hbm>>
      tpu.wait_dma2 semaphore(%run_scoped3A_414 : memref<!tpu.dma_semaphore, #tpu.memory_space<semaphore_mem>>) src(%dma_wait3A_438 : memref<32x1024xf32, #tpu.memory_space<hbm>>) dst(%dma_wait3A_436 : memref<32x1024xf32, #tpu.memory_space<vmem>>)
      tpu.yield
    }) : () -> ()
    %dma_start3A_265 = arith.constant 1 : i32
    %dma_start3A_266 = arith.constant 1 : i32
    %dma_start3A_267 = arith.constant 0 : i32
    %dma_start3A_268 = arith.constant 0 : i32
    %dma_start3A_269 = tpu.memref_slice %arg13[%dma_start3A_265, %dma_start3A_267, %dma_start3A_268] : memref<2x32x1024xf32, #tpu.memory_space<vmem>> -> memref<1x32x1024xf32, #tpu.memory_space<vmem>>
    %dma_start3A_270 = tpu.memref_squeeze %dma_start3A_269 : memref<1x32x1024xf32, #tpu.memory_space<vmem>> -> memref<32x1024xf32, #tpu.memory_space<vmem>>
    %dma_start3A_271 = arith.constant 0 : i32
    %dma_start3A_272 = tpu.memref_slice %arg11[%dma_start3A_266, %dma_start3A_271] : memref<4x32xi32, #tpu.memory_space<vmem>> -> memref<1x32xi32, #tpu.memory_space<vmem>>
    %dma_start3A_273 = tpu.memref_squeeze %dma_start3A_272 : memref<1x32xi32, #tpu.memory_space<vmem>> -> memref<32xi32, #tpu.memory_space<vmem>>
    %dma_start3A_274 = arith.constant 0 : i32
    %dma_start3A_275 = arith.constant 0 : i32
    %dma_start3A_276 = tpu.memref_slice %arg6[%dma_start3A_274, %dma_start3A_275] : memref<12800x1024xf32, #tpu.memory_space<hbm>> -> memref<12800x1024xf32, #tpu.memory_space<hbm>>
    tpu.enqueue_indirect_dma source(%dma_start3A_270 : memref<32x1024xf32, #tpu.memory_space<vmem>>) target(%dma_start3A_276 : memref<12800x1024xf32, #tpu.memory_space<hbm>>) offsets(%dma_start3A_273 : memref<32xi32, #tpu.memory_space<vmem>>) semaphore(%arg15 : memref<!tpu.dma_semaphore, #tpu.memory_space<semaphore_mem>>)
    %dma_start3A_277 = arith.constant 1 : i32
    %dma_start3A_278 = arith.constant 1 : i32
    %dma_start3A_279 = arith.constant 0 : i32
    %dma_start3A_280 = arith.constant 0 : i32
    %dma_start3A_281 = tpu.memref_slice %arg13[%dma_start3A_277, %dma_start3A_279, %dma_start3A_280] : memref<2x32x1024xf32, #tpu.memory_space<vmem>> -> memref<1x32x1024xf32, #tpu.memory_space<vmem>>
    %dma_start3A_282 = tpu.memref_squeeze %dma_start3A_281 : memref<1x32x1024xf32, #tpu.memory_space<vmem>> -> memref<32x1024xf32, #tpu.memory_space<vmem>>
    %dma_start3A_283 = arith.constant 0 : i32
    %dma_start3A_284 = tpu.memref_slice %arg12[%dma_start3A_278, %dma_start3A_283] : memref<4x32xi32, #tpu.memory_space<vmem>> -> memref<1x32xi32, #tpu.memory_space<vmem>>
    %dma_start3A_285 = tpu.memref_squeeze %dma_start3A_284 : memref<1x32xi32, #tpu.memory_space<vmem>> -> memref<32xi32, #tpu.memory_space<vmem>>
    %dma_start3A_286 = arith.constant 0 : i32
    %dma_start3A_287 = arith.constant 0 : i32
    %dma_start3A_288 = tpu.memref_slice %arg6[%dma_start3A_286, %dma_start3A_287] : memref<12800x1024xf32, #tpu.memory_space<hbm>> -> memref<12800x1024xf32, #tpu.memory_space<hbm>>
    tpu.enqueue_indirect_dma source(%dma_start3A_282 : memref<32x1024xf32, #tpu.memory_space<vmem>>) target(%dma_start3A_288 : memref<12800x1024xf32, #tpu.memory_space<hbm>>) offsets(%dma_start3A_285 : memref<32xi32, #tpu.memory_space<vmem>>) semaphore(%arg15 : memref<!tpu.dma_semaphore, #tpu.memory_space<semaphore_mem>>)
    %dma_wait3A = arith.constant 0 : i32
    %dma_wait3A_289 = arith.constant 0 : i32
    %dma_wait3A_290 = arith.constant 0 : i32
    %dma_wait3A_291 = arith.constant 0 : i32
    %dma_wait3A_292 = tpu.memref_slice %arg13[%dma_wait3A, %dma_wait3A_290, %dma_wait3A_291] : memref<2x32x1024xf32, #tpu.memory_space<vmem>> -> memref<1x32x1024xf32, #tpu.memory_space<vmem>>
    %dma_wait3A_293 = tpu.memref_squeeze %dma_wait3A_292 : memref<1x32x1024xf32, #tpu.memory_space<vmem>> -> memref<32x1024xf32, #tpu.memory_space<vmem>>
    %dma_wait3A_294 = arith.constant 0 : i32
    %dma_wait3A_295 = tpu.memref_slice %arg11[%dma_wait3A_289, %dma_wait3A_294] : memref<4x32xi32, #tpu.memory_space<vmem>> -> memref<1x32xi32, #tpu.memory_space<vmem>>
    %dma_wait3A_296 = tpu.memref_squeeze %dma_wait3A_295 : memref<1x32xi32, #tpu.memory_space<vmem>> -> memref<32xi32, #tpu.memory_space<vmem>>
    %dma_wait3A_297 = arith.constant 0 : i32
    %dma_wait3A_298 = arith.constant 0 : i32
    %dma_wait3A_299 = tpu.memref_slice %arg6[%dma_wait3A_297, %dma_wait3A_298] : memref<12800x1024xf32, #tpu.memory_space<hbm>> -> memref<12800x1024xf32, #tpu.memory_space<hbm>>
    tpu.wait_indirect_dma semaphore(%arg14 : memref<!tpu.dma_semaphore, #tpu.memory_space<semaphore_mem>>) src(%dma_wait3A_293 : memref<32x1024xf32, #tpu.memory_space<vmem>>) dst(%dma_wait3A_299 : memref<12800x1024xf32, #tpu.memory_space<hbm>>)
    %dma_wait3A_300 = arith.constant 0 : i32
    %dma_wait3A_301 = arith.constant 0 : i32
    %dma_wait3A_302 = arith.constant 0 : i32
    %dma_wait3A_303 = arith.constant 0 : i32
    %dma_wait3A_304 = tpu.memref_slice %arg13[%dma_wait3A_300, %dma_wait3A_302, %dma_wait3A_303] : memref<2x32x1024xf32, #tpu.memory_space<vmem>> -> memref<1x32x1024xf32, #tpu.memory_space<vmem>>
    %dma_wait3A_305 = tpu.memref_squeeze %dma_wait3A_304 : memref<1x32x1024xf32, #tpu.memory_space<vmem>> -> memref<32x1024xf32, #tpu.memory_space<vmem>>
    %dma_wait3A_306 = arith.constant 0 : i32
    %dma_wait3A_307 = tpu.memref_slice %arg12[%dma_wait3A_301, %dma_wait3A_306] : memref<4x32xi32, #tpu.memory_space<vmem>> -> memref<1x32xi32, #tpu.memory_space<vmem>>
    %dma_wait3A_308 = tpu.memref_squeeze %dma_wait3A_307 : memref<1x32xi32, #tpu.memory_space<vmem>> -> memref<32xi32, #tpu.memory_space<vmem>>
    %dma_wait3A_309 = arith.constant 0 : i32
    %dma_wait3A_310 = arith.constant 0 : i32
    %dma_wait3A_311 = tpu.memref_slice %arg6[%dma_wait3A_309, %dma_wait3A_310] : memref<12800x1024xf32, #tpu.memory_space<hbm>> -> memref<12800x1024xf32, #tpu.memory_space<hbm>>
    tpu.wait_indirect_dma semaphore(%arg14 : memref<!tpu.dma_semaphore, #tpu.memory_space<semaphore_mem>>) src(%dma_wait3A_305 : memref<32x1024xf32, #tpu.memory_space<vmem>>) dst(%dma_wait3A_311 : memref<12800x1024xf32, #tpu.memory_space<hbm>>)
    %add3A_312 = arith.constant 64 : i32
    %add3A_313 = arith.addi %mul3A_2, %add3A_312 : i32
    %run_scoped3A_314 = arith.constant 0 : i32
    "tpu.region"() ({
      %run_scoped3A_414 = tpu.sem_alloc : memref<!tpu.dma_semaphore, #tpu.memory_space<semaphore_mem>>
      %dma_start3A_415 = arith.constant 0 : i32
      %dma_start3A_416 = arith.constant 0 : i32
      %dma_start3A_417 = tpu.memref_slice %arg13[%run_scoped3A_314, %dma_start3A_415, %dma_start3A_416] : memref<2x32x1024xf32, #tpu.memory_space<vmem>> -> memref<1x32x1024xf32, #tpu.memory_space<vmem>>
      %dma_start3A_418 = tpu.memref_squeeze %dma_start3A_417 : memref<1x32x1024xf32, #tpu.memory_space<vmem>> -> memref<32x1024xf32, #tpu.memory_space<vmem>>
      %dma_start3A_419 = arith.constant 0 : i32
      %dma_start3A_420 = tpu.memref_slice %arg2[%add3A_313, %dma_start3A_419] : memref<4096x1024xf32, #tpu.memory_space<hbm>> -> memref<32x1024xf32, #tpu.memory_space<hbm>>
      %dma_start3A_421 = arith.constant 0 : i32
      %dma_start3A_422 = arith.constant 0 : i32
      %dma_start3A_423 = tpu.memref_slice %arg13[%run_scoped3A_314, %dma_start3A_421, %dma_start3A_422] : memref<2x32x1024xf32, #tpu.memory_space<vmem>> -> memref<1x32x1024xf32, #tpu.memory_space<vmem>>
      %dma_start3A_424 = tpu.memref_squeeze %dma_start3A_423 : memref<1x32x1024xf32, #tpu.memory_space<vmem>> -> memref<32x1024xf32, #tpu.memory_space<vmem>>
      %dma_start3A_425 = arith.constant 0 : i32
      %dma_start3A_426 = tpu.memref_slice %arg2[%add3A_313, %dma_start3A_425] : memref<4096x1024xf32, #tpu.memory_space<hbm>> -> memref<32x1024xf32, #tpu.memory_space<hbm>>
      tpu.enqueue_dma source(%dma_start3A_426 : memref<32x1024xf32, #tpu.memory_space<hbm>>) target(%dma_start3A_424 : memref<32x1024xf32, #tpu.memory_space<vmem>>) target_semaphore(%run_scoped3A_414 : memref<!tpu.dma_semaphore, #tpu.memory_space<semaphore_mem>>)
      %dma_wait3A_427 = arith.constant 0 : i32
      %dma_wait3A_428 = arith.constant 0 : i32
      %dma_wait3A_429 = tpu.memref_slice %arg13[%run_scoped3A_314, %dma_wait3A_427, %dma_wait3A_428] : memref<2x32x1024xf32, #tpu.memory_space<vmem>> -> memref<1x32x1024xf32, #tpu.memory_space<vmem>>
      %dma_wait3A_430 = tpu.memref_squeeze %dma_wait3A_429 : memref<1x32x1024xf32, #tpu.memory_space<vmem>> -> memref<32x1024xf32, #tpu.memory_space<vmem>>
      %dma_wait3A_431 = arith.constant 0 : i32
      %dma_wait3A_432 = tpu.memref_slice %arg2[%add3A_313, %dma_wait3A_431] : memref<4096x1024xf32, #tpu.memory_space<hbm>> -> memref<32x1024xf32, #tpu.memory_space<hbm>>
      %dma_wait3A_433 = arith.constant 0 : i32
      %dma_wait3A_434 = arith.constant 0 : i32
      %dma_wait3A_435 = tpu.memref_slice %arg13[%run_scoped3A_314, %dma_wait3A_433, %dma_wait3A_434] : memref<2x32x1024xf32, #tpu.memory_space<vmem>> -> memref<1x32x1024xf32, #tpu.memory_space<vmem>>
      %dma_wait3A_436 = tpu.memref_squeeze %dma_wait3A_435 : memref<1x32x1024xf32, #tpu.memory_space<vmem>> -> memref<32x1024xf32, #tpu.memory_space<vmem>>
      %dma_wait3A_437 = arith.constant 0 : i32
      %dma_wait3A_438 = tpu.memref_slice %arg2[%add3A_313, %dma_wait3A_437] : memref<4096x1024xf32, #tpu.memory_space<hbm>> -> memref<32x1024xf32, #tpu.memory_space<hbm>>
      tpu.wait_dma2 semaphore(%run_scoped3A_414 : memref<!tpu.dma_semaphore, #tpu.memory_space<semaphore_mem>>) src(%dma_wait3A_438 : memref<32x1024xf32, #tpu.memory_space<hbm>>) dst(%dma_wait3A_436 : memref<32x1024xf32, #tpu.memory_space<vmem>>)
      tpu.yield
    }) : () -> ()
    %dma_start3A_315 = arith.constant 0 : i32
    %dma_start3A_316 = arith.constant 2 : i32
    %dma_start3A_317 = arith.constant 0 : i32
    %dma_start3A_318 = arith.constant 0 : i32
    %dma_start3A_319 = tpu.memref_slice %arg13[%dma_start3A_315, %dma_start3A_317, %dma_start3A_318] : memref<2x32x1024xf32, #tpu.memory_space<vmem>> -> memref<1x32x1024xf32, #tpu.memory_space<vmem>>
    %dma_start3A_320 = tpu.memref_squeeze %dma_start3A_319 : memref<1x32x1024xf32, #tpu.memory_space<vmem>> -> memref<32x1024xf32, #tpu.memory_space<vmem>>
    %dma_start3A_321 = arith.constant 0 : i32
    %dma_start3A_322 = tpu.memref_slice %arg11[%dma_start3A_316, %dma_start3A_321] : memref<4x32xi32, #tpu.memory_space<vmem>> -> memref<1x32xi32, #tpu.memory_space<vmem>>
    %dma_start3A_323 = tpu.memref_squeeze %dma_start3A_322 : memref<1x32xi32, #tpu.memory_space<vmem>> -> memref<32xi32, #tpu.memory_space<vmem>>
    %dma_start3A_324 = arith.constant 0 : i32
    %dma_start3A_325 = arith.constant 0 : i32
    %dma_start3A_326 = tpu.memref_slice %arg6[%dma_start3A_324, %dma_start3A_325] : memref<12800x1024xf32, #tpu.memory_space<hbm>> -> memref<12800x1024xf32, #tpu.memory_space<hbm>>
    tpu.enqueue_indirect_dma source(%dma_start3A_320 : memref<32x1024xf32, #tpu.memory_space<vmem>>) target(%dma_start3A_326 : memref<12800x1024xf32, #tpu.memory_space<hbm>>) offsets(%dma_start3A_323 : memref<32xi32, #tpu.memory_space<vmem>>) semaphore(%arg14 : memref<!tpu.dma_semaphore, #tpu.memory_space<semaphore_mem>>)
    %dma_start3A_327 = arith.constant 0 : i32
    %dma_start3A_328 = arith.constant 2 : i32
    %dma_start3A_329 = arith.constant 0 : i32
    %dma_start3A_330 = arith.constant 0 : i32
    %dma_start3A_331 = tpu.memref_slice %arg13[%dma_start3A_327, %dma_start3A_329, %dma_start3A_330] : memref<2x32x1024xf32, #tpu.memory_space<vmem>> -> memref<1x32x1024xf32, #tpu.memory_space<vmem>>
    %dma_start3A_332 = tpu.memref_squeeze %dma_start3A_331 : memref<1x32x1024xf32, #tpu.memory_space<vmem>> -> memref<32x1024xf32, #tpu.memory_space<vmem>>
    %dma_start3A_333 = arith.constant 0 : i32
    %dma_start3A_334 = tpu.memref_slice %arg12[%dma_start3A_328, %dma_start3A_333] : memref<4x32xi32, #tpu.memory_space<vmem>> -> memref<1x32xi32, #tpu.memory_space<vmem>>
    %dma_start3A_335 = tpu.memref_squeeze %dma_start3A_334 : memref<1x32xi32, #tpu.memory_space<vmem>> -> memref<32xi32, #tpu.memory_space<vmem>>
    %dma_start3A_336 = arith.constant 0 : i32
    %dma_start3A_337 = arith.constant 0 : i32
    %dma_start3A_338 = tpu.memref_slice %arg6[%dma_start3A_336, %dma_start3A_337] : memref<12800x1024xf32, #tpu.memory_space<hbm>> -> memref<12800x1024xf32, #tpu.memory_space<hbm>>
    tpu.enqueue_indirect_dma source(%dma_start3A_332 : memref<32x1024xf32, #tpu.memory_space<vmem>>) target(%dma_start3A_338 : memref<12800x1024xf32, #tpu.memory_space<hbm>>) offsets(%dma_start3A_335 : memref<32xi32, #tpu.memory_space<vmem>>) semaphore(%arg14 : memref<!tpu.dma_semaphore, #tpu.memory_space<semaphore_mem>>)
    %dma_wait3A_339 = arith.constant 1 : i32
    %dma_wait3A_340 = arith.constant 1 : i32
    %dma_wait3A_341 = arith.constant 0 : i32
    %dma_wait3A_342 = arith.constant 0 : i32
    %dma_wait3A_343 = tpu.memref_slice %arg13[%dma_wait3A_339, %dma_wait3A_341, %dma_wait3A_342] : memref<2x32x1024xf32, #tpu.memory_space<vmem>> -> memref<1x32x1024xf32, #tpu.memory_space<vmem>>
    %dma_wait3A_344 = tpu.memref_squeeze %dma_wait3A_343 : memref<1x32x1024xf32, #tpu.memory_space<vmem>> -> memref<32x1024xf32, #tpu.memory_space<vmem>>
    %dma_wait3A_345 = arith.constant 0 : i32
    %dma_wait3A_346 = tpu.memref_slice %arg11[%dma_wait3A_340, %dma_wait3A_345] : memref<4x32xi32, #tpu.memory_space<vmem>> -> memref<1x32xi32, #tpu.memory_space<vmem>>
    %dma_wait3A_347 = tpu.memref_squeeze %dma_wait3A_346 : memref<1x32xi32, #tpu.memory_space<vmem>> -> memref<32xi32, #tpu.memory_space<vmem>>
    %dma_wait3A_348 = arith.constant 0 : i32
    %dma_wait3A_349 = arith.constant 0 : i32
    %dma_wait3A_350 = tpu.memref_slice %arg6[%dma_wait3A_348, %dma_wait3A_349] : memref<12800x1024xf32, #tpu.memory_space<hbm>> -> memref<12800x1024xf32, #tpu.memory_space<hbm>>
    tpu.wait_indirect_dma semaphore(%arg15 : memref<!tpu.dma_semaphore, #tpu.memory_space<semaphore_mem>>) src(%dma_wait3A_344 : memref<32x1024xf32, #tpu.memory_space<vmem>>) dst(%dma_wait3A_350 : memref<12800x1024xf32, #tpu.memory_space<hbm>>)
    %dma_wait3A_351 = arith.constant 1 : i32
    %dma_wait3A_352 = arith.constant 1 : i32
    %dma_wait3A_353 = arith.constant 0 : i32
    %dma_wait3A_354 = arith.constant 0 : i32
    %dma_wait3A_355 = tpu.memref_slice %arg13[%dma_wait3A_351, %dma_wait3A_353, %dma_wait3A_354] : memref<2x32x1024xf32, #tpu.memory_space<vmem>> -> memref<1x32x1024xf32, #tpu.memory_space<vmem>>
    %dma_wait3A_356 = tpu.memref_squeeze %dma_wait3A_355 : memref<1x32x1024xf32, #tpu.memory_space<vmem>> -> memref<32x1024xf32, #tpu.memory_space<vmem>>
    %dma_wait3A_357 = arith.constant 0 : i32
    %dma_wait3A_358 = tpu.memref_slice %arg12[%dma_wait3A_352, %dma_wait3A_357] : memref<4x32xi32, #tpu.memory_space<vmem>> -> memref<1x32xi32, #tpu.memory_space<vmem>>
    %dma_wait3A_359 = tpu.memref_squeeze %dma_wait3A_358 : memref<1x32xi32, #tpu.memory_space<vmem>> -> memref<32xi32, #tpu.memory_space<vmem>>
    %dma_wait3A_360 = arith.constant 0 : i32
    %dma_wait3A_361 = arith.constant 0 : i32
    %dma_wait3A_362 = tpu.memref_slice %arg6[%dma_wait3A_360, %dma_wait3A_361] : memref<12800x1024xf32, #tpu.memory_space<hbm>> -> memref<12800x1024xf32, #tpu.memory_space<hbm>>
    tpu.wait_indirect_dma semaphore(%arg15 : memref<!tpu.dma_semaphore, #tpu.memory_space<semaphore_mem>>) src(%dma_wait3A_356 : memref<32x1024xf32, #tpu.memory_space<vmem>>) dst(%dma_wait3A_362 : memref<12800x1024xf32, #tpu.memory_space<hbm>>)
    %add3A_363 = arith.constant 96 : i32
    %add3A_364 = arith.addi %mul3A_2, %add3A_363 : i32
    %run_scoped3A_365 = arith.constant 1 : i32
    "tpu.region"() ({
      %run_scoped3A_414 = tpu.sem_alloc : memref<!tpu.dma_semaphore, #tpu.memory_space<semaphore_mem>>
      %dma_start3A_415 = arith.constant 0 : i32
      %dma_start3A_416 = arith.constant 0 : i32
      %dma_start3A_417 = tpu.memref_slice %arg13[%run_scoped3A_365, %dma_start3A_415, %dma_start3A_416] : memref<2x32x1024xf32, #tpu.memory_space<vmem>> -> memref<1x32x1024xf32, #tpu.memory_space<vmem>>
      %dma_start3A_418 = tpu.memref_squeeze %dma_start3A_417 : memref<1x32x1024xf32, #tpu.memory_space<vmem>> -> memref<32x1024xf32, #tpu.memory_space<vmem>>
      %dma_start3A_419 = arith.constant 0 : i32
      %dma_start3A_420 = tpu.memref_slice %arg2[%add3A_364, %dma_start3A_419] : memref<4096x1024xf32, #tpu.memory_space<hbm>> -> memref<32x1024xf32, #tpu.memory_space<hbm>>
      %dma_start3A_421 = arith.constant 0 : i32
      %dma_start3A_422 = arith.constant 0 : i32
      %dma_start3A_423 = tpu.memref_slice %arg13[%run_scoped3A_365, %dma_start3A_421, %dma_start3A_422] : memref<2x32x1024xf32, #tpu.memory_space<vmem>> -> memref<1x32x1024xf32, #tpu.memory_space<vmem>>
      %dma_start3A_424 = tpu.memref_squeeze %dma_start3A_423 : memref<1x32x1024xf32, #tpu.memory_space<vmem>> -> memref<32x1024xf32, #tpu.memory_space<vmem>>
      %dma_start3A_425 = arith.constant 0 : i32
      %dma_start3A_426 = tpu.memref_slice %arg2[%add3A_364, %dma_start3A_425] : memref<4096x1024xf32, #tpu.memory_space<hbm>> -> memref<32x1024xf32, #tpu.memory_space<hbm>>
      tpu.enqueue_dma source(%dma_start3A_426 : memref<32x1024xf32, #tpu.memory_space<hbm>>) target(%dma_start3A_424 : memref<32x1024xf32, #tpu.memory_space<vmem>>) target_semaphore(%run_scoped3A_414 : memref<!tpu.dma_semaphore, #tpu.memory_space<semaphore_mem>>)
      %dma_wait3A_427 = arith.constant 0 : i32
      %dma_wait3A_428 = arith.constant 0 : i32
      %dma_wait3A_429 = tpu.memref_slice %arg13[%run_scoped3A_365, %dma_wait3A_427, %dma_wait3A_428] : memref<2x32x1024xf32, #tpu.memory_space<vmem>> -> memref<1x32x1024xf32, #tpu.memory_space<vmem>>
      %dma_wait3A_430 = tpu.memref_squeeze %dma_wait3A_429 : memref<1x32x1024xf32, #tpu.memory_space<vmem>> -> memref<32x1024xf32, #tpu.memory_space<vmem>>
      %dma_wait3A_431 = arith.constant 0 : i32
      %dma_wait3A_432 = tpu.memref_slice %arg2[%add3A_364, %dma_wait3A_431] : memref<4096x1024xf32, #tpu.memory_space<hbm>> -> memref<32x1024xf32, #tpu.memory_space<hbm>>
      %dma_wait3A_433 = arith.constant 0 : i32
      %dma_wait3A_434 = arith.constant 0 : i32
      %dma_wait3A_435 = tpu.memref_slice %arg13[%run_scoped3A_365, %dma_wait3A_433, %dma_wait3A_434] : memref<2x32x1024xf32, #tpu.memory_space<vmem>> -> memref<1x32x1024xf32, #tpu.memory_space<vmem>>
      %dma_wait3A_436 = tpu.memref_squeeze %dma_wait3A_435 : memref<1x32x1024xf32, #tpu.memory_space<vmem>> -> memref<32x1024xf32, #tpu.memory_space<vmem>>
      %dma_wait3A_437 = arith.constant 0 : i32
      %dma_wait3A_438 = tpu.memref_slice %arg2[%add3A_364, %dma_wait3A_437] : memref<4096x1024xf32, #tpu.memory_space<hbm>> -> memref<32x1024xf32, #tpu.memory_space<hbm>>
      tpu.wait_dma2 semaphore(%run_scoped3A_414 : memref<!tpu.dma_semaphore, #tpu.memory_space<semaphore_mem>>) src(%dma_wait3A_438 : memref<32x1024xf32, #tpu.memory_space<hbm>>) dst(%dma_wait3A_436 : memref<32x1024xf32, #tpu.memory_space<vmem>>)
      tpu.yield
    }) : () -> ()
    %dma_start3A_366 = arith.constant 1 : i32
    %dma_start3A_367 = arith.constant 3 : i32
    %dma_start3A_368 = arith.constant 0 : i32
    %dma_start3A_369 = arith.constant 0 : i32
    %dma_start3A_370 = tpu.memref_slice %arg13[%dma_start3A_366, %dma_start3A_368, %dma_start3A_369] : memref<2x32x1024xf32, #tpu.memory_space<vmem>> -> memref<1x32x1024xf32, #tpu.memory_space<vmem>>
    %dma_start3A_371 = tpu.memref_squeeze %dma_start3A_370 : memref<1x32x1024xf32, #tpu.memory_space<vmem>> -> memref<32x1024xf32, #tpu.memory_space<vmem>>
    %dma_start3A_372 = arith.constant 0 : i32
    %dma_start3A_373 = tpu.memref_slice %arg11[%dma_start3A_367, %dma_start3A_372] : memref<4x32xi32, #tpu.memory_space<vmem>> -> memref<1x32xi32, #tpu.memory_space<vmem>>
    %dma_start3A_374 = tpu.memref_squeeze %dma_start3A_373 : memref<1x32xi32, #tpu.memory_space<vmem>> -> memref<32xi32, #tpu.memory_space<vmem>>
    %dma_start3A_375 = arith.constant 0 : i32
    %dma_start3A_376 = arith.constant 0 : i32
    %dma_start3A_377 = tpu.memref_slice %arg6[%dma_start3A_375, %dma_start3A_376] : memref<12800x1024xf32, #tpu.memory_space<hbm>> -> memref<12800x1024xf32, #tpu.memory_space<hbm>>
    tpu.enqueue_indirect_dma source(%dma_start3A_371 : memref<32x1024xf32, #tpu.memory_space<vmem>>) target(%dma_start3A_377 : memref<12800x1024xf32, #tpu.memory_space<hbm>>) offsets(%dma_start3A_374 : memref<32xi32, #tpu.memory_space<vmem>>) semaphore(%arg15 : memref<!tpu.dma_semaphore, #tpu.memory_space<semaphore_mem>>)
    %dma_start3A_378 = arith.constant 1 : i32
    %dma_start3A_379 = arith.constant 3 : i32
    %dma_start3A_380 = arith.constant 0 : i32
    %dma_start3A_381 = arith.constant 0 : i32
    %dma_start3A_382 = tpu.memref_slice %arg13[%dma_start3A_378, %dma_start3A_380, %dma_start3A_381] : memref<2x32x1024xf32, #tpu.memory_space<vmem>> -> memref<1x32x1024xf32, #tpu.memory_space<vmem>>
    %dma_start3A_383 = tpu.memref_squeeze %dma_start3A_382 : memref<1x32x1024xf32, #tpu.memory_space<vmem>> -> memref<32x1024xf32, #tpu.memory_space<vmem>>
    %dma_start3A_384 = arith.constant 0 : i32
    %dma_start3A_385 = tpu.memref_slice %arg12[%dma_start3A_379, %dma_start3A_384] : memref<4x32xi32, #tpu.memory_space<vmem>> -> memref<1x32xi32, #tpu.memory_space<vmem>>
    %dma_start3A_386 = tpu.memref_squeeze %dma_start3A_385 : memref<1x32xi32, #tpu.memory_space<vmem>> -> memref<32xi32, #tpu.memory_space<vmem>>
    %dma_start3A_387 = arith.constant 0 : i32
    %dma_start3A_388 = arith.constant 0 : i32
    %dma_start3A_389 = tpu.memref_slice %arg6[%dma_start3A_387, %dma_start3A_388] : memref<12800x1024xf32, #tpu.memory_space<hbm>> -> memref<12800x1024xf32, #tpu.memory_space<hbm>>
    tpu.enqueue_indirect_dma source(%dma_start3A_383 : memref<32x1024xf32, #tpu.memory_space<vmem>>) target(%dma_start3A_389 : memref<12800x1024xf32, #tpu.memory_space<hbm>>) offsets(%dma_start3A_386 : memref<32xi32, #tpu.memory_space<vmem>>) semaphore(%arg15 : memref<!tpu.dma_semaphore, #tpu.memory_space<semaphore_mem>>)
    %dma_wait3A_390 = arith.constant 1 : i32
    %dma_wait3A_391 = arith.constant 3 : i32
    %dma_wait3A_392 = arith.constant 0 : i32
    %dma_wait3A_393 = arith.constant 0 : i32
    %dma_wait3A_394 = tpu.memref_slice %arg13[%dma_wait3A_390, %dma_wait3A_392, %dma_wait3A_393] : memref<2x32x1024xf32, #tpu.memory_space<vmem>> -> memref<1x32x1024xf32, #tpu.memory_space<vmem>>
    %dma_wait3A_395 = tpu.memref_squeeze %dma_wait3A_394 : memref<1x32x1024xf32, #tpu.memory_space<vmem>> -> memref<32x1024xf32, #tpu.memory_space<vmem>>
    %dma_wait3A_396 = arith.constant 0 : i32
    %dma_wait3A_397 = tpu.memref_slice %arg11[%dma_wait3A_391, %dma_wait3A_396] : memref<4x32xi32, #tpu.memory_space<vmem>> -> memref<1x32xi32, #tpu.memory_space<vmem>>
    %dma_wait3A_398 = tpu.memref_squeeze %dma_wait3A_397 : memref<1x32xi32, #tpu.memory_space<vmem>> -> memref<32xi32, #tpu.memory_space<vmem>>
    %dma_wait3A_399 = arith.constant 0 : i32
    %dma_wait3A_400 = arith.constant 0 : i32
    %dma_wait3A_401 = tpu.memref_slice %arg6[%dma_wait3A_399, %dma_wait3A_400] : memref<12800x1024xf32, #tpu.memory_space<hbm>> -> memref<12800x1024xf32, #tpu.memory_space<hbm>>
    tpu.wait_indirect_dma semaphore(%arg15 : memref<!tpu.dma_semaphore, #tpu.memory_space<semaphore_mem>>) src(%dma_wait3A_395 : memref<32x1024xf32, #tpu.memory_space<vmem>>) dst(%dma_wait3A_401 : memref<12800x1024xf32, #tpu.memory_space<hbm>>)
    %dma_wait3A_402 = arith.constant 1 : i32
    %dma_wait3A_403 = arith.constant 3 : i32
    %dma_wait3A_404 = arith.constant 0 : i32
    %dma_wait3A_405 = arith.constant 0 : i32
    %dma_wait3A_406 = tpu.memref_slice %arg13[%dma_wait3A_402, %dma_wait3A_404, %dma_wait3A_405] : memref<2x32x1024xf32, #tpu.memory_space<vmem>> -> memref<1x32x1024xf32, #tpu.memory_space<vmem>>
    %dma_wait3A_407 = tpu.memref_squeeze %dma_wait3A_406 : memref<1x32x1024xf32, #tpu.memory_space<vmem>> -> memref<32x1024xf32, #tpu.memory_space<vmem>>
    %dma_wait3A_408 = arith.constant 0 : i32
    %dma_wait3A_409 = tpu.memref_slice %arg12[%dma_wait3A_403, %dma_wait3A_408] : memref<4x32xi32, #tpu.memory_space<vmem>> -> memref<1x32xi32, #tpu.memory_space<vmem>>
    %dma_wait3A_410 = tpu.memref_squeeze %dma_wait3A_409 : memref<1x32xi32, #tpu.memory_space<vmem>> -> memref<32xi32, #tpu.memory_space<vmem>>
    %dma_wait3A_411 = arith.constant 0 : i32
    %dma_wait3A_412 = arith.constant 0 : i32
    %dma_wait3A_413 = tpu.memref_slice %arg6[%dma_wait3A_411, %dma_wait3A_412] : memref<12800x1024xf32, #tpu.memory_space<hbm>> -> memref<12800x1024xf32, #tpu.memory_space<hbm>>
    tpu.wait_indirect_dma semaphore(%arg15 : memref<!tpu.dma_semaphore, #tpu.memory_space<semaphore_mem>>) src(%dma_wait3A_407 : memref<32x1024xf32, #tpu.memory_space<vmem>>) dst(%dma_wait3A_413 : memref<12800x1024xf32, #tpu.memory_space<hbm>>)
    return
  }
}

module attributes {stable_mosaic.version = 14 : i64} {
  func.func @_router_body(%arg0: i32, %arg1: memref<512x1024xf32, #tpu.memory_space<vmem>>, %arg2: memref<16x1024xf32, #tpu.memory_space<vmem>>, %arg3: memref<512x1xi32, #tpu.memory_space<vmem>>, %arg4: memref<512x1xi32, #tpu.memory_space<vmem>>, %arg5: memref<512x1xf32, #tpu.memory_space<vmem>>, %arg6: memref<512x1xf32, #tpu.memory_space<vmem>>, %arg7: memref<512x1xi32, #tpu.memory_space<vmem>>, %arg8: memref<512x1xi32, #tpu.memory_space<vmem>>, %arg9: memref<1x16xf32, #tpu.memory_space<vmem>>, %arg10: memref<1x1xf32, #tpu.memory_space<vmem>>, %arg11: memref<1x1xi32, #tpu.memory_space<vmem>>, %arg12: memref<1x64xi32, #tpu.memory_space<vmem>>) attributes {dimension_semantics = [#tpu.dimension_semantics<arbitrary>], iteration_bounds = array<i64: 8>, scalar_prefetch = 0 : i64, scratch_operands = 0 : i64, tpu.core_type = #tpu.core_type<tc>, window_params = [{transform_indices = @transform_0, window_bounds = array<i64: 512, 1024>}, {pipeline_mode = #tpu.pipeline_mode<synchronous>, transform_indices = @transform_1, window_bounds = array<i64: 16, 1024>}, {transform_indices = @transform_2, window_bounds = array<i64: 512, 1>}, {transform_indices = @transform_3, window_bounds = array<i64: 512, 1>}, {transform_indices = @transform_4, window_bounds = array<i64: 512, 1>}, {transform_indices = @transform_5, window_bounds = array<i64: 512, 1>}, {transform_indices = @transform_6, window_bounds = array<i64: 512, 1>}, {transform_indices = @transform_7, window_bounds = array<i64: 512, 1>}, {pipeline_mode = #tpu.pipeline_mode<synchronous>, transform_indices = @transform_8, window_bounds = array<i64: 1, 16>}, {pipeline_mode = #tpu.pipeline_mode<synchronous>, transform_indices = @transform_9, window_bounds = array<i64: 1, 1>}, {pipeline_mode = #tpu.pipeline_mode<synchronous>, transform_indices = @transform_10, window_bounds = array<i64: 1, 1>}, {pipeline_mode = #tpu.pipeline_mode<synchronous>, transform_indices = @transform_11, window_bounds = array<i64: 1, 64>}]} {
    %get3A = arith.constant 0 : index
    %get3A_0 = arith.constant 0 : index
    %get3A_1 = vector.load %arg1[%get3A, %get3A_0] : memref<512x1024xf32, #tpu.memory_space<vmem>>, vector<512x1024xf32>
    %get3A_2 = arith.constant 0 : index
    %get3A_3 = arith.constant 0 : index
    %get3A_4 = vector.load %arg2[%get3A_2, %get3A_3] : memref<16x1024xf32, #tpu.memory_space<vmem>>, vector<16x1024xf32>
    %dot_general3A = arith.constant dense<0.000000e+00> : vector<512x16xf32>
    %dot_general3A_5 = tpu.matmul %get3A_1, %get3A_4, %dot_general3A {dimension_numbers = #tpu.dot_dimension_numbers<[1], [1], [0], [0], [0, 0, 1, 0], [], []>, transpose_lhs_hint = false} : vector<512x1024xf32>, vector<16x1024xf32>, vector<512x16xf32> -> vector<512x16xf32>
    %iota3A = tpu.iota {dimensions = array<i32: 1>} : vector<512x16xi32>
    %lt3A = arith.constant 9 : i32
    %lt3A_6 = vector.broadcast %lt3A : i32 to vector<512x16xi32>
    %lt3A_7 = arith.cmpi slt, %iota3A, %lt3A_6 : vector<512x16xi32>
    %jit3A = arith.constant -1.000000e+30 : f32
    %broadcast_in_dim3A = vector.broadcast %jit3A : f32 to vector<512x16xf32>
    %select_n3A = arith.select %lt3A_7, %dot_general3A_5, %broadcast_in_dim3A : vector<512x16xi1>, vector<512x16xf32>
    %reduce_max3A = arith.constant dense<0xFF800000> : vector<512xf32>
    %reduce_max3A_8 = vector.multi_reduction <maximumf>, %select_n3A, %reduce_max3A [1] : vector<512x16xf32> to vector<512xf32>
    %broadcast_in_dim3A_9 = vector.shape_cast %reduce_max3A_8 : vector<512xf32> to vector<512x1xf32>
    %sub3A = vector.broadcast %broadcast_in_dim3A_9 : vector<512x1xf32> to vector<512x16xf32>
    %sub3A_10 = arith.subf %select_n3A, %sub3A : vector<512x16xf32>
    %exp3A = math.exp %sub3A_10 : vector<512x16xf32>
    %jit3A_11 = arith.constant 0.000000e+00 : f32
    %broadcast_in_dim3A_12 = vector.broadcast %jit3A_11 : f32 to vector<512x16xf32>
    %select_n3A_13 = arith.select %lt3A_7, %exp3A, %broadcast_in_dim3A_12 : vector<512x16xi1>, vector<512x16xf32>
    %reduce_sum3A = arith.constant dense<0.000000e+00> : vector<512xf32>
    %reduce_sum3A_14 = vector.multi_reduction <add>, %select_n3A_13, %reduce_sum3A [1] : vector<512x16xf32> to vector<512xf32>
    %broadcast_in_dim3A_15 = vector.shape_cast %reduce_sum3A_14 : vector<512xf32> to vector<512x1xf32>
    %div3A = vector.broadcast %broadcast_in_dim3A_15 : vector<512x1xf32> to vector<512x16xf32>
    %div3A_16 = arith.divf %select_n3A_13, %div3A : vector<512x16xf32>
    %reduce_max3A_17 = arith.constant dense<0xFF800000> : vector<512xf32>
    %reduce_max3A_18 = vector.multi_reduction <maximumf>, %div3A_16, %reduce_max3A_17 [1] : vector<512x16xf32> to vector<512xf32>
    %broadcast_in_dim3A_19 = vector.shape_cast %reduce_max3A_18 : vector<512xf32> to vector<512x1xf32>
    %eq3A = vector.broadcast %broadcast_in_dim3A_19 : vector<512x1xf32> to vector<512x16xf32>
    %eq3A_20 = arith.cmpf oeq, %div3A_16, %eq3A : vector<512x16xf32>
    %jit3A_21 = arith.constant 16 : i32
    %broadcast_in_dim3A_22 = vector.broadcast %jit3A_21 : i32 to vector<512x16xi32>
    %select_n3A_23 = arith.select %eq3A_20, %iota3A, %broadcast_in_dim3A_22 : vector<512x16xi1>, vector<512x16xi32>
    %reduce_min3A = arith.constant dense<2147483647> : vector<512xi32>
    %reduce_min3A_24 = vector.multi_reduction <minsi>, %select_n3A_23, %reduce_min3A [1] : vector<512x16xi32> to vector<512xi32>
    %broadcast_in_dim3A_25 = vector.shape_cast %reduce_min3A_24 : vector<512xi32> to vector<512x1xi32>
    %eq3A_26 = vector.broadcast %broadcast_in_dim3A_25 : vector<512x1xi32> to vector<512x16xi32>
    %eq3A_27 = arith.cmpi eq, %iota3A, %eq3A_26 : vector<512x16xi32>
    %jit3A_28 = arith.constant -1.000000e+00 : f32
    %broadcast_in_dim3A_29 = vector.broadcast %jit3A_28 : f32 to vector<512x16xf32>
    %select_n3A_30 = arith.select %eq3A_27, %broadcast_in_dim3A_29, %div3A_16 : vector<512x16xi1>, vector<512x16xf32>
    %reduce_max3A_31 = arith.constant dense<0xFF800000> : vector<512xf32>
    %reduce_max3A_32 = vector.multi_reduction <maximumf>, %select_n3A_30, %reduce_max3A_31 [1] : vector<512x16xf32> to vector<512xf32>
    %broadcast_in_dim3A_33 = vector.shape_cast %reduce_max3A_32 : vector<512xf32> to vector<512x1xf32>
    %eq3A_34 = vector.broadcast %broadcast_in_dim3A_33 : vector<512x1xf32> to vector<512x16xf32>
    %eq3A_35 = arith.cmpf oeq, %select_n3A_30, %eq3A_34 : vector<512x16xf32>
    %jit3A_36 = arith.constant 16 : i32
    %broadcast_in_dim3A_37 = vector.broadcast %jit3A_36 : i32 to vector<512x16xi32>
    %select_n3A_38 = arith.select %eq3A_35, %iota3A, %broadcast_in_dim3A_37 : vector<512x16xi1>, vector<512x16xi32>
    %reduce_min3A_39 = arith.constant dense<2147483647> : vector<512xi32>
    %reduce_min3A_40 = vector.multi_reduction <minsi>, %select_n3A_38, %reduce_min3A_39 [1] : vector<512x16xi32> to vector<512xi32>
    %broadcast_in_dim3A_41 = vector.shape_cast %reduce_min3A_40 : vector<512xi32> to vector<512x1xi32>
    %sub3A_42 = arith.subf %broadcast_in_dim3A_33, %broadcast_in_dim3A_19 : vector<512x1xf32>
    %exp3A_43 = math.exp %sub3A_42 : vector<512x1xf32>
    %add3A = arith.constant 1.000000e+00 : f32
    %add3A_44 = vector.broadcast %add3A : f32 to vector<512x1xf32>
    %add3A_45 = arith.addf %add3A_44, %exp3A_43 : vector<512x1xf32>
    %div3A_46 = arith.constant 1.000000e+00 : f32
    %div3A_47 = vector.broadcast %div3A_46 : f32 to vector<512x1xf32>
    %div3A_48 = arith.divf %div3A_47, %add3A_45 : vector<512x1xf32>
    %swap3A = arith.constant 0 : index
    %swap3A_49 = arith.constant 0 : index
    %swap3A_50 = vector.load %arg5[%swap3A, %swap3A_49] : memref<512x1xf32, #tpu.memory_space<vmem>>, vector<512x1xf32>
    tpu.vector_store %arg5[%swap3A, %swap3A_49], %div3A_48 {strides = array<i32>} : memref<512x1xf32, #tpu.memory_space<vmem>>, vector<512x1xf32>,
    %add3A_51 = arith.constant 1.000000e+00 : f32
    %add3A_52 = vector.broadcast %add3A_51 : f32 to vector<512x1xf32>
    %add3A_53 = arith.addf %add3A_52, %exp3A_43 : vector<512x1xf32>
    %div3A_54 = arith.divf %exp3A_43, %add3A_53 : vector<512x1xf32>
    %swap3A_55 = arith.constant 0 : index
    %swap3A_56 = arith.constant 0 : index
    %swap3A_57 = vector.load %arg6[%swap3A_55, %swap3A_56] : memref<512x1xf32, #tpu.memory_space<vmem>>, vector<512x1xf32>
    tpu.vector_store %arg6[%swap3A_55, %swap3A_56], %div3A_54 {strides = array<i32>} : memref<512x1xf32, #tpu.memory_space<vmem>>, vector<512x1xf32>,
    %swap3A_58 = arith.constant 0 : index
    %swap3A_59 = arith.constant 0 : index
    %swap3A_60 = vector.load %arg3[%swap3A_58, %swap3A_59] : memref<512x1xi32, #tpu.memory_space<vmem>>, vector<512x1xi32>
    tpu.vector_store %arg3[%swap3A_58, %swap3A_59], %broadcast_in_dim3A_25 {strides = array<i32>} : memref<512x1xi32, #tpu.memory_space<vmem>>, vector<512x1xi32>,
    %swap3A_61 = arith.constant 0 : index
    %swap3A_62 = arith.constant 0 : index
    %swap3A_63 = vector.load %arg4[%swap3A_61, %swap3A_62] : memref<512x1xi32, #tpu.memory_space<vmem>>, vector<512x1xi32>
    tpu.vector_store %arg4[%swap3A_61, %swap3A_62], %broadcast_in_dim3A_41 {strides = array<i32>} : memref<512x1xi32, #tpu.memory_space<vmem>>, vector<512x1xi32>,
    %eq3A_64 = vector.broadcast %broadcast_in_dim3A_25 : vector<512x1xi32> to vector<512x16xi32>
    %eq3A_65 = arith.cmpi eq, %iota3A, %eq3A_64 : vector<512x16xi32>
    %convert_element_type3A = arith.extui %eq3A_65 : vector<512x16xi1> to vector<512x16xi32>
    %convert_element_type3A_66 = arith.sitofp %convert_element_type3A : vector<512x16xi32> to vector<512x16xf32>
    %eq3A_67 = vector.broadcast %broadcast_in_dim3A_41 : vector<512x1xi32> to vector<512x16xi32>
    %eq3A_68 = arith.cmpi eq, %iota3A, %eq3A_67 : vector<512x16xi32>
    %convert_element_type3A_69 = arith.extui %eq3A_68 : vector<512x16xi1> to vector<512x16xi32>
    %convert_element_type3A_70 = arith.sitofp %convert_element_type3A_69 : vector<512x16xi32> to vector<512x16xf32>
    %add3A_71 = arith.addf %convert_element_type3A_66, %convert_element_type3A_70 : vector<512x16xf32>
    %iota3A_72 = tpu.iota {dimensions = array<i32: 0>} : vector<512x512xi32>
    %iota3A_73 = tpu.iota {dimensions = array<i32: 1>} : vector<512x512xi32>
    %lt3A_74 = arith.cmpi slt, %iota3A_73, %iota3A_72 : vector<512x512xi32>
    %convert_element_type3A_75 = arith.extui %lt3A_74 : vector<512x512xi1> to vector<512x512xi32>
    %convert_element_type3A_76 = arith.sitofp %convert_element_type3A_75 : vector<512x512xi32> to vector<512x512xf32>
    %dot_general3A_77 = arith.constant dense<0.000000e+00> : vector<512x16xf32>
    %dot_general3A_78 = tpu.matmul %convert_element_type3A_76, %add3A_71, %dot_general3A_77 {dimension_numbers = #tpu.dot_dimension_numbers<[1], [0], [0], [1], [0, 0, 1, 1], [], []>, transpose_lhs_hint = false} : vector<512x512xf32>, vector<512x16xf32>, vector<512x16xf32> -> vector<512x16xf32>
    %eq3A_79 = arith.constant 0 : i32
    %eq3A_80 = arith.cmpi eq, %arg0, %eq3A_79 : i32
    %broadcast_in_dim3A_81 = arith.constant 0.000000e+00 : f32
    %broadcast_in_dim3A_82 = vector.broadcast %broadcast_in_dim3A_81 : f32 to vector<1x16xf32>
    %get3A_83 = arith.constant 0 : index
    %get3A_84 = arith.constant 0 : index
    %get3A_85 = vector.load %arg9[%get3A_83, %get3A_84] : memref<1x16xf32, #tpu.memory_space<vmem>>, vector<1x16xf32>
    %select_n3A_86 = arith.select %eq3A_80, %broadcast_in_dim3A_82, %get3A_85 : vector<1x16xf32>
    %add3A_87 = vector.broadcast %select_n3A_86 : vector<1x16xf32> to vector<512x16xf32>
    %add3A_88 = arith.addf %add3A_87, %dot_general3A_78 : vector<512x16xf32>
    %eq3A_89 = vector.broadcast %broadcast_in_dim3A_25 : vector<512x1xi32> to vector<512x16xi32>
    %eq3A_90 = arith.cmpi eq, %iota3A, %eq3A_89 : vector<512x16xi32>
    %jit3A_91 = arith.constant 0.000000e+00 : f32
    %broadcast_in_dim3A_92 = vector.broadcast %jit3A_91 : f32 to vector<512x16xf32>
    %select_n3A_93 = arith.select %eq3A_90, %add3A_88, %broadcast_in_dim3A_92 : vector<512x16xi1>, vector<512x16xf32>
    %reduce_sum3A_94 = arith.constant dense<0.000000e+00> : vector<512xf32>
    %reduce_sum3A_95 = vector.multi_reduction <add>, %select_n3A_93, %reduce_sum3A_94 [1] : vector<512x16xf32> to vector<512xf32>
    %broadcast_in_dim3A_96 = vector.shape_cast %reduce_sum3A_95 : vector<512xf32> to vector<512x1xf32>
    %eq3A_97 = vector.broadcast %broadcast_in_dim3A_41 : vector<512x1xi32> to vector<512x16xi32>
    %eq3A_98 = arith.cmpi eq, %iota3A, %eq3A_97 : vector<512x16xi32>
    %jit3A_99 = arith.constant 0.000000e+00 : f32
    %broadcast_in_dim3A_100 = vector.broadcast %jit3A_99 : f32 to vector<512x16xf32>
    %select_n3A_101 = arith.select %eq3A_98, %add3A_88, %broadcast_in_dim3A_100 : vector<512x16xi1>, vector<512x16xf32>
    %reduce_sum3A_102 = arith.constant dense<0.000000e+00> : vector<512xf32>
    %reduce_sum3A_103 = vector.multi_reduction <add>, %select_n3A_101, %reduce_sum3A_102 [1] : vector<512x16xf32> to vector<512xf32>
    %broadcast_in_dim3A_104 = vector.shape_cast %reduce_sum3A_103 : vector<512xf32> to vector<512x1xf32>
    %convert_element_type3A_105 = arith.fptosi %broadcast_in_dim3A_96 : vector<512x1xf32> to vector<512x1xi32>
    %swap3A_106 = arith.constant 0 : index
    %swap3A_107 = arith.constant 0 : index
    %swap3A_108 = vector.load %arg7[%swap3A_106, %swap3A_107] : memref<512x1xi32, #tpu.memory_space<vmem>>, vector<512x1xi32>
    tpu.vector_store %arg7[%swap3A_106, %swap3A_107], %convert_element_type3A_105 {strides = array<i32>} : memref<512x1xi32, #tpu.memory_space<vmem>>, vector<512x1xi32>,
    %convert_element_type3A_109 = arith.fptosi %broadcast_in_dim3A_104 : vector<512x1xf32> to vector<512x1xi32>
    %swap3A_110 = arith.constant 0 : index
    %swap3A_111 = arith.constant 0 : index
    %swap3A_112 = vector.load %arg8[%swap3A_110, %swap3A_111] : memref<512x1xi32, #tpu.memory_space<vmem>>, vector<512x1xi32>
    tpu.vector_store %arg8[%swap3A_110, %swap3A_111], %convert_element_type3A_109 {strides = array<i32>} : memref<512x1xi32, #tpu.memory_space<vmem>>, vector<512x1xi32>,
    %reduce_sum3A_113 = arith.constant dense<0.000000e+00> : vector<16xf32>
    %reduce_sum3A_114 = vector.multi_reduction <add>, %add3A_71, %reduce_sum3A_113 [0] : vector<512x16xf32> to vector<16xf32>
    %broadcast_in_dim3A_115 = vector.shape_cast %reduce_sum3A_114 : vector<16xf32> to vector<1x16xf32>
    %add3A_116 = arith.addf %select_n3A_86, %broadcast_in_dim3A_115 : vector<1x16xf32>
    %swap3A_117 = arith.constant 0 : index
    %swap3A_118 = arith.constant 0 : index
    %swap3A_119 = vector.load %arg9[%swap3A_117, %swap3A_118] : memref<1x16xf32, #tpu.memory_space<vmem>>, vector<1x16xf32>
    tpu.vector_store %arg9[%swap3A_117, %swap3A_118], %add3A_116 {strides = array<i32>} : memref<1x16xf32, #tpu.memory_space<vmem>>, vector<1x16xf32>,
    %eq3A_120 = arith.constant 7 : i32
    %eq3A_121 = arith.cmpi eq, %arg0, %eq3A_120 : i32
    %convert_element_type3A_122 = arith.extui %eq3A_121 : i1 to i32
    %cond3A = arith.constant 0 : i32
    %cond3A_123 = arith.cmpi ne, %convert_element_type3A_122, %cond3A : i32
    scf.if %cond3A_123 {
      %iota3A_124 = tpu.iota {dimensions = array<i32: 1>} : vector<1x16xi32>
      %lt3A_125 = arith.constant 9 : i32
      %lt3A_126 = vector.broadcast %lt3A_125 : i32 to vector<1x16xi32>
      %lt3A_127 = arith.cmpi slt, %iota3A_124, %lt3A_126 : vector<1x16xi32>
      %sub3A_128 = arith.constant 910.222229 : f32
      %sub3A_129 = vector.broadcast %sub3A_128 : f32 to vector<1x16xf32>
      %sub3A_130 = arith.subf %add3A_116, %sub3A_129 : vector<1x16xf32>
      %integer_pow3A = arith.mulf %sub3A_130, %sub3A_130 : vector<1x16xf32>
      %jit3A_131 = arith.constant 0.000000e+00 : f32
      %broadcast_in_dim3A_132 = vector.broadcast %jit3A_131 : f32 to vector<1x16xf32>
      %select_n3A_133 = arith.select %lt3A_127, %integer_pow3A, %broadcast_in_dim3A_132 : vector<1x16xi1>, vector<1x16xf32>
      %reduce_sum3A_134 = arith.constant dense<0.000000e+00> : vector<1xf32>
      %reduce_sum3A_135 = vector.multi_reduction <add>, %select_n3A_133, %reduce_sum3A_134 [1] : vector<1x16xf32> to vector<1xf32>
      %broadcast_in_dim3A_136 = vector.shape_cast %reduce_sum3A_135 : vector<1xf32> to vector<1x1xf32>
      %mul3A = arith.constant 9.000000e+00 : f32
      %mul3A_137 = arith.constant 910.222229 : f32
      %mul3A_138 = arith.mulf %mul3A, %mul3A_137 : f32
      %mul3A_139 = arith.constant 910.222229 : f32
      %mul3A_140 = arith.mulf %mul3A_138, %mul3A_139 : f32
      %div3A_141 = vector.broadcast %mul3A_140 : f32 to vector<1x1xf32>
      %div3A_142 = arith.divf %broadcast_in_dim3A_136, %div3A_141 : vector<1x1xf32>
      %swap3A_143 = arith.constant 0 : index
      %swap3A_144 = arith.constant 0 : index
      %swap3A_145 = vector.load %arg10[%swap3A_143, %swap3A_144] : memref<1x1xf32, #tpu.memory_space<vmem>>, vector<1x1xf32>
      tpu.vector_store %arg10[%swap3A_143, %swap3A_144], %div3A_142 {strides = array<i32>} : memref<1x1xf32, #tpu.memory_space<vmem>>, vector<1x1xf32>,
      %add3A_146 = arith.constant 5.110000e+02 : f32
      %add3A_147 = vector.broadcast %add3A_146 : f32 to vector<1x16xf32>
      %add3A_148 = arith.addf %add3A_116, %add3A_147 : vector<1x16xf32>
      %mul3A_149 = arith.constant 0.001953125 : f32
      %mul3A_150 = vector.broadcast %mul3A_149 : f32 to vector<1x16xf32>
      %mul3A_151 = arith.mulf %add3A_148, %mul3A_150 : vector<1x16xf32>
      %floor3A = math.floor %mul3A_151 : vector<1x16xf32>
      %iota3A_152 = tpu.iota {dimensions = array<i32: 0>} : vector<16x16xi32>
      %iota3A_153 = tpu.iota {dimensions = array<i32: 1>} : vector<16x16xi32>
      %le3A = arith.cmpi sle, %iota3A_152, %iota3A_153 : vector<16x16xi32>
      %convert_element_type3A_154 = arith.extui %le3A : vector<16x16xi1> to vector<16x16xi32>
      %convert_element_type3A_155 = arith.sitofp %convert_element_type3A_154 : vector<16x16xi32> to vector<16x16xf32>
      %dot_general3A_156 = arith.constant dense<0.000000e+00> : vector<1x16xf32>
      %dot_general3A_157 = tpu.matmul %floor3A, %convert_element_type3A_155, %dot_general3A_156 {dimension_numbers = #tpu.dot_dimension_numbers<[1], [0], [0], [1], [0, 0, 1, 1], [], []>, transpose_lhs_hint = false} : vector<1x16xf32>, vector<16x16xf32>, vector<1x16xf32> -> vector<1x16xf32>
      %eq3A_158 = arith.constant 8 : i32
      %eq3A_159 = vector.broadcast %eq3A_158 : i32 to vector<1x16xi32>
      %eq3A_160 = arith.cmpi eq, %iota3A_124, %eq3A_159 : vector<1x16xi32>
      %jit3A_161 = arith.constant 0.000000e+00 : f32
      %broadcast_in_dim3A_162 = vector.broadcast %jit3A_161 : f32 to vector<1x16xf32>
      %select_n3A_163 = arith.select %eq3A_160, %dot_general3A_157, %broadcast_in_dim3A_162 : vector<1x16xi1>, vector<1x16xf32>
      %reduce_sum3A_164 = arith.constant dense<0.000000e+00> : vector<1xf32>
      %reduce_sum3A_165 = vector.multi_reduction <add>, %select_n3A_163, %reduce_sum3A_164 [1] : vector<1x16xf32> to vector<1xf32>
      %broadcast_in_dim3A_166 = vector.shape_cast %reduce_sum3A_165 : vector<1xf32> to vector<1x1xf32>
      %convert_element_type3A_167 = arith.fptosi %broadcast_in_dim3A_166 : vector<1x1xf32> to vector<1x1xi32>
      %swap3A_168 = arith.constant 0 : index
      %swap3A_169 = arith.constant 0 : index
      %swap3A_170 = vector.load %arg11[%swap3A_168, %swap3A_169] : memref<1x1xi32, #tpu.memory_space<vmem>>, vector<1x1xi32>
      tpu.vector_store %arg11[%swap3A_168, %swap3A_169], %convert_element_type3A_167 {strides = array<i32>} : memref<1x1xi32, #tpu.memory_space<vmem>>, vector<1x1xi32>,
      %iota3A_171 = tpu.iota {dimensions = array<i32: 1>} : vector<1x64xi32>
      %convert_element_type3A_172 = arith.sitofp %iota3A_171 : vector<1x64xi32> to vector<1x64xf32>
      %broadcast_in_dim3A_173 = arith.constant 0 : i32
      %broadcast_in_dim3A_174 = vector.broadcast %broadcast_in_dim3A_173 : i32 to vector<1x64xi32>
      %eq3A_175 = arith.constant 0 : i32
      %eq3A_176 = vector.broadcast %eq3A_175 : i32 to vector<1x16xi32>
      %eq3A_177 = arith.cmpi eq, %iota3A_124, %eq3A_176 : vector<1x16xi32>
      %jit3A_178 = arith.constant 0.000000e+00 : f32
      %broadcast_in_dim3A_179 = vector.broadcast %jit3A_178 : f32 to vector<1x16xf32>
      %select_n3A_180 = arith.select %eq3A_177, %dot_general3A_157, %broadcast_in_dim3A_179 : vector<1x16xi1>, vector<1x16xf32>
      %reduce_sum3A_181 = arith.constant dense<0.000000e+00> : vector<1xf32>
      %reduce_sum3A_182 = vector.multi_reduction <add>, %select_n3A_180, %reduce_sum3A_181 [1] : vector<1x16xf32> to vector<1xf32>
      %broadcast_in_dim3A_183 = vector.shape_cast %reduce_sum3A_182 : vector<1xf32> to vector<1x1xf32>
      %le3A_184 = vector.broadcast %broadcast_in_dim3A_183 : vector<1x1xf32> to vector<1x64xf32>
      %le3A_185 = arith.cmpf ole, %le3A_184, %convert_element_type3A_172 : vector<1x64xf32>
      %convert_element_type3A_186 = arith.extui %le3A_185 : vector<1x64xi1> to vector<1x64xi32>
      %add3A_187 = arith.addi %broadcast_in_dim3A_174, %convert_element_type3A_186 : vector<1x64xi32>
      %eq3A_188 = arith.constant 1 : i32
      %eq3A_189 = vector.broadcast %eq3A_188 : i32 to vector<1x16xi32>
      %eq3A_190 = arith.cmpi eq, %iota3A_124, %eq3A_189 : vector<1x16xi32>
      %jit3A_191 = arith.constant 0.000000e+00 : f32
      %broadcast_in_dim3A_192 = vector.broadcast %jit3A_191 : f32 to vector<1x16xf32>
      %select_n3A_193 = arith.select %eq3A_190, %dot_general3A_157, %broadcast_in_dim3A_192 : vector<1x16xi1>, vector<1x16xf32>
      %reduce_sum3A_194 = arith.constant dense<0.000000e+00> : vector<1xf32>
      %reduce_sum3A_195 = vector.multi_reduction <add>, %select_n3A_193, %reduce_sum3A_194 [1] : vector<1x16xf32> to vector<1xf32>
      %broadcast_in_dim3A_196 = vector.shape_cast %reduce_sum3A_195 : vector<1xf32> to vector<1x1xf32>
      %le3A_197 = vector.broadcast %broadcast_in_dim3A_196 : vector<1x1xf32> to vector<1x64xf32>
      %le3A_198 = arith.cmpf ole, %le3A_197, %convert_element_type3A_172 : vector<1x64xf32>
      %convert_element_type3A_199 = arith.extui %le3A_198 : vector<1x64xi1> to vector<1x64xi32>
      %add3A_200 = arith.addi %add3A_187, %convert_element_type3A_199 : vector<1x64xi32>
      %eq3A_201 = arith.constant 2 : i32
      %eq3A_202 = vector.broadcast %eq3A_201 : i32 to vector<1x16xi32>
      %eq3A_203 = arith.cmpi eq, %iota3A_124, %eq3A_202 : vector<1x16xi32>
      %jit3A_204 = arith.constant 0.000000e+00 : f32
      %broadcast_in_dim3A_205 = vector.broadcast %jit3A_204 : f32 to vector<1x16xf32>
      %select_n3A_206 = arith.select %eq3A_203, %dot_general3A_157, %broadcast_in_dim3A_205 : vector<1x16xi1>, vector<1x16xf32>
      %reduce_sum3A_207 = arith.constant dense<0.000000e+00> : vector<1xf32>
      %reduce_sum3A_208 = vector.multi_reduction <add>, %select_n3A_206, %reduce_sum3A_207 [1] : vector<1x16xf32> to vector<1xf32>
      %broadcast_in_dim3A_209 = vector.shape_cast %reduce_sum3A_208 : vector<1xf32> to vector<1x1xf32>
      %le3A_210 = vector.broadcast %broadcast_in_dim3A_209 : vector<1x1xf32> to vector<1x64xf32>
      %le3A_211 = arith.cmpf ole, %le3A_210, %convert_element_type3A_172 : vector<1x64xf32>
      %convert_element_type3A_212 = arith.extui %le3A_211 : vector<1x64xi1> to vector<1x64xi32>
      %add3A_213 = arith.addi %add3A_200, %convert_element_type3A_212 : vector<1x64xi32>
      %eq3A_214 = arith.constant 3 : i32
      %eq3A_215 = vector.broadcast %eq3A_214 : i32 to vector<1x16xi32>
      %eq3A_216 = arith.cmpi eq, %iota3A_124, %eq3A_215 : vector<1x16xi32>
      %jit3A_217 = arith.constant 0.000000e+00 : f32
      %broadcast_in_dim3A_218 = vector.broadcast %jit3A_217 : f32 to vector<1x16xf32>
      %select_n3A_219 = arith.select %eq3A_216, %dot_general3A_157, %broadcast_in_dim3A_218 : vector<1x16xi1>, vector<1x16xf32>
      %reduce_sum3A_220 = arith.constant dense<0.000000e+00> : vector<1xf32>
      %reduce_sum3A_221 = vector.multi_reduction <add>, %select_n3A_219, %reduce_sum3A_220 [1] : vector<1x16xf32> to vector<1xf32>
      %broadcast_in_dim3A_222 = vector.shape_cast %reduce_sum3A_221 : vector<1xf32> to vector<1x1xf32>
      %le3A_223 = vector.broadcast %broadcast_in_dim3A_222 : vector<1x1xf32> to vector<1x64xf32>
      %le3A_224 = arith.cmpf ole, %le3A_223, %convert_element_type3A_172 : vector<1x64xf32>
      %convert_element_type3A_225 = arith.extui %le3A_224 : vector<1x64xi1> to vector<1x64xi32>
      %add3A_226 = arith.addi %add3A_213, %convert_element_type3A_225 : vector<1x64xi32>
      %eq3A_227 = arith.constant 4 : i32
      %eq3A_228 = vector.broadcast %eq3A_227 : i32 to vector<1x16xi32>
      %eq3A_229 = arith.cmpi eq, %iota3A_124, %eq3A_228 : vector<1x16xi32>
      %jit3A_230 = arith.constant 0.000000e+00 : f32
      %broadcast_in_dim3A_231 = vector.broadcast %jit3A_230 : f32 to vector<1x16xf32>
      %select_n3A_232 = arith.select %eq3A_229, %dot_general3A_157, %broadcast_in_dim3A_231 : vector<1x16xi1>, vector<1x16xf32>
      %reduce_sum3A_233 = arith.constant dense<0.000000e+00> : vector<1xf32>
      %reduce_sum3A_234 = vector.multi_reduction <add>, %select_n3A_232, %reduce_sum3A_233 [1] : vector<1x16xf32> to vector<1xf32>
      %broadcast_in_dim3A_235 = vector.shape_cast %reduce_sum3A_234 : vector<1xf32> to vector<1x1xf32>
      %le3A_236 = vector.broadcast %broadcast_in_dim3A_235 : vector<1x1xf32> to vector<1x64xf32>
      %le3A_237 = arith.cmpf ole, %le3A_236, %convert_element_type3A_172 : vector<1x64xf32>
      %convert_element_type3A_238 = arith.extui %le3A_237 : vector<1x64xi1> to vector<1x64xi32>
      %add3A_239 = arith.addi %add3A_226, %convert_element_type3A_238 : vector<1x64xi32>
      %eq3A_240 = arith.constant 5 : i32
      %eq3A_241 = vector.broadcast %eq3A_240 : i32 to vector<1x16xi32>
      %eq3A_242 = arith.cmpi eq, %iota3A_124, %eq3A_241 : vector<1x16xi32>
      %jit3A_243 = arith.constant 0.000000e+00 : f32
      %broadcast_in_dim3A_244 = vector.broadcast %jit3A_243 : f32 to vector<1x16xf32>
      %select_n3A_245 = arith.select %eq3A_242, %dot_general3A_157, %broadcast_in_dim3A_244 : vector<1x16xi1>, vector<1x16xf32>
      %reduce_sum3A_246 = arith.constant dense<0.000000e+00> : vector<1xf32>
      %reduce_sum3A_247 = vector.multi_reduction <add>, %select_n3A_245, %reduce_sum3A_246 [1] : vector<1x16xf32> to vector<1xf32>
      %broadcast_in_dim3A_248 = vector.shape_cast %reduce_sum3A_247 : vector<1xf32> to vector<1x1xf32>
      %le3A_249 = vector.broadcast %broadcast_in_dim3A_248 : vector<1x1xf32> to vector<1x64xf32>
      %le3A_250 = arith.cmpf ole, %le3A_249, %convert_element_type3A_172 : vector<1x64xf32>
      %convert_element_type3A_251 = arith.extui %le3A_250 : vector<1x64xi1> to vector<1x64xi32>
      %add3A_252 = arith.addi %add3A_239, %convert_element_type3A_251 : vector<1x64xi32>
      %eq3A_253 = arith.constant 6 : i32
      %eq3A_254 = vector.broadcast %eq3A_253 : i32 to vector<1x16xi32>
      %eq3A_255 = arith.cmpi eq, %iota3A_124, %eq3A_254 : vector<1x16xi32>
      %jit3A_256 = arith.constant 0.000000e+00 : f32
      %broadcast_in_dim3A_257 = vector.broadcast %jit3A_256 : f32 to vector<1x16xf32>
      %select_n3A_258 = arith.select %eq3A_255, %dot_general3A_157, %broadcast_in_dim3A_257 : vector<1x16xi1>, vector<1x16xf32>
      %reduce_sum3A_259 = arith.constant dense<0.000000e+00> : vector<1xf32>
      %reduce_sum3A_260 = vector.multi_reduction <add>, %select_n3A_258, %reduce_sum3A_259 [1] : vector<1x16xf32> to vector<1xf32>
      %broadcast_in_dim3A_261 = vector.shape_cast %reduce_sum3A_260 : vector<1xf32> to vector<1x1xf32>
      %le3A_262 = vector.broadcast %broadcast_in_dim3A_261 : vector<1x1xf32> to vector<1x64xf32>
      %le3A_263 = arith.cmpf ole, %le3A_262, %convert_element_type3A_172 : vector<1x64xf32>
      %convert_element_type3A_264 = arith.extui %le3A_263 : vector<1x64xi1> to vector<1x64xi32>
      %add3A_265 = arith.addi %add3A_252, %convert_element_type3A_264 : vector<1x64xi32>
      %eq3A_266 = arith.constant 7 : i32
      %eq3A_267 = vector.broadcast %eq3A_266 : i32 to vector<1x16xi32>
      %eq3A_268 = arith.cmpi eq, %iota3A_124, %eq3A_267 : vector<1x16xi32>
      %jit3A_269 = arith.constant 0.000000e+00 : f32
      %broadcast_in_dim3A_270 = vector.broadcast %jit3A_269 : f32 to vector<1x16xf32>
      %select_n3A_271 = arith.select %eq3A_268, %dot_general3A_157, %broadcast_in_dim3A_270 : vector<1x16xi1>, vector<1x16xf32>
      %reduce_sum3A_272 = arith.constant dense<0.000000e+00> : vector<1xf32>
      %reduce_sum3A_273 = vector.multi_reduction <add>, %select_n3A_271, %reduce_sum3A_272 [1] : vector<1x16xf32> to vector<1xf32>
      %broadcast_in_dim3A_274 = vector.shape_cast %reduce_sum3A_273 : vector<1xf32> to vector<1x1xf32>
      %le3A_275 = vector.broadcast %broadcast_in_dim3A_274 : vector<1x1xf32> to vector<1x64xf32>
      %le3A_276 = arith.cmpf ole, %le3A_275, %convert_element_type3A_172 : vector<1x64xf32>
      %convert_element_type3A_277 = arith.extui %le3A_276 : vector<1x64xi1> to vector<1x64xi32>
      %add3A_278 = arith.addi %add3A_265, %convert_element_type3A_277 : vector<1x64xi32>
      %eq3A_279 = arith.constant 8 : i32
      %eq3A_280 = vector.broadcast %eq3A_279 : i32 to vector<1x16xi32>
      %eq3A_281 = arith.cmpi eq, %iota3A_124, %eq3A_280 : vector<1x16xi32>
      %jit3A_282 = arith.constant 0.000000e+00 : f32
      %broadcast_in_dim3A_283 = vector.broadcast %jit3A_282 : f32 to vector<1x16xf32>
      %select_n3A_284 = arith.select %eq3A_281, %dot_general3A_157, %broadcast_in_dim3A_283 : vector<1x16xi1>, vector<1x16xf32>
      %reduce_sum3A_285 = arith.constant dense<0.000000e+00> : vector<1xf32>
      %reduce_sum3A_286 = vector.multi_reduction <add>, %select_n3A_284, %reduce_sum3A_285 [1] : vector<1x16xf32> to vector<1xf32>
      %broadcast_in_dim3A_287 = vector.shape_cast %reduce_sum3A_286 : vector<1xf32> to vector<1x1xf32>
      %le3A_288 = vector.broadcast %broadcast_in_dim3A_287 : vector<1x1xf32> to vector<1x64xf32>
      %le3A_289 = arith.cmpf ole, %le3A_288, %convert_element_type3A_172 : vector<1x64xf32>
      %convert_element_type3A_290 = arith.extui %le3A_289 : vector<1x64xi1> to vector<1x64xi32>
      %add3A_291 = arith.addi %add3A_278, %convert_element_type3A_290 : vector<1x64xi32>
      %min3A = arith.constant 8 : i32
      %min3A_292 = vector.broadcast %min3A : i32 to vector<1x64xi32>
      %min3A_293 = arith.minsi %add3A_291, %min3A_292 : vector<1x64xi32>
      %swap3A_294 = arith.constant 0 : index
      %swap3A_295 = arith.constant 0 : index
      %swap3A_296 = vector.load %arg12[%swap3A_294, %swap3A_295] : memref<1x64xi32, #tpu.memory_space<vmem>>, vector<1x64xi32>
      tpu.vector_store %arg12[%swap3A_294, %swap3A_295], %min3A_293 {strides = array<i32>} : memref<1x64xi32, #tpu.memory_space<vmem>>, vector<1x64xi32>,
    } else {
    }
    return
  }
  func.func @transform_0(%arg0: i32) -> (i32, i32) {
    %c0_i32 = arith.constant 0 : i32
    %c0_i32_0 = arith.constant 0 : i32
    return %arg0, %c0_i32 : i32, i32
  }
  func.func @transform_1(%arg0: i32) -> (i32, i32) {
    %c0_i32 = arith.constant 0 : i32
    %c0_i32_0 = arith.constant 0 : i32
    %c0_i32_1 = arith.constant 0 : i32
    return %c0_i32, %c0_i32_0 : i32, i32
  }
  func.func @transform_2(%arg0: i32) -> (i32, i32) {
    %c0_i32 = arith.constant 0 : i32
    %c0_i32_0 = arith.constant 0 : i32
    return %arg0, %c0_i32 : i32, i32
  }
  func.func @transform_3(%arg0: i32) -> (i32, i32) {
    %c0_i32 = arith.constant 0 : i32
    %c0_i32_0 = arith.constant 0 : i32
    return %arg0, %c0_i32 : i32, i32
  }
  func.func @transform_4(%arg0: i32) -> (i32, i32) {
    %c0_i32 = arith.constant 0 : i32
    %c0_i32_0 = arith.constant 0 : i32
    return %arg0, %c0_i32 : i32, i32
  }
  func.func @transform_5(%arg0: i32) -> (i32, i32) {
    %c0_i32 = arith.constant 0 : i32
    %c0_i32_0 = arith.constant 0 : i32
    return %arg0, %c0_i32 : i32, i32
  }
  func.func @transform_6(%arg0: i32) -> (i32, i32) {
    %c0_i32 = arith.constant 0 : i32
    %c0_i32_0 = arith.constant 0 : i32
    return %arg0, %c0_i32 : i32, i32
  }
  func.func @transform_7(%arg0: i32) -> (i32, i32) {
    %c0_i32 = arith.constant 0 : i32
    %c0_i32_0 = arith.constant 0 : i32
    return %arg0, %c0_i32 : i32, i32
  }
  func.func @transform_8(%arg0: i32) -> (i32, i32) {
    %c0_i32 = arith.constant 0 : i32
    %c0_i32_0 = arith.constant 0 : i32
    %c0_i32_1 = arith.constant 0 : i32
    return %c0_i32, %c0_i32_0 : i32, i32
  }
  func.func @transform_9(%arg0: i32) -> (i32, i32) {
    %c0_i32 = arith.constant 0 : i32
    %c0_i32_0 = arith.constant 0 : i32
    %c0_i32_1 = arith.constant 0 : i32
    return %c0_i32, %c0_i32_0 : i32, i32
  }
  func.func @transform_10(%arg0: i32) -> (i32, i32) {
    %c0_i32 = arith.constant 0 : i32
    %c0_i32_0 = arith.constant 0 : i32
    %c0_i32_1 = arith.constant 0 : i32
    return %c0_i32, %c0_i32_0 : i32, i32
  }
  func.func @transform_11(%arg0: i32) -> (i32, i32) {
    %c0_i32 = arith.constant 0 : i32
    %c0_i32_0 = arith.constant 0 : i32
    %c0_i32_1 = arith.constant 0 : i32
    return %c0_i32, %c0_i32_0 : i32, i32
  }
}

module attributes {stable_mosaic.version = 14 : i64} {
  func.func @_mlp_body(%arg0: i32, %arg1: memref<1x64xi32, #tpu.memory_space<smem>>, %arg2: memref<1x1xi32, #tpu.memory_space<smem>>, %arg3: memref<512x1024xf32, #tpu.memory_space<vmem>>, %arg4: memref<1x2048x1024xf32, #tpu.memory_space<vmem>>, %arg5: memref<1x2048x1024xf32, #tpu.memory_space<vmem>>, %arg6: memref<1x1024x2048xf32, #tpu.memory_space<vmem>>, %arg7: memref<512x1024xf32, #tpu.memory_space<vmem>>) attributes {dimension_semantics = [#tpu.dimension_semantics<arbitrary>], iteration_bounds = array<i64: 25>, scalar_prefetch = 2 : i64, scratch_operands = 0 : i64, tpu.core_type = #tpu.core_type<tc>, window_params = [{transform_indices = @transform_0, window_bounds = array<i64: 512, 1024>}, {transform_indices = @transform_1, window_bounds = array<i64: 1, 2048, 1024>}, {transform_indices = @transform_2, window_bounds = array<i64: 1, 2048, 1024>}, {transform_indices = @transform_3, window_bounds = array<i64: 1, 1024, 2048>}, {transform_indices = @transform_4, window_bounds = array<i64: 512, 1024>}]} {
    %get3A = arith.constant 0 : index
    %get3A_0 = arith.constant 0 : index
    %get3A_1 = memref.load %arg2[%get3A, %get3A_0] : memref<1x1xi32, #tpu.memory_space<smem>>
    %lt3A = arith.cmpi slt, %arg0, %get3A_1 : i32
    %convert_element_type3A = arith.extui %lt3A : i1 to i32
    %cond3A = arith.constant 0 : i32
    %cond3A_2 = arith.cmpi ne, %convert_element_type3A, %cond3A : i32
    scf.if %cond3A_2 {
      %get3A_3 = arith.constant 0 : index
      %get3A_4 = arith.constant 0 : index
      %get3A_5 = vector.load %arg3[%get3A_3, %get3A_4] : memref<512x1024xf32, #tpu.memory_space<vmem>>, vector<512x1024xf32>
      %get3A_6 = arith.constant 0 : index
      %get3A_7 = arith.constant 0 : index
      %get3A_8 = arith.constant 0 : index
      %get3A_9 = vector.load %arg4[%get3A_6, %get3A_7, %get3A_8] : memref<1x2048x1024xf32, #tpu.memory_space<vmem>>, vector<1x2048x1024xf32>
      %get3A_10 = vector.shape_cast %get3A_9 : vector<1x2048x1024xf32> to vector<2048x1024xf32>
      %dot_general3A = arith.constant dense<0.000000e+00> : vector<512x2048xf32>
      %dot_general3A_11 = tpu.matmul %get3A_5, %get3A_10, %dot_general3A {dimension_numbers = #tpu.dot_dimension_numbers<[1], [1], [0], [0], [0, 0, 1, 0], [], []>, transpose_lhs_hint = false} : vector<512x1024xf32>, vector<2048x1024xf32>, vector<512x2048xf32> -> vector<512x2048xf32>
      %get3A_12 = arith.constant 0 : index
      %get3A_13 = arith.constant 0 : index
      %get3A_14 = arith.constant 0 : index
      %get3A_15 = vector.load %arg5[%get3A_12, %get3A_13, %get3A_14] : memref<1x2048x1024xf32, #tpu.memory_space<vmem>>, vector<1x2048x1024xf32>
      %get3A_16 = vector.shape_cast %get3A_15 : vector<1x2048x1024xf32> to vector<2048x1024xf32>
      %dot_general3A_17 = arith.constant dense<0.000000e+00> : vector<512x2048xf32>
      %dot_general3A_18 = tpu.matmul %get3A_5, %get3A_16, %dot_general3A_17 {dimension_numbers = #tpu.dot_dimension_numbers<[1], [1], [0], [0], [0, 0, 1, 0], [], []>, transpose_lhs_hint = false} : vector<512x1024xf32>, vector<2048x1024xf32>, vector<512x2048xf32> -> vector<512x2048xf32>
      %neg3A = arith.constant 0.000000e+00 : f32
      %neg3A_19 = vector.broadcast %neg3A : f32 to vector<512x2048xf32>
      %neg3A_20 = arith.subf %neg3A_19, %dot_general3A_11 : vector<512x2048xf32>
      %exp3A = math.exp %neg3A_20 : vector<512x2048xf32>
      %add3A = arith.constant 1.000000e+00 : f32
      %add3A_21 = vector.broadcast %add3A : f32 to vector<512x2048xf32>
      %add3A_22 = arith.addf %add3A_21, %exp3A : vector<512x2048xf32>
      %div3A = arith.divf %dot_general3A_11, %add3A_22 : vector<512x2048xf32>
      %mul3A = arith.mulf %div3A, %dot_general3A_18 : vector<512x2048xf32>
      %get3A_23 = arith.constant 0 : index
      %get3A_24 = arith.constant 0 : index
      %get3A_25 = arith.constant 0 : index
      %get3A_26 = vector.load %arg6[%get3A_23, %get3A_24, %get3A_25] : memref<1x1024x2048xf32, #tpu.memory_space<vmem>>, vector<1x1024x2048xf32>
      %get3A_27 = vector.shape_cast %get3A_26 : vector<1x1024x2048xf32> to vector<1024x2048xf32>
      %dot_general3A_28 = arith.constant dense<0.000000e+00> : vector<512x1024xf32>
      %dot_general3A_29 = tpu.matmul %mul3A, %get3A_27, %dot_general3A_28 {dimension_numbers = #tpu.dot_dimension_numbers<[1], [1], [0], [0], [0, 0, 1, 0], [], []>, transpose_lhs_hint = false} : vector<512x2048xf32>, vector<1024x2048xf32>, vector<512x1024xf32> -> vector<512x1024xf32>
      %swap3A = arith.constant 0 : index
      %swap3A_30 = arith.constant 0 : index
      %swap3A_31 = vector.load %arg7[%swap3A, %swap3A_30] : memref<512x1024xf32, #tpu.memory_space<vmem>>, vector<512x1024xf32>
      tpu.vector_store %arg7[%swap3A, %swap3A_30], %dot_general3A_29 {strides = array<i32>} : memref<512x1024xf32, #tpu.memory_space<vmem>>, vector<512x1024xf32>,
    } else {
    }
    return
  }
  func.func @transform_0(%arg0: i32, %arg1: memref<1x64xi32, #tpu.memory_space<smem>>, %arg2: memref<1x1xi32, #tpu.memory_space<smem>>) -> (i32, i32) {
    %c0_i32 = arith.constant 0 : i32
    %c0_i32_0 = arith.constant 0 : i32
    return %arg0, %c0_i32 : i32, i32
  }
  func.func @transform_1(%arg0: i32, %arg1: memref<1x64xi32, #tpu.memory_space<smem>>, %arg2: memref<1x1xi32, #tpu.memory_space<smem>>) -> (i32, i32, i32) {
    %get3A = arith.constant 0 : index
    %get3A_0 = arith.index_cast %arg0 : i32 to index
    %get3A_1 = memref.load %arg1[%get3A, %get3A_0] : memref<1x64xi32, #tpu.memory_space<smem>>
    %c0_i32 = arith.constant 0 : i32
    %c0_i32_2 = arith.constant 0 : i32
    %c0_i32_3 = arith.constant 0 : i32
    return %get3A_1, %c0_i32, %c0_i32_2 : i32, i32, i32
  }
  func.func @transform_2(%arg0: i32, %arg1: memref<1x64xi32, #tpu.memory_space<smem>>, %arg2: memref<1x1xi32, #tpu.memory_space<smem>>) -> (i32, i32, i32) {
    %get3A = arith.constant 0 : index
    %get3A_0 = arith.index_cast %arg0 : i32 to index
    %get3A_1 = memref.load %arg1[%get3A, %get3A_0] : memref<1x64xi32, #tpu.memory_space<smem>>
    %c0_i32 = arith.constant 0 : i32
    %c0_i32_2 = arith.constant 0 : i32
    %c0_i32_3 = arith.constant 0 : i32
    return %get3A_1, %c0_i32, %c0_i32_2 : i32, i32, i32
  }
  func.func @transform_3(%arg0: i32, %arg1: memref<1x64xi32, #tpu.memory_space<smem>>, %arg2: memref<1x1xi32, #tpu.memory_space<smem>>) -> (i32, i32, i32) {
    %get3A = arith.constant 0 : index
    %get3A_0 = arith.index_cast %arg0 : i32 to index
    %get3A_1 = memref.load %arg1[%get3A, %get3A_0] : memref<1x64xi32, #tpu.memory_space<smem>>
    %c0_i32 = arith.constant 0 : i32
    %c0_i32_2 = arith.constant 0 : i32
    %c0_i32_3 = arith.constant 0 : i32
    return %get3A_1, %c0_i32, %c0_i32_2 : i32, i32, i32
  }
  func.func @transform_4(%arg0: i32, %arg1: memref<1x64xi32, #tpu.memory_space<smem>>, %arg2: memref<1x1xi32, #tpu.memory_space<smem>>) -> (i32, i32) {
    %c0_i32 = arith.constant 0 : i32
    %c0_i32_0 = arith.constant 0 : i32
    return %arg0, %c0_i32 : i32, i32
  }
}

</mosaic_0001>

<sc_bundles>
// kernel: kernel.6.cloned.1.call-start
scs
__scs_entry_jumppad:
0x0: {  	(pc) =	sbr.rel $0x88, $3  }
0x1: {  	(tag) =	ssettag $0x0;
	lr =	simm.s32 $0x1  }
0x2: {  	[smem:$0x3F9C] =	sst lr;
	_ =	strace $0xD0000000  }
0x3: {  	_ = 	snop  }
0x4: {  	_ = 	snop  }
0x5: {  	_ = 	snop  }
0x6: {  	_ = 	snop  }
0x7: {  	_ = 	snop  }
__scs_overlays_trampoline_lowered:
0x8: {  	[smem:$0x3FAB] =	sst s0  }
0x9: {  	[smem:$0x3FAC] =	sst s1  }
0xa: {  	[smem:$0x3FAD] =	sst s2  }
0xb: {  	[smem:$0x3FAE] =	sst s3  }
0xc: {  	[smem:$0x3FAF] =	sst s4  }
0xd: {  	[smem:$0x3FB0] =	sst s5  }
0xe: {  	[smem:$0x3FB1] =	sst s6  }
0xf: {  	[smem:$0x3FB2] =	sst s7  }
0x10: {  	[smem:$0x3FB3] =	sst s8  }
0x11: {  	[smem:$0x3FB4] =	sst s9;
	s0 =	simm.s32 @!p0 $0x0  }
0x12: {  	s1 =	sld [smem:$0x3F9A];
	s0 =	simm.s32 @p0 $0x1  }
0x13: {  	[smem:$0x3FB5] =	sst s0;
	s0 =	simm.s32 @!p1 $0x0  }
0x14: {  	s2 =	sld [smem:$0x3F99];
	s0 =	simm.s32 @p1 $0x1  }
0x15: {  	[smem:$0x3FB6] =	sst s0;
	s0 =	simm.s32 @!p2 $0x0  }
0x16: {  	s3 =	sld [smem:$0x3FDB];
	s0 =	simm.s32 @p2 $0x1  }
0x17: {  	s4 =	simm.s32 $0x1BF5;
	[smem:$0x3FB8] =	sst s0  }
0x18: {  	s0 =	sld [smem:$0x3F9B];
	_ =	swait.ge [sflag:s4], $0x0  }
0x19: {  	s7 =	sld [smem:$0x3F9C]  }
0x1a: {  	s8 =	sadd.s32 $0xFFFFE003, lr  }
0x1b: {  	s9 =	sadd.s32 $0xFFFFFEF7, lr;
	s5 =	simm.s32 $0xFFFFFFFF;
	p2 =	slt.u32 s8, $0xFFFFF086  }
0x1c: {  	p1 =	slt.u32 s9, $0xF7A;
	s5 =	simm.s32 @!p2 $0x0  }
0x1d: {  	s5 =	simm.s32 @p1 $0x1;
	p0 =	seq.s32 s7, s2  }
0x1e: {  	s7 =	smul.u32 @!p0 $0xF7A, s2;
	p2 =	seq.s32 @!p0 s5, $0x0  }
0x1f: {  	s9 =	smul.u32 $0xF7A, s1;
	s8 =	simm.s32 @!p0 $0x1BF5;
	p2 =	por !p2, p0  }
0x20: {  	[sflag:s8] =	ssyncset.s32 @!p0 $0xFFFFF086;
	s6 =	sadd.s32 @!p0 s3, s7;
	s7 =	simm.s32 @!p0 $0x108  }
0x21: {  	s3 =	sadd.s32 s3, s9;
	s6 =	sadd.s32 @!p0 $0x88, s6;
	s7 =	simm.s32 @p2 $0x1082  }
0x22: {  	[simem:s7], [sflag:s8] =	dma.local @!p0 [hbm:s6], $0xF7A  }
0x23: {  	s9 =	sor.u32 $0xD0000000, s2;
	s6 =	simm.s32 $0x108;
	_ =	swait.ge @!p0 [sflag:s8], $0x0  }
0x24: {  	s3 =	sadd.s32 $0x88, s3;
	s6 =	simm.s32 @!p1 $0x1082;
	[sflag:s4] =	ssyncset.s32 $0xFFFFF086  }
0x25: {  	[simem:s6], [sflag:s4] =	dma.local [hbm:s3], $0xF7A  }
0x26: {  	[smem:$0x3F9C] =	sst s1;
	(tag) =	ssettag s2;
	_ =	strace s9  }
0x27: {  	s1 =	sld [smem:$0x3FAC]  }
0x28: {  	s2 =	sld [smem:$0x3FAD]  }
0x29: {  	s4 =	sld [smem:$0x3FAF]  }
0x2a: {  	p0 =	seq.s32 s5, $0x0;
	s5 =	sld [smem:$0x3FB0]  }
0x2b: {  	s6 =	sld [smem:$0x3FB1]  }
0x2c: {  	s7 =	sld [smem:$0x3FB2]  }
0x2d: {  	s3 =	simm.s32 $0x108;
	s8 =	sld [smem:$0x3FB3]  }
0x2e: {  	s3 =	simm.s32 @!p0 $0x1082;
	s9 =	sld [smem:$0x3FB4]  }
0x2f: {  	lr =	sadd.s32 s0, s3;
	s0 =	sld [smem:$0x3FAB]  }
0x30: {  	s3 =	sld [smem:$0x3FAE]  }
0x31: {  	[smem:$0x3FB7] =	sst s10  }
0x32: {  	s10 =	sld [smem:$0x3FB5];
	_ =	sdelay $0x3  }
0x33: {  	p0 =	seq.s32 s10, $0x1;
	s10 =	sld [smem:$0x3FB7];
	_ =	sdelay $0x3  }
0x34: {  	[smem:$0x3FB7] =	sst s10  }
0x35: {  	s10 =	sld [smem:$0x3FB6];
	_ =	sdelay $0x3  }
0x36: {  	p1 =	seq.s32 s10, $0x1;
	s10 =	sld [smem:$0x3FB7];
	_ =	sdelay $0x3  }
0x37: {  	[smem:$0x3FB7] =	sst s10  }
0x38: {  	s10 =	sld [smem:$0x3FB8]  }
0x39: {  	_ = 	snop;
	(pc) =	sbr.ind lr, $3  }
0x3a: {  	_ = 	snop  }
0x3b: {  	_ = 	snop  }
0x3c: {  	p2 =	seq.s32 s10, $0x1;
	s10 =	sld [smem:$0x3FB7]  }
0x3d: {  	_ =	shalt  }
0x3e: {  	_ =	shalt  }
0x3f: {  	_ =	shalt  }
0x40: {  	_ =	shalt  }
0x41: {  	_ =	shalt  }
0x42: {  	_ =	shalt  }
0x43: {  	_ =	shalt  }
0x44: {  	_ =	shalt  }
0x45: {  	_ =	shalt  }
0x46: {  	_ =	shalt  }
0x47: {  	_ =	shalt  }
0x48: {  	_ =	shalt  }
0x49: {  	_ =	shalt  }
0x4a: {  	_ =	shalt  }
0x4b: {  	_ =	shalt  }
0x4c: {  	_ =	shalt  }
0x4d: {  	_ =	shalt  }
0x4e: {  	_ =	shalt  }
0x4f: {  	_ =	shalt  }
0x50: {  	_ =	shalt  }
0x51: {  	_ =	shalt  }
0x52: {  	_ =	shalt  }
0x53: {  	_ =	shalt  }
0x54: {  	_ =	shalt  }
0x55: {  	_ =	shalt  }
0x56: {  	_ =	shalt  }
0x57: {  	_ =	shalt  }
0x58: {  	_ =	shalt  }
0x59: {  	_ =	shalt  }
0x5a: {  	_ =	shalt  }
0x5b: {  	_ =	shalt  }
0x5c: {  	_ =	shalt  }
0x5d: {  	_ =	shalt  }
0x5e: {  	_ =	shalt  }
0x5f: {  	_ =	shalt  }
0x60: {  	_ =	shalt  }
0x61: {  	_ =	shalt  }
0x62: {  	_ =	shalt  }
0x63: {  	_ =	shalt  }
0x64: {  	_ =	shalt  }
0x65: {  	_ =	shalt  }
0x66: {  	_ =	shalt  }
0x67: {  	_ =	shalt  }
0x68: {  	_ =	shalt  }
0x69: {  	_ =	shalt  }
0x6a: {  	_ =	shalt  }
0x6b: {  	_ =	shalt  }
0x6c: {  	_ =	shalt  }
0x6d: {  	_ =	shalt  }
0x6e: {  	_ =	shalt  }
0x6f: {  	_ =	shalt  }
0x70: {  	_ =	shalt  }
0x71: {  	_ =	shalt  }
0x72: {  	_ =	shalt  }
0x73: {  	_ =	shalt  }
0x74: {  	_ =	shalt  }
0x75: {  	_ =	shalt  }
0x76: {  	_ =	shalt  }
0x77: {  	_ =	shalt  }
0x78: {  	_ =	shalt  }
0x79: {  	_ =	shalt  }
0x7a: {  	_ =	shalt  }
0x7b: {  	_ =	shalt  }
0x7c: {  	_ =	shalt  }
0x7d: {  	_ =	shalt  }
0x7e: {  	_ =	shalt  }
0x7f: {  	_ =	shalt  }
0x80: {  	_ =	shalt  }
0x81: {  	_ =	shalt  }
0x82: {  	_ =	shalt  }
0x83: {  	_ =	shalt  }
0x84: {  	_ =	shalt  }
0x85: {  	_ =	shalt  }
0x86: {  	_ =	shalt  }
0x87: {  	_ =	shalt  }
.Lfunc_end0:
.L_simem_size_0:
called_computation_lowered:
.L_overlay_start_0:
0x88: {  	s2 =	sld [smem:$0x3FD9]  }
0x89: {  	s3 =	sld [smem:$0x3FFE];
	_ =	sdelay $0x1  }
0x8a: {  	s1 =	srdreg.scid  }
0x8b: {  	s0 =	sand.u32 $0x1, s1  }
0x8c: {  	s14 =	sshll.u32 s0, $0xA;
	s2 =	sadd.s32 s3, s2  }
0x8d: {  	s2 =	sadd.s32 s2, s14  }
0x8e: {  	[smem:$0x3FC3] =	sst s2  }
0x8f: {  	_ = 	snop  }
0x90: {  	s2 =	sld [smem:$0x3FD0];
	_ =	sdelay $0x2  }
0x91: {  	s4 =	simm.s32 $0xA;
	s5 =	simm.s32 $0x10;
	s15 =	sld [smem:$0x3FC9]  }
0x92: {  	[smem:s5], [sflag:s4] =	dma.local [hbm:s2], $0x1  }
0x93: {  	_ =	swait.eq [sflag:s4], $0x1  }
0x94: {  	[sflag:s4] =	ssyncset.done $0x0  }
0x95: {  	[sflag:s4] =	ssyncadd.s32 $0xFFFFFFFF  }
0x96: {  	s16 =	sld [smem:$0x10];
	(tm) =	ssettm $0x1  }
0x97: {  	s17 =	sld [smem:$0x3FFB];
	_ =	sdelay $0x3  }
0x98: {  	_ =	strace s17  }
0x99: {  	s4 =	sld [smem:$0x3FFC];
	_ =	sdelay $0x3  }
0x9a: {  	_ =	strace s4  }
0x9b: {  	s4 =	sld [smem:$0x3FFD];
	_ =	sdelay $0x3  }
0x9c: {  	_ =	strace s4  }
0x9d: {  	_ =	strace $0x8FFFFFFF  }
0x9e: {  	s18 =	sld [smem:$0x3FDB];
	_ =	sdelay $0x1  }
0x9f: {  	s19 =	simm.s32 $_scs_section_size  }
0xa0: {  	s6 =	simm.s32 $_size__tile_overlayer_lowered;
	s7 =	simm.s32 $_tile_overlayer_lowered  }
0xa1: {  	s22 =	simm.s32 $0x1BFF;
	s21 =	sshll.u32 s7, $0x1;
	s4 =	sadd.s32 s19, s18  }
0xa2: {  	s8 =	simm.s32 $0x0;
	s20 =	sshll.u32 s6, $0x1;
	s6 =	sadd.s32 s21, s4  }
0xa3: {  	[timem:s8], [sflag:s22] =	dma.local [hbm:s6], s20  }
0xa4: {  	_ =	swait.ge [sflag:s22], s20  }
0xa5: {  	s5 =	ssub.s32 $0x0, s20;
	[sflag:s22] =	ssyncset.done $0x0  }
0xa6: {  	[sflag:s22] =	ssyncadd.s32 s5;
	_ =	sdelay $0x1  }
0xa7: {  	s23 =	simm.s32 $0x1B8B  }
0xa8: {  	_ =	swait.ge [sflag:s23], $0x1  }
0xa9: {  	[sflag:s23] =	ssyncset.done $0x0  }
0xaa: {  	s25 =	simm.s32 $0x1B8E;
	s24 =	sld [smem:$0x3FFE];
	[sflag:s23] =	ssyncadd.s32 $0xFFFFFFFF  }
0xab: {  	s26 =	simm.s32 $execute0_lowered;
	[smem:$0x3FD2] =	sst s25  }
0xac: {  	s6 =	sshll.u32 s26, $0x1;
	_ =	strace $0x80000046;
	[dreg:$0x1] =	wrdreg $0xFFFFFFFF  }
0xad: {  	s28 =	simm.s32 $_size_execute0_lowered;
	s4 =	sadd.s32 s4, s6;
	[dreg:$0x0] =	wrdreg $0x0  }
0xae: {  	s6 =	sshll.u32 s28, $0x1;
	[dreg:$0x2] =	wrdreg s4  }
0xaf: {  	[dreg:$0x3] =	wrdreg s6  }
0xb0: {  	[dreg:$0x4] =	wrdreg $0xC0  }
0xb1: {  	_ =	task [dreg:s8], $0x5FFFF  }
0xb2: {  	[dreg:$0x1] =	wrdreg $0xFFFFFFFF  }
0xb3: {  	[dreg:$0x0] =	wrdreg $0x60  }
0xb4: {  	[dreg:$0x2] =	wrdreg s15  }
0xb5: {  	[dreg:$0x3] =	wrdreg s16  }
0xb6: {  	[dreg:$0x4] =	wrdreg s24  }
0xb7: {  	[dreg:$0x5] =	wrdreg $0x9  }
0xb8: {  	_ =	task.clear_ibuf [dreg:s8], $0x6FFFF;
	_ =	strace $0x90000046  }
0xb9: {  	s29 =	simm.s32 $0x9;
	_ =	strace $0x80000048  }
0xba: {  	_ =	swait.ge [sflag:s29], $0x1  }
0xbb: {  	[sflag:s29] =	ssyncadd.s32 $0xFFFFFFFF  }
0xbc: {  	_ =	strace $0x90000048  }
0xbd: {  	_ =	sfence  }
0xbe: {  	s30 =	sld [smem:$0x0];
	_ =	sdelay $0x2  }
0xbf: {  	s31 =	sshll.u32 s1, $0xD;
	s1 =	sshrl.u32 s1, $0x2  }
0xc0: {  	s3 =	sand.u32 $0x4000, s31;
	s1 =	sadd.s32 s1, s30  }
0xc1: {  	s0 =	sor.u32 s3, s0;
	s1 =	sshll.u32 s1, $0x11  }
0xc2: {  	s0 =	sor.u32 s1, s0  }
0xc3: {  	s0 =	sadd.s32 $0x8F2B, s0  }
0xc4: {  	[sflag:s0] =	ssyncadd.remote.s32 $0x1  }
0xc5: {  	_ =	sfence.sel $0xFFFF  }
0xc6: {  	[dreg:$0x0] =	wrdreg $0xFFFFFFFF;
	(pc) =	sbr.abs _section_cstart, $3  }
0xc7: {  	[dreg:$0x1] =	wrdreg $0xFFFFFFFF  }
0xc8: {  	_ =	task.clear_ibuf [dreg:s8], $0x2FFFF;
	_ =	strace $0x9FFFFFFF  }
0xc9: {  	(tm) =	ssettm $0x7FFFFFFF  }
tec
execute0_lowered:
.L_overlay_start_1:
0x0: {  	(tag) =	ssettag $0x1  }
0x1: {  	s0 =	rddreg [dreg:$0x0]  }
0x2: {  	s1 =	rddreg [dreg:$0x1];
	s2 =	srdreg.scid  }
0x3: {  	s3 =	stileid.u32;
	s4 =	rddreg [dreg:$0x2];
	s24 =	simm.s32 $0x100  }
0x4: {  	s25 =	simm.s32 $0x280;
	s26 =	simm.s32 $0x480;
	s10 =	simm.s32 $0x200  }
0x5: {  	s29 =	simm.s32 $0x2;
	s28 =	simm.s32 $0x680;
	s30 =	simm.s32 $0x2E80  }
0x6: {  	s31 =	simm.s32 $0x3680;
	s5 =	sand.u32 $0x1, s2;
	s2 =	simm.s32 $0x0  }
0x7: {  	s3 =	sshll.u32 s3, $0x1;
	s14 =	sadd.s32 $0x400, s4;
	[smem:$0x7FF] =	sst s2  }
0x8: {  	s6 =	sor.u32 s5, s3;
	_ =	strace $0x80000047;
	[dreg:$0x4] =	wrdreg s14  }
0x9: {  	s3 =	sadd.s32 $0xA00, s4;
	s5 =	ssub.s32 $0x2, s5;
	[dreg:$0xc] =	wrdreg s24  }
0xa: {  	s7 =	sshll.u32 s6, $0x5;
	s9 =	sshll.u32 s6, $0x6;
	[dreg:$0xd] =	wrdreg s25  }
0xb: {  	s15 =	sshrl.u32 s5, $0x1;
	s6 =	sshll.u32 s6, $0xE;
	[dreg:$0xe] =	wrdreg s26  }
0xc: {  	s26 =	simm.s32 $0x8E80;
	s25 =	simm.s32 $0xCE80;
	s1 =	sadd.s32 s1, s7  }
0xd: {  	s8 =	sadd.s32 s7, s4;
	s19 =	sadd.s32 s0, s6;
	[dreg:$0x5] =	wrdreg s1  }
0xe: {  	s9 =	sadd.s32 s9, s4;
	s16 =	sadd.s32 $0x600, s8;
	[dreg:$0xf] =	wrdreg s19  }
0xf: {  	s20 =	ssub.s32 s5, s15;
	s17 =	sadd.s32 $0x190A00, s9;
	[dreg:$0x6] =	wrdreg s16  }
0x10: {  	s5 =	sadd.s32 $0xB00, s4;
	s18 =	sadd.s32 $0x191200, s9;
	[dreg:$0x7] =	wrdreg s17  }
0x11: {  	s6 =	sadd.s32 $0xC00, s4;
	s21 =	sadd.s32 $0x1000, s19;
	[dreg:$0x8] =	wrdreg s18  }
0x12: {  	v2 =	vlaneseq.u32;
	s7 =	sadd.s32 $0xD00, s4;
	s22 =	sadd.s32 $0x2000, s19;
	[dreg:$0x9] =	wrdreg s21  }
0x13: {  	vm0 =	vmmov $0xffff;
	v1 =	vshrl.u32 v2, $0x3;
	s23 =	sadd.s32 $0x3000, s19;
	s8 =	smax.u32 s20, $0x1;
	[dreg:$0xa] =	wrdreg s22  }
0x14: {  	v0 =	vand.u32 $0x7, v2;
	v2 =	vor.u32 $0x8, v2;
	v1 =	vmul.u32 $0x8, v1;
	s9 =	simm.s32 $0x3;
	[dreg:$0xb] =	wrdreg s23;
	s21 =	simm.s32 $0x8680  }
.LBB2_1:
0x15: {  	s23 =	rddreg [dreg:$0x5]  }
0x16: {  	[tilespmem:s2], [sflag:$0x3] =	stream.linear.gather [hbm4b:s23+s2], $0x100, $0x38;
	[tilespmem:$0x10680] =	vst v63  }
0x17: {  	_ =	swait.ge [sflag:s9], $0x100  }
0x18: {  	s18 =	rddreg [dreg:$0x6];
	[sflag:s9] =	ssyncset.done $0x0  }
0x19: {  	s24 =	rddreg [dreg:$0xc];
	[sflag:s9] =	ssyncadd.s32 $0xFFFFFF00  }
0x1a: {  	[tilespmem:s24], [sflag:$0x3] =	stream.linear.gather [hbm4b:s18+s2], $0x100, $0x38;
	[tilespmem:$0x10680] =	vst v63  }
0x1b: {  	_ =	swait.ge [sflag:s9], $0x100  }
0x1c: {  	[sflag:s9] =	ssyncset.done $0x0  }
0x1d: {  	s19 =	rddreg [dreg:$0x4];
	[sflag:s9] =	ssyncadd.s32 $0xFFFFFF00  }
0x1e: {  	[tilespmem:s10], [sflag:$0x3] =	stream.linear.gather [hbm4b:s19+s2], $0x80, $0x38;
	[tilespmem:$0x10680] =	vst v63  }
0x1f: {  	_ =	swait.ge [sflag:s9], $0x80  }
0x20: {  	[sflag:s9] =	ssyncset.done $0x0  }
0x21: {  	[sflag:s9] =	ssyncadd.s32 $0xFFFFFF80  }
0x22: {  	v3 =	vld [tilespmem:$0x200];
	_ =	sdelay $0x4  }
0x23: {  	v3 =	vadd.s32 $0x1FF, v3  }
0x24: {  	v3 =	vshra.s32 v3, $0x9  }
0x25: {  	(xrf0) =	vadd.scan.msk.s32 $0xffff, v3;
	_ =	sdelay $0x1  }
0x26: {  	v4 =	vld [tilespmem:$0x0];
	_ =	sdelay $0x3  }
0x27: {  	v5, _, _ =	vpop (xrf0)  }
0x28: {  	v3 =	vsub.s32 v5, v3  }
0x29: {  	v25 =	vld [tilespmem:$0x100];
	v3 =	vshll.u32 v3, $0x9  }
0x2a: {  	[tilespmem:$0x200] =	vst v3;
	v3 =	vld [tilespmem:$0x80]  }
0x2b: {  	v4 =	vld.idx.msk [tilespmem:v4+s10+$0x0], $0xffff;
	_ =	sdelay $0x4  }
0x2c: {  	v26 =	vld [tilespmem:$0x180];
	v4 =	vadd.s32 v25, v4  }
0x2d: {  	v27 =	vld [tilespmem:$0x10];
	[tilespmem:$0x280] =	vst v4  }
0x2e: {  	v3 =	vld.idx.msk [tilespmem:v3+s10+$0x0], $0xffff;
	_ =	sdelay $0x4  }
0x2f: {  	v28 =	vld [tilespmem:$0x110];
	v3 =	vadd.s32 v26, v3  }
0x30: {  	[tilespmem:$0x480] =	vst v3;
	v3 =	vld [tilespmem:$0x90]  }
0x31: {  	v4 =	vld.idx.msk [tilespmem:v27+s10+$0x0], $0xffff;
	_ =	sdelay $0x4  }
0x32: {  	v29 =	vld [tilespmem:$0x190];
	v4 =	vadd.s32 v28, v4  }
0x33: {  	v30 =	vld [tilespmem:$0x20];
	[tilespmem:$0x290] =	vst v4  }
0x34: {  	v3 =	vld.idx.msk [tilespmem:v3+s10+$0x0], $0xffff;
	_ =	sdelay $0x4  }
0x35: {  	v31 =	vld [tilespmem:$0x120];
	v3 =	vadd.s32 v29, v3  }
0x36: {  	[tilespmem:$0x490] =	vst v3;
	v3 =	vld [tilespmem:$0xA0]  }
0x37: {  	v4 =	vld.idx.msk [tilespmem:v30+s10+$0x0], $0xffff;
	_ =	sdelay $0x4  }
0x38: {  	v32 =	vld [tilespmem:$0x1A0];
	v4 =	vadd.s32 v31, v4  }
0x39: {  	v33 =	vld [tilespmem:$0x30];
	[tilespmem:$0x300] =	vst v4  }
0x3a: {  	v3 =	vld.idx.msk [tilespmem:v3+s10+$0x0], $0xffff;
	_ =	sdelay $0x4  }
0x3b: {  	v34 =	vld [tilespmem:$0x130];
	v3 =	vadd.s32 v32, v3  }
0x3c: {  	[tilespmem:$0x500] =	vst v3;
	v3 =	vld [tilespmem:$0xB0]  }
0x3d: {  	v4 =	vld.idx.msk [tilespmem:v33+s10+$0x0], $0xffff;
	_ =	sdelay $0x4  }
0x3e: {  	v35 =	vld [tilespmem:$0x1B0];
	v4 =	vadd.s32 v34, v4  }
0x3f: {  	v36 =	vld [tilespmem:$0x40];
	[tilespmem:$0x310] =	vst v4  }
0x40: {  	v3 =	vld.idx.msk [tilespmem:v3+s10+$0x0], $0xffff;
	_ =	sdelay $0x4  }
0x41: {  	v37 =	vld [tilespmem:$0x140];
	v3 =	vadd.s32 v35, v3  }
0x42: {  	[tilespmem:$0x510] =	vst v3;
	v3 =	vld [tilespmem:$0xC0]  }
0x43: {  	v4 =	vld.idx.msk [tilespmem:v36+s10+$0x0], $0xffff;
	_ =	sdelay $0x4  }
0x44: {  	v38 =	vld [tilespmem:$0x1C0];
	v4 =	vadd.s32 v37, v4  }
0x45: {  	v39 =	vld [tilespmem:$0x50];
	[tilespmem:$0x380] =	vst v4  }
0x46: {  	v3 =	vld.idx.msk [tilespmem:v3+s10+$0x0], $0xffff;
	_ =	sdelay $0x4  }
0x47: {  	v40 =	vld [tilespmem:$0x150];
	v3 =	vadd.s32 v38, v3  }
0x48: {  	[tilespmem:$0x580] =	vst v3;
	v3 =	vld [tilespmem:$0xD0]  }
0x49: {  	v4 =	vld.idx.msk [tilespmem:v39+s10+$0x0], $0xffff;
	_ =	sdelay $0x4  }
0x4a: {  	v41 =	vld [tilespmem:$0x1D0];
	v4 =	vadd.s32 v40, v4  }
0x4b: {  	v42 =	vld [tilespmem:$0x60];
	[tilespmem:$0x390] =	vst v4  }
0x4c: {  	v3 =	vld.idx.msk [tilespmem:v3+s10+$0x0], $0xffff;
	_ =	sdelay $0x4  }
0x4d: {  	v43 =	vld [tilespmem:$0x160];
	v3 =	vadd.s32 v41, v3  }
0x4e: {  	[tilespmem:$0x590] =	vst v3;
	v3 =	vld [tilespmem:$0xE0]  }
0x4f: {  	v4 =	vld.idx.msk [tilespmem:v42+s10+$0x0], $0xffff;
	_ =	sdelay $0x4  }
0x50: {  	v44 =	vld [tilespmem:$0x1E0];
	v4 =	vadd.s32 v43, v4  }
0x51: {  	v45 =	vld [tilespmem:$0x70];
	[tilespmem:$0x400] =	vst v4  }
0x52: {  	v3 =	vld.idx.msk [tilespmem:v3+s10+$0x0], $0xffff;
	_ =	sdelay $0x4  }
0x53: {  	v46 =	vld [tilespmem:$0x170];
	v3 =	vadd.s32 v44, v3  }
0x54: {  	[tilespmem:$0x600] =	vst v3;
	v3 =	vld [tilespmem:$0xF0]  }
0x55: {  	v4 =	vld.idx.msk [tilespmem:v45+s10+$0x0], $0xffff;
	_ =	sdelay $0x4  }
0x56: {  	v4 =	vadd.s32 v46, v4  }
0x57: {  	v47 =	vld [tilespmem:$0x1F0];
	[tilespmem:$0x410] =	vst v4  }
0x58: {  	v3 =	vld.idx.msk [tilespmem:v3+s10+$0x0], $0xffff;
	_ =	sdelay $0x4  }
0x59: {  	s20 =	rddreg [dreg:$0x7];
	v3 =	vadd.s32 v47, v3  }
0x5a: {  	s22 =	rddreg [dreg:$0xd];
	[tilespmem:$0x610] =	vst v3  }
0x5b: {  	[hbm4b:s20+s2] =	stream.linear.scatter [tilespmem:s22], [sflag:$0x3], $0x200, $0x38;
	[tilespmem:$0x10680] =	vst v63  }
0x5c: {  	_ =	swait.ge [sflag:s9], $0x200  }
0x5d: {  	s0 =	rddreg [dreg:$0x8];
	[sflag:s9] =	ssyncset.done $0x0  }
0x5e: {  	s1 =	rddreg [dreg:$0xe];
	[sflag:s9] =	ssyncadd.s32 $0xFFFFFE00  }
0x5f: {  	[hbm4b:s0+s2] =	stream.linear.scatter [tilespmem:s1], [sflag:$0x3], $0x200, $0x38;
	[tilespmem:$0x10680] =	vst v63  }
0x60: {  	_ =	swait.ge [sflag:s9], $0x200  }
0x61: {  	[sflag:s9] =	ssyncset.done $0x0  }
0x62: {  	s4 =	rddreg [dreg:$0xf];
	[sflag:s9] =	ssyncadd.s32 $0xFFFFFE00  }
0x63: {  	[tilespmem:s28], [sflag:$0x3] =	stream.linear.gather [hbm4b:s4+s2], $0x8000, $0x38;
	[tilespmem:$0x10680] =	vst v63  }
0x64: {  	_ =	swait.ge [sflag:s9], $0x8000  }
0x65: {  	[sflag:s9] =	ssyncset.done $0x0  }
0x66: {  	[sflag:s9] =	ssyncadd.s32 $0xFFFF8000  }
0x67: {  	v3 =	vld [tilespmem:$0x280];
	_ =	sdelay $0x4  }
0x68: {  	v48 =	vshll.u32 v3, $0x3  }
0x69: {  	v3 =	vand.u32 $0x7, v3;
	v4 =	vand.u32 $0xFFFFFFC0, v48  }
0x6a: {  	v3 =	vor.u32 v3, v4  }
0x6b: {  	v4 =	vperm.xlane v3, v0;
	_ =	sdelay $0x1  }
0x6c: {  	v4 =	vadd.s32 v1, v4;
	_ =	sdelay $0x4  }
0x6d: {  	[hbm4b:s3+s2] =	stream.indirect_vreg.scatter [tilespmem:s28], [sflag:$0x1], $0x80, v4, vm0, $0xb8;
	[tilespmem:$0x10680] =	vst v63  }
0x6e: {  	s24 =	simm.s32 $0xE80;
	v3 =	vperm.xlane v3, v2  }
0x6f: {  	[hbm4b:s5+s2] =	stream.indirect_vreg.scatter [tilespmem:s24], [sflag:$0x1], $0x80, v4, vm0, $0xb8;
	[tilespmem:$0x10680] =	vst v63  }
0x70: {  	s0 =	simm.s32 $0x1680;
	v3 =	vadd.s32 v1, v3  }
0x71: {  	[hbm4b:s6+s2] =	stream.indirect_vreg.scatter [tilespmem:s0], [sflag:$0x1], $0x80, v4, vm0, $0xb8;
	[tilespmem:$0x10680] =	vst v63  }
0x72: {  	s11 =	simm.s32 $0x1E80  }
0x73: {  	[hbm4b:s7+s2] =	stream.indirect_vreg.scatter [tilespmem:s11], [sflag:$0x1], $0x80, v4, vm0, $0xb8;
	[tilespmem:$0x10680] =	vst v63  }
0x74: {  	s12 =	simm.s32 $0x2680  }
0x75: {  	[hbm4b:s3+s2] =	stream.indirect_vreg.scatter [tilespmem:s12], [sflag:$0x1], $0x80, v3, vm0, $0xb8;
	[tilespmem:$0x10680] =	vst v63  }
0x76: {  	_ = 	snop  }
0x77: {  	[hbm4b:s5+s2] =	stream.indirect_vreg.scatter [tilespmem:s30], [sflag:$0x1], $0x80, v3, vm0, $0xb8;
	[tilespmem:$0x10680] =	vst v63  }
0x78: {  	_ = 	snop  }
0x79: {  	[hbm4b:s6+s2] =	stream.indirect_vreg.scatter [tilespmem:s31], [sflag:$0x1], $0x80, v3, vm0, $0xb8;
	[tilespmem:$0x10680] =	vst v63  }
0x7a: {  	s13 =	simm.s32 $0x3E80  }
0x7b: {  	[hbm4b:s7+s2] =	stream.indirect_vreg.scatter [tilespmem:s13], [sflag:$0x1], $0x80, v3, vm0, $0xb8;
	[tilespmem:$0x10680] =	vst v63  }
0x7c: {  	v3 =	vld [tilespmem:$0x290];
	_ =	sdelay $0x4  }
0x7d: {  	v49 =	vshll.u32 v3, $0x3  }
0x7e: {  	v3 =	vand.u32 $0x7, v3;
	v4 =	vand.u32 $0xFFFFFFC0, v49  }
0x7f: {  	v3 =	vor.u32 v3, v4  }
0x80: {  	v4 =	vperm.xlane v3, v0;
	_ =	sdelay $0x1  }
0x81: {  	v4 =	vadd.s32 v1, v4;
	_ =	sdelay $0x3  }
0x82: {  	s11 =	simm.s32 $0x4680  }
0x83: {  	[hbm4b:s3+s2] =	stream.indirect_vreg.scatter [tilespmem:s11], [sflag:$0x1], $0x80, v4, vm0, $0xb8;
	[tilespmem:$0x10680] =	vst v63  }
0x84: {  	s14 =	simm.s32 $0x4E80;
	v3 =	vperm.xlane v3, v2  }
0x85: {  	[hbm4b:s5+s2] =	stream.indirect_vreg.scatter [tilespmem:s14], [sflag:$0x1], $0x80, v4, vm0, $0xb8;
	[tilespmem:$0x10680] =	vst v63  }
0x86: {  	s15 =	simm.s32 $0x5680;
	v3 =	vadd.s32 v1, v3  }
0x87: {  	[hbm4b:s6+s2] =	stream.indirect_vreg.scatter [tilespmem:s15], [sflag:$0x1], $0x80, v4, vm0, $0xb8;
	[tilespmem:$0x10680] =	vst v63  }
0x88: {  	s13 =	simm.s32 $0x5E80  }
0x89: {  	[hbm4b:s7+s2] =	stream.indirect_vreg.scatter [tilespmem:s13], [sflag:$0x1], $0x80, v4, vm0, $0xb8;
	[tilespmem:$0x10680] =	vst v63  }
0x8a: {  	s16 =	simm.s32 $0x6680  }
0x8b: {  	[hbm4b:s3+s2] =	stream.indirect_vreg.scatter [tilespmem:s16], [sflag:$0x1], $0x80, v3, vm0, $0xb8;
	[tilespmem:$0x10680] =	vst v63  }
0x8c: {  	s17 =	simm.s32 $0x6E80  }
0x8d: {  	[hbm4b:s5+s2] =	stream.indirect_vreg.scatter [tilespmem:s17], [sflag:$0x1], $0x80, v3, vm0, $0xb8;
	[tilespmem:$0x10680] =	vst v63  }
0x8e: {  	s20 =	simm.s32 $0x7680  }
0x8f: {  	[hbm4b:s6+s2] =	stream.indirect_vreg.scatter [tilespmem:s20], [sflag:$0x1], $0x80, v3, vm0, $0xb8;
	[tilespmem:$0x10680] =	vst v63  }
0x90: {  	s22 =	simm.s32 $0x7E80  }
0x91: {  	[hbm4b:s7+s2] =	stream.indirect_vreg.scatter [tilespmem:s22], [sflag:$0x1], $0x80, v3, vm0, $0xb8;
	[tilespmem:$0x10680] =	vst v63  }
0x92: {  	v3 =	vld [tilespmem:$0x480];
	_ =	sdelay $0x4  }
0x93: {  	v50 =	vshll.u32 v3, $0x3  }
0x94: {  	v3 =	vand.u32 $0x7, v3;
	v4 =	vand.u32 $0xFFFFFFC0, v50  }
0x95: {  	v3 =	vor.u32 v3, v4  }
0x96: {  	v4 =	vperm.xlane v3, v0;
	_ =	sdelay $0x1  }
0x97: {  	v4 =	vadd.s32 v1, v4;
	_ =	sdelay $0x4  }
0x98: {  	[hbm4b:s3+s2] =	stream.indirect_vreg.scatter [tilespmem:s28], [sflag:$0x1], $0x80, v4, vm0, $0xb8;
	[tilespmem:$0x10680] =	vst v63  }
0x99: {  	v3 =	vperm.xlane v3, v2  }
0x9a: {  	[hbm4b:s5+s2] =	stream.indirect_vreg.scatter [tilespmem:s24], [sflag:$0x1], $0x80, v4, vm0, $0xb8;
	[tilespmem:$0x10680] =	vst v63  }
0x9b: {  	s1 =	simm.s32 $0x1680;
	v3 =	vadd.s32 v1, v3  }
0x9c: {  	[hbm4b:s6+s2] =	stream.indirect_vreg.scatter [tilespmem:s1], [sflag:$0x1], $0x80, v4, vm0, $0xb8;
	[tilespmem:$0x10680] =	vst v63  }
0x9d: {  	s4 =	simm.s32 $0x1E80  }
0x9e: {  	[hbm4b:s7+s2] =	stream.indirect_vreg.scatter [tilespmem:s4], [sflag:$0x1], $0x80, v4, vm0, $0xb8;
	[tilespmem:$0x10680] =	vst v63  }
0x9f: {  	s12 =	simm.s32 $0x2680  }
0xa0: {  	[hbm4b:s3+s2] =	stream.indirect_vreg.scatter [tilespmem:s12], [sflag:$0x1], $0x80, v3, vm0, $0xb8;
	[tilespmem:$0x10680] =	vst v63  }
0xa1: {  	_ = 	snop  }
0xa2: {  	[hbm4b:s5+s2] =	stream.indirect_vreg.scatter [tilespmem:s30], [sflag:$0x1], $0x80, v3, vm0, $0xb8;
	[tilespmem:$0x10680] =	vst v63  }
0xa3: {  	_ = 	snop  }
0xa4: {  	[hbm4b:s6+s2] =	stream.indirect_vreg.scatter [tilespmem:s31], [sflag:$0x1], $0x80, v3, vm0, $0xb8;
	[tilespmem:$0x10680] =	vst v63  }
0xa5: {  	s18 =	simm.s32 $0x3E80  }
0xa6: {  	[hbm4b:s7+s2] =	stream.indirect_vreg.scatter [tilespmem:s18], [sflag:$0x1], $0x80, v3, vm0, $0xb8;
	[tilespmem:$0x10680] =	vst v63  }
0xa7: {  	v3 =	vld [tilespmem:$0x490];
	_ =	sdelay $0x4  }
0xa8: {  	v51 =	vshll.u32 v3, $0x3  }
0xa9: {  	v3 =	vand.u32 $0x7, v3;
	v4 =	vand.u32 $0xFFFFFFC0, v51  }
0xaa: {  	v3 =	vor.u32 v3, v4  }
0xab: {  	v4 =	vperm.xlane v3, v0;
	_ =	sdelay $0x1  }
0xac: {  	v4 =	vadd.s32 v1, v4;
	_ =	sdelay $0x4  }
0xad: {  	[hbm4b:s3+s2] =	stream.indirect_vreg.scatter [tilespmem:s11], [sflag:$0x1], $0x80, v4, vm0, $0xb8;
	[tilespmem:$0x10680] =	vst v63  }
0xae: {  	s19 =	simm.s32 $0x4E80;
	v3 =	vperm.xlane v3, v2  }
0xaf: {  	[hbm4b:s5+s2] =	stream.indirect_vreg.scatter [tilespmem:s19], [sflag:$0x1], $0x80, v4, vm0, $0xb8;
	[tilespmem:$0x10680] =	vst v63  }
0xb0: {  	s14 =	simm.s32 $0x5680;
	v3 =	vadd.s32 v1, v3  }
0xb1: {  	[hbm4b:s6+s2] =	stream.indirect_vreg.scatter [tilespmem:s14], [sflag:$0x1], $0x80, v4, vm0, $0xb8;
	[tilespmem:$0x10680] =	vst v63  }
0xb2: {  	_ = 	snop  }
0xb3: {  	[hbm4b:s7+s2] =	stream.indirect_vreg.scatter [tilespmem:s13], [sflag:$0x1], $0x80, v4, vm0, $0xb8;
	[tilespmem:$0x10680] =	vst v63  }
0xb4: {  	s15 =	simm.s32 $0x6680  }
0xb5: {  	[hbm4b:s3+s2] =	stream.indirect_vreg.scatter [tilespmem:s15], [sflag:$0x1], $0x80, v3, vm0, $0xb8;
	[tilespmem:$0x10680] =	vst v63  }
0xb6: {  	s16 =	simm.s32 $0x6E80  }
0xb7: {  	[hbm4b:s5+s2] =	stream.indirect_vreg.scatter [tilespmem:s16], [sflag:$0x1], $0x80, v3, vm0, $0xb8;
	[tilespmem:$0x10680] =	vst v63  }
0xb8: {  	s17 =	simm.s32 $0x7680  }
0xb9: {  	[hbm4b:s6+s2] =	stream.indirect_vreg.scatter [tilespmem:s17], [sflag:$0x1], $0x80, v3, vm0, $0xb8;
	[tilespmem:$0x10680] =	vst v63  }
0xba: {  	s23 =	simm.s32 $0x7E80  }
0xbb: {  	[hbm4b:s7+s2] =	stream.indirect_vreg.scatter [tilespmem:s23], [sflag:$0x1], $0x80, v3, vm0, $0xb8;
	[tilespmem:$0x10680] =	vst v63  }
0xbc: {  	s14 =	rddreg [dreg:$0x9]  }
0xbd: {  	[tilespmem:s21], [sflag:$0x3] =	stream.linear.gather [hbm4b:s14+s2], $0x8000, $0x38;
	[tilespmem:$0x10680] =	vst v63  }
0xbe: {  	_ =	swait.ge [sflag:s9], $0x8000  }
0xbf: {  	[sflag:s9] =	ssyncset.done $0x0  }
0xc0: {  	[sflag:s9] =	ssyncadd.s32 $0xFFFF8000  }
0xc1: {  	v3 =	vld [tilespmem:$0x300];
	_ =	sdelay $0x4  }
0xc2: {  	v52 =	vshll.u32 v3, $0x3  }
0xc3: {  	v3 =	vand.u32 $0x7, v3;
	v4 =	vand.u32 $0xFFFFFFC0, v52  }
0xc4: {  	v3 =	vor.u32 v3, v4  }
0xc5: {  	v4 =	vperm.xlane v3, v0;
	_ =	sdelay $0x1  }
0xc6: {  	v4 =	vadd.s32 v1, v4;
	_ =	sdelay $0x4  }
0xc7: {  	[hbm4b:s3+s2] =	stream.indirect_vreg.scatter [tilespmem:s21], [sflag:$0x2], $0x80, v4, vm0, $0xb8;
	[tilespmem:$0x10680] =	vst v63  }
0xc8: {  	s15 =	simm.s32 $0x8E80;
	v3 =	vperm.xlane v3, v2  }
0xc9: {  	[hbm4b:s5+s2] =	stream.indirect_vreg.scatter [tilespmem:s15], [sflag:$0x2], $0x80, v4, vm0, $0xb8;
	[tilespmem:$0x10680] =	vst v63  }
0xca: {  	s16 =	simm.s32 $0x9680;
	v3 =	vadd.s32 v1, v3  }
0xcb: {  	[hbm4b:s6+s2] =	stream.indirect_vreg.scatter [tilespmem:s16], [sflag:$0x2], $0x80, v4, vm0, $0xb8;
	[tilespmem:$0x10680] =	vst v63  }
0xcc: {  	s17 =	simm.s32 $0x9E80  }
0xcd: {  	[hbm4b:s7+s2] =	stream.indirect_vreg.scatter [tilespmem:s17], [sflag:$0x2], $0x80, v4, vm0, $0xb8;
	[tilespmem:$0x10680] =	vst v63  }
0xce: {  	s18 =	simm.s32 $0xA680  }
0xcf: {  	[hbm4b:s3+s2] =	stream.indirect_vreg.scatter [tilespmem:s18], [sflag:$0x2], $0x80, v3, vm0, $0xb8;
	[tilespmem:$0x10680] =	vst v63  }
0xd0: {  	s19 =	simm.s32 $0xAE80  }
0xd1: {  	[hbm4b:s5+s2] =	stream.indirect_vreg.scatter [tilespmem:s19], [sflag:$0x2], $0x80, v3, vm0, $0xb8;
	[tilespmem:$0x10680] =	vst v63  }
0xd2: {  	s20 =	simm.s32 $0xB680  }
0xd3: {  	[hbm4b:s6+s2] =	stream.indirect_vreg.scatter [tilespmem:s20], [sflag:$0x2], $0x80, v3, vm0, $0xb8;
	[tilespmem:$0x10680] =	vst v63  }
0xd4: {  	s22 =	simm.s32 $0xBE80  }
0xd5: {  	[hbm4b:s7+s2] =	stream.indirect_vreg.scatter [tilespmem:s22], [sflag:$0x2], $0x80, v3, vm0, $0xb8;
	[tilespmem:$0x10680] =	vst v63  }
0xd6: {  	v3 =	vld [tilespmem:$0x310];
	_ =	sdelay $0x4  }
0xd7: {  	v53 =	vshll.u32 v3, $0x3  }
0xd8: {  	v3 =	vand.u32 $0x7, v3;
	v4 =	vand.u32 $0xFFFFFFC0, v53  }
0xd9: {  	v3 =	vor.u32 v3, v4  }
0xda: {  	v4 =	vperm.xlane v3, v0;
	_ =	sdelay $0x1  }
0xdb: {  	v4 =	vadd.s32 v1, v4;
	_ =	sdelay $0x3  }
0xdc: {  	s12 =	simm.s32 $0xC680  }
0xdd: {  	[hbm4b:s3+s2] =	stream.indirect_vreg.scatter [tilespmem:s12], [sflag:$0x2], $0x80, v4, vm0, $0xb8;
	[tilespmem:$0x10680] =	vst v63  }
0xde: {  	s14 =	simm.s32 $0xCE80;
	v3 =	vperm.xlane v3, v2  }
0xdf: {  	[hbm4b:s5+s2] =	stream.indirect_vreg.scatter [tilespmem:s14], [sflag:$0x2], $0x80, v4, vm0, $0xb8;
	[tilespmem:$0x10680] =	vst v63  }
0xe0: {  	s15 =	simm.s32 $0xD680;
	v3 =	vadd.s32 v1, v3  }
0xe1: {  	[hbm4b:s6+s2] =	stream.indirect_vreg.scatter [tilespmem:s15], [sflag:$0x2], $0x80, v4, vm0, $0xb8;
	[tilespmem:$0x10680] =	vst v63  }
0xe2: {  	s20 =	simm.s32 $0xDE80  }
0xe3: {  	[hbm4b:s7+s2] =	stream.indirect_vreg.scatter [tilespmem:s20], [sflag:$0x2], $0x80, v4, vm0, $0xb8;
	[tilespmem:$0x10680] =	vst v63  }
0xe4: {  	s12 =	simm.s32 $0xE680  }
0xe5: {  	[hbm4b:s3+s2] =	stream.indirect_vreg.scatter [tilespmem:s12], [sflag:$0x2], $0x80, v3, vm0, $0xb8;
	[tilespmem:$0x10680] =	vst v63  }
0xe6: {  	s14 =	simm.s32 $0xEE80  }
0xe7: {  	[hbm4b:s5+s2] =	stream.indirect_vreg.scatter [tilespmem:s14], [sflag:$0x2], $0x80, v3, vm0, $0xb8;
	[tilespmem:$0x10680] =	vst v63  }
0xe8: {  	s15 =	simm.s32 $0xF680  }
0xe9: {  	[hbm4b:s6+s2] =	stream.indirect_vreg.scatter [tilespmem:s15], [sflag:$0x2], $0x80, v3, vm0, $0xb8;
	[tilespmem:$0x10680] =	vst v63  }
0xea: {  	s0 =	simm.s32 $0xFE80  }
0xeb: {  	[hbm4b:s7+s2] =	stream.indirect_vreg.scatter [tilespmem:s0], [sflag:$0x2], $0x80, v3, vm0, $0xb8;
	[tilespmem:$0x10680] =	vst v63  }
0xec: {  	v3 =	vld [tilespmem:$0x500];
	_ =	sdelay $0x4  }
0xed: {  	v54 =	vshll.u32 v3, $0x3  }
0xee: {  	v3 =	vand.u32 $0x7, v3;
	v4 =	vand.u32 $0xFFFFFFC0, v54  }
0xef: {  	v3 =	vor.u32 v3, v4  }
0xf0: {  	v4 =	vperm.xlane v3, v0;
	_ =	sdelay $0x1  }
0xf1: {  	v4 =	vadd.s32 v1, v4;
	_ =	sdelay $0x4  }
0xf2: {  	[hbm4b:s3+s2] =	stream.indirect_vreg.scatter [tilespmem:s21], [sflag:$0x2], $0x80, v4, vm0, $0xb8;
	[tilespmem:$0x10680] =	vst v63  }
0xf3: {  	v3 =	vperm.xlane v3, v2  }
0xf4: {  	[hbm4b:s5+s2] =	stream.indirect_vreg.scatter [tilespmem:s26], [sflag:$0x2], $0x80, v4, vm0, $0xb8;
	[tilespmem:$0x10680] =	vst v63  }
0xf5: {  	s16 =	simm.s32 $0x9680;
	v3 =	vadd.s32 v1, v3  }
0xf6: {  	[hbm4b:s6+s2] =	stream.indirect_vreg.scatter [tilespmem:s16], [sflag:$0x2], $0x80, v4, vm0, $0xb8;
	[tilespmem:$0x10680] =	vst v63  }
0xf7: {  	s17 =	simm.s32 $0x9E80  }
0xf8: {  	[hbm4b:s7+s2] =	stream.indirect_vreg.scatter [tilespmem:s17], [sflag:$0x2], $0x80, v4, vm0, $0xb8;
	[tilespmem:$0x10680] =	vst v63  }
0xf9: {  	s23 =	simm.s32 $0xA680  }
0xfa: {  	[hbm4b:s3+s2] =	stream.indirect_vreg.scatter [tilespmem:s23], [sflag:$0x2], $0x80, v3, vm0, $0xb8;
	[tilespmem:$0x10680] =	vst v63  }
0xfb: {  	s1 =	simm.s32 $0xAE80  }
0xfc: {  	[hbm4b:s5+s2] =	stream.indirect_vreg.scatter [tilespmem:s1], [sflag:$0x2], $0x80, v3, vm0, $0xb8;
	[tilespmem:$0x10680] =	vst v63  }
0xfd: {  	s4 =	simm.s32 $0xB680  }
0xfe: {  	[hbm4b:s6+s2] =	stream.indirect_vreg.scatter [tilespmem:s4], [sflag:$0x2], $0x80, v3, vm0, $0xb8;
	[tilespmem:$0x10680] =	vst v63  }
0xff: {  	s18 =	simm.s32 $0xBE80  }
0x100: {  	[hbm4b:s7+s2] =	stream.indirect_vreg.scatter [tilespmem:s18], [sflag:$0x2], $0x80, v3, vm0, $0xb8;
	[tilespmem:$0x10680] =	vst v63  }
0x101: {  	v3 =	vld [tilespmem:$0x510];
	_ =	sdelay $0x4  }
0x102: {  	v55 =	vshll.u32 v3, $0x3  }
0x103: {  	v3 =	vand.u32 $0x7, v3;
	v4 =	vand.u32 $0xFFFFFFC0, v55  }
0x104: {  	v3 =	vor.u32 v3, v4  }
0x105: {  	v4 =	vperm.xlane v3, v0;
	_ =	sdelay $0x1  }
0x106: {  	v4 =	vadd.s32 v1, v4;
	_ =	sdelay $0x3  }
0x107: {  	s19 =	simm.s32 $0xC680  }
0x108: {  	[hbm4b:s3+s2] =	stream.indirect_vreg.scatter [tilespmem:s19], [sflag:$0x2], $0x80, v4, vm0, $0xb8;
	[tilespmem:$0x10680] =	vst v63  }
0x109: {  	v3 =	vperm.xlane v3, v2  }
0x10a: {  	[hbm4b:s5+s2] =	stream.indirect_vreg.scatter [tilespmem:s25], [sflag:$0x2], $0x80, v4, vm0, $0xb8;
	[tilespmem:$0x10680] =	vst v63  }
0x10b: {  	s22 =	simm.s32 $0xD680;
	v3 =	vadd.s32 v1, v3  }
0x10c: {  	[hbm4b:s6+s2] =	stream.indirect_vreg.scatter [tilespmem:s22], [sflag:$0x2], $0x80, v4, vm0, $0xb8;
	[tilespmem:$0x10680] =	vst v63  }
0x10d: {  	s20 =	simm.s32 $0xDE80  }
0x10e: {  	[hbm4b:s7+s2] =	stream.indirect_vreg.scatter [tilespmem:s20], [sflag:$0x2], $0x80, v4, vm0, $0xb8;
	[tilespmem:$0x10680] =	vst v63  }
0x10f: {  	s12 =	simm.s32 $0xE680  }
0x110: {  	[hbm4b:s3+s2] =	stream.indirect_vreg.scatter [tilespmem:s12], [sflag:$0x2], $0x80, v3, vm0, $0xb8;
	[tilespmem:$0x10680] =	vst v63  }
0x111: {  	s14 =	simm.s32 $0xEE80  }
0x112: {  	[hbm4b:s5+s2] =	stream.indirect_vreg.scatter [tilespmem:s14], [sflag:$0x2], $0x80, v3, vm0, $0xb8;
	[tilespmem:$0x10680] =	vst v63  }
0x113: {  	s15 =	simm.s32 $0xF680  }
0x114: {  	[hbm4b:s6+s2] =	stream.indirect_vreg.scatter [tilespmem:s15], [sflag:$0x2], $0x80, v3, vm0, $0xb8;
	[tilespmem:$0x10680] =	vst v63  }
0x115: {  	s0 =	simm.s32 $0xFE80;
	s20 =	simm.s32 $0x1  }
0x116: {  	[hbm4b:s7+s2] =	stream.indirect_vreg.scatter [tilespmem:s0], [sflag:$0x2], $0x80, v3, vm0, $0xb8;
	[tilespmem:$0x10680] =	vst v63  }
0x117: {  	_ =	swait.ge [sflag:s20], $0x8000  }
0x118: {  	[sflag:s20] =	ssyncset.done $0x0  }
0x119: {  	[sflag:s20] =	ssyncadd.s32 $0xFFFF8000  }
0x11a: {  	_ =	swait.ge [sflag:s20], $0x8000  }
0x11b: {  	[sflag:s20] =	ssyncset.done $0x0  }
0x11c: {  	s22 =	rddreg [dreg:$0xa];
	[sflag:s20] =	ssyncadd.s32 $0xFFFF8000  }
0x11d: {  	[tilespmem:s28], [sflag:$0x3] =	stream.linear.gather [hbm4b:s22+s2], $0x8000, $0x38;
	[tilespmem:$0x10680] =	vst v63  }
0x11e: {  	_ =	swait.ge [sflag:s9], $0x8000  }
0x11f: {  	[sflag:s9] =	ssyncset.done $0x0  }
0x120: {  	[sflag:s9] =	ssyncadd.s32 $0xFFFF8000  }
0x121: {  	v3 =	vld [tilespmem:$0x380];
	_ =	sdelay $0x4  }
0x122: {  	v56 =	vshll.u32 v3, $0x3  }
0x123: {  	v3 =	vand.u32 $0x7, v3;
	v4 =	vand.u32 $0xFFFFFFC0, v56  }
0x124: {  	v3 =	vor.u32 v3, v4  }
0x125: {  	v4 =	vperm.xlane v3, v0;
	_ =	sdelay $0x1  }
0x126: {  	v4 =	vadd.s32 v1, v4;
	_ =	sdelay $0x4  }
0x127: {  	[hbm4b:s3+s2] =	stream.indirect_vreg.scatter [tilespmem:s28], [sflag:$0x1], $0x80, v4, vm0, $0xb8;
	[tilespmem:$0x10680] =	vst v63  }
0x128: {  	v3 =	vperm.xlane v3, v2  }
0x129: {  	[hbm4b:s5+s2] =	stream.indirect_vreg.scatter [tilespmem:s24], [sflag:$0x1], $0x80, v4, vm0, $0xb8;
	[tilespmem:$0x10680] =	vst v63  }
0x12a: {  	s1 =	simm.s32 $0x1680;
	v3 =	vadd.s32 v1, v3  }
0x12b: {  	[hbm4b:s6+s2] =	stream.indirect_vreg.scatter [tilespmem:s1], [sflag:$0x1], $0x80, v4, vm0, $0xb8;
	[tilespmem:$0x10680] =	vst v63  }
0x12c: {  	s4 =	simm.s32 $0x1E80  }
0x12d: {  	[hbm4b:s7+s2] =	stream.indirect_vreg.scatter [tilespmem:s4], [sflag:$0x1], $0x80, v4, vm0, $0xb8;
	[tilespmem:$0x10680] =	vst v63  }
0x12e: {  	s12 =	simm.s32 $0x2680  }
0x12f: {  	[hbm4b:s3+s2] =	stream.indirect_vreg.scatter [tilespmem:s12], [sflag:$0x1], $0x80, v3, vm0, $0xb8;
	[tilespmem:$0x10680] =	vst v63  }
0x130: {  	_ = 	snop  }
0x131: {  	[hbm4b:s5+s2] =	stream.indirect_vreg.scatter [tilespmem:s30], [sflag:$0x1], $0x80, v3, vm0, $0xb8;
	[tilespmem:$0x10680] =	vst v63  }
0x132: {  	_ = 	snop  }
0x133: {  	[hbm4b:s6+s2] =	stream.indirect_vreg.scatter [tilespmem:s31], [sflag:$0x1], $0x80, v3, vm0, $0xb8;
	[tilespmem:$0x10680] =	vst v63  }
0x134: {  	s14 =	simm.s32 $0x3E80  }
0x135: {  	[hbm4b:s7+s2] =	stream.indirect_vreg.scatter [tilespmem:s14], [sflag:$0x1], $0x80, v3, vm0, $0xb8;
	[tilespmem:$0x10680] =	vst v63  }
0x136: {  	v3 =	vld [tilespmem:$0x390];
	_ =	sdelay $0x4  }
0x137: {  	v57 =	vshll.u32 v3, $0x3  }
0x138: {  	v3 =	vand.u32 $0x7, v3;
	v4 =	vand.u32 $0xFFFFFFC0, v57  }
0x139: {  	v3 =	vor.u32 v3, v4  }
0x13a: {  	v4 =	vperm.xlane v3, v0;
	_ =	sdelay $0x1  }
0x13b: {  	v4 =	vadd.s32 v1, v4;
	_ =	sdelay $0x4  }
0x13c: {  	[hbm4b:s3+s2] =	stream.indirect_vreg.scatter [tilespmem:s11], [sflag:$0x1], $0x80, v4, vm0, $0xb8;
	[tilespmem:$0x10680] =	vst v63  }
0x13d: {  	s15 =	simm.s32 $0x4E80;
	v3 =	vperm.xlane v3, v2  }
0x13e: {  	[hbm4b:s5+s2] =	stream.indirect_vreg.scatter [tilespmem:s15], [sflag:$0x1], $0x80, v4, vm0, $0xb8;
	[tilespmem:$0x10680] =	vst v63  }
0x13f: {  	s16 =	simm.s32 $0x5680;
	v3 =	vadd.s32 v1, v3  }
0x140: {  	[hbm4b:s6+s2] =	stream.indirect_vreg.scatter [tilespmem:s16], [sflag:$0x1], $0x80, v4, vm0, $0xb8;
	[tilespmem:$0x10680] =	vst v63  }
0x141: {  	_ = 	snop  }
0x142: {  	[hbm4b:s7+s2] =	stream.indirect_vreg.scatter [tilespmem:s13], [sflag:$0x1], $0x80, v4, vm0, $0xb8;
	[tilespmem:$0x10680] =	vst v63  }
0x143: {  	s19 =	simm.s32 $0x6680  }
0x144: {  	[hbm4b:s3+s2] =	stream.indirect_vreg.scatter [tilespmem:s19], [sflag:$0x1], $0x80, v3, vm0, $0xb8;
	[tilespmem:$0x10680] =	vst v63  }
0x145: {  	s20 =	simm.s32 $0x6E80  }
0x146: {  	[hbm4b:s5+s2] =	stream.indirect_vreg.scatter [tilespmem:s20], [sflag:$0x1], $0x80, v3, vm0, $0xb8;
	[tilespmem:$0x10680] =	vst v63  }
0x147: {  	s22 =	simm.s32 $0x7680  }
0x148: {  	[hbm4b:s6+s2] =	stream.indirect_vreg.scatter [tilespmem:s22], [sflag:$0x1], $0x80, v3, vm0, $0xb8;
	[tilespmem:$0x10680] =	vst v63  }
0x149: {  	s23 =	simm.s32 $0x7E80  }
0x14a: {  	[hbm4b:s7+s2] =	stream.indirect_vreg.scatter [tilespmem:s23], [sflag:$0x1], $0x80, v3, vm0, $0xb8;
	[tilespmem:$0x10680] =	vst v63  }
0x14b: {  	v3 =	vld [tilespmem:$0x580];
	_ =	sdelay $0x4  }
0x14c: {  	v58 =	vshll.u32 v3, $0x3  }
0x14d: {  	v3 =	vand.u32 $0x7, v3;
	v4 =	vand.u32 $0xFFFFFFC0, v58  }
0x14e: {  	v3 =	vor.u32 v3, v4  }
0x14f: {  	v4 =	vperm.xlane v3, v0;
	_ =	sdelay $0x1  }
0x150: {  	v4 =	vadd.s32 v1, v4;
	_ =	sdelay $0x4  }
0x151: {  	[hbm4b:s3+s2] =	stream.indirect_vreg.scatter [tilespmem:s28], [sflag:$0x1], $0x80, v4, vm0, $0xb8;
	[tilespmem:$0x10680] =	vst v63  }
0x152: {  	v3 =	vperm.xlane v3, v2  }
0x153: {  	[hbm4b:s5+s2] =	stream.indirect_vreg.scatter [tilespmem:s24], [sflag:$0x1], $0x80, v4, vm0, $0xb8;
	[tilespmem:$0x10680] =	vst v63  }
0x154: {  	v3 =	vadd.s32 v1, v3  }
0x155: {  	[hbm4b:s6+s2] =	stream.indirect_vreg.scatter [tilespmem:s1], [sflag:$0x1], $0x80, v4, vm0, $0xb8;
	[tilespmem:$0x10680] =	vst v63  }
0x156: {  	_ = 	snop  }
0x157: {  	[hbm4b:s7+s2] =	stream.indirect_vreg.scatter [tilespmem:s4], [sflag:$0x1], $0x80, v4, vm0, $0xb8;
	[tilespmem:$0x10680] =	vst v63  }
0x158: {  	_ = 	snop  }
0x159: {  	[hbm4b:s3+s2] =	stream.indirect_vreg.scatter [tilespmem:s12], [sflag:$0x1], $0x80, v3, vm0, $0xb8;
	[tilespmem:$0x10680] =	vst v63  }
0x15a: {  	_ = 	snop  }
0x15b: {  	[hbm4b:s5+s2] =	stream.indirect_vreg.scatter [tilespmem:s30], [sflag:$0x1], $0x80, v3, vm0, $0xb8;
	[tilespmem:$0x10680] =	vst v63  }
0x15c: {  	_ = 	snop  }
0x15d: {  	[hbm4b:s6+s2] =	stream.indirect_vreg.scatter [tilespmem:s31], [sflag:$0x1], $0x80, v3, vm0, $0xb8;
	[tilespmem:$0x10680] =	vst v63  }
0x15e: {  	_ = 	snop  }
0x15f: {  	[hbm4b:s7+s2] =	stream.indirect_vreg.scatter [tilespmem:s14], [sflag:$0x1], $0x80, v3, vm0, $0xb8;
	[tilespmem:$0x10680] =	vst v63  }
0x160: {  	v3 =	vld [tilespmem:$0x590];
	_ =	sdelay $0x4  }
0x161: {  	v59 =	vshll.u32 v3, $0x3  }
0x162: {  	v3 =	vand.u32 $0x7, v3;
	v4 =	vand.u32 $0xFFFFFFC0, v59  }
0x163: {  	v3 =	vor.u32 v3, v4  }
0x164: {  	v4 =	vperm.xlane v3, v0;
	_ =	sdelay $0x1  }
0x165: {  	v4 =	vadd.s32 v1, v4;
	_ =	sdelay $0x4  }
0x166: {  	[hbm4b:s3+s2] =	stream.indirect_vreg.scatter [tilespmem:s11], [sflag:$0x1], $0x80, v4, vm0, $0xb8;
	[tilespmem:$0x10680] =	vst v63  }
0x167: {  	v3 =	vperm.xlane v3, v2  }
0x168: {  	[hbm4b:s5+s2] =	stream.indirect_vreg.scatter [tilespmem:s15], [sflag:$0x1], $0x80, v4, vm0, $0xb8;
	[tilespmem:$0x10680] =	vst v63  }
0x169: {  	v3 =	vadd.s32 v1, v3  }
0x16a: {  	[hbm4b:s6+s2] =	stream.indirect_vreg.scatter [tilespmem:s16], [sflag:$0x1], $0x80, v4, vm0, $0xb8;
	[tilespmem:$0x10680] =	vst v63  }
0x16b: {  	_ = 	snop  }
0x16c: {  	[hbm4b:s7+s2] =	stream.indirect_vreg.scatter [tilespmem:s13], [sflag:$0x1], $0x80, v4, vm0, $0xb8;
	[tilespmem:$0x10680] =	vst v63  }
0x16d: {  	_ = 	snop  }
0x16e: {  	[hbm4b:s3+s2] =	stream.indirect_vreg.scatter [tilespmem:s19], [sflag:$0x1], $0x80, v3, vm0, $0xb8;
	[tilespmem:$0x10680] =	vst v63  }
0x16f: {  	_ = 	snop  }
0x170: {  	[hbm4b:s5+s2] =	stream.indirect_vreg.scatter [tilespmem:s20], [sflag:$0x1], $0x80, v3, vm0, $0xb8;
	[tilespmem:$0x10680] =	vst v63  }
0x171: {  	_ = 	snop  }
0x172: {  	[hbm4b:s6+s2] =	stream.indirect_vreg.scatter [tilespmem:s22], [sflag:$0x1], $0x80, v3, vm0, $0xb8;
	[tilespmem:$0x10680] =	vst v63  }
0x173: {  	_ = 	snop  }
0x174: {  	[hbm4b:s7+s2] =	stream.indirect_vreg.scatter [tilespmem:s23], [sflag:$0x1], $0x80, v3, vm0, $0xb8;
	[tilespmem:$0x10680] =	vst v63  }
0x175: {  	_ =	swait.ge [sflag:s29], $0x8000  }
0x176: {  	[sflag:s29] =	ssyncset.done $0x0  }
0x177: {  	[sflag:s29] =	ssyncadd.s32 $0xFFFF8000  }
0x178: {  	_ =	swait.ge [sflag:s29], $0x8000  }
0x179: {  	[sflag:s29] =	ssyncset.done $0x0  }
0x17a: {  	s15 =	rddreg [dreg:$0xb];
	[sflag:s29] =	ssyncadd.s32 $0xFFFF8000  }
0x17b: {  	[tilespmem:s21], [sflag:$0x3] =	stream.linear.gather [hbm4b:s15+s2], $0x8000, $0x38;
	[tilespmem:$0x10680] =	vst v63  }
0x17c: {  	_ =	swait.ge [sflag:s9], $0x8000  }
0x17d: {  	[sflag:s9] =	ssyncset.done $0x0  }
0x17e: {  	[sflag:s9] =	ssyncadd.s32 $0xFFFF8000  }
0x17f: {  	v3 =	vld [tilespmem:$0x400];
	_ =	sdelay $0x4  }
0x180: {  	v60 =	vshll.u32 v3, $0x3  }
0x181: {  	v3 =	vand.u32 $0x7, v3;
	v4 =	vand.u32 $0xFFFFFFC0, v60  }
0x182: {  	v3 =	vor.u32 v3, v4  }
0x183: {  	v4 =	vperm.xlane v3, v0;
	_ =	sdelay $0x1  }
0x184: {  	v4 =	vadd.s32 v1, v4;
	_ =	sdelay $0x4  }
0x185: {  	[hbm4b:s3+s2] =	stream.indirect_vreg.scatter [tilespmem:s21], [sflag:$0x2], $0x80, v4, vm0, $0xb8;
	[tilespmem:$0x10680] =	vst v63  }
0x186: {  	s16 =	simm.s32 $0x8E80;
	v3 =	vperm.xlane v3, v2  }
0x187: {  	[hbm4b:s5+s2] =	stream.indirect_vreg.scatter [tilespmem:s16], [sflag:$0x2], $0x80, v4, vm0, $0xb8;
	[tilespmem:$0x10680] =	vst v63  }
0x188: {  	s17 =	simm.s32 $0x9680;
	v3 =	vadd.s32 v1, v3  }
0x189: {  	[hbm4b:s6+s2] =	stream.indirect_vreg.scatter [tilespmem:s17], [sflag:$0x2], $0x80, v4, vm0, $0xb8;
	[tilespmem:$0x10680] =	vst v63  }
0x18a: {  	s0 =	simm.s32 $0x9E80  }
0x18b: {  	[hbm4b:s7+s2] =	stream.indirect_vreg.scatter [tilespmem:s0], [sflag:$0x2], $0x80, v4, vm0, $0xb8;
	[tilespmem:$0x10680] =	vst v63  }
0x18c: {  	s1 =	simm.s32 $0xA680  }
0x18d: {  	[hbm4b:s3+s2] =	stream.indirect_vreg.scatter [tilespmem:s1], [sflag:$0x2], $0x80, v3, vm0, $0xb8;
	[tilespmem:$0x10680] =	vst v63  }
0x18e: {  	s4 =	simm.s32 $0xAE80  }
0x18f: {  	[hbm4b:s5+s2] =	stream.indirect_vreg.scatter [tilespmem:s4], [sflag:$0x2], $0x80, v3, vm0, $0xb8;
	[tilespmem:$0x10680] =	vst v63  }
0x190: {  	s18 =	simm.s32 $0xB680  }
0x191: {  	[hbm4b:s6+s2] =	stream.indirect_vreg.scatter [tilespmem:s18], [sflag:$0x2], $0x80, v3, vm0, $0xb8;
	[tilespmem:$0x10680] =	vst v63  }
0x192: {  	s19 =	simm.s32 $0xBE80  }
0x193: {  	[hbm4b:s7+s2] =	stream.indirect_vreg.scatter [tilespmem:s19], [sflag:$0x2], $0x80, v3, vm0, $0xb8;
	[tilespmem:$0x10680] =	vst v63  }
0x194: {  	v3 =	vld [tilespmem:$0x410];
	_ =	sdelay $0x4  }
0x195: {  	v61 =	vshll.u32 v3, $0x3  }
0x196: {  	v3 =	vand.u32 $0x7, v3;
	v4 =	vand.u32 $0xFFFFFFC0, v61  }
0x197: {  	v3 =	vor.u32 v3, v4  }
0x198: {  	v4 =	vperm.xlane v3, v0;
	_ =	sdelay $0x1  }
0x199: {  	v4 =	vadd.s32 v1, v4;
	_ =	sdelay $0x3  }
0x19a: {  	s20 =	simm.s32 $0xC680  }
0x19b: {  	[hbm4b:s3+s2] =	stream.indirect_vreg.scatter [tilespmem:s20], [sflag:$0x2], $0x80, v4, vm0, $0xb8;
	[tilespmem:$0x10680] =	vst v63  }
0x19c: {  	s11 =	simm.s32 $0xCE80;
	v3 =	vperm.xlane v3, v2  }
0x19d: {  	[hbm4b:s5+s2] =	stream.indirect_vreg.scatter [tilespmem:s11], [sflag:$0x2], $0x80, v4, vm0, $0xb8;
	[tilespmem:$0x10680] =	vst v63  }
0x19e: {  	s13 =	simm.s32 $0xD680;
	v3 =	vadd.s32 v1, v3  }
0x19f: {  	[hbm4b:s6+s2] =	stream.indirect_vreg.scatter [tilespmem:s13], [sflag:$0x2], $0x80, v4, vm0, $0xb8;
	[tilespmem:$0x10680] =	vst v63  }
0x1a0: {  	s12 =	simm.s32 $0xDE80  }
0x1a1: {  	[hbm4b:s7+s2] =	stream.indirect_vreg.scatter [tilespmem:s12], [sflag:$0x2], $0x80, v4, vm0, $0xb8;
	[tilespmem:$0x10680] =	vst v63  }
0x1a2: {  	s14 =	simm.s32 $0xE680  }
0x1a3: {  	[hbm4b:s3+s2] =	stream.indirect_vreg.scatter [tilespmem:s14], [sflag:$0x2], $0x80, v3, vm0, $0xb8;
	[tilespmem:$0x10680] =	vst v63  }
0x1a4: {  	s15 =	simm.s32 $0xEE80  }
0x1a5: {  	[hbm4b:s5+s2] =	stream.indirect_vreg.scatter [tilespmem:s15], [sflag:$0x2], $0x80, v3, vm0, $0xb8;
	[tilespmem:$0x10680] =	vst v63  }
0x1a6: {  	s22 =	simm.s32 $0xF680  }
0x1a7: {  	[hbm4b:s6+s2] =	stream.indirect_vreg.scatter [tilespmem:s22], [sflag:$0x2], $0x80, v3, vm0, $0xb8;
	[tilespmem:$0x10680] =	vst v63  }
0x1a8: {  	s24 =	simm.s32 $0xFE80  }
0x1a9: {  	[hbm4b:s7+s2] =	stream.indirect_vreg.scatter [tilespmem:s24], [sflag:$0x2], $0x80, v3, vm0, $0xb8;
	[tilespmem:$0x10680] =	vst v63  }
0x1aa: {  	v3 =	vld [tilespmem:$0x600];
	_ =	sdelay $0x4  }
0x1ab: {  	v62 =	vshll.u32 v3, $0x3  }
0x1ac: {  	v3 =	vand.u32 $0x7, v3;
	v4 =	vand.u32 $0xFFFFFFC0, v62  }
0x1ad: {  	v3 =	vor.u32 v3, v4  }
0x1ae: {  	v4 =	vperm.xlane v3, v0;
	_ =	sdelay $0x1  }
0x1af: {  	v4 =	vadd.s32 v1, v4;
	_ =	sdelay $0x4  }
0x1b0: {  	[hbm4b:s3+s2] =	stream.indirect_vreg.scatter [tilespmem:s21], [sflag:$0x2], $0x80, v4, vm0, $0xb8;
	[tilespmem:$0x10680] =	vst v63  }
0x1b1: {  	v3 =	vperm.xlane v3, v2  }
0x1b2: {  	[hbm4b:s5+s2] =	stream.indirect_vreg.scatter [tilespmem:s16], [sflag:$0x2], $0x80, v4, vm0, $0xb8;
	[tilespmem:$0x10680] =	vst v63  }
0x1b3: {  	v3 =	vadd.s32 v1, v3  }
0x1b4: {  	[hbm4b:s6+s2] =	stream.indirect_vreg.scatter [tilespmem:s17], [sflag:$0x2], $0x80, v4, vm0, $0xb8;
	[tilespmem:$0x10680] =	vst v63  }
0x1b5: {  	_ = 	snop  }
0x1b6: {  	[hbm4b:s7+s2] =	stream.indirect_vreg.scatter [tilespmem:s0], [sflag:$0x2], $0x80, v4, vm0, $0xb8;
	[tilespmem:$0x10680] =	vst v63  }
0x1b7: {  	_ = 	snop  }
0x1b8: {  	[hbm4b:s3+s2] =	stream.indirect_vreg.scatter [tilespmem:s1], [sflag:$0x2], $0x80, v3, vm0, $0xb8;
	[tilespmem:$0x10680] =	vst v63  }
0x1b9: {  	_ = 	snop  }
0x1ba: {  	[hbm4b:s5+s2] =	stream.indirect_vreg.scatter [tilespmem:s4], [sflag:$0x2], $0x80, v3, vm0, $0xb8;
	[tilespmem:$0x10680] =	vst v63  }
0x1bb: {  	_ = 	snop  }
0x1bc: {  	[hbm4b:s6+s2] =	stream.indirect_vreg.scatter [tilespmem:s18], [sflag:$0x2], $0x80, v3, vm0, $0xb8;
	[tilespmem:$0x10680] =	vst v63  }
0x1bd: {  	_ = 	snop  }
0x1be: {  	[hbm4b:s7+s2] =	stream.indirect_vreg.scatter [tilespmem:s19], [sflag:$0x2], $0x80, v3, vm0, $0xb8;
	[tilespmem:$0x10680] =	vst v63  }
0x1bf: {  	v3 =	vld [tilespmem:$0x610];
	_ =	sdelay $0x4  }
0x1c0: {  	v63 =	vshll.u32 v3, $0x3  }
0x1c1: {  	v3 =	vand.u32 $0x7, v3;
	v4 =	vand.u32 $0xFFFFFFC0, v63  }
0x1c2: {  	v3 =	vor.u32 v3, v4  }
0x1c3: {  	v4 =	vperm.xlane v3, v0;
	_ =	sdelay $0x1  }
0x1c4: {  	v4 =	vadd.s32 v1, v4;
	_ =	sdelay $0x4  }
0x1c5: {  	[hbm4b:s3+s2] =	stream.indirect_vreg.scatter [tilespmem:s20], [sflag:$0x2], $0x80, v4, vm0, $0xb8;
	[tilespmem:$0x10680] =	vst v63  }
0x1c6: {  	v3 =	vperm.xlane v3, v2  }
0x1c7: {  	[hbm4b:s5+s2] =	stream.indirect_vreg.scatter [tilespmem:s11], [sflag:$0x2], $0x80, v4, vm0, $0xb8;
	[tilespmem:$0x10680] =	vst v63  }
0x1c8: {  	v3 =	vadd.s32 v1, v3  }
0x1c9: {  	[hbm4b:s6+s2] =	stream.indirect_vreg.scatter [tilespmem:s13], [sflag:$0x2], $0x80, v4, vm0, $0xb8;
	[tilespmem:$0x10680] =	vst v63  }
0x1ca: {  	_ = 	snop  }
0x1cb: {  	[hbm4b:s7+s2] =	stream.indirect_vreg.scatter [tilespmem:s12], [sflag:$0x2], $0x80, v4, vm0, $0xb8;
	[tilespmem:$0x10680] =	vst v63  }
0x1cc: {  	_ = 	snop  }
0x1cd: {  	[hbm4b:s3+s2] =	stream.indirect_vreg.scatter [tilespmem:s14], [sflag:$0x2], $0x80, v3, vm0, $0xb8;
	[tilespmem:$0x10680] =	vst v63  }
0x1ce: {  	_ = 	snop  }
0x1cf: {  	[hbm4b:s5+s2] =	stream.indirect_vreg.scatter [tilespmem:s15], [sflag:$0x2], $0x80, v3, vm0, $0xb8;
	[tilespmem:$0x10680] =	vst v63  }
0x1d0: {  	_ = 	snop  }
0x1d1: {  	[hbm4b:s6+s2] =	stream.indirect_vreg.scatter [tilespmem:s22], [sflag:$0x2], $0x80, v3, vm0, $0xb8;
	[tilespmem:$0x10680] =	vst v63  }
0x1d2: {  	_ = 	snop  }
0x1d3: {  	[hbm4b:s7+s2] =	stream.indirect_vreg.scatter [tilespmem:s24], [sflag:$0x2], $0x80, v3, vm0, $0xb8;
	[tilespmem:$0x10680] =	vst v63  }
0x1d4: {  	p0 =	sne.s32 s8, $0x1;
	_ =	swait.ge [sflag:s29], $0x8000  }
.Ltmp0:
0x1d5: {  	[sflag:s29] =	ssyncset.done $0x0;
	(pc) =	sbr.rel @p0 .LBB2_1-.Ltmp0, $4  }
0x1d6: {  	[sflag:s29] =	ssyncadd.s32 $0xFFFF8000  }
0x1d7: {  	_ =	swait.ge [sflag:s29], $0x8000  }
0x1d8: {  	[sflag:s29] =	ssyncset.done $0x0  }
0x1d9: {  	s8 =	sadd.s32 $0xFFFFFFFF, s8;
	[sflag:s29] =	ssyncadd.s32 $0xFFFF8000  }
0x1da: {  	_ =	sfence.sel $0x180000  }
0x1db: {  	[bflag:$0x0] =	sbarrier.arrive $0xFFFF  }
0x1dc: {  	_ =	strace $0x90000047  }
0x1dd: {  	s0 =	stileid.u32;
	[bflag:$0x2] =	sbarrier.arrive $0xFFFF  }
0x1de: {  	p0 =	sne.s32 s0, $0x0;
	s0 =	rddreg [dreg:$0x3]  }
0x1df: {  	s0 =	sadd.s32 @!p0 $0x100000, s0  }
0x1e0: {  	[sflag:s0] =	ssyncadd.tile.s32 @!p0 $0x1;
	_ =	shalt  }
.Lfunc_end2:
_tile_overlayer_lowered:
.L_overlay_start_2:
0x1e1: {  	(tag) =	ssettag $0x2  }
0x1e2: {  	s0 =	rddreg [dreg:$0x0];
	s2 =	stileid.u32  }
0x1e3: {  	s1 =	rddreg [dreg:$0x1];
	p0 =	sne.s32 s2, $0x0  }
0x1e4: {  	s3 =	rddreg [dreg:$0x2];
	[bflag:$0x3] =	sbarrier.arrive $0xFFFF;
	s2 =	simm.s32 @!p0 $0x1C03  }
0x1e5: {  	[timem:s3], [sflag:s2] =	dma.local @!p0 [hbm:s0], s1  }
0x1e6: {  	s0 =	simm.s32 @!p0 $0x3  }
0x1e7: {  	_ =	swait.ge @!p0 [sflag:s0], s1  }
0x1e8: {  	s1 =	ssub.s32 @!p0 $0x0, s1;
	[sflag:s0] =	ssyncset.done @!p0 $0x0  }
0x1e9: {  	[sflag:s0] =	ssyncadd.s32 @!p0 s1  }
0x1ea: {  	[bflag:$0x3] =	sbarrier.arrive $0xFFFF  }
0x1eb: {  	_ =	shalt  }

// kernel: kernel.9.cloned.1.call-start
scs
__scs_entry_jumppad:
0x0: {  	(pc) =	sbr.rel $0x88, $3  }
0x1: {  	(tag) =	ssettag $0x0;
	lr =	simm.s32 $0x1  }
0x2: {  	[smem:$0x3F9C] =	sst lr;
	_ =	strace $0xD0000000  }
0x3: {  	_ = 	snop  }
0x4: {  	_ = 	snop  }
0x5: {  	_ = 	snop  }
0x6: {  	_ = 	snop  }
0x7: {  	_ = 	snop  }
__scs_overlays_trampoline_lowered:
0x8: {  	[smem:$0x3FAB] =	sst s0  }
0x9: {  	[smem:$0x3FAC] =	sst s1  }
0xa: {  	[smem:$0x3FAD] =	sst s2  }
0xb: {  	[smem:$0x3FAE] =	sst s3  }
0xc: {  	[smem:$0x3FAF] =	sst s4  }
0xd: {  	[smem:$0x3FB0] =	sst s5  }
0xe: {  	[smem:$0x3FB1] =	sst s6  }
0xf: {  	[smem:$0x3FB2] =	sst s7  }
0x10: {  	[smem:$0x3FB3] =	sst s8  }
0x11: {  	[smem:$0x3FB4] =	sst s9;
	s0 =	simm.s32 @!p0 $0x0  }
0x12: {  	s1 =	sld [smem:$0x3F9A];
	s0 =	simm.s32 @p0 $0x1  }
0x13: {  	[smem:$0x3FB5] =	sst s0;
	s0 =	simm.s32 @!p1 $0x0  }
0x14: {  	s2 =	sld [smem:$0x3F99];
	s0 =	simm.s32 @p1 $0x1  }
0x15: {  	[smem:$0x3FB6] =	sst s0;
	s0 =	simm.s32 @!p2 $0x0  }
0x16: {  	s3 =	sld [smem:$0x3FDB];
	s0 =	simm.s32 @p2 $0x1  }
0x17: {  	s4 =	simm.s32 $0x1BF5;
	[smem:$0x3FB8] =	sst s0  }
0x18: {  	s0 =	sld [smem:$0x3F9B];
	_ =	swait.ge [sflag:s4], $0x0  }
0x19: {  	s7 =	sld [smem:$0x3F9C]  }
0x1a: {  	s8 =	sadd.s32 $0xFFFFE003, lr  }
0x1b: {  	s9 =	sadd.s32 $0xFFFFFEF7, lr;
	s5 =	simm.s32 $0xFFFFFFFF;
	p2 =	slt.u32 s8, $0xFFFFF086  }
0x1c: {  	p1 =	slt.u32 s9, $0xF7A;
	s5 =	simm.s32 @!p2 $0x0  }
0x1d: {  	s5 =	simm.s32 @p1 $0x1;
	p0 =	seq.s32 s7, s2  }
0x1e: {  	s7 =	smul.u32 @!p0 $0xF7A, s2;
	p2 =	seq.s32 @!p0 s5, $0x0  }
0x1f: {  	s9 =	smul.u32 $0xF7A, s1;
	s8 =	simm.s32 @!p0 $0x1BF5;
	p2 =	por !p2, p0  }
0x20: {  	[sflag:s8] =	ssyncset.s32 @!p0 $0xFFFFF086;
	s6 =	sadd.s32 @!p0 s3, s7;
	s7 =	simm.s32 @!p0 $0x108  }
0x21: {  	s3 =	sadd.s32 s3, s9;
	s6 =	sadd.s32 @!p0 $0x88, s6;
	s7 =	simm.s32 @p2 $0x1082  }
0x22: {  	[simem:s7], [sflag:s8] =	dma.local @!p0 [hbm:s6], $0xF7A  }
0x23: {  	s9 =	sor.u32 $0xD0000000, s2;
	s6 =	simm.s32 $0x108;
	_ =	swait.ge @!p0 [sflag:s8], $0x0  }
0x24: {  	s3 =	sadd.s32 $0x88, s3;
	s6 =	simm.s32 @!p1 $0x1082;
	[sflag:s4] =	ssyncset.s32 $0xFFFFF086  }
0x25: {  	[simem:s6], [sflag:s4] =	dma.local [hbm:s3], $0xF7A  }
0x26: {  	[smem:$0x3F9C] =	sst s1;
	(tag) =	ssettag s2;
	_ =	strace s9  }
0x27: {  	s1 =	sld [smem:$0x3FAC]  }
0x28: {  	s2 =	sld [smem:$0x3FAD]  }
0x29: {  	s4 =	sld [smem:$0x3FAF]  }
0x2a: {  	p0 =	seq.s32 s5, $0x0;
	s5 =	sld [smem:$0x3FB0]  }
0x2b: {  	s6 =	sld [smem:$0x3FB1]  }
0x2c: {  	s7 =	sld [smem:$0x3FB2]  }
0x2d: {  	s3 =	simm.s32 $0x108;
	s8 =	sld [smem:$0x3FB3]  }
0x2e: {  	s3 =	simm.s32 @!p0 $0x1082;
	s9 =	sld [smem:$0x3FB4]  }
0x2f: {  	lr =	sadd.s32 s0, s3;
	s0 =	sld [smem:$0x3FAB]  }
0x30: {  	s3 =	sld [smem:$0x3FAE]  }
0x31: {  	[smem:$0x3FB7] =	sst s10  }
0x32: {  	s10 =	sld [smem:$0x3FB5];
	_ =	sdelay $0x3  }
0x33: {  	p0 =	seq.s32 s10, $0x1;
	s10 =	sld [smem:$0x3FB7];
	_ =	sdelay $0x3  }
0x34: {  	[smem:$0x3FB7] =	sst s10  }
0x35: {  	s10 =	sld [smem:$0x3FB6];
	_ =	sdelay $0x3  }
0x36: {  	p1 =	seq.s32 s10, $0x1;
	s10 =	sld [smem:$0x3FB7];
	_ =	sdelay $0x3  }
0x37: {  	[smem:$0x3FB7] =	sst s10  }
0x38: {  	s10 =	sld [smem:$0x3FB8]  }
0x39: {  	_ = 	snop;
	(pc) =	sbr.ind lr, $3  }
0x3a: {  	_ = 	snop  }
0x3b: {  	_ = 	snop  }
0x3c: {  	p2 =	seq.s32 s10, $0x1;
	s10 =	sld [smem:$0x3FB7]  }
0x3d: {  	_ =	shalt  }
0x3e: {  	_ =	shalt  }
0x3f: {  	_ =	shalt  }
0x40: {  	_ =	shalt  }
0x41: {  	_ =	shalt  }
0x42: {  	_ =	shalt  }
0x43: {  	_ =	shalt  }
0x44: {  	_ =	shalt  }
0x45: {  	_ =	shalt  }
0x46: {  	_ =	shalt  }
0x47: {  	_ =	shalt  }
0x48: {  	_ =	shalt  }
0x49: {  	_ =	shalt  }
0x4a: {  	_ =	shalt  }
0x4b: {  	_ =	shalt  }
0x4c: {  	_ =	shalt  }
0x4d: {  	_ =	shalt  }
0x4e: {  	_ =	shalt  }
0x4f: {  	_ =	shalt  }
0x50: {  	_ =	shalt  }
0x51: {  	_ =	shalt  }
0x52: {  	_ =	shalt  }
0x53: {  	_ =	shalt  }
0x54: {  	_ =	shalt  }
0x55: {  	_ =	shalt  }
0x56: {  	_ =	shalt  }
0x57: {  	_ =	shalt  }
0x58: {  	_ =	shalt  }
0x59: {  	_ =	shalt  }
0x5a: {  	_ =	shalt  }
0x5b: {  	_ =	shalt  }
0x5c: {  	_ =	shalt  }
0x5d: {  	_ =	shalt  }
0x5e: {  	_ =	shalt  }
0x5f: {  	_ =	shalt  }
0x60: {  	_ =	shalt  }
0x61: {  	_ =	shalt  }
0x62: {  	_ =	shalt  }
0x63: {  	_ =	shalt  }
0x64: {  	_ =	shalt  }
0x65: {  	_ =	shalt  }
0x66: {  	_ =	shalt  }
0x67: {  	_ =	shalt  }
0x68: {  	_ =	shalt  }
0x69: {  	_ =	shalt  }
0x6a: {  	_ =	shalt  }
0x6b: {  	_ =	shalt  }
0x6c: {  	_ =	shalt  }
0x6d: {  	_ =	shalt  }
0x6e: {  	_ =	shalt  }
0x6f: {  	_ =	shalt  }
0x70: {  	_ =	shalt  }
0x71: {  	_ =	shalt  }
0x72: {  	_ =	shalt  }
0x73: {  	_ =	shalt  }
0x74: {  	_ =	shalt  }
0x75: {  	_ =	shalt  }
0x76: {  	_ =	shalt  }
0x77: {  	_ =	shalt  }
0x78: {  	_ =	shalt  }
0x79: {  	_ =	shalt  }
0x7a: {  	_ =	shalt  }
0x7b: {  	_ =	shalt  }
0x7c: {  	_ =	shalt  }
0x7d: {  	_ =	shalt  }
0x7e: {  	_ =	shalt  }
0x7f: {  	_ =	shalt  }
0x80: {  	_ =	shalt  }
0x81: {  	_ =	shalt  }
0x82: {  	_ =	shalt  }
0x83: {  	_ =	shalt  }
0x84: {  	_ =	shalt  }
0x85: {  	_ =	shalt  }
0x86: {  	_ =	shalt  }
0x87: {  	_ =	shalt  }
.Lfunc_end0:
.L_simem_size_0:
called_computation.1_lowered:
.L_overlay_start_0:
0x88: {  	s2 =	sld [smem:$0x3FD9]  }
0x89: {  	s3 =	sld [smem:$0x3FFE];
	_ =	sdelay $0x1  }
0x8a: {  	s1 =	srdreg.scid  }
0x8b: {  	s0 =	sand.u32 $0x1, s1  }
0x8c: {  	s14 =	sshll.u32 s0, $0xA;
	s2 =	sadd.s32 s3, s2  }
0x8d: {  	s2 =	sadd.s32 s2, s14  }
0x8e: {  	[smem:$0x3FC3] =	sst s2  }
0x8f: {  	_ = 	snop  }
0x90: {  	s2 =	sld [smem:$0x3FD0];
	_ =	sdelay $0x2  }
0x91: {  	s15 =	simm.s32 $0xA;
	s4 =	simm.s32 $0x10  }
0x92: {  	[smem:s4], [sflag:s15] =	dma.local [hbm:s2], $0x1  }
0x93: {  	_ =	swait.eq [sflag:s15], $0x1  }
0x94: {  	[sflag:s15] =	ssyncset.done $0x0  }
0x95: {  	[sflag:s15] =	ssyncadd.s32 $0xFFFFFFFF  }
0x96: {  	s16 =	sld [smem:$0x10];
	(tm) =	ssettm $0x1  }
0x97: {  	s17 =	sld [smem:$0x3FFB];
	_ =	sdelay $0x3  }
0x98: {  	_ =	strace s17  }
0x99: {  	s3 =	sld [smem:$0x3FFC];
	_ =	sdelay $0x3  }
0x9a: {  	_ =	strace s3  }
0x9b: {  	s3 =	sld [smem:$0x3FFD];
	_ =	sdelay $0x3  }
0x9c: {  	_ =	strace s3  }
0x9d: {  	_ =	strace $0x8FFFFFFF  }
0x9e: {  	s18 =	sld [smem:$0x3FDB];
	_ =	sdelay $0x1  }
0x9f: {  	s19 =	simm.s32 $_scs_section_size  }
0xa0: {  	s5 =	simm.s32 $_size__tile_overlayer_lowered;
	s6 =	simm.s32 $_tile_overlayer_lowered  }
0xa1: {  	s22 =	simm.s32 $0x1BFF;
	s21 =	sshll.u32 s6, $0x1;
	s3 =	sadd.s32 s19, s18  }
0xa2: {  	s7 =	simm.s32 $0x0;
	s20 =	sshll.u32 s5, $0x1;
	s5 =	sadd.s32 s21, s3  }
0xa3: {  	[timem:s7], [sflag:s22] =	dma.local [hbm:s5], s20  }
0xa4: {  	_ =	swait.ge [sflag:s22], s20  }
0xa5: {  	s4 =	ssub.s32 $0x0, s20;
	[sflag:s22] =	ssyncset.done $0x0  }
0xa6: {  	[sflag:s22] =	ssyncadd.s32 s4;
	_ =	sdelay $0x1  }
0xa7: {  	s23 =	simm.s32 $0x1B8B  }
0xa8: {  	_ =	swait.ge [sflag:s23], $0x1  }
0xa9: {  	[sflag:s23] =	ssyncset.done $0x0  }
0xaa: {  	s25 =	simm.s32 $0x1B8E;
	s24 =	sld [smem:$0x3FFE];
	[sflag:s23] =	ssyncadd.s32 $0xFFFFFFFF  }
0xab: {  	s26 =	simm.s32 $execute0_lowered;
	[smem:$0x3FD2] =	sst s25  }
0xac: {  	s5 =	sshll.u32 s26, $0x1;
	_ =	strace $0x80000049;
	[dreg:$0x1] =	wrdreg $0xFFFFFFFF  }
0xad: {  	s28 =	simm.s32 $_size_execute0_lowered;
	s3 =	sadd.s32 s3, s5;
	[dreg:$0x0] =	wrdreg $0x0  }
0xae: {  	s5 =	sshll.u32 s28, $0x1;
	[dreg:$0x2] =	wrdreg s3  }
0xaf: {  	[dreg:$0x3] =	wrdreg s5  }
0xb0: {  	[dreg:$0x4] =	wrdreg $0xC0  }
0xb1: {  	_ =	task [dreg:s7], $0x5FFFF  }
0xb2: {  	[dreg:$0x1] =	wrdreg $0xFFFFFFFF  }
0xb3: {  	[dreg:$0x0] =	wrdreg $0x60  }
0xb4: {  	[dreg:$0x2] =	wrdreg s24  }
0xb5: {  	[dreg:$0x3] =	wrdreg s16  }
0xb6: {  	[dreg:$0x4] =	wrdreg $0x9  }
0xb7: {  	_ =	task.clear_ibuf [dreg:s7], $0x5FFFF;
	_ =	strace $0x90000049  }
0xb8: {  	s29 =	simm.s32 $0x9;
	_ =	strace $0x8000004B  }
0xb9: {  	_ =	swait.ge [sflag:s29], $0x1  }
0xba: {  	[sflag:s29] =	ssyncadd.s32 $0xFFFFFFFF  }
0xbb: {  	_ =	strace $0x9000004B  }
0xbc: {  	_ =	sfence  }
0xbd: {  	s30 =	sld [smem:$0x0];
	_ =	sdelay $0x2  }
0xbe: {  	s31 =	sshll.u32 s1, $0xD;
	s1 =	sshrl.u32 s1, $0x2  }
0xbf: {  	s3 =	sand.u32 $0x4000, s31;
	s1 =	sadd.s32 s1, s30  }
0xc0: {  	s0 =	sor.u32 s3, s0;
	s1 =	sshll.u32 s1, $0x11  }
0xc1: {  	s0 =	sor.u32 s1, s0  }
0xc2: {  	s0 =	sadd.s32 $0x8F2B, s0  }
0xc3: {  	[sflag:s0] =	ssyncadd.remote.s32 $0x1  }
0xc4: {  	_ =	sfence.sel $0xFFFF  }
0xc5: {  	[dreg:$0x0] =	wrdreg $0xFFFFFFFF;
	(pc) =	sbr.abs _section_cstart, $3  }
0xc6: {  	[dreg:$0x1] =	wrdreg $0xFFFFFFFF  }
0xc7: {  	_ =	task.clear_ibuf [dreg:s7], $0x2FFFF;
	_ =	strace $0x9FFFFFFF  }
0xc8: {  	(tm) =	ssettm $0x7FFFFFFF  }
0xc9: {  	_ =	shalt  }
tec
execute0_lowered:
.L_overlay_start_1:
0x0: {  	(tag) =	ssettag $0x1  }
0x1: {  	s0 =	rddreg [dreg:$0x0]  }
0x2: {  	s1 =	rddreg [dreg:$0x1]  }
0x3: {  	s3 =	srdreg.scid;
	s5 =	stileid.u32;
	s2 =	simm.s32 $0x0  }
0x4: {  	s28 =	simm.s32 $0xED00;
	s29 =	simm.s32 $0xF500;
	s30 =	simm.s32 $0xFD00  }
0x5: {  	s31 =	simm.s32 $0x1;
	s4 =	sand.u32 $0x1, s3;
	s17 =	sshll.u32 s5, $0x1  }
0x6: {  	s11 =	simm.s32 $0x6;
	s12 =	simm.s32 $0x0;
	s5 =	sor.u32 s4, s17  }
0x7: {  	s6 =	sshll.u32 s5, $0x6;
	s7 =	sshll.u32 s5, $0x5;
	s5 =	sshll.u32 s5, $0xE  }
0x8: {  	[smem:$0x7FF] =	sst s2;
	s6 =	sadd.s32 s6, s0;
	s1 =	sadd.s32 s1, s5  }
0x9: {  	_ =	strace $0x8000004A;
	s9 =	sadd.s32 $0x190A00, s6;
	[dreg:$0x6] =	wrdreg s1  }
0xa: {  	s7 =	sadd.s32 s7, s0;
	s6 =	sadd.s32 $0x191200, s6;
	[dreg:$0x3] =	wrdreg s9  }
0xb: {  	s3 =	sadd.s32 $0x191E00, s0;
	s18 =	sadd.s32 $0x191A00, s7;
	[dreg:$0x4] =	wrdreg s6  }
0xc: {  	s10 =	sadd.s32 $0x192100, s0;
	s19 =	sadd.s32 $0x800, s1;
	[dreg:$0x5] =	wrdreg s18  }
0xd: {  	s4 =	ssub.s32 $0x2, s4;
	s20 =	sadd.s32 $0x1000, s1;
	[dreg:$0x7] =	wrdreg s19  }
0xe: {  	s8 =	sshrl.u32 s4, $0x1;
	s21 =	sadd.s32 $0x1800, s1;
	[dreg:$0x8] =	wrdreg s20  }
0xf: {  	s4 =	ssub.s32 s4, s8;
	s22 =	sadd.s32 $0x2000, s1;
	[dreg:$0x9] =	wrdreg s21  }
0x10: {  	s5 =	simm.s32 $0x14500;
	s23 =	sadd.s32 $0x2800, s1;
	[dreg:$0xa] =	wrdreg s22  }
0x11: {  	s7 =	sadd.s32 $0x191F00, s0;
	s24 =	sadd.s32 $0x3000, s1;
	[dreg:$0xb] =	wrdreg s23  }
0x12: {  	s25 =	sadd.s32 $0x3800, s1;
	s26 =	smax.u32 s4, $0x1;
	[dreg:$0xc] =	wrdreg s24  }
0x13: {  	s1 =	simm.s32 $0x10500;
	s4 =	simm.s32 $0x4;
	[dreg:$0xd] =	wrdreg s25  }
0x14: {  	v2 =	vlaneseq.u32;
	s9 =	sadd.s32 $0x192000, s0;
	[dreg:$0xe] =	wrdreg s26;
	s19 =	simm.s32 $0x7  }
0x15: {  	vm0 =	vmmov $0xffff;
	v1 =	vshrl.u32 v2, $0x3;
	s21 =	simm.s32 $0x400;
	s25 =	simm.s32 $0xDD00;
	s26 =	simm.s32 $0xE500  }
0x16: {  	v0 =	vand.u32 $0x7, v2;
	v2 =	vor.u32 $0x8, v2;
	v1 =	vmul.u32 $0x8, v1;
	s0 =	simm.s32 $0x3;
	s20 =	simm.s32 $0x2;
	s6 =	simm.s32 $0x5  }
.LBB2_1:
0x17: {  	s8 =	rddreg [dreg:$0x3]  }
0x18: {  	[tilespmem:s2], [sflag:$0x7] =	stream.linear.gather [hbm4b:s8+s2], $0x200, $0x38;
	[tilespmem:$0x18500] =	vst v63  }
0x19: {  	_ =	swait.ge [sflag:s19], $0x200  }
0x1a: {  	[sflag:s19] =	ssyncset.done $0x0  }
0x1b: {  	s13 =	simm.s32 $0x200;
	s23 =	rddreg [dreg:$0x4];
	[sflag:s19] =	ssyncadd.s32 $0xFFFFFE00  }
0x1c: {  	[tilespmem:s13], [sflag:$0x7] =	stream.linear.gather [hbm4b:s23+s2], $0x200, $0x38;
	[tilespmem:$0x18500] =	vst v63  }
0x1d: {  	_ =	swait.ge [sflag:s19], $0x200  }
0x1e: {  	[sflag:s19] =	ssyncset.done $0x0  }
0x1f: {  	s24 =	rddreg [dreg:$0x5];
	[sflag:s19] =	ssyncadd.s32 $0xFFFFFE00  }
0x20: {  	[tilespmem:s21], [sflag:$0x7] =	stream.linear.gather [hbm4b:s24+s2], $0x100, $0x38;
	[tilespmem:$0x18500] =	vst v63  }
0x21: {  	_ =	swait.ge [sflag:s19], $0x100  }
0x22: {  	[sflag:s19] =	ssyncset.done $0x0  }
0x23: {  	[sflag:s19] =	ssyncadd.s32 $0xFFFFFF00  }
0x24: {  	v3 =	vld [tilespmem:$0x0];
	_ =	sdelay $0x4  }
0x25: {  	v4 =	vshll.u32 v3, $0x3  }
0x26: {  	v3 =	vand.u32 $0x7, v3;
	v4 =	vand.u32 $0xFFFFFFC0, v4  }
0x27: {  	v3 =	vor.u32 v3, v4  }
0x28: {  	v4 =	vperm.xlane v3, v0;
	_ =	sdelay $0x1  }
0x29: {  	v4 =	vadd.s32 v1, v4;
	_ =	sdelay $0x3  }
0x2a: {  	s13 =	simm.s32 $0x500  }
0x2b: {  	[tilespmem:s13], [sflag:$0x1] =	stream.indirect_vreg.gather [hbm4b:s3+s2], $0x80, v4, vm0, $0xb8;
	[tilespmem:$0x18500] =	vst v63  }
0x2c: {  	s14 =	simm.s32 $0xD00;
	v3 =	vperm.xlane v3, v2  }
0x2d: {  	[tilespmem:s14], [sflag:$0x1] =	stream.indirect_vreg.gather [hbm4b:s7+s2], $0x80, v4, vm0, $0xb8;
	[tilespmem:$0x18500] =	vst v63  }
0x2e: {  	s15 =	simm.s32 $0x1500;
	v3 =	vadd.s32 v1, v3  }
0x2f: {  	[tilespmem:s15], [sflag:$0x1] =	stream.indirect_vreg.gather [hbm4b:s9+s2], $0x80, v4, vm0, $0xb8;
	[tilespmem:$0x18500] =	vst v63  }
0x30: {  	s16 =	simm.s32 $0x1D00  }
0x31: {  	[tilespmem:s16], [sflag:$0x1] =	stream.indirect_vreg.gather [hbm4b:s10+s2], $0x80, v4, vm0, $0xb8;
	[tilespmem:$0x18500] =	vst v63  }
0x32: {  	s17 =	simm.s32 $0x2500  }
0x33: {  	[tilespmem:s17], [sflag:$0x1] =	stream.indirect_vreg.gather [hbm4b:s3+s2], $0x80, v3, vm0, $0xb8;
	[tilespmem:$0x18500] =	vst v63  }
0x34: {  	s18 =	simm.s32 $0x2D00  }
0x35: {  	[tilespmem:s18], [sflag:$0x1] =	stream.indirect_vreg.gather [hbm4b:s7+s2], $0x80, v3, vm0, $0xb8;
	[tilespmem:$0x18500] =	vst v63  }
0x36: {  	s22 =	simm.s32 $0x3500  }
0x37: {  	[tilespmem:s22], [sflag:$0x1] =	stream.indirect_vreg.gather [hbm4b:s9+s2], $0x80, v3, vm0, $0xb8;
	[tilespmem:$0x18500] =	vst v63  }
0x38: {  	s23 =	simm.s32 $0x3D00  }
0x39: {  	[tilespmem:s23], [sflag:$0x1] =	stream.indirect_vreg.gather [hbm4b:s10+s2], $0x80, v3, vm0, $0xb8;
	[tilespmem:$0x18500] =	vst v63  }
0x3a: {  	v3 =	vld [tilespmem:$0x200];
	_ =	sdelay $0x4  }
0x3b: {  	v61 =	vshll.u32 v3, $0x3  }
0x3c: {  	v3 =	vand.u32 $0x7, v3;
	v4 =	vand.u32 $0xFFFFFFC0, v61  }
0x3d: {  	v3 =	vor.u32 v3, v4  }
0x3e: {  	v4 =	vperm.xlane v3, v0;
	_ =	sdelay $0x1  }
0x3f: {  	v4 =	vadd.s32 v1, v4;
	_ =	sdelay $0x3  }
0x40: {  	s24 =	simm.s32 $0x8500  }
0x41: {  	[tilespmem:s24], [sflag:$0x3] =	stream.indirect_vreg.gather [hbm4b:s3+s2], $0x80, v4, vm0, $0xb8;
	[tilespmem:$0x18500] =	vst v63  }
0x42: {  	s13 =	simm.s32 $0x8D00;
	v3 =	vperm.xlane v3, v2  }
0x43: {  	[tilespmem:s13], [sflag:$0x3] =	stream.indirect_vreg.gather [hbm4b:s7+s2], $0x80, v4, vm0, $0xb8;
	[tilespmem:$0x18500] =	vst v63  }
0x44: {  	s14 =	simm.s32 $0x9500;
	v3 =	vadd.s32 v1, v3  }
0x45: {  	[tilespmem:s14], [sflag:$0x3] =	stream.indirect_vreg.gather [hbm4b:s9+s2], $0x80, v4, vm0, $0xb8;
	[tilespmem:$0x18500] =	vst v63  }
0x46: {  	s15 =	simm.s32 $0x9D00  }
0x47: {  	[tilespmem:s15], [sflag:$0x3] =	stream.indirect_vreg.gather [hbm4b:s10+s2], $0x80, v4, vm0, $0xb8;
	[tilespmem:$0x18500] =	vst v63  }
0x48: {  	s16 =	simm.s32 $0xA500  }
0x49: {  	[tilespmem:s16], [sflag:$0x3] =	stream.indirect_vreg.gather [hbm4b:s3+s2], $0x80, v3, vm0, $0xb8;
	[tilespmem:$0x18500] =	vst v63  }
0x4a: {  	s17 =	simm.s32 $0xAD00  }
0x4b: {  	[tilespmem:s17], [sflag:$0x3] =	stream.indirect_vreg.gather [hbm4b:s7+s2], $0x80, v3, vm0, $0xb8;
	[tilespmem:$0x18500] =	vst v63  }
0x4c: {  	s18 =	simm.s32 $0xB500  }
0x4d: {  	[tilespmem:s18], [sflag:$0x3] =	stream.indirect_vreg.gather [hbm4b:s9+s2], $0x80, v3, vm0, $0xb8;
	[tilespmem:$0x18500] =	vst v63  }
0x4e: {  	s22 =	simm.s32 $0xBD00  }
0x4f: {  	[tilespmem:s22], [sflag:$0x3] =	stream.indirect_vreg.gather [hbm4b:s10+s2], $0x80, v3, vm0, $0xb8;
	[tilespmem:$0x18500] =	vst v63  }
0x50: {  	v3 =	vld [tilespmem:$0x10];
	_ =	sdelay $0x4  }
0x51: {  	v62 =	vshll.u32 v3, $0x3  }
0x52: {  	v3 =	vand.u32 $0x7, v3;
	v4 =	vand.u32 $0xFFFFFFC0, v62  }
0x53: {  	v3 =	vor.u32 v3, v4  }
0x54: {  	v4 =	vperm.xlane v3, v0;
	_ =	sdelay $0x1  }
0x55: {  	v4 =	vadd.s32 v1, v4;
	_ =	sdelay $0x3  }
0x56: {  	s23 =	simm.s32 $0x4500  }
0x57: {  	[tilespmem:s23], [sflag:$0x2] =	stream.indirect_vreg.gather [hbm4b:s3+s2], $0x80, v4, vm0, $0xb8;
	[tilespmem:$0x18500] =	vst v63  }
0x58: {  	s24 =	simm.s32 $0x4D00;
	v3 =	vperm.xlane v3, v2  }
0x59: {  	[tilespmem:s24], [sflag:$0x2] =	stream.indirect_vreg.gather [hbm4b:s7+s2], $0x80, v4, vm0, $0xb8;
	[tilespmem:$0x18500] =	vst v63  }
0x5a: {  	s13 =	simm.s32 $0x5500;
	v3 =	vadd.s32 v1, v3  }
0x5b: {  	[tilespmem:s13], [sflag:$0x2] =	stream.indirect_vreg.gather [hbm4b:s9+s2], $0x80, v4, vm0, $0xb8;
	[tilespmem:$0x18500] =	vst v63  }
0x5c: {  	s14 =	simm.s32 $0x5D00  }
0x5d: {  	[tilespmem:s14], [sflag:$0x2] =	stream.indirect_vreg.gather [hbm4b:s10+s2], $0x80, v4, vm0, $0xb8;
	[tilespmem:$0x18500] =	vst v63  }
0x5e: {  	s15 =	simm.s32 $0x6500  }
0x5f: {  	[tilespmem:s15], [sflag:$0x2] =	stream.indirect_vreg.gather [hbm4b:s3+s2], $0x80, v3, vm0, $0xb8;
	[tilespmem:$0x18500] =	vst v63  }
0x60: {  	s16 =	simm.s32 $0x6D00  }
0x61: {  	[tilespmem:s16], [sflag:$0x2] =	stream.indirect_vreg.gather [hbm4b:s7+s2], $0x80, v3, vm0, $0xb8;
	[tilespmem:$0x18500] =	vst v63  }
0x62: {  	s17 =	simm.s32 $0x7500  }
0x63: {  	[tilespmem:s17], [sflag:$0x2] =	stream.indirect_vreg.gather [hbm4b:s9+s2], $0x80, v3, vm0, $0xb8;
	[tilespmem:$0x18500] =	vst v63  }
0x64: {  	s18 =	simm.s32 $0x7D00  }
0x65: {  	[tilespmem:s18], [sflag:$0x2] =	stream.indirect_vreg.gather [hbm4b:s10+s2], $0x80, v3, vm0, $0xb8;
	[tilespmem:$0x18500] =	vst v63  }
0x66: {  	v3 =	vld [tilespmem:$0x210];
	_ =	sdelay $0x4  }
0x67: {  	v63 =	vshll.u32 v3, $0x3  }
0x68: {  	v3 =	vand.u32 $0x7, v3;
	v4 =	vand.u32 $0xFFFFFFC0, v63  }
0x69: {  	v3 =	vor.u32 v3, v4  }
0x6a: {  	v4 =	vperm.xlane v3, v0;
	_ =	sdelay $0x1  }
0x6b: {  	v4 =	vadd.s32 v1, v4;
	_ =	sdelay $0x3  }
0x6c: {  	s22 =	simm.s32 $0xC500  }
0x6d: {  	[tilespmem:s22], [sflag:$0x4] =	stream.indirect_vreg.gather [hbm4b:s3+s2], $0x80, v4, vm0, $0xb8;
	[tilespmem:$0x18500] =	vst v63  }
0x6e: {  	s23 =	simm.s32 $0xCD00;
	v3 =	vperm.xlane v3, v2  }
0x6f: {  	[tilespmem:s23], [sflag:$0x4] =	stream.indirect_vreg.gather [hbm4b:s7+s2], $0x80, v4, vm0, $0xb8;
	[tilespmem:$0x18500] =	vst v63  }
0x70: {  	s24 =	simm.s32 $0xD500;
	v3 =	vadd.s32 v1, v3  }
0x71: {  	[tilespmem:s24], [sflag:$0x4] =	stream.indirect_vreg.gather [hbm4b:s9+s2], $0x80, v4, vm0, $0xb8;
	[tilespmem:$0x18500] =	vst v63  }
0x72: {  	_ = 	snop  }
0x73: {  	[tilespmem:s25], [sflag:$0x4] =	stream.indirect_vreg.gather [hbm4b:s10+s2], $0x80, v4, vm0, $0xb8;
	[tilespmem:$0x18500] =	vst v63  }
0x74: {  	_ = 	snop  }
0x75: {  	[tilespmem:s26], [sflag:$0x4] =	stream.indirect_vreg.gather [hbm4b:s3+s2], $0x80, v3, vm0, $0xb8;
	[tilespmem:$0x18500] =	vst v63  }
0x76: {  	_ = 	snop  }
0x77: {  	[tilespmem:s28], [sflag:$0x4] =	stream.indirect_vreg.gather [hbm4b:s7+s2], $0x80, v3, vm0, $0xb8;
	[tilespmem:$0x18500] =	vst v63  }
0x78: {  	_ = 	snop  }
0x79: {  	[tilespmem:s29], [sflag:$0x4] =	stream.indirect_vreg.gather [hbm4b:s9+s2], $0x80, v3, vm0, $0xb8;
	[tilespmem:$0x18500] =	vst v63  }
0x7a: {  	_ = 	snop  }
0x7b: {  	[tilespmem:s30], [sflag:$0x4] =	stream.indirect_vreg.gather [hbm4b:s10+s2], $0x80, v3, vm0, $0xb8;
	[tilespmem:$0x18500] =	vst v63  }
0x7c: {  	_ =	swait.ge [sflag:s31], $0x4000  }
0x7d: {  	[sflag:s31] =	ssyncset.done $0x0  }
0x7e: {  	[sflag:s31] =	ssyncadd.s32 $0xFFFFC000  }
0x7f: {  	_ =	swait.ge [sflag:s0], $0x4000  }
0x80: {  	[sflag:s0] =	ssyncset.done $0x0  }
0x81: {  	s13 =	simm.s32 $0x0;
	[sflag:s0] =	ssyncadd.s32 $0xFFFFC000  }
.LBB2_2:
0x82: {  	v3 =	vmov s13  }
0x83: {  	s8 =	sshll.u32 s13, $0xA;
	s14 =	sshll.u32 s13, $0x7  }
0x84: {  	s15 =	simm.s32 $0x0;
	s8 =	sand.u32 $0x2000, s8;
	s14 =	sand.u32 $0x380, s14  }
0x85: {  	v4 =	vor.u32 $0x80, v3;
	s18 =	sand.u32 $0x40, s15;
	s16 =	sor.u32 s8, s14  }
0x86: {  	s22 =	sand.u32 $0x1C00, s15;
	s8 =	sor.u32 s18, s16  }
0x87: {  	s14 =	sor.u32 s22, s8;
	v3 =	vld.idx.msk [tilespmem:v3+s21+$0x0], $0xffff  }
0x88: {  	v5 =	vld [tilespmem:s14+$0x530]  }
0x89: {  	v6 =	vld [tilespmem:s14+$0x8530]  }
0x8a: {  	v4 =	vld.idx.msk [tilespmem:v4+s21+$0x0], $0xffff  }
0x8b: {  	v7 =	vld [tilespmem:s14+$0x500]  }
0x8c: {  	v9 =	vld [tilespmem:s14+$0x8500]  }
0x8d: {  	s23 =	simm.s32 $0x40;
	v10 =	vld [tilespmem:s14+$0x510]  }
0x8e: {  	s17 =	simm.s32 $0x200;
	s8 =	sand.u32 $0x40, s23;
	v11 =	vld [tilespmem:s14+$0x8510]  }
0x8f: {  	s24 =	sand.u32 $0x1C00, s17;
	s8 =	sor.u32 s8, s16;
	v12 =	vld [tilespmem:s14+$0x520];
	v8 =	vmul.f32 v5, v3;
	v6 =	vmul.f32 v6, v4  }
0x90: {  	v13 =	vld [tilespmem:s14+$0x8520];
	s15 =	sor.u32 s24, s8  }
0x91: {  	v5 =	vld [tilespmem:s15+$0x530];
	v7 =	vmul.f32 v7, v3;
	v9 =	vmul.f32 v9, v4;
	v14 =	vadd.f32 v6, v8  }
0x92: {  	v8 =	vld [tilespmem:s15+$0x8530]  }
0x93: {  	v11 =	vmul.f32 v11, v4;
	v6 =	vld [tilespmem:s15+$0x500];
	v15 =	vadd.f32 v9, v7;
	[tilespmem:s14+$0x10530] =	vst v14;
	v14 =	vmul.f32 v10, v3  }
0x94: {  	v9 =	vld [tilespmem:s15+$0x8500]  }
0x95: {  	s18 =	simm.s32 $0x4;
	s8 =	simm.s32 $0x80;
	v10 =	vmul.f32 v12, v3;
	v7 =	vld [tilespmem:s15+$0x510];
	[tilespmem:s14+$0x10500] =	vst v15;
	v12 =	vadd.f32 v11, v14;
	v11 =	vmul.f32 v13, v4  }
.LBB2_3:
0x96: {  	s22 =	sand.u32 $0x40, s8;
	v13 =	vld [tilespmem:s15+$0x8510];
	s17 =	sadd.s32 $0x200, s17  }
0x97: {  	s18 =	sadd.s32 $0x4, s18;
	v15 =	vmul.f32 v5, v3;
	s23 =	sand.u32 $0x1C00, s17;
	s22 =	sor.u32 s22, s16;
	v14 =	vld [tilespmem:s15+$0x520];
	v8 =	vmul.f32 v8, v4;
	[tilespmem:s14+$0x10510] =	vst v12;
	v10 =	vadd.f32 v11, v10  }
0x98: {  	p0 =	slt.u32 s18, $0x3C;
	s22 =	sor.u32 s23, s22;
	v11 =	vmul.f32 v6, v3;
	v16 =	vld [tilespmem:s15+$0x8520]  }
.Ltmp0:
0x99: {  	v5 =	vld [tilespmem:s22+$0x530];
	v9 =	vmul.f32 v9, v4;
	v12 =	vadd.f32 v8, v15;
	[tilespmem:s14+$0x10520] =	vst v10;
	s14 =	smov.u32 s15;
	s15 =	smov.u32 s22;
	(pc) =	sbr.rel @p0 .LBB2_3-.Ltmp0, $4  }
0x9a: {  	v8 =	vld [tilespmem:s15+$0x8530];
	v15 =	vmul.f32 v7, v3  }
0x9b: {  	v6 =	vld [tilespmem:s15+$0x500];
	v11 =	vadd.f32 v9, v11;
	v13 =	vmul.f32 v13, v4;
	[tilespmem:s14+$0x10530] =	vst v12  }
0x9c: {  	v9 =	vld [tilespmem:s15+$0x8500];
	v10 =	vmul.f32 v14, v3  }
0x9d: {  	s8 =	sadd.s32 $0x40, s8;
	v7 =	vld [tilespmem:s15+$0x510];
	[tilespmem:s14+$0x10500] =	vst v11;
	v12 =	vadd.f32 v13, v15;
	v11 =	vmul.f32 v16, v4  }
0x9e: {  	v13 =	vld [tilespmem:s15+$0x8510]  }
0x9f: {  	v14 =	vld [tilespmem:s15+$0x520];
	[tilespmem:s14+$0x10510] =	vst v12  }
0xa0: {  	v12 =	vld [tilespmem:s15+$0x8520];
	_ =	sdelay $0x1  }
0xa1: {  	v5 =	vmul.f32 v5, v3;
	v8 =	vmul.f32 v8, v4  }
0xa2: {  	s13 =	sadd.s32 $0x1, s13;
	v10 =	vadd.f32 v11, v10;
	v6 =	vmul.f32 v6, v3;
	v9 =	vmul.f32 v9, v4  }
0xa3: {  	p0 =	sne.s32 s13, $0x10;
	v5 =	vadd.f32 v8, v5;
	v7 =	vmul.f32 v7, v3;
	v61 =	vmul.f32 v13, v4  }
.Ltmp1:
0xa4: {  	[tilespmem:s14+$0x10520] =	vst v10;
	v6 =	vadd.f32 v9, v6;
	v3 =	vmul.f32 v14, v3;
	v62 =	vmul.f32 v12, v4;
	(pc) =	sbr.rel @p0 .LBB2_2-.Ltmp1, $4  }
0xa5: {  	[tilespmem:s15+$0x10530] =	vst v5;
	v63 =	vadd.f32 v61, v7  }
0xa6: {  	[tilespmem:s15+$0x10500] =	vst v6;
	v3 =	vadd.f32 v62, v3  }
0xa7: {  	[tilespmem:s15+$0x10510] =	vst v63  }
0xa8: {  	[tilespmem:s15+$0x10520] =	vst v3  }
0xa9: {  	s13 =	simm.s32 $0x0;
	s8 =	rddreg [dreg:$0x6]  }
0xaa: {  	[hbm4b:s8+s13] =	stream.linear.scatter [tilespmem:s1], [sflag:$0x5], $0x4000, $0x38;
	[tilespmem:$0x18500] =	vst v63  }
0xab: {  	v3 =	vld [tilespmem:$0x80];
	_ =	sdelay $0x4  }
0xac: {  	v4 =	vshll.u32 v3, $0x3  }
0xad: {  	v3 =	vand.u32 $0x7, v3;
	v4 =	vand.u32 $0xFFFFFFC0, v4  }
0xae: {  	v3 =	vor.u32 v3, v4  }
0xaf: {  	v4 =	vperm.xlane v3, v0;
	_ =	sdelay $0x1  }
0xb0: {  	v4 =	vadd.s32 v1, v4;
	_ =	sdelay $0x3  }
0xb1: {  	s14 =	simm.s32 $0x500  }
0xb2: {  	[tilespmem:s14], [sflag:$0x1] =	stream.indirect_vreg.gather [hbm4b:s3+s13], $0x80, v4, vm0, $0xb8;
	[tilespmem:$0x18500] =	vst v63  }
0xb3: {  	s15 =	simm.s32 $0xD00;
	v3 =	vperm.xlane v3, v2  }
0xb4: {  	[tilespmem:s15], [sflag:$0x1] =	stream.indirect_vreg.gather [hbm4b:s7+s13], $0x80, v4, vm0, $0xb8;
	[tilespmem:$0x18500] =	vst v63  }
0xb5: {  	s16 =	simm.s32 $0x1500;
	v3 =	vadd.s32 v1, v3  }
0xb6: {  	[tilespmem:s16], [sflag:$0x1] =	stream.indirect_vreg.gather [hbm4b:s9+s13], $0x80, v4, vm0, $0xb8;
	[tilespmem:$0x18500] =	vst v63  }
0xb7: {  	s17 =	simm.s32 $0x1D00  }
0xb8: {  	[tilespmem:s17], [sflag:$0x1] =	stream.indirect_vreg.gather [hbm4b:s10+s13], $0x80, v4, vm0, $0xb8;
	[tilespmem:$0x18500] =	vst v63  }
0xb9: {  	s18 =	simm.s32 $0x2500  }
0xba: {  	[tilespmem:s18], [sflag:$0x1] =	stream.indirect_vreg.gather [hbm4b:s3+s13], $0x80, v3, vm0, $0xb8;
	[tilespmem:$0x18500] =	vst v63  }
0xbb: {  	s22 =	simm.s32 $0x2D00  }
0xbc: {  	[tilespmem:s22], [sflag:$0x1] =	stream.indirect_vreg.gather [hbm4b:s7+s13], $0x80, v3, vm0, $0xb8;
	[tilespmem:$0x18500] =	vst v63  }
0xbd: {  	s23 =	simm.s32 $0x3500  }
0xbe: {  	[tilespmem:s23], [sflag:$0x1] =	stream.indirect_vreg.gather [hbm4b:s9+s13], $0x80, v3, vm0, $0xb8;
	[tilespmem:$0x18500] =	vst v63  }
0xbf: {  	s24 =	simm.s32 $0x3D00  }
0xc0: {  	[tilespmem:s24], [sflag:$0x1] =	stream.indirect_vreg.gather [hbm4b:s10+s13], $0x80, v3, vm0, $0xb8;
	[tilespmem:$0x18500] =	vst v63  }
0xc1: {  	v3 =	vld [tilespmem:$0x280];
	_ =	sdelay $0x4  }
0xc2: {  	v63 =	vshll.u32 v3, $0x3  }
0xc3: {  	v3 =	vand.u32 $0x7, v3;
	v4 =	vand.u32 $0xFFFFFFC0, v63  }
0xc4: {  	v3 =	vor.u32 v3, v4  }
0xc5: {  	v4 =	vperm.xlane v3, v0;
	_ =	sdelay $0x1  }
0xc6: {  	v4 =	vadd.s32 v1, v4;
	_ =	sdelay $0x3  }
0xc7: {  	s14 =	simm.s32 $0x8500  }
0xc8: {  	[tilespmem:s14], [sflag:$0x3] =	stream.indirect_vreg.gather [hbm4b:s3+s13], $0x80, v4, vm0, $0xb8;
	[tilespmem:$0x18500] =	vst v63  }
0xc9: {  	s15 =	simm.s32 $0x8D00;
	v3 =	vperm.xlane v3, v2  }
0xca: {  	[tilespmem:s15], [sflag:$0x3] =	stream.indirect_vreg.gather [hbm4b:s7+s13], $0x80, v4, vm0, $0xb8;
	[tilespmem:$0x18500] =	vst v63  }
0xcb: {  	s16 =	simm.s32 $0x9500;
	v3 =	vadd.s32 v1, v3  }
0xcc: {  	[tilespmem:s16], [sflag:$0x3] =	stream.indirect_vreg.gather [hbm4b:s9+s13], $0x80, v4, vm0, $0xb8;
	[tilespmem:$0x18500] =	vst v63  }
0xcd: {  	s17 =	simm.s32 $0x9D00  }
0xce: {  	[tilespmem:s17], [sflag:$0x3] =	stream.indirect_vreg.gather [hbm4b:s10+s13], $0x80, v4, vm0, $0xb8;
	[tilespmem:$0x18500] =	vst v63  }
0xcf: {  	s18 =	simm.s32 $0xA500  }
0xd0: {  	[tilespmem:s18], [sflag:$0x3] =	stream.indirect_vreg.gather [hbm4b:s3+s13], $0x80, v3, vm0, $0xb8;
	[tilespmem:$0x18500] =	vst v63  }
0xd1: {  	s22 =	simm.s32 $0xAD00  }
0xd2: {  	[tilespmem:s22], [sflag:$0x3] =	stream.indirect_vreg.gather [hbm4b:s7+s13], $0x80, v3, vm0, $0xb8;
	[tilespmem:$0x18500] =	vst v63  }
0xd3: {  	s23 =	simm.s32 $0xB500  }
0xd4: {  	[tilespmem:s23], [sflag:$0x3] =	stream.indirect_vreg.gather [hbm4b:s9+s13], $0x80, v3, vm0, $0xb8;
	[tilespmem:$0x18500] =	vst v63  }
0xd5: {  	s24 =	simm.s32 $0xBD00  }
0xd6: {  	[tilespmem:s24], [sflag:$0x3] =	stream.indirect_vreg.gather [hbm4b:s10+s13], $0x80, v3, vm0, $0xb8;
	[tilespmem:$0x18500] =	vst v63  }
0xd7: {  	_ =	swait.ge [sflag:s20], $0x4000  }
0xd8: {  	[sflag:s20] =	ssyncset.done $0x0  }
0xd9: {  	[sflag:s20] =	ssyncadd.s32 $0xFFFFC000  }
0xda: {  	_ =	swait.ge [sflag:s4], $0x4000  }
0xdb: {  	[sflag:s4] =	ssyncset.done $0x0  }
0xdc: {  	s14 =	simm.s32 $0x0;
	[sflag:s4] =	ssyncadd.s32 $0xFFFFC000  }
.LBB2_6:
0xdd: {  	s8 =	sor.u32 $0x10, s14;
	s18 =	sshll.u32 s14, $0xA;
	s15 =	sshll.u32 s14, $0x7  }
0xde: {  	v3 =	vmov s8;
	s8 =	sand.u32 $0x2000, s18;
	s15 =	sand.u32 $0x380, s15  }
0xdf: {  	s22 =	sand.u32 $0x40, s13;
	s17 =	sor.u32 s15, s8  }
0xe0: {  	s23 =	sand.u32 $0x1C00, s13;
	v4 =	vor.u32 $0x80, v3;
	s8 =	sor.u32 s22, s17  }
0xe1: {  	s15 =	sor.u32 s23, s8  }
0xe2: {  	v5 =	vld [tilespmem:s15+$0x4530]  }
0xe3: {  	v6 =	vld [tilespmem:s15+$0xC530]  }
0xe4: {  	v3 =	vld.idx.msk [tilespmem:v3+s21+$0x0], $0xffff  }
0xe5: {  	v4 =	vld.idx.msk [tilespmem:v4+s21+$0x0], $0xffff  }
0xe6: {  	v7 =	vld [tilespmem:s15+$0x4500]  }
0xe7: {  	v9 =	vld [tilespmem:s15+$0xC500]  }
0xe8: {  	s24 =	simm.s32 $0x40;
	v10 =	vld [tilespmem:s15+$0x4510]  }
0xe9: {  	s18 =	simm.s32 $0x200;
	s8 =	sand.u32 $0x40, s24;
	v11 =	vld [tilespmem:s15+$0xC510]  }
0xea: {  	s16 =	sand.u32 $0x1C00, s18;
	s8 =	sor.u32 s8, s17;
	v12 =	vld [tilespmem:s15+$0x4520];
	v8 =	vmul.f32 v5, v3;
	v6 =	vmul.f32 v6, v4  }
0xeb: {  	v13 =	vld [tilespmem:s15+$0xC520];
	s16 =	sor.u32 s16, s8  }
0xec: {  	v5 =	vld [tilespmem:s16+$0x4530];
	v7 =	vmul.f32 v7, v3;
	v9 =	vmul.f32 v9, v4;
	v14 =	vadd.f32 v6, v8  }
0xed: {  	v8 =	vld [tilespmem:s16+$0xC530]  }
0xee: {  	v11 =	vmul.f32 v11, v4;
	v6 =	vld [tilespmem:s16+$0x4500];
	v15 =	vadd.f32 v9, v7;
	[tilespmem:s15+$0x14530] =	vst v14;
	v14 =	vmul.f32 v10, v3  }
0xef: {  	v9 =	vld [tilespmem:s16+$0xC500]  }
0xf0: {  	s22 =	simm.s32 $0x80;
	s8 =	simm.s32 $0x4;
	v10 =	vmul.f32 v12, v3;
	v7 =	vld [tilespmem:s16+$0x4510];
	[tilespmem:s15+$0x14500] =	vst v15;
	v12 =	vadd.f32 v11, v14;
	v11 =	vmul.f32 v13, v4  }
.LBB2_7:
0xf1: {  	s23 =	sand.u32 $0x40, s22;
	v13 =	vld [tilespmem:s16+$0xC510];
	s18 =	sadd.s32 $0x200, s18  }
0xf2: {  	s8 =	sadd.s32 $0x4, s8;
	v15 =	vmul.f32 v5, v3;
	s24 =	sand.u32 $0x1C00, s18;
	s23 =	sor.u32 s23, s17;
	v14 =	vld [tilespmem:s16+$0x4520];
	v8 =	vmul.f32 v8, v4;
	[tilespmem:s15+$0x14510] =	vst v12;
	v10 =	vadd.f32 v11, v10  }
0xf3: {  	p0 =	slt.u32 s8, $0x3C;
	s23 =	sor.u32 s24, s23;
	v11 =	vmul.f32 v6, v3;
	v16 =	vld [tilespmem:s16+$0xC520]  }
.Ltmp2:
0xf4: {  	v5 =	vld [tilespmem:s23+$0x4530];
	v9 =	vmul.f32 v9, v4;
	v12 =	vadd.f32 v8, v15;
	[tilespmem:s15+$0x14520] =	vst v10;
	s15 =	smov.u32 s16;
	s16 =	smov.u32 s23;
	(pc) =	sbr.rel @p0 .LBB2_7-.Ltmp2, $4  }
0xf5: {  	v8 =	vld [tilespmem:s16+$0xC530];
	v15 =	vmul.f32 v7, v3  }
0xf6: {  	v6 =	vld [tilespmem:s16+$0x4500];
	v11 =	vadd.f32 v9, v11;
	v13 =	vmul.f32 v13, v4;
	[tilespmem:s15+$0x14530] =	vst v12  }
0xf7: {  	v9 =	vld [tilespmem:s16+$0xC500];
	v10 =	vmul.f32 v14, v3  }
0xf8: {  	s22 =	sadd.s32 $0x40, s22;
	v7 =	vld [tilespmem:s16+$0x4510];
	[tilespmem:s15+$0x14500] =	vst v11;
	v12 =	vadd.f32 v13, v15;
	v11 =	vmul.f32 v16, v4  }
0xf9: {  	v13 =	vld [tilespmem:s16+$0xC510]  }
0xfa: {  	v14 =	vld [tilespmem:s16+$0x4520];
	[tilespmem:s15+$0x14510] =	vst v12  }
0xfb: {  	v12 =	vld [tilespmem:s16+$0xC520];
	_ =	sdelay $0x1  }
0xfc: {  	v5 =	vmul.f32 v5, v3;
	v8 =	vmul.f32 v8, v4  }
0xfd: {  	s14 =	sadd.s32 $0x1, s14;
	v10 =	vadd.f32 v11, v10;
	v6 =	vmul.f32 v6, v3;
	v9 =	vmul.f32 v9, v4  }
0xfe: {  	p0 =	sne.s32 s14, $0x10;
	v5 =	vadd.f32 v8, v5;
	v7 =	vmul.f32 v7, v3;
	v61 =	vmul.f32 v13, v4  }
.Ltmp3:
0xff: {  	[tilespmem:s15+$0x14520] =	vst v10;
	v6 =	vadd.f32 v9, v6;
	v3 =	vmul.f32 v14, v3;
	v62 =	vmul.f32 v12, v4;
	(pc) =	sbr.rel @p0 .LBB2_6-.Ltmp3, $4  }
0x100: {  	[tilespmem:s16+$0x14530] =	vst v5;
	v63 =	vadd.f32 v61, v7  }
0x101: {  	[tilespmem:s16+$0x14500] =	vst v6;
	v3 =	vadd.f32 v62, v3  }
0x102: {  	[tilespmem:s16+$0x14510] =	vst v63  }
0x103: {  	[tilespmem:s16+$0x14520] =	vst v3  }
0x104: {  	s13 =	simm.s32 $0x0;
	s8 =	rddreg [dreg:$0x7]  }
0x105: {  	[hbm4b:s8+s13] =	stream.linear.scatter [tilespmem:s5], [sflag:$0x6], $0x4000, $0x38;
	[tilespmem:$0x18500] =	vst v63  }
0x106: {  	v3 =	vld [tilespmem:$0x90];
	_ =	sdelay $0x4  }
0x107: {  	v4 =	vshll.u32 v3, $0x3  }
0x108: {  	v3 =	vand.u32 $0x7, v3;
	v4 =	vand.u32 $0xFFFFFFC0, v4  }
0x109: {  	v3 =	vor.u32 v3, v4  }
0x10a: {  	v4 =	vperm.xlane v3, v0;
	_ =	sdelay $0x1  }
0x10b: {  	v4 =	vadd.s32 v1, v4;
	_ =	sdelay $0x3  }
0x10c: {  	s22 =	simm.s32 $0x4500  }
0x10d: {  	[tilespmem:s22], [sflag:$0x2] =	stream.indirect_vreg.gather [hbm4b:s3+s13], $0x80, v4, vm0, $0xb8;
	[tilespmem:$0x18500] =	vst v63  }
0x10e: {  	s23 =	simm.s32 $0x4D00;
	v3 =	vperm.xlane v3, v2  }
0x10f: {  	[tilespmem:s23], [sflag:$0x2] =	stream.indirect_vreg.gather [hbm4b:s7+s13], $0x80, v4, vm0, $0xb8;
	[tilespmem:$0x18500] =	vst v63  }
0x110: {  	s24 =	simm.s32 $0x5500;
	v3 =	vadd.s32 v1, v3  }
0x111: {  	[tilespmem:s24], [sflag:$0x2] =	stream.indirect_vreg.gather [hbm4b:s9+s13], $0x80, v4, vm0, $0xb8;
	[tilespmem:$0x18500] =	vst v63  }
0x112: {  	s14 =	simm.s32 $0x5D00  }
0x113: {  	[tilespmem:s14], [sflag:$0x2] =	stream.indirect_vreg.gather [hbm4b:s10+s13], $0x80, v4, vm0, $0xb8;
	[tilespmem:$0x18500] =	vst v63  }
0x114: {  	s15 =	simm.s32 $0x6500  }
0x115: {  	[tilespmem:s15], [sflag:$0x2] =	stream.indirect_vreg.gather [hbm4b:s3+s13], $0x80, v3, vm0, $0xb8;
	[tilespmem:$0x18500] =	vst v63  }
0x116: {  	s16 =	simm.s32 $0x6D00  }
0x117: {  	[tilespmem:s16], [sflag:$0x2] =	stream.indirect_vreg.gather [hbm4b:s7+s13], $0x80, v3, vm0, $0xb8;
	[tilespmem:$0x18500] =	vst v63  }
0x118: {  	s17 =	simm.s32 $0x7500  }
0x119: {  	[tilespmem:s17], [sflag:$0x2] =	stream.indirect_vreg.gather [hbm4b:s9+s13], $0x80, v3, vm0, $0xb8;
	[tilespmem:$0x18500] =	vst v63  }
0x11a: {  	s18 =	simm.s32 $0x7D00  }
0x11b: {  	[tilespmem:s18], [sflag:$0x2] =	stream.indirect_vreg.gather [hbm4b:s10+s13], $0x80, v3, vm0, $0xb8;
	[tilespmem:$0x18500] =	vst v63  }
0x11c: {  	v3 =	vld [tilespmem:$0x290];
	_ =	sdelay $0x4  }
0x11d: {  	v63 =	vshll.u32 v3, $0x3  }
0x11e: {  	v3 =	vand.u32 $0x7, v3;
	v4 =	vand.u32 $0xFFFFFFC0, v63  }
0x11f: {  	v3 =	vor.u32 v3, v4  }
0x120: {  	v4 =	vperm.xlane v3, v0;
	_ =	sdelay $0x1  }
0x121: {  	v4 =	vadd.s32 v1, v4;
	_ =	sdelay $0x3  }
0x122: {  	s22 =	simm.s32 $0xC500  }
0x123: {  	[tilespmem:s22], [sflag:$0x4] =	stream.indirect_vreg.gather [hbm4b:s3+s13], $0x80, v4, vm0, $0xb8;
	[tilespmem:$0x18500] =	vst v63  }
0x124: {  	s23 =	simm.s32 $0xCD00;
	v3 =	vperm.xlane v3, v2  }
0x125: {  	[tilespmem:s23], [sflag:$0x4] =	stream.indirect_vreg.gather [hbm4b:s7+s13], $0x80, v4, vm0, $0xb8;
	[tilespmem:$0x18500] =	vst v63  }
0x126: {  	s24 =	simm.s32 $0xD500;
	v3 =	vadd.s32 v1, v3  }
0x127: {  	[tilespmem:s24], [sflag:$0x4] =	stream.indirect_vreg.gather [hbm4b:s9+s13], $0x80, v4, vm0, $0xb8;
	[tilespmem:$0x18500] =	vst v63  }
0x128: {  	_ = 	snop  }
0x129: {  	[tilespmem:s25], [sflag:$0x4] =	stream.indirect_vreg.gather [hbm4b:s10+s13], $0x80, v4, vm0, $0xb8;
	[tilespmem:$0x18500] =	vst v63  }
0x12a: {  	_ = 	snop  }
0x12b: {  	[tilespmem:s26], [sflag:$0x4] =	stream.indirect_vreg.gather [hbm4b:s3+s13], $0x80, v3, vm0, $0xb8;
	[tilespmem:$0x18500] =	vst v63  }
0x12c: {  	_ = 	snop  }
0x12d: {  	[tilespmem:s28], [sflag:$0x4] =	stream.indirect_vreg.gather [hbm4b:s7+s13], $0x80, v3, vm0, $0xb8;
	[tilespmem:$0x18500] =	vst v63  }
0x12e: {  	_ = 	snop  }
0x12f: {  	[tilespmem:s29], [sflag:$0x4] =	stream.indirect_vreg.gather [hbm4b:s9+s13], $0x80, v3, vm0, $0xb8;
	[tilespmem:$0x18500] =	vst v63  }
0x130: {  	_ = 	snop  }
0x131: {  	[tilespmem:s30], [sflag:$0x4] =	stream.indirect_vreg.gather [hbm4b:s10+s13], $0x80, v3, vm0, $0xb8;
	[tilespmem:$0x18500] =	vst v63  }
0x132: {  	_ =	swait.ge [sflag:s31], $0x4000  }
0x133: {  	[sflag:s31] =	ssyncset.done $0x0  }
0x134: {  	[sflag:s31] =	ssyncadd.s32 $0xFFFFC000  }
0x135: {  	_ =	swait.ge [sflag:s0], $0x4000  }
0x136: {  	[sflag:s0] =	ssyncset.done $0x0  }
0x137: {  	[sflag:s0] =	ssyncadd.s32 $0xFFFFC000  }
0x138: {  	_ =	swait.ge [sflag:s6], $0x4000  }
0x139: {  	[sflag:s6] =	ssyncset.done $0x0  }
0x13a: {  	s14 =	simm.s32 $0x0;
	[sflag:s6] =	ssyncadd.s32 $0xFFFFC000  }
.LBB2_10:
0x13b: {  	s8 =	sor.u32 $0x20, s14;
	s18 =	sshll.u32 s14, $0xA;
	s15 =	sshll.u32 s14, $0x7  }
0x13c: {  	v3 =	vmov s8;
	s8 =	sand.u32 $0x2000, s18;
	s15 =	sand.u32 $0x380, s15  }
0x13d: {  	s22 =	sand.u32 $0x40, s13;
	s17 =	sor.u32 s8, s15  }
0x13e: {  	s23 =	sand.u32 $0x1C00, s13;
	v4 =	vor.u32 $0x80, v3;
	s8 =	sor.u32 s22, s17  }
0x13f: {  	s15 =	sor.u32 s23, s8  }
0x140: {  	v5 =	vld [tilespmem:s15+$0x530]  }
0x141: {  	v6 =	vld [tilespmem:s15+$0x8530]  }
0x142: {  	v3 =	vld.idx.msk [tilespmem:v3+s21+$0x0], $0xffff  }
0x143: {  	v4 =	vld.idx.msk [tilespmem:v4+s21+$0x0], $0xffff  }
0x144: {  	v7 =	vld [tilespmem:s15+$0x500]  }
0x145: {  	v9 =	vld [tilespmem:s15+$0x8500]  }
0x146: {  	s24 =	simm.s32 $0x40;
	v10 =	vld [tilespmem:s15+$0x510]  }
0x147: {  	s18 =	simm.s32 $0x200;
	s8 =	sand.u32 $0x40, s24;
	v11 =	vld [tilespmem:s15+$0x8510]  }
0x148: {  	s16 =	sand.u32 $0x1C00, s18;
	s8 =	sor.u32 s8, s17;
	v12 =	vld [tilespmem:s15+$0x520];
	v8 =	vmul.f32 v5, v3;
	v6 =	vmul.f32 v6, v4  }
0x149: {  	v13 =	vld [tilespmem:s15+$0x8520];
	s16 =	sor.u32 s16, s8  }
0x14a: {  	v5 =	vld [tilespmem:s16+$0x530];
	v7 =	vmul.f32 v7, v3;
	v9 =	vmul.f32 v9, v4;
	v14 =	vadd.f32 v6, v8  }
0x14b: {  	v8 =	vld [tilespmem:s16+$0x8530]  }
0x14c: {  	v11 =	vmul.f32 v11, v4;
	v6 =	vld [tilespmem:s16+$0x500];
	v15 =	vadd.f32 v9, v7;
	[tilespmem:s15+$0x10530] =	vst v14;
	v14 =	vmul.f32 v10, v3  }
0x14d: {  	v9 =	vld [tilespmem:s16+$0x8500]  }
0x14e: {  	s22 =	simm.s32 $0x80;
	s8 =	simm.s32 $0x4;
	v10 =	vmul.f32 v12, v3;
	v7 =	vld [tilespmem:s16+$0x510];
	[tilespmem:s15+$0x10500] =	vst v15;
	v12 =	vadd.f32 v11, v14;
	v11 =	vmul.f32 v13, v4  }
.LBB2_11:
0x14f: {  	s23 =	sand.u32 $0x40, s22;
	v13 =	vld [tilespmem:s16+$0x8510];
	s18 =	sadd.s32 $0x200, s18  }
0x150: {  	s8 =	sadd.s32 $0x4, s8;
	v15 =	vmul.f32 v5, v3;
	s24 =	sand.u32 $0x1C00, s18;
	s23 =	sor.u32 s23, s17;
	v14 =	vld [tilespmem:s16+$0x520];
	v8 =	vmul.f32 v8, v4;
	[tilespmem:s15+$0x10510] =	vst v12;
	v10 =	vadd.f32 v11, v10  }
0x151: {  	p0 =	slt.u32 s8, $0x3C;
	s23 =	sor.u32 s24, s23;
	v11 =	vmul.f32 v6, v3;
	v16 =	vld [tilespmem:s16+$0x8520]  }
.Ltmp4:
0x152: {  	v5 =	vld [tilespmem:s23+$0x530];
	v9 =	vmul.f32 v9, v4;
	v12 =	vadd.f32 v8, v15;
	[tilespmem:s15+$0x10520] =	vst v10;
	s15 =	smov.u32 s16;
	s16 =	smov.u32 s23;
	(pc) =	sbr.rel @p0 .LBB2_11-.Ltmp4, $4  }
0x153: {  	v8 =	vld [tilespmem:s16+$0x8530];
	v15 =	vmul.f32 v7, v3  }
0x154: {  	v6 =	vld [tilespmem:s16+$0x500];
	v11 =	vadd.f32 v9, v11;
	v13 =	vmul.f32 v13, v4;
	[tilespmem:s15+$0x10530] =	vst v12  }
0x155: {  	v9 =	vld [tilespmem:s16+$0x8500];
	v10 =	vmul.f32 v14, v3  }
0x156: {  	s22 =	sadd.s32 $0x40, s22;
	v7 =	vld [tilespmem:s16+$0x510];
	[tilespmem:s15+$0x10500] =	vst v11;
	v12 =	vadd.f32 v13, v15;
	v11 =	vmul.f32 v16, v4  }
0x157: {  	v13 =	vld [tilespmem:s16+$0x8510]  }
0x158: {  	v14 =	vld [tilespmem:s16+$0x520];
	[tilespmem:s15+$0x10510] =	vst v12  }
0x159: {  	v12 =	vld [tilespmem:s16+$0x8520];
	_ =	sdelay $0x1  }
0x15a: {  	v5 =	vmul.f32 v5, v3;
	v8 =	vmul.f32 v8, v4  }
0x15b: {  	s14 =	sadd.s32 $0x1, s14;
	v10 =	vadd.f32 v11, v10;
	v6 =	vmul.f32 v6, v3;
	v9 =	vmul.f32 v9, v4  }
0x15c: {  	p0 =	sne.s32 s14, $0x10;
	v5 =	vadd.f32 v8, v5;
	v7 =	vmul.f32 v7, v3;
	v61 =	vmul.f32 v13, v4  }
.Ltmp5:
0x15d: {  	[tilespmem:s15+$0x10520] =	vst v10;
	v6 =	vadd.f32 v9, v6;
	v3 =	vmul.f32 v14, v3;
	v62 =	vmul.f32 v12, v4;
	(pc) =	sbr.rel @p0 .LBB2_10-.Ltmp5, $4  }
0x15e: {  	[tilespmem:s16+$0x10530] =	vst v5;
	v63 =	vadd.f32 v61, v7  }
0x15f: {  	[tilespmem:s16+$0x10500] =	vst v6;
	v3 =	vadd.f32 v62, v3  }
0x160: {  	[tilespmem:s16+$0x10510] =	vst v63  }
0x161: {  	[tilespmem:s16+$0x10520] =	vst v3  }
0x162: {  	s13 =	simm.s32 $0x0;
	s8 =	rddreg [dreg:$0x8]  }
0x163: {  	[hbm4b:s8+s13] =	stream.linear.scatter [tilespmem:s1], [sflag:$0x5], $0x4000, $0x38;
	[tilespmem:$0x18500] =	vst v63  }
0x164: {  	v3 =	vld [tilespmem:$0x100];
	_ =	sdelay $0x4  }
0x165: {  	v4 =	vshll.u32 v3, $0x3  }
0x166: {  	v3 =	vand.u32 $0x7, v3;
	v4 =	vand.u32 $0xFFFFFFC0, v4  }
0x167: {  	v3 =	vor.u32 v3, v4  }
0x168: {  	v4 =	vperm.xlane v3, v0;
	_ =	sdelay $0x1  }
0x169: {  	v4 =	vadd.s32 v1, v4;
	_ =	sdelay $0x3  }
0x16a: {  	s14 =	simm.s32 $0x500  }
0x16b: {  	[tilespmem:s14], [sflag:$0x1] =	stream.indirect_vreg.gather [hbm4b:s3+s13], $0x80, v4, vm0, $0xb8;
	[tilespmem:$0x18500] =	vst v63  }
0x16c: {  	s15 =	simm.s32 $0xD00;
	v3 =	vperm.xlane v3, v2  }
0x16d: {  	[tilespmem:s15], [sflag:$0x1] =	stream.indirect_vreg.gather [hbm4b:s7+s13], $0x80, v4, vm0, $0xb8;
	[tilespmem:$0x18500] =	vst v63  }
0x16e: {  	s16 =	simm.s32 $0x1500;
	v3 =	vadd.s32 v1, v3  }
0x16f: {  	[tilespmem:s16], [sflag:$0x1] =	stream.indirect_vreg.gather [hbm4b:s9+s13], $0x80, v4, vm0, $0xb8;
	[tilespmem:$0x18500] =	vst v63  }
0x170: {  	s17 =	simm.s32 $0x1D00  }
0x171: {  	[tilespmem:s17], [sflag:$0x1] =	stream.indirect_vreg.gather [hbm4b:s10+s13], $0x80, v4, vm0, $0xb8;
	[tilespmem:$0x18500] =	vst v63  }
0x172: {  	s18 =	simm.s32 $0x2500  }
0x173: {  	[tilespmem:s18], [sflag:$0x1] =	stream.indirect_vreg.gather [hbm4b:s3+s13], $0x80, v3, vm0, $0xb8;
	[tilespmem:$0x18500] =	vst v63  }
0x174: {  	s22 =	simm.s32 $0x2D00  }
0x175: {  	[tilespmem:s22], [sflag:$0x1] =	stream.indirect_vreg.gather [hbm4b:s7+s13], $0x80, v3, vm0, $0xb8;
	[tilespmem:$0x18500] =	vst v63  }
0x176: {  	s23 =	simm.s32 $0x3500  }
0x177: {  	[tilespmem:s23], [sflag:$0x1] =	stream.indirect_vreg.gather [hbm4b:s9+s13], $0x80, v3, vm0, $0xb8;
	[tilespmem:$0x18500] =	vst v63  }
0x178: {  	s24 =	simm.s32 $0x3D00  }
0x179: {  	[tilespmem:s24], [sflag:$0x1] =	stream.indirect_vreg.gather [hbm4b:s10+s13], $0x80, v3, vm0, $0xb8;
	[tilespmem:$0x18500] =	vst v63  }
0x17a: {  	v3 =	vld [tilespmem:$0x300];
	_ =	sdelay $0x4  }
0x17b: {  	v63 =	vshll.u32 v3, $0x3  }
0x17c: {  	v3 =	vand.u32 $0x7, v3;
	v4 =	vand.u32 $0xFFFFFFC0, v63  }
0x17d: {  	v3 =	vor.u32 v3, v4  }
0x17e: {  	v4 =	vperm.xlane v3, v0;
	_ =	sdelay $0x1  }
0x17f: {  	v4 =	vadd.s32 v1, v4;
	_ =	sdelay $0x3  }
0x180: {  	s14 =	simm.s32 $0x8500  }
0x181: {  	[tilespmem:s14], [sflag:$0x3] =	stream.indirect_vreg.gather [hbm4b:s3+s13], $0x80, v4, vm0, $0xb8;
	[tilespmem:$0x18500] =	vst v63  }
0x182: {  	s15 =	simm.s32 $0x8D00;
	v3 =	vperm.xlane v3, v2  }
0x183: {  	[tilespmem:s15], [sflag:$0x3] =	stream.indirect_vreg.gather [hbm4b:s7+s13], $0x80, v4, vm0, $0xb8;
	[tilespmem:$0x18500] =	vst v63  }
0x184: {  	s16 =	simm.s32 $0x9500;
	v3 =	vadd.s32 v1, v3  }
0x185: {  	[tilespmem:s16], [sflag:$0x3] =	stream.indirect_vreg.gather [hbm4b:s9+s13], $0x80, v4, vm0, $0xb8;
	[tilespmem:$0x18500] =	vst v63  }
0x186: {  	s17 =	simm.s32 $0x9D00  }
0x187: {  	[tilespmem:s17], [sflag:$0x3] =	stream.indirect_vreg.gather [hbm4b:s10+s13], $0x80, v4, vm0, $0xb8;
	[tilespmem:$0x18500] =	vst v63  }
0x188: {  	s18 =	simm.s32 $0xA500  }
0x189: {  	[tilespmem:s18], [sflag:$0x3] =	stream.indirect_vreg.gather [hbm4b:s3+s13], $0x80, v3, vm0, $0xb8;
	[tilespmem:$0x18500] =	vst v63  }
0x18a: {  	s22 =	simm.s32 $0xAD00  }
0x18b: {  	[tilespmem:s22], [sflag:$0x3] =	stream.indirect_vreg.gather [hbm4b:s7+s13], $0x80, v3, vm0, $0xb8;
	[tilespmem:$0x18500] =	vst v63  }
0x18c: {  	s23 =	simm.s32 $0xB500  }
0x18d: {  	[tilespmem:s23], [sflag:$0x3] =	stream.indirect_vreg.gather [hbm4b:s9+s13], $0x80, v3, vm0, $0xb8;
	[tilespmem:$0x18500] =	vst v63  }
0x18e: {  	s24 =	simm.s32 $0xBD00  }
0x18f: {  	[tilespmem:s24], [sflag:$0x3] =	stream.indirect_vreg.gather [hbm4b:s10+s13], $0x80, v3, vm0, $0xb8;
	[tilespmem:$0x18500] =	vst v63  }
0x190: {  	_ =	swait.ge [sflag:s20], $0x4000  }
0x191: {  	[sflag:s20] =	ssyncset.done $0x0  }
0x192: {  	[sflag:s20] =	ssyncadd.s32 $0xFFFFC000  }
0x193: {  	_ =	swait.ge [sflag:s4], $0x4000  }
0x194: {  	[sflag:s4] =	ssyncset.done $0x0  }
0x195: {  	[sflag:s4] =	ssyncadd.s32 $0xFFFFC000  }
0x196: {  	_ =	swait.ge [sflag:s11], $0x4000  }
0x197: {  	[sflag:s11] =	ssyncset.done $0x0  }
0x198: {  	s14 =	simm.s32 $0x0;
	[sflag:s11] =	ssyncadd.s32 $0xFFFFC000  }
.LBB2_14:
0x199: {  	s8 =	sor.u32 $0x30, s14;
	s18 =	sshll.u32 s14, $0xA;
	s15 =	sshll.u32 s14, $0x7  }
0x19a: {  	v3 =	vmov s8;
	s8 =	sand.u32 $0x2000, s18;
	s15 =	sand.u32 $0x380, s15  }
0x19b: {  	s22 =	sand.u32 $0x40, s13;
	s17 =	sor.u32 s15, s8  }
0x19c: {  	s23 =	sand.u32 $0x1C00, s13;
	v4 =	vor.u32 $0x80, v3;
	s8 =	sor.u32 s22, s17  }
0x19d: {  	s15 =	sor.u32 s23, s8  }
0x19e: {  	v5 =	vld [tilespmem:s15+$0x4530]  }
0x19f: {  	v6 =	vld [tilespmem:s15+$0xC530]  }
0x1a0: {  	v3 =	vld.idx.msk [tilespmem:v3+s21+$0x0], $0xffff  }
0x1a1: {  	v4 =	vld.idx.msk [tilespmem:v4+s21+$0x0], $0xffff  }
0x1a2: {  	v7 =	vld [tilespmem:s15+$0x4500]  }
0x1a3: {  	v9 =	vld [tilespmem:s15+$0xC500]  }
0x1a4: {  	s24 =	simm.s32 $0x40;
	v10 =	vld [tilespmem:s15+$0x4510]  }
0x1a5: {  	s18 =	simm.s32 $0x200;
	s8 =	sand.u32 $0x40, s24;
	v11 =	vld [tilespmem:s15+$0xC510]  }
0x1a6: {  	s16 =	sand.u32 $0x1C00, s18;
	s8 =	sor.u32 s8, s17;
	v12 =	vld [tilespmem:s15+$0x4520];
	v8 =	vmul.f32 v5, v3;
	v6 =	vmul.f32 v6, v4  }
0x1a7: {  	v13 =	vld [tilespmem:s15+$0xC520];
	s16 =	sor.u32 s16, s8  }
0x1a8: {  	v5 =	vld [tilespmem:s16+$0x4530];
	v7 =	vmul.f32 v7, v3;
	v9 =	vmul.f32 v9, v4;
	v14 =	vadd.f32 v6, v8  }
0x1a9: {  	v8 =	vld [tilespmem:s16+$0xC530]  }
0x1aa: {  	v11 =	vmul.f32 v11, v4;
	v6 =	vld [tilespmem:s16+$0x4500];
	v15 =	vadd.f32 v9, v7;
	[tilespmem:s15+$0x14530] =	vst v14;
	v14 =	vmul.f32 v10, v3  }
0x1ab: {  	v9 =	vld [tilespmem:s16+$0xC500]  }
0x1ac: {  	s22 =	simm.s32 $0x80;
	s8 =	simm.s32 $0x4;
	v10 =	vmul.f32 v12, v3;
	v7 =	vld [tilespmem:s16+$0x4510];
	[tilespmem:s15+$0x14500] =	vst v15;
	v12 =	vadd.f32 v11, v14;
	v11 =	vmul.f32 v13, v4  }
.LBB2_15:
0x1ad: {  	s23 =	sand.u32 $0x40, s22;
	v13 =	vld [tilespmem:s16+$0xC510];
	s18 =	sadd.s32 $0x200, s18  }
0x1ae: {  	s8 =	sadd.s32 $0x4, s8;
	v15 =	vmul.f32 v5, v3;
	s24 =	sand.u32 $0x1C00, s18;
	s23 =	sor.u32 s23, s17;
	v14 =	vld [tilespmem:s16+$0x4520];
	v8 =	vmul.f32 v8, v4;
	[tilespmem:s15+$0x14510] =	vst v12;
	v10 =	vadd.f32 v11, v10  }
0x1af: {  	p0 =	slt.u32 s8, $0x3C;
	s23 =	sor.u32 s24, s23;
	v11 =	vmul.f32 v6, v3;
	v16 =	vld [tilespmem:s16+$0xC520]  }
.Ltmp6:
0x1b0: {  	v5 =	vld [tilespmem:s23+$0x4530];
	v9 =	vmul.f32 v9, v4;
	v12 =	vadd.f32 v8, v15;
	[tilespmem:s15+$0x14520] =	vst v10;
	s15 =	smov.u32 s16;
	s16 =	smov.u32 s23;
	(pc) =	sbr.rel @p0 .LBB2_15-.Ltmp6, $4  }
0x1b1: {  	v8 =	vld [tilespmem:s16+$0xC530];
	v15 =	vmul.f32 v7, v3  }
0x1b2: {  	v6 =	vld [tilespmem:s16+$0x4500];
	v11 =	vadd.f32 v9, v11;
	v13 =	vmul.f32 v13, v4;
	[tilespmem:s15+$0x14530] =	vst v12  }
0x1b3: {  	v9 =	vld [tilespmem:s16+$0xC500];
	v10 =	vmul.f32 v14, v3  }
0x1b4: {  	s22 =	sadd.s32 $0x40, s22;
	v7 =	vld [tilespmem:s16+$0x4510];
	[tilespmem:s15+$0x14500] =	vst v11;
	v12 =	vadd.f32 v13, v15;
	v11 =	vmul.f32 v16, v4  }
0x1b5: {  	v13 =	vld [tilespmem:s16+$0xC510]  }
0x1b6: {  	v14 =	vld [tilespmem:s16+$0x4520];
	[tilespmem:s15+$0x14510] =	vst v12  }
0x1b7: {  	v12 =	vld [tilespmem:s16+$0xC520];
	_ =	sdelay $0x1  }
0x1b8: {  	v5 =	vmul.f32 v5, v3;
	v8 =	vmul.f32 v8, v4  }
0x1b9: {  	s14 =	sadd.s32 $0x1, s14;
	v10 =	vadd.f32 v11, v10;
	v6 =	vmul.f32 v6, v3;
	v9 =	vmul.f32 v9, v4  }
0x1ba: {  	p0 =	sne.s32 s14, $0x10;
	v5 =	vadd.f32 v8, v5;
	v7 =	vmul.f32 v7, v3;
	v61 =	vmul.f32 v13, v4  }
.Ltmp7:
0x1bb: {  	[tilespmem:s15+$0x14520] =	vst v10;
	v6 =	vadd.f32 v9, v6;
	v3 =	vmul.f32 v14, v3;
	v62 =	vmul.f32 v12, v4;
	(pc) =	sbr.rel @p0 .LBB2_14-.Ltmp7, $4  }
0x1bc: {  	[tilespmem:s16+$0x14530] =	vst v5;
	v63 =	vadd.f32 v61, v7  }
0x1bd: {  	[tilespmem:s16+$0x14500] =	vst v6;
	v3 =	vadd.f32 v62, v3  }
0x1be: {  	[tilespmem:s16+$0x14510] =	vst v63  }
0x1bf: {  	[tilespmem:s16+$0x14520] =	vst v3  }
0x1c0: {  	s13 =	simm.s32 $0x0;
	s8 =	rddreg [dreg:$0x9]  }
0x1c1: {  	[hbm4b:s8+s13] =	stream.linear.scatter [tilespmem:s5], [sflag:$0x6], $0x4000, $0x38;
	[tilespmem:$0x18500] =	vst v63  }
0x1c2: {  	v3 =	vld [tilespmem:$0x110];
	_ =	sdelay $0x4  }
0x1c3: {  	v4 =	vshll.u32 v3, $0x3  }
0x1c4: {  	v3 =	vand.u32 $0x7, v3;
	v4 =	vand.u32 $0xFFFFFFC0, v4  }
0x1c5: {  	v3 =	vor.u32 v3, v4  }
0x1c6: {  	v4 =	vperm.xlane v3, v0;
	_ =	sdelay $0x1  }
0x1c7: {  	v4 =	vadd.s32 v1, v4;
	_ =	sdelay $0x3  }
0x1c8: {  	s22 =	simm.s32 $0x4500  }
0x1c9: {  	[tilespmem:s22], [sflag:$0x2] =	stream.indirect_vreg.gather [hbm4b:s3+s13], $0x80, v4, vm0, $0xb8;
	[tilespmem:$0x18500] =	vst v63  }
0x1ca: {  	s23 =	simm.s32 $0x4D00;
	v3 =	vperm.xlane v3, v2  }
0x1cb: {  	[tilespmem:s23], [sflag:$0x2] =	stream.indirect_vreg.gather [hbm4b:s7+s13], $0x80, v4, vm0, $0xb8;
	[tilespmem:$0x18500] =	vst v63  }
0x1cc: {  	s24 =	simm.s32 $0x5500;
	v3 =	vadd.s32 v1, v3  }
0x1cd: {  	[tilespmem:s24], [sflag:$0x2] =	stream.indirect_vreg.gather [hbm4b:s9+s13], $0x80, v4, vm0, $0xb8;
	[tilespmem:$0x18500] =	vst v63  }
0x1ce: {  	s14 =	simm.s32 $0x5D00  }
0x1cf: {  	[tilespmem:s14], [sflag:$0x2] =	stream.indirect_vreg.gather [hbm4b:s10+s13], $0x80, v4, vm0, $0xb8;
	[tilespmem:$0x18500] =	vst v63  }
0x1d0: {  	s15 =	simm.s32 $0x6500  }
0x1d1: {  	[tilespmem:s15], [sflag:$0x2] =	stream.indirect_vreg.gather [hbm4b:s3+s13], $0x80, v3, vm0, $0xb8;
	[tilespmem:$0x18500] =	vst v63  }
0x1d2: {  	s16 =	simm.s32 $0x6D00  }
0x1d3: {  	[tilespmem:s16], [sflag:$0x2] =	stream.indirect_vreg.gather [hbm4b:s7+s13], $0x80, v3, vm0, $0xb8;
	[tilespmem:$0x18500] =	vst v63  }
0x1d4: {  	s17 =	simm.s32 $0x7500  }
0x1d5: {  	[tilespmem:s17], [sflag:$0x2] =	stream.indirect_vreg.gather [hbm4b:s9+s13], $0x80, v3, vm0, $0xb8;
	[tilespmem:$0x18500] =	vst v63  }
0x1d6: {  	s18 =	simm.s32 $0x7D00  }
0x1d7: {  	[tilespmem:s18], [sflag:$0x2] =	stream.indirect_vreg.gather [hbm4b:s10+s13], $0x80, v3, vm0, $0xb8;
	[tilespmem:$0x18500] =	vst v63  }
0x1d8: {  	v3 =	vld [tilespmem:$0x310];
	_ =	sdelay $0x4  }
0x1d9: {  	v63 =	vshll.u32 v3, $0x3  }
0x1da: {  	v3 =	vand.u32 $0x7, v3;
	v4 =	vand.u32 $0xFFFFFFC0, v63  }
0x1db: {  	v3 =	vor.u32 v3, v4  }
0x1dc: {  	v4 =	vperm.xlane v3, v0;
	_ =	sdelay $0x1  }
0x1dd: {  	v4 =	vadd.s32 v1, v4;
	_ =	sdelay $0x3  }
0x1de: {  	s22 =	simm.s32 $0xC500  }
0x1df: {  	[tilespmem:s22], [sflag:$0x4] =	stream.indirect_vreg.gather [hbm4b:s3+s13], $0x80, v4, vm0, $0xb8;
	[tilespmem:$0x18500] =	vst v63  }
0x1e0: {  	s23 =	simm.s32 $0xCD00;
	v3 =	vperm.xlane v3, v2  }
0x1e1: {  	[tilespmem:s23], [sflag:$0x4] =	stream.indirect_vreg.gather [hbm4b:s7+s13], $0x80, v4, vm0, $0xb8;
	[tilespmem:$0x18500] =	vst v63  }
0x1e2: {  	s24 =	simm.s32 $0xD500;
	v3 =	vadd.s32 v1, v3  }
0x1e3: {  	[tilespmem:s24], [sflag:$0x4] =	stream.indirect_vreg.gather [hbm4b:s9+s13], $0x80, v4, vm0, $0xb8;
	[tilespmem:$0x18500] =	vst v63  }
0x1e4: {  	_ = 	snop  }
0x1e5: {  	[tilespmem:s25], [sflag:$0x4] =	stream.indirect_vreg.gather [hbm4b:s10+s13], $0x80, v4, vm0, $0xb8;
	[tilespmem:$0x18500] =	vst v63  }
0x1e6: {  	_ = 	snop  }
0x1e7: {  	[tilespmem:s26], [sflag:$0x4] =	stream.indirect_vreg.gather [hbm4b:s3+s13], $0x80, v3, vm0, $0xb8;
	[tilespmem:$0x18500] =	vst v63  }
0x1e8: {  	_ = 	snop  }
0x1e9: {  	[tilespmem:s28], [sflag:$0x4] =	stream.indirect_vreg.gather [hbm4b:s7+s13], $0x80, v3, vm0, $0xb8;
	[tilespmem:$0x18500] =	vst v63  }
0x1ea: {  	_ = 	snop  }
0x1eb: {  	[tilespmem:s29], [sflag:$0x4] =	stream.indirect_vreg.gather [hbm4b:s9+s13], $0x80, v3, vm0, $0xb8;
	[tilespmem:$0x18500] =	vst v63  }
0x1ec: {  	_ = 	snop  }
0x1ed: {  	[tilespmem:s30], [sflag:$0x4] =	stream.indirect_vreg.gather [hbm4b:s10+s13], $0x80, v3, vm0, $0xb8;
	[tilespmem:$0x18500] =	vst v63  }
0x1ee: {  	_ =	swait.ge [sflag:s31], $0x4000  }
0x1ef: {  	[sflag:s31] =	ssyncset.done $0x0  }
0x1f0: {  	[sflag:s31] =	ssyncadd.s32 $0xFFFFC000  }
0x1f1: {  	_ =	swait.ge [sflag:s0], $0x4000  }
0x1f2: {  	[sflag:s0] =	ssyncset.done $0x0  }
0x1f3: {  	[sflag:s0] =	ssyncadd.s32 $0xFFFFC000  }
0x1f4: {  	_ =	swait.ge [sflag:s6], $0x4000  }
0x1f5: {  	[sflag:s6] =	ssyncset.done $0x0  }
0x1f6: {  	s14 =	simm.s32 $0x0;
	[sflag:s6] =	ssyncadd.s32 $0xFFFFC000  }
.LBB2_18:
0x1f7: {  	s8 =	sor.u32 $0x40, s14;
	s18 =	sshll.u32 s14, $0xA;
	s15 =	sshll.u32 s14, $0x7  }
0x1f8: {  	v3 =	vmov s8;
	s8 =	sand.u32 $0x2000, s18;
	s15 =	sand.u32 $0x380, s15  }
0x1f9: {  	s22 =	sand.u32 $0x40, s13;
	s17 =	sor.u32 s8, s15  }
0x1fa: {  	s23 =	sand.u32 $0x1C00, s13;
	v4 =	vor.u32 $0x80, v3;
	s8 =	sor.u32 s22, s17  }
0x1fb: {  	s15 =	sor.u32 s23, s8  }
0x1fc: {  	v5 =	vld [tilespmem:s15+$0x530]  }
0x1fd: {  	v6 =	vld [tilespmem:s15+$0x8530]  }
0x1fe: {  	v3 =	vld.idx.msk [tilespmem:v3+s21+$0x0], $0xffff  }
0x1ff: {  	v4 =	vld.idx.msk [tilespmem:v4+s21+$0x0], $0xffff  }
0x200: {  	v7 =	vld [tilespmem:s15+$0x500]  }
0x201: {  	v9 =	vld [tilespmem:s15+$0x8500]  }
0x202: {  	s24 =	simm.s32 $0x40;
	v10 =	vld [tilespmem:s15+$0x510]  }
0x203: {  	s18 =	simm.s32 $0x200;
	s8 =	sand.u32 $0x40, s24;
	v11 =	vld [tilespmem:s15+$0x8510]  }
0x204: {  	s16 =	sand.u32 $0x1C00, s18;
	s8 =	sor.u32 s8, s17;
	v12 =	vld [tilespmem:s15+$0x520];
	v8 =	vmul.f32 v5, v3;
	v6 =	vmul.f32 v6, v4  }
0x205: {  	v13 =	vld [tilespmem:s15+$0x8520];
	s16 =	sor.u32 s16, s8  }
0x206: {  	v5 =	vld [tilespmem:s16+$0x530];
	v7 =	vmul.f32 v7, v3;
	v9 =	vmul.f32 v9, v4;
	v14 =	vadd.f32 v6, v8  }
0x207: {  	v8 =	vld [tilespmem:s16+$0x8530]  }
0x208: {  	v11 =	vmul.f32 v11, v4;
	v6 =	vld [tilespmem:s16+$0x500];
	v15 =	vadd.f32 v9, v7;
	[tilespmem:s15+$0x10530] =	vst v14;
	v14 =	vmul.f32 v10, v3  }
0x209: {  	v9 =	vld [tilespmem:s16+$0x8500]  }
0x20a: {  	s22 =	simm.s32 $0x80;
	s8 =	simm.s32 $0x4;
	v10 =	vmul.f32 v12, v3;
	v7 =	vld [tilespmem:s16+$0x510];
	[tilespmem:s15+$0x10500] =	vst v15;
	v12 =	vadd.f32 v11, v14;
	v11 =	vmul.f32 v13, v4  }
.LBB2_19:
0x20b: {  	s23 =	sand.u32 $0x40, s22;
	v13 =	vld [tilespmem:s16+$0x8510];
	s18 =	sadd.s32 $0x200, s18  }
0x20c: {  	s8 =	sadd.s32 $0x4, s8;
	v15 =	vmul.f32 v5, v3;
	s24 =	sand.u32 $0x1C00, s18;
	s23 =	sor.u32 s23, s17;
	v14 =	vld [tilespmem:s16+$0x520];
	v8 =	vmul.f32 v8, v4;
	[tilespmem:s15+$0x10510] =	vst v12;
	v10 =	vadd.f32 v11, v10  }
0x20d: {  	p0 =	slt.u32 s8, $0x3C;
	s23 =	sor.u32 s24, s23;
	v11 =	vmul.f32 v6, v3;
	v16 =	vld [tilespmem:s16+$0x8520]  }
.Ltmp8:
0x20e: {  	v5 =	vld [tilespmem:s23+$0x530];
	v9 =	vmul.f32 v9, v4;
	v12 =	vadd.f32 v8, v15;
	[tilespmem:s15+$0x10520] =	vst v10;
	s15 =	smov.u32 s16;
	s16 =	smov.u32 s23;
	(pc) =	sbr.rel @p0 .LBB2_19-.Ltmp8, $4  }
0x20f: {  	v8 =	vld [tilespmem:s16+$0x8530];
	v15 =	vmul.f32 v7, v3  }
0x210: {  	v6 =	vld [tilespmem:s16+$0x500];
	v11 =	vadd.f32 v9, v11;
	v13 =	vmul.f32 v13, v4;
	[tilespmem:s15+$0x10530] =	vst v12  }
0x211: {  	v9 =	vld [tilespmem:s16+$0x8500];
	v10 =	vmul.f32 v14, v3  }
0x212: {  	s22 =	sadd.s32 $0x40, s22;
	v7 =	vld [tilespmem:s16+$0x510];
	[tilespmem:s15+$0x10500] =	vst v11;
	v12 =	vadd.f32 v13, v15;
	v11 =	vmul.f32 v16, v4  }
0x213: {  	v13 =	vld [tilespmem:s16+$0x8510]  }
0x214: {  	v14 =	vld [tilespmem:s16+$0x520];
	[tilespmem:s15+$0x10510] =	vst v12  }
0x215: {  	v12 =	vld [tilespmem:s16+$0x8520];
	_ =	sdelay $0x1  }
0x216: {  	v5 =	vmul.f32 v5, v3;
	v8 =	vmul.f32 v8, v4  }
0x217: {  	s14 =	sadd.s32 $0x1, s14;
	v10 =	vadd.f32 v11, v10;
	v6 =	vmul.f32 v6, v3;
	v9 =	vmul.f32 v9, v4  }
0x218: {  	p0 =	sne.s32 s14, $0x10;
	v5 =	vadd.f32 v8, v5;
	v7 =	vmul.f32 v7, v3;
	v61 =	vmul.f32 v13, v4  }
.Ltmp9:
0x219: {  	[tilespmem:s15+$0x10520] =	vst v10;
	v6 =	vadd.f32 v9, v6;
	v3 =	vmul.f32 v14, v3;
	v62 =	vmul.f32 v12, v4;
	(pc) =	sbr.rel @p0 .LBB2_18-.Ltmp9, $4  }
0x21a: {  	[tilespmem:s16+$0x10530] =	vst v5;
	v63 =	vadd.f32 v61, v7  }
0x21b: {  	[tilespmem:s16+$0x10500] =	vst v6;
	v3 =	vadd.f32 v62, v3  }
0x21c: {  	[tilespmem:s16+$0x10510] =	vst v63  }
0x21d: {  	[tilespmem:s16+$0x10520] =	vst v3  }
0x21e: {  	s13 =	simm.s32 $0x0;
	s8 =	rddreg [dreg:$0xa]  }
0x21f: {  	[hbm4b:s8+s13] =	stream.linear.scatter [tilespmem:s1], [sflag:$0x5], $0x4000, $0x38;
	[tilespmem:$0x18500] =	vst v63  }
0x220: {  	v3 =	vld [tilespmem:$0x180];
	_ =	sdelay $0x4  }
0x221: {  	v4 =	vshll.u32 v3, $0x3  }
0x222: {  	v3 =	vand.u32 $0x7, v3;
	v4 =	vand.u32 $0xFFFFFFC0, v4  }
0x223: {  	v3 =	vor.u32 v3, v4  }
0x224: {  	v4 =	vperm.xlane v3, v0;
	_ =	sdelay $0x1  }
0x225: {  	v4 =	vadd.s32 v1, v4;
	_ =	sdelay $0x3  }
0x226: {  	s14 =	simm.s32 $0x500  }
0x227: {  	[tilespmem:s14], [sflag:$0x1] =	stream.indirect_vreg.gather [hbm4b:s3+s13], $0x80, v4, vm0, $0xb8;
	[tilespmem:$0x18500] =	vst v63  }
0x228: {  	s15 =	simm.s32 $0xD00;
	v3 =	vperm.xlane v3, v2  }
0x229: {  	[tilespmem:s15], [sflag:$0x1] =	stream.indirect_vreg.gather [hbm4b:s7+s13], $0x80, v4, vm0, $0xb8;
	[tilespmem:$0x18500] =	vst v63  }
0x22a: {  	s16 =	simm.s32 $0x1500;
	v3 =	vadd.s32 v1, v3  }
0x22b: {  	[tilespmem:s16], [sflag:$0x1] =	stream.indirect_vreg.gather [hbm4b:s9+s13], $0x80, v4, vm0, $0xb8;
	[tilespmem:$0x18500] =	vst v63  }
0x22c: {  	s17 =	simm.s32 $0x1D00  }
0x22d: {  	[tilespmem:s17], [sflag:$0x1] =	stream.indirect_vreg.gather [hbm4b:s10+s13], $0x80, v4, vm0, $0xb8;
	[tilespmem:$0x18500] =	vst v63  }
0x22e: {  	s18 =	simm.s32 $0x2500  }
0x22f: {  	[tilespmem:s18], [sflag:$0x1] =	stream.indirect_vreg.gather [hbm4b:s3+s13], $0x80, v3, vm0, $0xb8;
	[tilespmem:$0x18500] =	vst v63  }
0x230: {  	s22 =	simm.s32 $0x2D00  }
0x231: {  	[tilespmem:s22], [sflag:$0x1] =	stream.indirect_vreg.gather [hbm4b:s7+s13], $0x80, v3, vm0, $0xb8;
	[tilespmem:$0x18500] =	vst v63  }
0x232: {  	s23 =	simm.s32 $0x3500  }
0x233: {  	[tilespmem:s23], [sflag:$0x1] =	stream.indirect_vreg.gather [hbm4b:s9+s13], $0x80, v3, vm0, $0xb8;
	[tilespmem:$0x18500] =	vst v63  }
0x234: {  	s24 =	simm.s32 $0x3D00  }
0x235: {  	[tilespmem:s24], [sflag:$0x1] =	stream.indirect_vreg.gather [hbm4b:s10+s13], $0x80, v3, vm0, $0xb8;
	[tilespmem:$0x18500] =	vst v63  }
0x236: {  	v3 =	vld [tilespmem:$0x380];
	_ =	sdelay $0x4  }
0x237: {  	v63 =	vshll.u32 v3, $0x3  }
0x238: {  	v3 =	vand.u32 $0x7, v3;
	v4 =	vand.u32 $0xFFFFFFC0, v63  }
0x239: {  	v3 =	vor.u32 v3, v4  }
0x23a: {  	v4 =	vperm.xlane v3, v0;
	_ =	sdelay $0x1  }
0x23b: {  	v4 =	vadd.s32 v1, v4;
	_ =	sdelay $0x3  }
0x23c: {  	s14 =	simm.s32 $0x8500  }
0x23d: {  	[tilespmem:s14], [sflag:$0x3] =	stream.indirect_vreg.gather [hbm4b:s3+s13], $0x80, v4, vm0, $0xb8;
	[tilespmem:$0x18500] =	vst v63  }
0x23e: {  	s15 =	simm.s32 $0x8D00;
	v3 =	vperm.xlane v3, v2  }
0x23f: {  	[tilespmem:s15], [sflag:$0x3] =	stream.indirect_vreg.gather [hbm4b:s7+s13], $0x80, v4, vm0, $0xb8;
	[tilespmem:$0x18500] =	vst v63  }
0x240: {  	s16 =	simm.s32 $0x9500;
	v3 =	vadd.s32 v1, v3  }
0x241: {  	[tilespmem:s16], [sflag:$0x3] =	stream.indirect_vreg.gather [hbm4b:s9+s13], $0x80, v4, vm0, $0xb8;
	[tilespmem:$0x18500] =	vst v63  }
0x242: {  	s17 =	simm.s32 $0x9D00  }
0x243: {  	[tilespmem:s17], [sflag:$0x3] =	stream.indirect_vreg.gather [hbm4b:s10+s13], $0x80, v4, vm0, $0xb8;
	[tilespmem:$0x18500] =	vst v63  }
0x244: {  	s18 =	simm.s32 $0xA500  }
0x245: {  	[tilespmem:s18], [sflag:$0x3] =	stream.indirect_vreg.gather [hbm4b:s3+s13], $0x80, v3, vm0, $0xb8;
	[tilespmem:$0x18500] =	vst v63  }
0x246: {  	s22 =	simm.s32 $0xAD00  }
0x247: {  	[tilespmem:s22], [sflag:$0x3] =	stream.indirect_vreg.gather [hbm4b:s7+s13], $0x80, v3, vm0, $0xb8;
	[tilespmem:$0x18500] =	vst v63  }
0x248: {  	s23 =	simm.s32 $0xB500  }
0x249: {  	[tilespmem:s23], [sflag:$0x3] =	stream.indirect_vreg.gather [hbm4b:s9+s13], $0x80, v3, vm0, $0xb8;
	[tilespmem:$0x18500] =	vst v63  }
0x24a: {  	s24 =	simm.s32 $0xBD00  }
0x24b: {  	[tilespmem:s24], [sflag:$0x3] =	stream.indirect_vreg.gather [hbm4b:s10+s13], $0x80, v3, vm0, $0xb8;
	[tilespmem:$0x18500] =	vst v63  }
0x24c: {  	_ =	swait.ge [sflag:s20], $0x4000  }
0x24d: {  	[sflag:s20] =	ssyncset.done $0x0  }
0x24e: {  	[sflag:s20] =	ssyncadd.s32 $0xFFFFC000  }
0x24f: {  	_ =	swait.ge [sflag:s4], $0x4000  }
0x250: {  	[sflag:s4] =	ssyncset.done $0x0  }
0x251: {  	[sflag:s4] =	ssyncadd.s32 $0xFFFFC000  }
0x252: {  	_ =	swait.ge [sflag:s11], $0x4000  }
0x253: {  	[sflag:s11] =	ssyncset.done $0x0  }
0x254: {  	s14 =	simm.s32 $0x0;
	[sflag:s11] =	ssyncadd.s32 $0xFFFFC000  }
.LBB2_22:
0x255: {  	s8 =	sor.u32 $0x50, s14;
	s18 =	sshll.u32 s14, $0xA;
	s15 =	sshll.u32 s14, $0x7  }
0x256: {  	v3 =	vmov s8;
	s8 =	sand.u32 $0x2000, s18;
	s15 =	sand.u32 $0x380, s15  }
0x257: {  	s22 =	sand.u32 $0x40, s13;
	s17 =	sor.u32 s15, s8  }
0x258: {  	s23 =	sand.u32 $0x1C00, s13;
	v4 =	vor.u32 $0x80, v3;
	s8 =	sor.u32 s22, s17  }
0x259: {  	s15 =	sor.u32 s23, s8  }
0x25a: {  	v5 =	vld [tilespmem:s15+$0x4530]  }
0x25b: {  	v6 =	vld [tilespmem:s15+$0xC530]  }
0x25c: {  	v3 =	vld.idx.msk [tilespmem:v3+s21+$0x0], $0xffff  }
0x25d: {  	v4 =	vld.idx.msk [tilespmem:v4+s21+$0x0], $0xffff  }
0x25e: {  	v7 =	vld [tilespmem:s15+$0x4500]  }
0x25f: {  	v9 =	vld [tilespmem:s15+$0xC500]  }
0x260: {  	s24 =	simm.s32 $0x40;
	v10 =	vld [tilespmem:s15+$0x4510]  }
0x261: {  	s18 =	simm.s32 $0x200;
	s8 =	sand.u32 $0x40, s24;
	v11 =	vld [tilespmem:s15+$0xC510]  }
0x262: {  	s16 =	sand.u32 $0x1C00, s18;
	s8 =	sor.u32 s8, s17;
	v12 =	vld [tilespmem:s15+$0x4520];
	v8 =	vmul.f32 v5, v3;
	v6 =	vmul.f32 v6, v4  }
0x263: {  	v13 =	vld [tilespmem:s15+$0xC520];
	s16 =	sor.u32 s16, s8  }
0x264: {  	v5 =	vld [tilespmem:s16+$0x4530];
	v7 =	vmul.f32 v7, v3;
	v9 =	vmul.f32 v9, v4;
	v14 =	vadd.f32 v6, v8  }
0x265: {  	v8 =	vld [tilespmem:s16+$0xC530]  }
0x266: {  	v11 =	vmul.f32 v11, v4;
	v6 =	vld [tilespmem:s16+$0x4500];
	v15 =	vadd.f32 v9, v7;
	[tilespmem:s15+$0x14530] =	vst v14;
	v14 =	vmul.f32 v10, v3  }
0x267: {  	v9 =	vld [tilespmem:s16+$0xC500]  }
0x268: {  	s22 =	simm.s32 $0x80;
	s8 =	simm.s32 $0x4;
	v10 =	vmul.f32 v12, v3;
	v7 =	vld [tilespmem:s16+$0x4510];
	[tilespmem:s15+$0x14500] =	vst v15;
	v12 =	vadd.f32 v11, v14;
	v11 =	vmul.f32 v13, v4  }
.LBB2_23:
0x269: {  	s23 =	sand.u32 $0x40, s22;
	v13 =	vld [tilespmem:s16+$0xC510];
	s18 =	sadd.s32 $0x200, s18  }
0x26a: {  	s8 =	sadd.s32 $0x4, s8;
	v15 =	vmul.f32 v5, v3;
	s24 =	sand.u32 $0x1C00, s18;
	s23 =	sor.u32 s23, s17;
	v14 =	vld [tilespmem:s16+$0x4520];
	v8 =	vmul.f32 v8, v4;
	[tilespmem:s15+$0x14510] =	vst v12;
	v10 =	vadd.f32 v11, v10  }
0x26b: {  	p0 =	slt.u32 s8, $0x3C;
	s23 =	sor.u32 s24, s23;
	v11 =	vmul.f32 v6, v3;
	v16 =	vld [tilespmem:s16+$0xC520]  }
.Ltmp10:
0x26c: {  	v5 =	vld [tilespmem:s23+$0x4530];
	v9 =	vmul.f32 v9, v4;
	v12 =	vadd.f32 v8, v15;
	[tilespmem:s15+$0x14520] =	vst v10;
	s15 =	smov.u32 s16;
	s16 =	smov.u32 s23;
	(pc) =	sbr.rel @p0 .LBB2_23-.Ltmp10, $4  }
0x26d: {  	v8 =	vld [tilespmem:s16+$0xC530];
	v15 =	vmul.f32 v7, v3  }
0x26e: {  	v6 =	vld [tilespmem:s16+$0x4500];
	v11 =	vadd.f32 v9, v11;
	v13 =	vmul.f32 v13, v4;
	[tilespmem:s15+$0x14530] =	vst v12  }
0x26f: {  	v9 =	vld [tilespmem:s16+$0xC500];
	v10 =	vmul.f32 v14, v3  }
0x270: {  	s22 =	sadd.s32 $0x40, s22;
	v7 =	vld [tilespmem:s16+$0x4510];
	[tilespmem:s15+$0x14500] =	vst v11;
	v12 =	vadd.f32 v13, v15;
	v11 =	vmul.f32 v16, v4  }
0x271: {  	v13 =	vld [tilespmem:s16+$0xC510]  }
0x272: {  	v14 =	vld [tilespmem:s16+$0x4520];
	[tilespmem:s15+$0x14510] =	vst v12  }
0x273: {  	v12 =	vld [tilespmem:s16+$0xC520];
	_ =	sdelay $0x1  }
0x274: {  	v5 =	vmul.f32 v5, v3;
	v8 =	vmul.f32 v8, v4  }
0x275: {  	s14 =	sadd.s32 $0x1, s14;
	v10 =	vadd.f32 v11, v10;
	v6 =	vmul.f32 v6, v3;
	v9 =	vmul.f32 v9, v4  }
0x276: {  	p0 =	sne.s32 s14, $0x10;
	v5 =	vadd.f32 v8, v5;
	v7 =	vmul.f32 v7, v3;
	v61 =	vmul.f32 v13, v4  }
.Ltmp11:
0x277: {  	[tilespmem:s15+$0x14520] =	vst v10;
	v6 =	vadd.f32 v9, v6;
	v3 =	vmul.f32 v14, v3;
	v62 =	vmul.f32 v12, v4;
	(pc) =	sbr.rel @p0 .LBB2_22-.Ltmp11, $4  }
0x278: {  	[tilespmem:s16+$0x14530] =	vst v5;
	v63 =	vadd.f32 v61, v7  }
0x279: {  	[tilespmem:s16+$0x14500] =	vst v6;
	v3 =	vadd.f32 v62, v3  }
0x27a: {  	[tilespmem:s16+$0x14510] =	vst v63  }
0x27b: {  	[tilespmem:s16+$0x14520] =	vst v3  }
0x27c: {  	s13 =	simm.s32 $0x0;
	s8 =	rddreg [dreg:$0xb]  }
0x27d: {  	[hbm4b:s8+s13] =	stream.linear.scatter [tilespmem:s5], [sflag:$0x6], $0x4000, $0x38;
	[tilespmem:$0x18500] =	vst v63  }
0x27e: {  	v3 =	vld [tilespmem:$0x190];
	_ =	sdelay $0x4  }
0x27f: {  	v4 =	vshll.u32 v3, $0x3  }
0x280: {  	v3 =	vand.u32 $0x7, v3;
	v4 =	vand.u32 $0xFFFFFFC0, v4  }
0x281: {  	v3 =	vor.u32 v3, v4  }
0x282: {  	v4 =	vperm.xlane v3, v0;
	_ =	sdelay $0x1  }
0x283: {  	v4 =	vadd.s32 v1, v4;
	_ =	sdelay $0x3  }
0x284: {  	s22 =	simm.s32 $0x4500  }
0x285: {  	[tilespmem:s22], [sflag:$0x2] =	stream.indirect_vreg.gather [hbm4b:s3+s13], $0x80, v4, vm0, $0xb8;
	[tilespmem:$0x18500] =	vst v63  }
0x286: {  	s23 =	simm.s32 $0x4D00;
	v3 =	vperm.xlane v3, v2  }
0x287: {  	[tilespmem:s23], [sflag:$0x2] =	stream.indirect_vreg.gather [hbm4b:s7+s13], $0x80, v4, vm0, $0xb8;
	[tilespmem:$0x18500] =	vst v63  }
0x288: {  	s24 =	simm.s32 $0x5500;
	v3 =	vadd.s32 v1, v3  }
0x289: {  	[tilespmem:s24], [sflag:$0x2] =	stream.indirect_vreg.gather [hbm4b:s9+s13], $0x80, v4, vm0, $0xb8;
	[tilespmem:$0x18500] =	vst v63  }
0x28a: {  	s14 =	simm.s32 $0x5D00  }
0x28b: {  	[tilespmem:s14], [sflag:$0x2] =	stream.indirect_vreg.gather [hbm4b:s10+s13], $0x80, v4, vm0, $0xb8;
	[tilespmem:$0x18500] =	vst v63  }
0x28c: {  	s15 =	simm.s32 $0x6500  }
0x28d: {  	[tilespmem:s15], [sflag:$0x2] =	stream.indirect_vreg.gather [hbm4b:s3+s13], $0x80, v3, vm0, $0xb8;
	[tilespmem:$0x18500] =	vst v63  }
0x28e: {  	s16 =	simm.s32 $0x6D00  }
0x28f: {  	[tilespmem:s16], [sflag:$0x2] =	stream.indirect_vreg.gather [hbm4b:s7+s13], $0x80, v3, vm0, $0xb8;
	[tilespmem:$0x18500] =	vst v63  }
0x290: {  	s17 =	simm.s32 $0x7500  }
0x291: {  	[tilespmem:s17], [sflag:$0x2] =	stream.indirect_vreg.gather [hbm4b:s9+s13], $0x80, v3, vm0, $0xb8;
	[tilespmem:$0x18500] =	vst v63  }
0x292: {  	s18 =	simm.s32 $0x7D00  }
0x293: {  	[tilespmem:s18], [sflag:$0x2] =	stream.indirect_vreg.gather [hbm4b:s10+s13], $0x80, v3, vm0, $0xb8;
	[tilespmem:$0x18500] =	vst v63  }
0x294: {  	v3 =	vld [tilespmem:$0x390];
	_ =	sdelay $0x4  }
0x295: {  	v63 =	vshll.u32 v3, $0x3  }
0x296: {  	v3 =	vand.u32 $0x7, v3;
	v4 =	vand.u32 $0xFFFFFFC0, v63  }
0x297: {  	v3 =	vor.u32 v3, v4  }
0x298: {  	v4 =	vperm.xlane v3, v0;
	_ =	sdelay $0x1  }
0x299: {  	v4 =	vadd.s32 v1, v4;
	_ =	sdelay $0x3  }
0x29a: {  	s22 =	simm.s32 $0xC500  }
0x29b: {  	[tilespmem:s22], [sflag:$0x4] =	stream.indirect_vreg.gather [hbm4b:s3+s13], $0x80, v4, vm0, $0xb8;
	[tilespmem:$0x18500] =	vst v63  }
0x29c: {  	s23 =	simm.s32 $0xCD00;
	v3 =	vperm.xlane v3, v2  }
0x29d: {  	[tilespmem:s23], [sflag:$0x4] =	stream.indirect_vreg.gather [hbm4b:s7+s13], $0x80, v4, vm0, $0xb8;
	[tilespmem:$0x18500] =	vst v63  }
0x29e: {  	s24 =	simm.s32 $0xD500;
	v3 =	vadd.s32 v1, v3  }
0x29f: {  	[tilespmem:s24], [sflag:$0x4] =	stream.indirect_vreg.gather [hbm4b:s9+s13], $0x80, v4, vm0, $0xb8;
	[tilespmem:$0x18500] =	vst v63  }
0x2a0: {  	_ = 	snop  }
0x2a1: {  	[tilespmem:s25], [sflag:$0x4] =	stream.indirect_vreg.gather [hbm4b:s10+s13], $0x80, v4, vm0, $0xb8;
	[tilespmem:$0x18500] =	vst v63  }
0x2a2: {  	_ = 	snop  }
0x2a3: {  	[tilespmem:s26], [sflag:$0x4] =	stream.indirect_vreg.gather [hbm4b:s3+s13], $0x80, v3, vm0, $0xb8;
	[tilespmem:$0x18500] =	vst v63  }
0x2a4: {  	_ = 	snop  }
0x2a5: {  	[tilespmem:s28], [sflag:$0x4] =	stream.indirect_vreg.gather [hbm4b:s7+s13], $0x80, v3, vm0, $0xb8;
	[tilespmem:$0x18500] =	vst v63  }
0x2a6: {  	_ = 	snop  }
0x2a7: {  	[tilespmem:s29], [sflag:$0x4] =	stream.indirect_vreg.gather [hbm4b:s9+s13], $0x80, v3, vm0, $0xb8;
	[tilespmem:$0x18500] =	vst v63  }
0x2a8: {  	_ = 	snop  }
0x2a9: {  	[tilespmem:s30], [sflag:$0x4] =	stream.indirect_vreg.gather [hbm4b:s10+s13], $0x80, v3, vm0, $0xb8;
	[tilespmem:$0x18500] =	vst v63  }
0x2aa: {  	_ =	swait.ge [sflag:s31], $0x4000  }
0x2ab: {  	[sflag:s31] =	ssyncset.done $0x0  }
0x2ac: {  	[sflag:s31] =	ssyncadd.s32 $0xFFFFC000  }
0x2ad: {  	_ =	swait.ge [sflag:s0], $0x4000  }
0x2ae: {  	[sflag:s0] =	ssyncset.done $0x0  }
0x2af: {  	[sflag:s0] =	ssyncadd.s32 $0xFFFFC000  }
0x2b0: {  	_ =	swait.ge [sflag:s6], $0x4000  }
0x2b1: {  	[sflag:s6] =	ssyncset.done $0x0  }
0x2b2: {  	s14 =	simm.s32 $0x0;
	[sflag:s6] =	ssyncadd.s32 $0xFFFFC000  }
.LBB2_26:
0x2b3: {  	s8 =	sor.u32 $0x60, s14;
	s18 =	sshll.u32 s14, $0xA;
	s15 =	sshll.u32 s14, $0x7  }
0x2b4: {  	v3 =	vmov s8;
	s8 =	sand.u32 $0x2000, s18;
	s15 =	sand.u32 $0x380, s15  }
0x2b5: {  	s22 =	sand.u32 $0x40, s13;
	s17 =	sor.u32 s8, s15  }
0x2b6: {  	s23 =	sand.u32 $0x1C00, s13;
	v4 =	vor.u32 $0x80, v3;
	s8 =	sor.u32 s22, s17  }
0x2b7: {  	s15 =	sor.u32 s23, s8  }
0x2b8: {  	v5 =	vld [tilespmem:s15+$0x530]  }
0x2b9: {  	v6 =	vld [tilespmem:s15+$0x8530]  }
0x2ba: {  	v3 =	vld.idx.msk [tilespmem:v3+s21+$0x0], $0xffff  }
0x2bb: {  	v4 =	vld.idx.msk [tilespmem:v4+s21+$0x0], $0xffff  }
0x2bc: {  	v7 =	vld [tilespmem:s15+$0x500]  }
0x2bd: {  	v9 =	vld [tilespmem:s15+$0x8500]  }
0x2be: {  	s24 =	simm.s32 $0x40;
	v10 =	vld [tilespmem:s15+$0x510]  }
0x2bf: {  	s18 =	simm.s32 $0x200;
	s8 =	sand.u32 $0x40, s24;
	v11 =	vld [tilespmem:s15+$0x8510]  }
0x2c0: {  	s16 =	sand.u32 $0x1C00, s18;
	s8 =	sor.u32 s8, s17;
	v12 =	vld [tilespmem:s15+$0x520];
	v8 =	vmul.f32 v5, v3;
	v6 =	vmul.f32 v6, v4  }
0x2c1: {  	v13 =	vld [tilespmem:s15+$0x8520];
	s16 =	sor.u32 s16, s8  }
0x2c2: {  	v5 =	vld [tilespmem:s16+$0x530];
	v7 =	vmul.f32 v7, v3;
	v9 =	vmul.f32 v9, v4;
	v14 =	vadd.f32 v6, v8  }
0x2c3: {  	v8 =	vld [tilespmem:s16+$0x8530]  }
0x2c4: {  	v11 =	vmul.f32 v11, v4;
	v6 =	vld [tilespmem:s16+$0x500];
	v15 =	vadd.f32 v9, v7;
	[tilespmem:s15+$0x10530] =	vst v14;
	v14 =	vmul.f32 v10, v3  }
0x2c5: {  	v9 =	vld [tilespmem:s16+$0x8500]  }
0x2c6: {  	s22 =	simm.s32 $0x80;
	s8 =	simm.s32 $0x4;
	v10 =	vmul.f32 v12, v3;
	v7 =	vld [tilespmem:s16+$0x510];
	[tilespmem:s15+$0x10500] =	vst v15;
	v12 =	vadd.f32 v11, v14;
	v11 =	vmul.f32 v13, v4  }
.LBB2_27:
0x2c7: {  	s23 =	sand.u32 $0x40, s22;
	v13 =	vld [tilespmem:s16+$0x8510];
	s18 =	sadd.s32 $0x200, s18  }
0x2c8: {  	s8 =	sadd.s32 $0x4, s8;
	v15 =	vmul.f32 v5, v3;
	s24 =	sand.u32 $0x1C00, s18;
	s23 =	sor.u32 s23, s17;
	v14 =	vld [tilespmem:s16+$0x520];
	v8 =	vmul.f32 v8, v4;
	[tilespmem:s15+$0x10510] =	vst v12;
	v10 =	vadd.f32 v11, v10  }
0x2c9: {  	p0 =	slt.u32 s8, $0x3C;
	s23 =	sor.u32 s24, s23;
	v11 =	vmul.f32 v6, v3;
	v16 =	vld [tilespmem:s16+$0x8520]  }
.Ltmp12:
0x2ca: {  	v5 =	vld [tilespmem:s23+$0x530];
	v9 =	vmul.f32 v9, v4;
	v12 =	vadd.f32 v8, v15;
	[tilespmem:s15+$0x10520] =	vst v10;
	s15 =	smov.u32 s16;
	s16 =	smov.u32 s23;
	(pc) =	sbr.rel @p0 .LBB2_27-.Ltmp12, $4  }
0x2cb: {  	v8 =	vld [tilespmem:s16+$0x8530];
	v15 =	vmul.f32 v7, v3  }
0x2cc: {  	v6 =	vld [tilespmem:s16+$0x500];
	v11 =	vadd.f32 v9, v11;
	v13 =	vmul.f32 v13, v4;
	[tilespmem:s15+$0x10530] =	vst v12  }
0x2cd: {  	v9 =	vld [tilespmem:s16+$0x8500];
	v10 =	vmul.f32 v14, v3  }
0x2ce: {  	s22 =	sadd.s32 $0x40, s22;
	v7 =	vld [tilespmem:s16+$0x510];
	[tilespmem:s15+$0x10500] =	vst v11;
	v12 =	vadd.f32 v13, v15;
	v11 =	vmul.f32 v16, v4  }
0x2cf: {  	v13 =	vld [tilespmem:s16+$0x8510]  }
0x2d0: {  	v14 =	vld [tilespmem:s16+$0x520];
	[tilespmem:s15+$0x10510] =	vst v12  }
0x2d1: {  	v12 =	vld [tilespmem:s16+$0x8520];
	_ =	sdelay $0x1  }
0x2d2: {  	v5 =	vmul.f32 v5, v3;
	v8 =	vmul.f32 v8, v4  }
0x2d3: {  	s14 =	sadd.s32 $0x1, s14;
	v10 =	vadd.f32 v11, v10;
	v6 =	vmul.f32 v6, v3;
	v9 =	vmul.f32 v9, v4  }
0x2d4: {  	p0 =	sne.s32 s14, $0x10;
	v5 =	vadd.f32 v8, v5;
	v7 =	vmul.f32 v7, v3;
	v61 =	vmul.f32 v13, v4  }
.Ltmp13:
0x2d5: {  	[tilespmem:s15+$0x10520] =	vst v10;
	v6 =	vadd.f32 v9, v6;
	v3 =	vmul.f32 v14, v3;
	v62 =	vmul.f32 v12, v4;
	(pc) =	sbr.rel @p0 .LBB2_26-.Ltmp13, $4  }
0x2d6: {  	[tilespmem:s16+$0x10530] =	vst v5;
	v63 =	vadd.f32 v61, v7  }
0x2d7: {  	[tilespmem:s16+$0x10500] =	vst v6;
	v3 =	vadd.f32 v62, v3  }
0x2d8: {  	[tilespmem:s16+$0x10510] =	vst v63  }
0x2d9: {  	[tilespmem:s16+$0x10520] =	vst v3  }
0x2da: {  	s13 =	simm.s32 $0x0;
	s8 =	rddreg [dreg:$0xc]  }
0x2db: {  	[hbm4b:s8+s13] =	stream.linear.scatter [tilespmem:s1], [sflag:$0x5], $0x4000, $0x38;
	[tilespmem:$0x18500] =	vst v63  }
0x2dc: {  	_ =	swait.ge [sflag:s20], $0x4000  }
0x2dd: {  	[sflag:s20] =	ssyncset.done $0x0  }
0x2de: {  	[sflag:s20] =	ssyncadd.s32 $0xFFFFC000  }
0x2df: {  	_ =	swait.ge [sflag:s4], $0x4000  }
0x2e0: {  	[sflag:s4] =	ssyncset.done $0x0  }
0x2e1: {  	[sflag:s4] =	ssyncadd.s32 $0xFFFFC000  }
0x2e2: {  	_ =	swait.ge [sflag:s11], $0x4000  }
0x2e3: {  	[sflag:s11] =	ssyncset.done $0x0  }
0x2e4: {  	s14 =	simm.s32 $0x0;
	[sflag:s11] =	ssyncadd.s32 $0xFFFFC000  }
.LBB2_30:
0x2e5: {  	s8 =	sor.u32 $0x70, s14;
	s18 =	sshll.u32 s14, $0xA;
	s15 =	sshll.u32 s14, $0x7  }
0x2e6: {  	v3 =	vmov s8;
	s8 =	sand.u32 $0x2000, s18;
	s15 =	sand.u32 $0x380, s15  }
0x2e7: {  	s22 =	sand.u32 $0x40, s13;
	s17 =	sor.u32 s15, s8  }
0x2e8: {  	s23 =	sand.u32 $0x1C00, s13;
	v4 =	vor.u32 $0x80, v3;
	s8 =	sor.u32 s22, s17  }
0x2e9: {  	s15 =	sor.u32 s23, s8  }
0x2ea: {  	v5 =	vld [tilespmem:s15+$0x4530]  }
0x2eb: {  	v6 =	vld [tilespmem:s15+$0xC530]  }
0x2ec: {  	v3 =	vld.idx.msk [tilespmem:v3+s21+$0x0], $0xffff  }
0x2ed: {  	v4 =	vld.idx.msk [tilespmem:v4+s21+$0x0], $0xffff  }
0x2ee: {  	v7 =	vld [tilespmem:s15+$0x4500]  }
0x2ef: {  	v9 =	vld [tilespmem:s15+$0xC500]  }
0x2f0: {  	s24 =	simm.s32 $0x40;
	v10 =	vld [tilespmem:s15+$0x4510]  }
0x2f1: {  	s18 =	simm.s32 $0x200;
	s8 =	sand.u32 $0x40, s24;
	v11 =	vld [tilespmem:s15+$0xC510]  }
0x2f2: {  	s16 =	sand.u32 $0x1C00, s18;
	s8 =	sor.u32 s8, s17;
	v12 =	vld [tilespmem:s15+$0x4520];
	v8 =	vmul.f32 v5, v3;
	v6 =	vmul.f32 v6, v4  }
0x2f3: {  	v13 =	vld [tilespmem:s15+$0xC520];
	s16 =	sor.u32 s16, s8  }
0x2f4: {  	v5 =	vld [tilespmem:s16+$0x4530];
	v7 =	vmul.f32 v7, v3;
	v9 =	vmul.f32 v9, v4;
	v14 =	vadd.f32 v6, v8  }
0x2f5: {  	v8 =	vld [tilespmem:s16+$0xC530]  }
0x2f6: {  	v11 =	vmul.f32 v11, v4;
	v6 =	vld [tilespmem:s16+$0x4500];
	v15 =	vadd.f32 v9, v7;
	[tilespmem:s15+$0x14530] =	vst v14;
	v14 =	vmul.f32 v10, v3  }
0x2f7: {  	v9 =	vld [tilespmem:s16+$0xC500]  }
0x2f8: {  	s22 =	simm.s32 $0x80;
	s8 =	simm.s32 $0x4;
	v10 =	vmul.f32 v12, v3;
	v7 =	vld [tilespmem:s16+$0x4510];
	[tilespmem:s15+$0x14500] =	vst v15;
	v12 =	vadd.f32 v11, v14;
	v11 =	vmul.f32 v13, v4  }
.LBB2_31:
0x2f9: {  	s23 =	sand.u32 $0x40, s22;
	v13 =	vld [tilespmem:s16+$0xC510];
	s18 =	sadd.s32 $0x200, s18  }
0x2fa: {  	s8 =	sadd.s32 $0x4, s8;
	v15 =	vmul.f32 v5, v3;
	s24 =	sand.u32 $0x1C00, s18;
	s23 =	sor.u32 s23, s17;
	v14 =	vld [tilespmem:s16+$0x4520];
	v8 =	vmul.f32 v8, v4;
	[tilespmem:s15+$0x14510] =	vst v12;
	v10 =	vadd.f32 v11, v10  }
0x2fb: {  	p0 =	slt.u32 s8, $0x3C;
	s23 =	sor.u32 s24, s23;
	v11 =	vmul.f32 v6, v3;
	v16 =	vld [tilespmem:s16+$0xC520]  }
.Ltmp14:
0x2fc: {  	v5 =	vld [tilespmem:s23+$0x4530];
	v9 =	vmul.f32 v9, v4;
	v12 =	vadd.f32 v8, v15;
	[tilespmem:s15+$0x14520] =	vst v10;
	s15 =	smov.u32 s16;
	s16 =	smov.u32 s23;
	(pc) =	sbr.rel @p0 .LBB2_31-.Ltmp14, $4  }
0x2fd: {  	v8 =	vld [tilespmem:s16+$0xC530];
	v15 =	vmul.f32 v7, v3  }
0x2fe: {  	v6 =	vld [tilespmem:s16+$0x4500];
	v11 =	vadd.f32 v9, v11;
	v13 =	vmul.f32 v13, v4;
	[tilespmem:s15+$0x14530] =	vst v12  }
0x2ff: {  	v9 =	vld [tilespmem:s16+$0xC500];
	v10 =	vmul.f32 v14, v3  }
0x300: {  	s22 =	sadd.s32 $0x40, s22;
	v7 =	vld [tilespmem:s16+$0x4510];
	[tilespmem:s15+$0x14500] =	vst v11;
	v12 =	vadd.f32 v13, v15;
	v11 =	vmul.f32 v16, v4  }
0x301: {  	v13 =	vld [tilespmem:s16+$0xC510]  }
0x302: {  	v14 =	vld [tilespmem:s16+$0x4520];
	[tilespmem:s15+$0x14510] =	vst v12  }
0x303: {  	v12 =	vld [tilespmem:s16+$0xC520];
	_ =	sdelay $0x1  }
0x304: {  	v5 =	vmul.f32 v5, v3;
	v8 =	vmul.f32 v8, v4  }
0x305: {  	s14 =	sadd.s32 $0x1, s14;
	v10 =	vadd.f32 v11, v10;
	v6 =	vmul.f32 v6, v3;
	v9 =	vmul.f32 v9, v4  }
0x306: {  	p0 =	sne.s32 s14, $0x10;
	v5 =	vadd.f32 v8, v5;
	v7 =	vmul.f32 v7, v3;
	v61 =	vmul.f32 v13, v4  }
.Ltmp15:
0x307: {  	[tilespmem:s15+$0x14520] =	vst v10;
	v6 =	vadd.f32 v9, v6;
	v3 =	vmul.f32 v14, v3;
	v62 =	vmul.f32 v12, v4;
	(pc) =	sbr.rel @p0 .LBB2_30-.Ltmp15, $4  }
0x308: {  	[tilespmem:s16+$0x14530] =	vst v5;
	v63 =	vadd.f32 v61, v7  }
0x309: {  	[tilespmem:s16+$0x14500] =	vst v6;
	v3 =	vadd.f32 v62, v3  }
0x30a: {  	[tilespmem:s16+$0x14510] =	vst v63  }
0x30b: {  	[tilespmem:s16+$0x14520] =	vst v3  }
0x30c: {  	s8 =	rddreg [dreg:$0xd]  }
0x30d: {  	[hbm4b:s8+s2] =	stream.linear.scatter [tilespmem:s5], [sflag:$0x6], $0x4000, $0x38;
	[tilespmem:$0x18500] =	vst v63  }
0x30e: {  	_ =	swait.ge [sflag:s6], $0x4000  }
0x30f: {  	[sflag:s6] =	ssyncset.done $0x0  }
0x310: {  	[sflag:s6] =	ssyncadd.s32 $0xFFFFC000  }
0x311: {  	_ =	swait.ge [sflag:s11], $0x4000  }
0x312: {  	s12 =	sadd.s32 $0x1, s12;
	s24 =	rddreg [dreg:$0xe]  }
0x313: {  	p0 =	sne.s32 s12, s24  }
.Ltmp16:
0x314: {  	_ = 	snop;
	(pc) =	sbr.rel @p0 .LBB2_1-.Ltmp16, $3  }
0x315: {  	_ =	sdelay $0x1  }
0x316: {  	[sflag:s11] =	ssyncset.done $0x0  }
0x317: {  	[sflag:s11] =	ssyncadd.s32 $0xFFFFC000  }
0x318: {  	_ =	sfence.sel $0x180000  }
0x319: {  	[bflag:$0x0] =	sbarrier.arrive $0xFFFF  }
0x31a: {  	_ =	strace $0x9000004A  }
0x31b: {  	s0 =	stileid.u32;
	[bflag:$0x2] =	sbarrier.arrive $0xFFFF  }
0x31c: {  	p0 =	sne.s32 s0, $0x0;
	s0 =	rddreg [dreg:$0x2]  }
0x31d: {  	s0 =	sadd.s32 @!p0 $0x100000, s0  }
0x31e: {  	[sflag:s0] =	ssyncadd.tile.s32 @!p0 $0x1;
	_ =	shalt  }
.Lfunc_end2:
_tile_overlayer_lowered:
.L_overlay_start_2:
0x31f: {  	(tag) =	ssettag $0x2  }
0x320: {  	s0 =	rddreg [dreg:$0x0];
	s2 =	stileid.u32  }
0x321: {  	s1 =	rddreg [dreg:$0x1];
	p0 =	sne.s32 s2, $0x0  }
0x322: {  	s3 =	rddreg [dreg:$0x2];
	[bflag:$0x3] =	sbarrier.arrive $0xFFFF;
	s2 =	simm.s32 @!p0 $0x1C07  }
0x323: {  	[timem:s3], [sflag:s2] =	dma.local @!p0 [hbm:s0], s1  }
0x324: {  	s0 =	simm.s32 @!p0 $0x7  }
0x325: {  	_ =	swait.ge @!p0 [sflag:s0], s1  }
0x326: {  	s1 =	ssub.s32 @!p0 $0x0, s1;
	[sflag:s0] =	ssyncset.done @!p0 $0x0  }
0x327: {  	[sflag:s0] =	ssyncadd.s32 @!p0 s1  }
0x328: {  	[bflag:$0x3] =	sbarrier.arrive $0xFFFF  }
0x329: {  	_ =	shalt  }

</sc_bundles>
